<compile_context>
chip_gen: v7x
topology: tpu7x:2x2x1
jax: 0.10.2.dev20260603
libtpu: 0.0.44.dev20260713+nightly
codegen_flags: <defaults>
</compile_context>

<pallas_src>
import functools

import jax
import jax.numpy as jnp
from jax import lax
from jax.experimental import pallas as pl
from jax.experimental.pallas import tpu as pltpu
from jax.experimental.pallas import tpu_sc as plsc

N = 10000
E = 320000
D = 128
H = 128
C = 16

NC = 2
NS = 16
NW = NC * NS
K = 128
NCH = 80
GK = 4
NG = NCH // GK
EP = NW * NCH * K
NP = 10240
RPT = NP // NS

_MESH = dict(core_axis_name="c", subcore_axis_name="s",
             num_cores=NC, num_subcores=NS)


def _deg_call(dst3d, zpad):

    @functools.partial(
        pl.kernel,
        out_type=jax.ShapeDtypeStruct((NC, 1, NP), jnp.float32),
        mesh=plsc.VectorSubcoreMesh(**_MESH),
        scratch_types=[
            pltpu.VMEM((NG, GK, K), jnp.int32),
            pltpu.VMEM((K,), jnp.float32),
            pltpu.VMEM_SHARED((NP,), jnp.float32),
        ],
    )
    def deg_kernel(dst_hbm, zero_hbm, out_hbm, dst_v, ones_v, acc):
        cid = lax.axis_index("c")
        sid = lax.axis_index("s")
        wid = cid * NS + sid
        for j in range(K // 16):
            ones_v[pl.ds(16 * j, 16)] = jnp.full((16,), 1.0, jnp.float32)
        pltpu.sync_copy(zero_hbm.at[pl.ds(sid * RPT, RPT)],
                        acc.at[pl.ds(sid * RPT, RPT)])
        pltpu.sync_copy(dst_hbm.at[wid], dst_v)
        plsc.subcore_barrier()

        def body(g, carry):
            for j in range(GK):
                pltpu.sync_copy(ones_v, acc.at[dst_v.at[g, j]], add=True)
            return carry

        lax.fori_loop(0, NG, body, 0)
        plsc.subcore_barrier()
        pltpu.sync_copy(acc.at[pl.ds(sid * RPT, RPT)],
                        out_hbm.at[cid, 0, pl.ds(sid * RPT, RPT)])

    return deg_kernel(dst3d, zpad)


def _scatter_call(z, src3d, dst3d, zeros, width):

    @functools.partial(
        pl.kernel,
        out_type=jax.ShapeDtypeStruct((NC, NP, width), jnp.float32),
        mesh=plsc.VectorSubcoreMesh(**_MESH),
        scratch_types=[
            pltpu.VMEM((GK, K), jnp.int32),
            pltpu.VMEM((GK, K), jnp.int32),
            pltpu.VMEM((GK, K), jnp.int32),
            pltpu.VMEM((GK, K), jnp.int32),
            pltpu.VMEM((K, width), jnp.float32),
            pltpu.VMEM((K, width), jnp.float32),
            pltpu.VMEM_SHARED((NP, width), jnp.float32),
            pltpu.SemaphoreType.DMA,
            pltpu.SemaphoreType.DMA,
            pltpu.SemaphoreType.DMA,
            pltpu.SemaphoreType.DMA,
        ],
    )
    def scat_kernel(z_hbm, src_hbm, dst_hbm, zero_hbm, out_hbm,
                    sa, da, sb, db, r0, r1, acc, g0, g1, isem, jsem):
        cid = lax.axis_index("c")
        sid = lax.axis_index("s")
        wid = cid * NS + sid
        rows = (r0, r1)
        gsem = (g0, g1)

        def issue_gather(sbuf, j, b):
            return pltpu.async_copy(z_hbm.at[sbuf.at[j]], rows[b], gsem[b])

        def sync_scatter(dbuf, j, b):
            pltpu.sync_copy(rows[b], acc.at[dbuf.at[j]], add=True)

        def load_idx(g, sbuf, dbuf):
            return (pltpu.async_copy(src_hbm.at[wid, g], sbuf, isem),
                    pltpu.async_copy(dst_hbm.at[wid, g], dbuf, jsem))

        pltpu.sync_copy(zero_hbm.at[pl.ds(sid * RPT, RPT)],
                        acc.at[pl.ds(sid * RPT, RPT)])
        plsc.subcore_barrier()

        for d in load_idx(0, sa, da):
            d.wait()
        issue_gather(sa, 0, 0).wait()

        def group(g, sbuf, dbuf, snext, dnext, last):
            if not last:
                di = load_idx(g + 1, snext, dnext)
            for j in range(1, GK):
                b = j % 2
                dg = issue_gather(sbuf, j, b)
                sync_scatter(dbuf, j - 1, 1 - b)
                dg.wait()
            if not last:
                for d in di:
                    d.wait()
                dg = issue_gather(snext, 0, 0)
                sync_scatter(dbuf, GK - 1, 1)
                dg.wait()
            else:
                sync_scatter(dbuf, GK - 1, 1)

        def body(i, carry):
            group(2 * i, sa, da, sb, db, False)
            group(2 * i + 1, sb, db, sa, da, False)
            return carry

        lax.fori_loop(0, NG // 2 - 1, body, 0)
        group(NG - 2, sa, da, sb, db, False)
        group(NG - 1, sb, db, sa, da, True)
        plsc.subcore_barrier()
        pltpu.sync_copy(acc.at[pl.ds(sid * RPT, RPT)],
                        out_hbm.at[cid, pl.ds(sid * RPT, RPT)])

    return scat_kernel(z, src3d, dst3d, zeros)


BN = 2048


def _tc1_call(degt, xp, W1):
    def body(deg_ref, x_ref, w_ref, z_ref, dinv_ref):
        deg = deg_ref[:, 0:1] + deg_ref[:, 1:2] + 1.0
        dinv = lax.rsqrt(deg)
        dinv_ref[...] = dinv
        z_ref[...] = dinv * jnp.dot(x_ref[...], w_ref[...],
                                    preferred_element_type=jnp.float32)

    return pl.pallas_call(
        body,
        grid=(NP // BN,),
        in_specs=[
            pl.BlockSpec((BN, 2), lambda i: (i, 0)),
            pl.BlockSpec((BN, D), lambda i: (i, 0)),
            pl.BlockSpec((D, H), lambda i: (0, 0)),
        ],
        out_specs=[
            pl.BlockSpec((BN, H), lambda i: (i, 0)),
            pl.BlockSpec((BN, 1), lambda i: (i, 0)),
        ],
        out_shape=[
            jax.ShapeDtypeStruct((NP, H), jnp.float32),
            jax.ShapeDtypeStruct((NP, 1), jnp.float32),
        ],
    )(degt, xp, W1)


def _tc2_call(p, z1, dinv, b1):
    def body(p_ref, z1_ref, dinv_ref, b1_ref, y_ref):
        agg = p_ref[0] + p_ref[1] + z1_ref[...]
        h = jnp.maximum(dinv_ref[...] * agg + b1_ref[...], 0.0)
        y_ref[...] = dinv_ref[...] * h

    return pl.pallas_call(
        body,
        grid=(NP // BN,),
        in_specs=[
            pl.BlockSpec((NC, BN, H), lambda i: (0, i, 0)),
            pl.BlockSpec((BN, H), lambda i: (i, 0)),
            pl.BlockSpec((BN, 1), lambda i: (i, 0)),
            pl.BlockSpec((1, H), lambda i: (0, 0)),
        ],
        out_specs=pl.BlockSpec((BN, H), lambda i: (i, 0)),
        out_shape=jax.ShapeDtypeStruct((NP, H), jnp.float32),
    )(p, z1, dinv, b1)


def _tc3_call(q, y, dinv, W2, b2):
    def body(q_ref, y_ref, dinv_ref, w_ref, b2_ref, o_ref):
        agg = q_ref[0] + q_ref[1] + y_ref[...]
        o = dinv_ref[...] * jnp.dot(agg, w_ref[...],
                                    preferred_element_type=jnp.float32)
        o = o + b2_ref[...]
        m = jnp.max(o, axis=1, keepdims=True)
        s = jnp.log(jnp.sum(jnp.exp(o - m), axis=1, keepdims=True))
        o_ref[...] = o - m - s

    return pl.pallas_call(
        body,
        grid=(NP // BN,),
        in_specs=[
            pl.BlockSpec((NC, BN, H), lambda i: (0, i, 0)),
            pl.BlockSpec((BN, H), lambda i: (i, 0)),
            pl.BlockSpec((BN, 1), lambda i: (i, 0)),
            pl.BlockSpec((H, C), lambda i: (0, 0)),
            pl.BlockSpec((1, C), lambda i: (0, 0)),
        ],
        out_specs=pl.BlockSpec((BN, C), lambda i: (i, 0)),
        out_shape=jax.ShapeDtypeStruct((NP, C), jnp.float32),
    )(q, y, dinv, W2, b2)


def kernel(x, edge_index, W1, b1, W2, b2):
    ppt = NCH * K - E // NW
    pad = jnp.broadcast_to(N + jnp.arange(ppt, dtype=jnp.int32), (NW, ppt))
    src3d = jnp.concatenate(
        [edge_index[0].reshape(NW, E // NW), pad], axis=1
    ).reshape(NW, NG, GK, K)
    dst3d = jnp.concatenate(
        [edge_index[1].reshape(NW, E // NW), pad], axis=1
    ).reshape(NW, NG, GK, K)
    xp = jnp.pad(x, ((0, NP - N), (0, 0)))
    zpad = jnp.zeros((NP,), jnp.float32)
    zD = jnp.zeros((NP, H), jnp.float32)

    degp = _deg_call(dst3d, zpad)
    degt = degp.reshape(NC, NP).T
    z1, dinv = _tc1_call(degt, xp, W1)
    p = _scatter_call(z1, src3d, dst3d, zD, H)
    y = _tc2_call(p, z1, dinv, b1.reshape(1, H))
    q = _scatter_call(y, src3d, dst3d, zD, H)
    return _tc3_call(q, y, dinv, W2, b2.reshape(1, C))[:N]

# --- scband reference (transcript-rebuilt; emitter-appended) ---
"""Pipeline reference for scband-gcnclassification-84808424227221 (READ-ONLY COPY).

The authoritative reference and input builder live on the scoring server;
editing this copy changes nothing except your own understanding.
"""

import jax, jax.numpy as jnp
import numpy as np

N = 10000
E = 320000
D = 128
H = 128
C = 16


def setup_inputs(seed: int = 0) -> dict:
    key = jax.random.key(seed)
    k1, k2, k3, k4 = jax.random.split(key, 4)
    x = jax.random.normal(k1, (N, D), dtype=jnp.float32)
    edge_index = jax.random.randint(k2, (2, E), 0, N, dtype=jnp.int32)
    W1 = jax.random.normal(k3, (D, H), dtype=jnp.float32) * (1.0 / np.sqrt(D))
    b1 = jnp.zeros((H,), dtype=jnp.float32)
    W2 = jax.random.normal(k4, (H, C), dtype=jnp.float32) * (1.0 / np.sqrt(H))
    b2 = jnp.zeros((C,), dtype=jnp.float32)
    return {"x": x, "edge_index": edge_index, "W1": W1, "b1": b1, "W2": W2, "b2": b2}


def _gcn_conv(x, src, dst, norm, W, b):
    # GCNConv: linear transform, symmetric-normalized message passing, bias
    h = x @ W
    msg = h[src] * norm[:, None]
    out = jax.ops.segment_sum(msg, dst, num_segments=x.shape[0])
    return out + b


def reference(x, edge_index, W1, b1, W2, b2):
    n = x.shape[0]
    sl = jnp.arange(n, dtype=edge_index.dtype)
    src = jnp.concatenate([edge_index[0], sl])  # add self-loops
    dst = jnp.concatenate([edge_index[1], sl])
    deg = jax.ops.segment_sum(jnp.ones_like(src, dtype=x.dtype), dst, num_segments=n)
    dinv = jnp.where(deg > 0, 1.0 / jnp.sqrt(deg), 0.0)
    norm = dinv[src] * dinv[dst]
    h = _gcn_conv(x, src, dst, norm, W1, b1)
    h = jax.nn.relu(h)
    h = _gcn_conv(h, src, dst, norm, W2, b2)
    return jax.nn.log_softmax(h, axis=1)

if __name__ == "__main__":
    import jax
    _d = setup_inputs()
    print(jax.jit(kernel)(*tuple(_d.values())))

</pallas_src>

<mosaic_0001>
#map = affine_map<(d0, d1) -> (0, 0)>
#map1 = affine_map<(d0, d1) -> (0, 0, 0, 0)>
#map2 = affine_map<(d0, d1) -> (0, 0, 0)>
module attributes {stable_mosaic.version = 14 : i64} {
  func.func @scat_kernel(%arg0: i32, %arg1: i32, %arg2: memref<10240x128xf32, #tpu.memory_space<hbm>>, %arg3: memref<32x20x4x128xi32, #tpu.memory_space<hbm>>, %arg4: memref<32x20x4x128xi32, #tpu.memory_space<hbm>>, %arg5: memref<10240x128xf32, #tpu.memory_space<hbm>>, %arg6: memref<2x10240x128xf32, #tpu.memory_space<hbm>>, %arg7: memref<4x128xi32, #tpu.memory_space<vmem>>, %arg8: memref<4x128xi32, #tpu.memory_space<vmem>>, %arg9: memref<4x128xi32, #tpu.memory_space<vmem>>, %arg10: memref<4x128xi32, #tpu.memory_space<vmem>>, %arg11: memref<128x128xf32, #tpu.memory_space<vmem>>, %arg12: memref<128x128xf32, #tpu.memory_space<vmem>>, %arg13: memref<10240x128xf32, #tpu.memory_space<vmem_shared>>, %arg14: memref<!tpu.dma_semaphore, #tpu.memory_space<semaphore_mem>>, %arg15: memref<!tpu.dma_semaphore, #tpu.memory_space<semaphore_mem>>, %arg16: memref<!tpu.dma_semaphore, #tpu.memory_space<semaphore_mem>>, %arg17: memref<!tpu.dma_semaphore, #tpu.memory_space<semaphore_mem>>) attributes {dimension_semantics = [#tpu.dimension_semantics<core_parallel>, #tpu.dimension_semantics<subcore_parallel>], iteration_bounds = array<i64: 2, 16>, scalar_prefetch = 0 : i64, scratch_operands = 11 : i64, tpu.core_type = #tpu.core_type<sc_vector_subcore>, window_params = [{transform_indices = #map}, {transform_indices = #map1}, {transform_indices = #map1}, {transform_indices = #map}, {transform_indices = #map2}]} {
    %mul3A = arith.constant 16 : i32
    %mul3A_0 = arith.muli %arg0, %mul3A : i32
    %add3A = arith.addi %mul3A_0, %arg1 : i32
    %mul3A_1 = arith.constant 640 : i32
    %mul3A_2 = arith.muli %arg1, %mul3A_1 : i32
    %mul3A_3 = arith.constant 640 : i32
    %mul3A_4 = arith.muli %arg1, %mul3A_3 : i32
    "tpu.region"() ({
      %run_scoped3A_204 = tpu.sem_alloc : memref<!tpu.dma_semaphore, #tpu.memory_space<semaphore_mem>>
      %dma_start3A_205 = arith.constant 0 : i32
      %dma_start3A_206 = tpu.memref_slice %arg13[%mul3A_4, %dma_start3A_205] : memref<10240x128xf32, #tpu.memory_space<vmem_shared>> -> memref<640x128xf32, #tpu.memory_space<vmem_shared>>
      %dma_start3A_207 = arith.constant 0 : i32
      %dma_start3A_208 = tpu.memref_slice %arg5[%mul3A_2, %dma_start3A_207] : memref<10240x128xf32, #tpu.memory_space<hbm>> -> memref<640x128xf32, #tpu.memory_space<hbm>>
      tpu.enqueue_dma source(%dma_start3A_208 : memref<640x128xf32, #tpu.memory_space<hbm>>) target(%dma_start3A_206 : memref<640x128xf32, #tpu.memory_space<vmem_shared>>) target_semaphore(%run_scoped3A_204 : memref<!tpu.dma_semaphore, #tpu.memory_space<semaphore_mem>>)
      %dma_wait3A_209 = arith.constant 0 : i32
      %dma_wait3A_210 = tpu.memref_slice %arg13[%mul3A_4, %dma_wait3A_209] : memref<10240x128xf32, #tpu.memory_space<vmem_shared>> -> memref<640x128xf32, #tpu.memory_space<vmem_shared>>
      %dma_wait3A_211 = arith.constant 0 : i32
      %dma_wait3A_212 = tpu.memref_slice %arg5[%mul3A_2, %dma_wait3A_211] : memref<10240x128xf32, #tpu.memory_space<hbm>> -> memref<640x128xf32, #tpu.memory_space<hbm>>
      tpu.wait_dma2 semaphore(%run_scoped3A_204 : memref<!tpu.dma_semaphore, #tpu.memory_space<semaphore_mem>>) src(%dma_wait3A_212 : memref<640x128xf32, #tpu.memory_space<hbm>>) dst(%dma_wait3A_210 : memref<640x128xf32, #tpu.memory_space<vmem_shared>>)
      tpu.yield
    }) : () -> ()
    %barrier3A = arith.constant 0 : index
    tpu.barrier barrier_id(%barrier3A)
    %dma_start3A = arith.constant 0 : i32
    %dma_start3A_5 = arith.constant 0 : i32
    %dma_start3A_6 = arith.constant 0 : i32
    %dma_start3A_7 = tpu.memref_slice %arg3[%add3A, %dma_start3A, %dma_start3A_5, %dma_start3A_6] : memref<32x20x4x128xi32, #tpu.memory_space<hbm>> -> memref<1x1x4x128xi32, #tpu.memory_space<hbm>>
    %dma_start3A_8 = tpu.memref_squeeze %dma_start3A_7 : memref<1x1x4x128xi32, #tpu.memory_space<hbm>> -> memref<4x128xi32, #tpu.memory_space<hbm>>
    %dma_start3A_9 = arith.constant 0 : i32
    %dma_start3A_10 = arith.constant 0 : i32
    %dma_start3A_11 = tpu.memref_slice %arg3[%add3A, %dma_start3A, %dma_start3A_9, %dma_start3A_10] : memref<32x20x4x128xi32, #tpu.memory_space<hbm>> -> memref<1x1x4x128xi32, #tpu.memory_space<hbm>>
    %dma_start3A_12 = tpu.memref_squeeze %dma_start3A_11 : memref<1x1x4x128xi32, #tpu.memory_space<hbm>> -> memref<4x128xi32, #tpu.memory_space<hbm>>
    tpu.enqueue_dma source(%dma_start3A_12 : memref<4x128xi32, #tpu.memory_space<hbm>>) target(%arg7 : memref<4x128xi32, #tpu.memory_space<vmem>>) target_semaphore(%arg16 : memref<!tpu.dma_semaphore, #tpu.memory_space<semaphore_mem>>)
    %dma_start3A_13 = arith.constant 0 : i32
    %dma_start3A_14 = arith.constant 0 : i32
    %dma_start3A_15 = arith.constant 0 : i32
    %dma_start3A_16 = tpu.memref_slice %arg4[%add3A, %dma_start3A_13, %dma_start3A_14, %dma_start3A_15] : memref<32x20x4x128xi32, #tpu.memory_space<hbm>> -> memref<1x1x4x128xi32, #tpu.memory_space<hbm>>
    %dma_start3A_17 = tpu.memref_squeeze %dma_start3A_16 : memref<1x1x4x128xi32, #tpu.memory_space<hbm>> -> memref<4x128xi32, #tpu.memory_space<hbm>>
    %dma_start3A_18 = arith.constant 0 : i32
    %dma_start3A_19 = arith.constant 0 : i32
    %dma_start3A_20 = tpu.memref_slice %arg4[%add3A, %dma_start3A_13, %dma_start3A_18, %dma_start3A_19] : memref<32x20x4x128xi32, #tpu.memory_space<hbm>> -> memref<1x1x4x128xi32, #tpu.memory_space<hbm>>
    %dma_start3A_21 = tpu.memref_squeeze %dma_start3A_20 : memref<1x1x4x128xi32, #tpu.memory_space<hbm>> -> memref<4x128xi32, #tpu.memory_space<hbm>>
    tpu.enqueue_dma source(%dma_start3A_21 : memref<4x128xi32, #tpu.memory_space<hbm>>) target(%arg8 : memref<4x128xi32, #tpu.memory_space<vmem>>) target_semaphore(%arg17 : memref<!tpu.dma_semaphore, #tpu.memory_space<semaphore_mem>>)
    %dma_wait3A = arith.constant 0 : i32
    %dma_wait3A_22 = arith.constant 0 : i32
    %dma_wait3A_23 = arith.constant 0 : i32
    %dma_wait3A_24 = tpu.memref_slice %arg3[%add3A, %dma_wait3A, %dma_wait3A_22, %dma_wait3A_23] : memref<32x20x4x128xi32, #tpu.memory_space<hbm>> -> memref<1x1x4x128xi32, #tpu.memory_space<hbm>>
    %dma_wait3A_25 = tpu.memref_squeeze %dma_wait3A_24 : memref<1x1x4x128xi32, #tpu.memory_space<hbm>> -> memref<4x128xi32, #tpu.memory_space<hbm>>
    %dma_wait3A_26 = arith.constant 0 : i32
    %dma_wait3A_27 = arith.constant 0 : i32
    %dma_wait3A_28 = tpu.memref_slice %arg3[%add3A, %dma_wait3A, %dma_wait3A_26, %dma_wait3A_27] : memref<32x20x4x128xi32, #tpu.memory_space<hbm>> -> memref<1x1x4x128xi32, #tpu.memory_space<hbm>>
    %dma_wait3A_29 = tpu.memref_squeeze %dma_wait3A_28 : memref<1x1x4x128xi32, #tpu.memory_space<hbm>> -> memref<4x128xi32, #tpu.memory_space<hbm>>
    tpu.wait_dma2 semaphore(%arg16 : memref<!tpu.dma_semaphore, #tpu.memory_space<semaphore_mem>>) src(%dma_wait3A_29 : memref<4x128xi32, #tpu.memory_space<hbm>>) dst(%arg7 : memref<4x128xi32, #tpu.memory_space<vmem>>)
    %dma_wait3A_30 = arith.constant 0 : i32
    %dma_wait3A_31 = arith.constant 0 : i32
    %dma_wait3A_32 = arith.constant 0 : i32
    %dma_wait3A_33 = tpu.memref_slice %arg4[%add3A, %dma_wait3A_30, %dma_wait3A_31, %dma_wait3A_32] : memref<32x20x4x128xi32, #tpu.memory_space<hbm>> -> memref<1x1x4x128xi32, #tpu.memory_space<hbm>>
    %dma_wait3A_34 = tpu.memref_squeeze %dma_wait3A_33 : memref<1x1x4x128xi32, #tpu.memory_space<hbm>> -> memref<4x128xi32, #tpu.memory_space<hbm>>
    %dma_wait3A_35 = arith.constant 0 : i32
    %dma_wait3A_36 = arith.constant 0 : i32
    %dma_wait3A_37 = tpu.memref_slice %arg4[%add3A, %dma_wait3A_30, %dma_wait3A_35, %dma_wait3A_36] : memref<32x20x4x128xi32, #tpu.memory_space<hbm>> -> memref<1x1x4x128xi32, #tpu.memory_space<hbm>>
    %dma_wait3A_38 = tpu.memref_squeeze %dma_wait3A_37 : memref<1x1x4x128xi32, #tpu.memory_space<hbm>> -> memref<4x128xi32, #tpu.memory_space<hbm>>
    tpu.wait_dma2 semaphore(%arg17 : memref<!tpu.dma_semaphore, #tpu.memory_space<semaphore_mem>>) src(%dma_wait3A_38 : memref<4x128xi32, #tpu.memory_space<hbm>>) dst(%arg8 : memref<4x128xi32, #tpu.memory_space<vmem>>)
    %dma_start3A_39 = arith.constant 0 : i32
    %dma_start3A_40 = arith.constant 0 : i32
    %dma_start3A_41 = tpu.memref_slice %arg7[%dma_start3A_39, %dma_start3A_40] : memref<4x128xi32, #tpu.memory_space<vmem>> -> memref<1x128xi32, #tpu.memory_space<vmem>>
    %dma_start3A_42 = tpu.memref_squeeze %dma_start3A_41 : memref<1x128xi32, #tpu.memory_space<vmem>> -> memref<128xi32, #tpu.memory_space<vmem>>
    %dma_start3A_43 = arith.constant 0 : i32
    %dma_start3A_44 = arith.constant 0 : i32
    %dma_start3A_45 = tpu.memref_slice %arg2[%dma_start3A_43, %dma_start3A_44] : memref<10240x128xf32, #tpu.memory_space<hbm>> -> memref<10240x128xf32, #tpu.memory_space<hbm>>
    tpu.enqueue_indirect_dma source(%dma_start3A_45 : memref<10240x128xf32, #tpu.memory_space<hbm>>) target(%arg11 : memref<128x128xf32, #tpu.memory_space<vmem>>) offsets(%dma_start3A_42 : memref<128xi32, #tpu.memory_space<vmem>>) semaphore(%arg14 : memref<!tpu.dma_semaphore, #tpu.memory_space<semaphore_mem>>)
    %dma_wait3A_46 = arith.constant 0 : i32
    %dma_wait3A_47 = arith.constant 0 : i32
    %dma_wait3A_48 = tpu.memref_slice %arg7[%dma_wait3A_46, %dma_wait3A_47] : memref<4x128xi32, #tpu.memory_space<vmem>> -> memref<1x128xi32, #tpu.memory_space<vmem>>
    %dma_wait3A_49 = tpu.memref_squeeze %dma_wait3A_48 : memref<1x128xi32, #tpu.memory_space<vmem>> -> memref<128xi32, #tpu.memory_space<vmem>>
    %dma_wait3A_50 = arith.constant 0 : i32
    %dma_wait3A_51 = arith.constant 0 : i32
    %dma_wait3A_52 = tpu.memref_slice %arg2[%dma_wait3A_50, %dma_wait3A_51] : memref<10240x128xf32, #tpu.memory_space<hbm>> -> memref<10240x128xf32, #tpu.memory_space<hbm>>
    tpu.wait_indirect_dma semaphore(%arg14 : memref<!tpu.dma_semaphore, #tpu.memory_space<semaphore_mem>>) src(%dma_wait3A_52 : memref<10240x128xf32, #tpu.memory_space<hbm>>) dst(%arg11 : memref<128x128xf32, #tpu.memory_space<vmem>>)
    %scan3A = arith.constant 0 : i32
    %scan3A_53 = arith.constant 0 : i32
    %scan3A_54 = arith.constant 9 : i32
    %scan3A_55 = arith.addi %scan3A_53, %scan3A_54 : i32
    %scan3A_56 = arith.constant 1 : i32
    scf.for %scan3A_204 = %scan3A_53 to %scan3A_55 step %scan3A_56  : i32 {
      %mul3A_205 = arith.constant 2 : i32
      %mul3A_206 = arith.muli %mul3A_205, %scan3A_204 : i32
      %add3A_207 = arith.constant 1 : i32
      %add3A_208 = arith.addi %mul3A_206, %add3A_207 : i32
      %dma_start3A_209 = arith.constant 0 : i32
      %dma_start3A_210 = arith.constant 0 : i32
      %dma_start3A_211 = tpu.memref_slice %arg3[%add3A, %add3A_208, %dma_start3A_209, %dma_start3A_210] : memref<32x20x4x128xi32, #tpu.memory_space<hbm>> -> memref<1x1x4x128xi32, #tpu.memory_space<hbm>>
      %dma_start3A_212 = tpu.memref_squeeze %dma_start3A_211 : memref<1x1x4x128xi32, #tpu.memory_space<hbm>> -> memref<4x128xi32, #tpu.memory_space<hbm>>
      %dma_start3A_213 = arith.constant 0 : i32
      %dma_start3A_214 = arith.constant 0 : i32
      %dma_start3A_215 = tpu.memref_slice %arg3[%add3A, %add3A_208, %dma_start3A_213, %dma_start3A_214] : memref<32x20x4x128xi32, #tpu.memory_space<hbm>> -> memref<1x1x4x128xi32, #tpu.memory_space<hbm>>
      %dma_start3A_216 = tpu.memref_squeeze %dma_start3A_215 : memref<1x1x4x128xi32, #tpu.memory_space<hbm>> -> memref<4x128xi32, #tpu.memory_space<hbm>>
      tpu.enqueue_dma source(%dma_start3A_216 : memref<4x128xi32, #tpu.memory_space<hbm>>) target(%arg9 : memref<4x128xi32, #tpu.memory_space<vmem>>) target_semaphore(%arg16 : memref<!tpu.dma_semaphore, #tpu.memory_space<semaphore_mem>>)
      %dma_start3A_217 = arith.constant 0 : i32
      %dma_start3A_218 = arith.constant 0 : i32
      %dma_start3A_219 = tpu.memref_slice %arg4[%add3A, %add3A_208, %dma_start3A_217, %dma_start3A_218] : memref<32x20x4x128xi32, #tpu.memory_space<hbm>> -> memref<1x1x4x128xi32, #tpu.memory_space<hbm>>
      %dma_start3A_220 = tpu.memref_squeeze %dma_start3A_219 : memref<1x1x4x128xi32, #tpu.memory_space<hbm>> -> memref<4x128xi32, #tpu.memory_space<hbm>>
      %dma_start3A_221 = arith.constant 0 : i32
      %dma_start3A_222 = arith.constant 0 : i32
      %dma_start3A_223 = tpu.memref_slice %arg4[%add3A, %add3A_208, %dma_start3A_221, %dma_start3A_222] : memref<32x20x4x128xi32, #tpu.memory_space<hbm>> -> memref<1x1x4x128xi32, #tpu.memory_space<hbm>>
      %dma_start3A_224 = tpu.memref_squeeze %dma_start3A_223 : memref<1x1x4x128xi32, #tpu.memory_space<hbm>> -> memref<4x128xi32, #tpu.memory_space<hbm>>
      tpu.enqueue_dma source(%dma_start3A_224 : memref<4x128xi32, #tpu.memory_space<hbm>>) target(%arg10 : memref<4x128xi32, #tpu.memory_space<vmem>>) target_semaphore(%arg17 : memref<!tpu.dma_semaphore, #tpu.memory_space<semaphore_mem>>)
      %dma_start3A_225 = arith.constant 1 : i32
      %dma_start3A_226 = arith.constant 0 : i32
      %dma_start3A_227 = tpu.memref_slice %arg7[%dma_start3A_225, %dma_start3A_226] : memref<4x128xi32, #tpu.memory_space<vmem>> -> memref<1x128xi32, #tpu.memory_space<vmem>>
      %dma_start3A_228 = tpu.memref_squeeze %dma_start3A_227 : memref<1x128xi32, #tpu.memory_space<vmem>> -> memref<128xi32, #tpu.memory_space<vmem>>
      %dma_start3A_229 = arith.constant 0 : i32
      %dma_start3A_230 = arith.constant 0 : i32
      %dma_start3A_231 = tpu.memref_slice %arg2[%dma_start3A_229, %dma_start3A_230] : memref<10240x128xf32, #tpu.memory_space<hbm>> -> memref<10240x128xf32, #tpu.memory_space<hbm>>
      tpu.enqueue_indirect_dma source(%dma_start3A_231 : memref<10240x128xf32, #tpu.memory_space<hbm>>) target(%arg12 : memref<128x128xf32, #tpu.memory_space<vmem>>) offsets(%dma_start3A_228 : memref<128xi32, #tpu.memory_space<vmem>>) semaphore(%arg15 : memref<!tpu.dma_semaphore, #tpu.memory_space<semaphore_mem>>)
      %run_scoped3A_232 = arith.constant 0 : i32
      "tpu.region"() ({
        %run_scoped3A_399 = tpu.sem_alloc : memref<!tpu.dma_semaphore, #tpu.memory_space<semaphore_mem>>
        %dma_start3A_400 = arith.constant 0 : i32
        %dma_start3A_401 = tpu.memref_slice %arg8[%run_scoped3A_232, %dma_start3A_400] : memref<4x128xi32, #tpu.memory_space<vmem>> -> memref<1x128xi32, #tpu.memory_space<vmem>>
        %dma_start3A_402 = tpu.memref_squeeze %dma_start3A_401 : memref<1x128xi32, #tpu.memory_space<vmem>> -> memref<128xi32, #tpu.memory_space<vmem>>
        %dma_start3A_403 = arith.constant 0 : i32
        %dma_start3A_404 = arith.constant 0 : i32
        %dma_start3A_405 = tpu.memref_slice %arg13[%dma_start3A_403, %dma_start3A_404] : memref<10240x128xf32, #tpu.memory_space<vmem_shared>> -> memref<10240x128xf32, #tpu.memory_space<vmem_shared>>
        tpu.enqueue_indirect_dma source(%arg11 : memref<128x128xf32, #tpu.memory_space<vmem>>) target(%dma_start3A_405 : memref<10240x128xf32, #tpu.memory_space<vmem_shared>>) offsets(%dma_start3A_402 : memref<128xi32, #tpu.memory_space<vmem>>) semaphore(%run_scoped3A_399 : memref<!tpu.dma_semaphore, #tpu.memory_space<semaphore_mem>>) {add = true}
        %dma_wait3A_406 = arith.constant 0 : i32
        %dma_wait3A_407 = tpu.memref_slice %arg8[%run_scoped3A_232, %dma_wait3A_406] : memref<4x128xi32, #tpu.memory_space<vmem>> -> memref<1x128xi32, #tpu.memory_space<vmem>>
        %dma_wait3A_408 = tpu.memref_squeeze %dma_wait3A_407 : memref<1x128xi32, #tpu.memory_space<vmem>> -> memref<128xi32, #tpu.memory_space<vmem>>
        %dma_wait3A_409 = arith.constant 0 : i32
        %dma_wait3A_410 = arith.constant 0 : i32
        %dma_wait3A_411 = tpu.memref_slice %arg13[%dma_wait3A_409, %dma_wait3A_410] : memref<10240x128xf32, #tpu.memory_space<vmem_shared>> -> memref<10240x128xf32, #tpu.memory_space<vmem_shared>>
        tpu.wait_indirect_dma semaphore(%run_scoped3A_399 : memref<!tpu.dma_semaphore, #tpu.memory_space<semaphore_mem>>) src(%arg11 : memref<128x128xf32, #tpu.memory_space<vmem>>) dst(%dma_wait3A_411 : memref<10240x128xf32, #tpu.memory_space<vmem_shared>>)
        tpu.yield
      }) : () -> ()
      %dma_wait3A_233 = arith.constant 1 : i32
      %dma_wait3A_234 = arith.constant 0 : i32
      %dma_wait3A_235 = tpu.memref_slice %arg7[%dma_wait3A_233, %dma_wait3A_234] : memref<4x128xi32, #tpu.memory_space<vmem>> -> memref<1x128xi32, #tpu.memory_space<vmem>>
      %dma_wait3A_236 = tpu.memref_squeeze %dma_wait3A_235 : memref<1x128xi32, #tpu.memory_space<vmem>> -> memref<128xi32, #tpu.memory_space<vmem>>
      %dma_wait3A_237 = arith.constant 0 : i32
      %dma_wait3A_238 = arith.constant 0 : i32
      %dma_wait3A_239 = tpu.memref_slice %arg2[%dma_wait3A_237, %dma_wait3A_238] : memref<10240x128xf32, #tpu.memory_space<hbm>> -> memref<10240x128xf32, #tpu.memory_space<hbm>>
      tpu.wait_indirect_dma semaphore(%arg15 : memref<!tpu.dma_semaphore, #tpu.memory_space<semaphore_mem>>) src(%dma_wait3A_239 : memref<10240x128xf32, #tpu.memory_space<hbm>>) dst(%arg12 : memref<128x128xf32, #tpu.memory_space<vmem>>)
      %dma_start3A_240 = arith.constant 2 : i32
      %dma_start3A_241 = arith.constant 0 : i32
      %dma_start3A_242 = tpu.memref_slice %arg7[%dma_start3A_240, %dma_start3A_241] : memref<4x128xi32, #tpu.memory_space<vmem>> -> memref<1x128xi32, #tpu.memory_space<vmem>>
      %dma_start3A_243 = tpu.memref_squeeze %dma_start3A_242 : memref<1x128xi32, #tpu.memory_space<vmem>> -> memref<128xi32, #tpu.memory_space<vmem>>
      %dma_start3A_244 = arith.constant 0 : i32
      %dma_start3A_245 = arith.constant 0 : i32
      %dma_start3A_246 = tpu.memref_slice %arg2[%dma_start3A_244, %dma_start3A_245] : memref<10240x128xf32, #tpu.memory_space<hbm>> -> memref<10240x128xf32, #tpu.memory_space<hbm>>
      tpu.enqueue_indirect_dma source(%dma_start3A_246 : memref<10240x128xf32, #tpu.memory_space<hbm>>) target(%arg11 : memref<128x128xf32, #tpu.memory_space<vmem>>) offsets(%dma_start3A_243 : memref<128xi32, #tpu.memory_space<vmem>>) semaphore(%arg14 : memref<!tpu.dma_semaphore, #tpu.memory_space<semaphore_mem>>)
      %run_scoped3A_247 = arith.constant 1 : i32
      "tpu.region"() ({
        %run_scoped3A_399 = tpu.sem_alloc : memref<!tpu.dma_semaphore, #tpu.memory_space<semaphore_mem>>
        %dma_start3A_400 = arith.constant 0 : i32
        %dma_start3A_401 = tpu.memref_slice %arg8[%run_scoped3A_247, %dma_start3A_400] : memref<4x128xi32, #tpu.memory_space<vmem>> -> memref<1x128xi32, #tpu.memory_space<vmem>>
        %dma_start3A_402 = tpu.memref_squeeze %dma_start3A_401 : memref<1x128xi32, #tpu.memory_space<vmem>> -> memref<128xi32, #tpu.memory_space<vmem>>
        %dma_start3A_403 = arith.constant 0 : i32
        %dma_start3A_404 = arith.constant 0 : i32
        %dma_start3A_405 = tpu.memref_slice %arg13[%dma_start3A_403, %dma_start3A_404] : memref<10240x128xf32, #tpu.memory_space<vmem_shared>> -> memref<10240x128xf32, #tpu.memory_space<vmem_shared>>
        tpu.enqueue_indirect_dma source(%arg12 : memref<128x128xf32, #tpu.memory_space<vmem>>) target(%dma_start3A_405 : memref<10240x128xf32, #tpu.memory_space<vmem_shared>>) offsets(%dma_start3A_402 : memref<128xi32, #tpu.memory_space<vmem>>) semaphore(%run_scoped3A_399 : memref<!tpu.dma_semaphore, #tpu.memory_space<semaphore_mem>>) {add = true}
        %dma_wait3A_406 = arith.constant 0 : i32
        %dma_wait3A_407 = tpu.memref_slice %arg8[%run_scoped3A_247, %dma_wait3A_406] : memref<4x128xi32, #tpu.memory_space<vmem>> -> memref<1x128xi32, #tpu.memory_space<vmem>>
        %dma_wait3A_408 = tpu.memref_squeeze %dma_wait3A_407 : memref<1x128xi32, #tpu.memory_space<vmem>> -> memref<128xi32, #tpu.memory_space<vmem>>
        %dma_wait3A_409 = arith.constant 0 : i32
        %dma_wait3A_410 = arith.constant 0 : i32
        %dma_wait3A_411 = tpu.memref_slice %arg13[%dma_wait3A_409, %dma_wait3A_410] : memref<10240x128xf32, #tpu.memory_space<vmem_shared>> -> memref<10240x128xf32, #tpu.memory_space<vmem_shared>>
        tpu.wait_indirect_dma semaphore(%run_scoped3A_399 : memref<!tpu.dma_semaphore, #tpu.memory_space<semaphore_mem>>) src(%arg12 : memref<128x128xf32, #tpu.memory_space<vmem>>) dst(%dma_wait3A_411 : memref<10240x128xf32, #tpu.memory_space<vmem_shared>>)
        tpu.yield
      }) : () -> ()
      %dma_wait3A_248 = arith.constant 2 : i32
      %dma_wait3A_249 = arith.constant 0 : i32
      %dma_wait3A_250 = tpu.memref_slice %arg7[%dma_wait3A_248, %dma_wait3A_249] : memref<4x128xi32, #tpu.memory_space<vmem>> -> memref<1x128xi32, #tpu.memory_space<vmem>>
      %dma_wait3A_251 = tpu.memref_squeeze %dma_wait3A_250 : memref<1x128xi32, #tpu.memory_space<vmem>> -> memref<128xi32, #tpu.memory_space<vmem>>
      %dma_wait3A_252 = arith.constant 0 : i32
      %dma_wait3A_253 = arith.constant 0 : i32
      %dma_wait3A_254 = tpu.memref_slice %arg2[%dma_wait3A_252, %dma_wait3A_253] : memref<10240x128xf32, #tpu.memory_space<hbm>> -> memref<10240x128xf32, #tpu.memory_space<hbm>>
      tpu.wait_indirect_dma semaphore(%arg14 : memref<!tpu.dma_semaphore, #tpu.memory_space<semaphore_mem>>) src(%dma_wait3A_254 : memref<10240x128xf32, #tpu.memory_space<hbm>>) dst(%arg11 : memref<128x128xf32, #tpu.memory_space<vmem>>)
      %dma_start3A_255 = arith.constant 3 : i32
      %dma_start3A_256 = arith.constant 0 : i32
      %dma_start3A_257 = tpu.memref_slice %arg7[%dma_start3A_255, %dma_start3A_256] : memref<4x128xi32, #tpu.memory_space<vmem>> -> memref<1x128xi32, #tpu.memory_space<vmem>>
      %dma_start3A_258 = tpu.memref_squeeze %dma_start3A_257 : memref<1x128xi32, #tpu.memory_space<vmem>> -> memref<128xi32, #tpu.memory_space<vmem>>
      %dma_start3A_259 = arith.constant 0 : i32
      %dma_start3A_260 = arith.constant 0 : i32
      %dma_start3A_261 = tpu.memref_slice %arg2[%dma_start3A_259, %dma_start3A_260] : memref<10240x128xf32, #tpu.memory_space<hbm>> -> memref<10240x128xf32, #tpu.memory_space<hbm>>
      tpu.enqueue_indirect_dma source(%dma_start3A_261 : memref<10240x128xf32, #tpu.memory_space<hbm>>) target(%arg12 : memref<128x128xf32, #tpu.memory_space<vmem>>) offsets(%dma_start3A_258 : memref<128xi32, #tpu.memory_space<vmem>>) semaphore(%arg15 : memref<!tpu.dma_semaphore, #tpu.memory_space<semaphore_mem>>)
      %run_scoped3A_262 = arith.constant 2 : i32
      "tpu.region"() ({
        %run_scoped3A_399 = tpu.sem_alloc : memref<!tpu.dma_semaphore, #tpu.memory_space<semaphore_mem>>
        %dma_start3A_400 = arith.constant 0 : i32
        %dma_start3A_401 = tpu.memref_slice %arg8[%run_scoped3A_262, %dma_start3A_400] : memref<4x128xi32, #tpu.memory_space<vmem>> -> memref<1x128xi32, #tpu.memory_space<vmem>>
        %dma_start3A_402 = tpu.memref_squeeze %dma_start3A_401 : memref<1x128xi32, #tpu.memory_space<vmem>> -> memref<128xi32, #tpu.memory_space<vmem>>
        %dma_start3A_403 = arith.constant 0 : i32
        %dma_start3A_404 = arith.constant 0 : i32
        %dma_start3A_405 = tpu.memref_slice %arg13[%dma_start3A_403, %dma_start3A_404] : memref<10240x128xf32, #tpu.memory_space<vmem_shared>> -> memref<10240x128xf32, #tpu.memory_space<vmem_shared>>
        tpu.enqueue_indirect_dma source(%arg11 : memref<128x128xf32, #tpu.memory_space<vmem>>) target(%dma_start3A_405 : memref<10240x128xf32, #tpu.memory_space<vmem_shared>>) offsets(%dma_start3A_402 : memref<128xi32, #tpu.memory_space<vmem>>) semaphore(%run_scoped3A_399 : memref<!tpu.dma_semaphore, #tpu.memory_space<semaphore_mem>>) {add = true}
        %dma_wait3A_406 = arith.constant 0 : i32
        %dma_wait3A_407 = tpu.memref_slice %arg8[%run_scoped3A_262, %dma_wait3A_406] : memref<4x128xi32, #tpu.memory_space<vmem>> -> memref<1x128xi32, #tpu.memory_space<vmem>>
        %dma_wait3A_408 = tpu.memref_squeeze %dma_wait3A_407 : memref<1x128xi32, #tpu.memory_space<vmem>> -> memref<128xi32, #tpu.memory_space<vmem>>
        %dma_wait3A_409 = arith.constant 0 : i32
        %dma_wait3A_410 = arith.constant 0 : i32
        %dma_wait3A_411 = tpu.memref_slice %arg13[%dma_wait3A_409, %dma_wait3A_410] : memref<10240x128xf32, #tpu.memory_space<vmem_shared>> -> memref<10240x128xf32, #tpu.memory_space<vmem_shared>>
        tpu.wait_indirect_dma semaphore(%run_scoped3A_399 : memref<!tpu.dma_semaphore, #tpu.memory_space<semaphore_mem>>) src(%arg11 : memref<128x128xf32, #tpu.memory_space<vmem>>) dst(%dma_wait3A_411 : memref<10240x128xf32, #tpu.memory_space<vmem_shared>>)
        tpu.yield
      }) : () -> ()
      %dma_wait3A_263 = arith.constant 3 : i32
      %dma_wait3A_264 = arith.constant 0 : i32
      %dma_wait3A_265 = tpu.memref_slice %arg7[%dma_wait3A_263, %dma_wait3A_264] : memref<4x128xi32, #tpu.memory_space<vmem>> -> memref<1x128xi32, #tpu.memory_space<vmem>>
      %dma_wait3A_266 = tpu.memref_squeeze %dma_wait3A_265 : memref<1x128xi32, #tpu.memory_space<vmem>> -> memref<128xi32, #tpu.memory_space<vmem>>
      %dma_wait3A_267 = arith.constant 0 : i32
      %dma_wait3A_268 = arith.constant 0 : i32
      %dma_wait3A_269 = tpu.memref_slice %arg2[%dma_wait3A_267, %dma_wait3A_268] : memref<10240x128xf32, #tpu.memory_space<hbm>> -> memref<10240x128xf32, #tpu.memory_space<hbm>>
      tpu.wait_indirect_dma semaphore(%arg15 : memref<!tpu.dma_semaphore, #tpu.memory_space<semaphore_mem>>) src(%dma_wait3A_269 : memref<10240x128xf32, #tpu.memory_space<hbm>>) dst(%arg12 : memref<128x128xf32, #tpu.memory_space<vmem>>)
      %dma_wait3A_270 = arith.constant 0 : i32
      %dma_wait3A_271 = arith.constant 0 : i32
      %dma_wait3A_272 = tpu.memref_slice %arg3[%add3A, %add3A_208, %dma_wait3A_270, %dma_wait3A_271] : memref<32x20x4x128xi32, #tpu.memory_space<hbm>> -> memref<1x1x4x128xi32, #tpu.memory_space<hbm>>
      %dma_wait3A_273 = tpu.memref_squeeze %dma_wait3A_272 : memref<1x1x4x128xi32, #tpu.memory_space<hbm>> -> memref<4x128xi32, #tpu.memory_space<hbm>>
      %dma_wait3A_274 = arith.constant 0 : i32
      %dma_wait3A_275 = arith.constant 0 : i32
      %dma_wait3A_276 = tpu.memref_slice %arg3[%add3A, %add3A_208, %dma_wait3A_274, %dma_wait3A_275] : memref<32x20x4x128xi32, #tpu.memory_space<hbm>> -> memref<1x1x4x128xi32, #tpu.memory_space<hbm>>
      %dma_wait3A_277 = tpu.memref_squeeze %dma_wait3A_276 : memref<1x1x4x128xi32, #tpu.memory_space<hbm>> -> memref<4x128xi32, #tpu.memory_space<hbm>>
      tpu.wait_dma2 semaphore(%arg16 : memref<!tpu.dma_semaphore, #tpu.memory_space<semaphore_mem>>) src(%dma_wait3A_277 : memref<4x128xi32, #tpu.memory_space<hbm>>) dst(%arg9 : memref<4x128xi32, #tpu.memory_space<vmem>>)
      %dma_wait3A_278 = arith.constant 0 : i32
      %dma_wait3A_279 = arith.constant 0 : i32
      %dma_wait3A_280 = tpu.memref_slice %arg4[%add3A, %add3A_208, %dma_wait3A_278, %dma_wait3A_279] : memref<32x20x4x128xi32, #tpu.memory_space<hbm>> -> memref<1x1x4x128xi32, #tpu.memory_space<hbm>>
      %dma_wait3A_281 = tpu.memref_squeeze %dma_wait3A_280 : memref<1x1x4x128xi32, #tpu.memory_space<hbm>> -> memref<4x128xi32, #tpu.memory_space<hbm>>
      %dma_wait3A_282 = arith.constant 0 : i32
      %dma_wait3A_283 = arith.constant 0 : i32
      %dma_wait3A_284 = tpu.memref_slice %arg4[%add3A, %add3A_208, %dma_wait3A_282, %dma_wait3A_283] : memref<32x20x4x128xi32, #tpu.memory_space<hbm>> -> memref<1x1x4x128xi32, #tpu.memory_space<hbm>>
      %dma_wait3A_285 = tpu.memref_squeeze %dma_wait3A_284 : memref<1x1x4x128xi32, #tpu.memory_space<hbm>> -> memref<4x128xi32, #tpu.memory_space<hbm>>
      tpu.wait_dma2 semaphore(%arg17 : memref<!tpu.dma_semaphore, #tpu.memory_space<semaphore_mem>>) src(%dma_wait3A_285 : memref<4x128xi32, #tpu.memory_space<hbm>>) dst(%arg10 : memref<4x128xi32, #tpu.memory_space<vmem>>)
      %dma_start3A_286 = arith.constant 0 : i32
      %dma_start3A_287 = arith.constant 0 : i32
      %dma_start3A_288 = tpu.memref_slice %arg9[%dma_start3A_286, %dma_start3A_287] : memref<4x128xi32, #tpu.memory_space<vmem>> -> memref<1x128xi32, #tpu.memory_space<vmem>>
      %dma_start3A_289 = tpu.memref_squeeze %dma_start3A_288 : memref<1x128xi32, #tpu.memory_space<vmem>> -> memref<128xi32, #tpu.memory_space<vmem>>
      %dma_start3A_290 = arith.constant 0 : i32
      %dma_start3A_291 = arith.constant 0 : i32
      %dma_start3A_292 = tpu.memref_slice %arg2[%dma_start3A_290, %dma_start3A_291] : memref<10240x128xf32, #tpu.memory_space<hbm>> -> memref<10240x128xf32, #tpu.memory_space<hbm>>
      tpu.enqueue_indirect_dma source(%dma_start3A_292 : memref<10240x128xf32, #tpu.memory_space<hbm>>) target(%arg11 : memref<128x128xf32, #tpu.memory_space<vmem>>) offsets(%dma_start3A_289 : memref<128xi32, #tpu.memory_space<vmem>>) semaphore(%arg14 : memref<!tpu.dma_semaphore, #tpu.memory_space<semaphore_mem>>)
      %run_scoped3A_293 = arith.constant 3 : i32
      "tpu.region"() ({
        %run_scoped3A_399 = tpu.sem_alloc : memref<!tpu.dma_semaphore, #tpu.memory_space<semaphore_mem>>
        %dma_start3A_400 = arith.constant 0 : i32
        %dma_start3A_401 = tpu.memref_slice %arg8[%run_scoped3A_293, %dma_start3A_400] : memref<4x128xi32, #tpu.memory_space<vmem>> -> memref<1x128xi32, #tpu.memory_space<vmem>>
        %dma_start3A_402 = tpu.memref_squeeze %dma_start3A_401 : memref<1x128xi32, #tpu.memory_space<vmem>> -> memref<128xi32, #tpu.memory_space<vmem>>
        %dma_start3A_403 = arith.constant 0 : i32
        %dma_start3A_404 = arith.constant 0 : i32
        %dma_start3A_405 = tpu.memref_slice %arg13[%dma_start3A_403, %dma_start3A_404] : memref<10240x128xf32, #tpu.memory_space<vmem_shared>> -> memref<10240x128xf32, #tpu.memory_space<vmem_shared>>
        tpu.enqueue_indirect_dma source(%arg12 : memref<128x128xf32, #tpu.memory_space<vmem>>) target(%dma_start3A_405 : memref<10240x128xf32, #tpu.memory_space<vmem_shared>>) offsets(%dma_start3A_402 : memref<128xi32, #tpu.memory_space<vmem>>) semaphore(%run_scoped3A_399 : memref<!tpu.dma_semaphore, #tpu.memory_space<semaphore_mem>>) {add = true}
        %dma_wait3A_406 = arith.constant 0 : i32
        %dma_wait3A_407 = tpu.memref_slice %arg8[%run_scoped3A_293, %dma_wait3A_406] : memref<4x128xi32, #tpu.memory_space<vmem>> -> memref<1x128xi32, #tpu.memory_space<vmem>>
        %dma_wait3A_408 = tpu.memref_squeeze %dma_wait3A_407 : memref<1x128xi32, #tpu.memory_space<vmem>> -> memref<128xi32, #tpu.memory_space<vmem>>
        %dma_wait3A_409 = arith.constant 0 : i32
        %dma_wait3A_410 = arith.constant 0 : i32
        %dma_wait3A_411 = tpu.memref_slice %arg13[%dma_wait3A_409, %dma_wait3A_410] : memref<10240x128xf32, #tpu.memory_space<vmem_shared>> -> memref<10240x128xf32, #tpu.memory_space<vmem_shared>>
        tpu.wait_indirect_dma semaphore(%run_scoped3A_399 : memref<!tpu.dma_semaphore, #tpu.memory_space<semaphore_mem>>) src(%arg12 : memref<128x128xf32, #tpu.memory_space<vmem>>) dst(%dma_wait3A_411 : memref<10240x128xf32, #tpu.memory_space<vmem_shared>>)
        tpu.yield
      }) : () -> ()
      %dma_wait3A_294 = arith.constant 0 : i32
      %dma_wait3A_295 = arith.constant 0 : i32
      %dma_wait3A_296 = tpu.memref_slice %arg9[%dma_wait3A_294, %dma_wait3A_295] : memref<4x128xi32, #tpu.memory_space<vmem>> -> memref<1x128xi32, #tpu.memory_space<vmem>>
      %dma_wait3A_297 = tpu.memref_squeeze %dma_wait3A_296 : memref<1x128xi32, #tpu.memory_space<vmem>> -> memref<128xi32, #tpu.memory_space<vmem>>
      %dma_wait3A_298 = arith.constant 0 : i32
      %dma_wait3A_299 = arith.constant 0 : i32
      %dma_wait3A_300 = tpu.memref_slice %arg2[%dma_wait3A_298, %dma_wait3A_299] : memref<10240x128xf32, #tpu.memory_space<hbm>> -> memref<10240x128xf32, #tpu.memory_space<hbm>>
      tpu.wait_indirect_dma semaphore(%arg14 : memref<!tpu.dma_semaphore, #tpu.memory_space<semaphore_mem>>) src(%dma_wait3A_300 : memref<10240x128xf32, #tpu.memory_space<hbm>>) dst(%arg11 : memref<128x128xf32, #tpu.memory_space<vmem>>)
      %mul3A_301 = arith.constant 2 : i32
      %mul3A_302 = arith.muli %mul3A_301, %scan3A_204 : i32
      %add3A_303 = arith.constant 1 : i32
      %add3A_304 = arith.addi %mul3A_302, %add3A_303 : i32
      %add3A_305 = arith.constant 1 : i32
      %add3A_306 = arith.addi %add3A_304, %add3A_305 : i32
      %dma_start3A_307 = arith.constant 0 : i32
      %dma_start3A_308 = arith.constant 0 : i32
      %dma_start3A_309 = tpu.memref_slice %arg3[%add3A, %add3A_306, %dma_start3A_307, %dma_start3A_308] : memref<32x20x4x128xi32, #tpu.memory_space<hbm>> -> memref<1x1x4x128xi32, #tpu.memory_space<hbm>>
      %dma_start3A_310 = tpu.memref_squeeze %dma_start3A_309 : memref<1x1x4x128xi32, #tpu.memory_space<hbm>> -> memref<4x128xi32, #tpu.memory_space<hbm>>
      %dma_start3A_311 = arith.constant 0 : i32
      %dma_start3A_312 = arith.constant 0 : i32
      %dma_start3A_313 = tpu.memref_slice %arg3[%add3A, %add3A_306, %dma_start3A_311, %dma_start3A_312] : memref<32x20x4x128xi32, #tpu.memory_space<hbm>> -> memref<1x1x4x128xi32, #tpu.memory_space<hbm>>
      %dma_start3A_314 = tpu.memref_squeeze %dma_start3A_313 : memref<1x1x4x128xi32, #tpu.memory_space<hbm>> -> memref<4x128xi32, #tpu.memory_space<hbm>>
      tpu.enqueue_dma source(%dma_start3A_314 : memref<4x128xi32, #tpu.memory_space<hbm>>) target(%arg7 : memref<4x128xi32, #tpu.memory_space<vmem>>) target_semaphore(%arg16 : memref<!tpu.dma_semaphore, #tpu.memory_space<semaphore_mem>>)
      %dma_start3A_315 = arith.constant 0 : i32
      %dma_start3A_316 = arith.constant 0 : i32
      %dma_start3A_317 = tpu.memref_slice %arg4[%add3A, %add3A_306, %dma_start3A_315, %dma_start3A_316] : memref<32x20x4x128xi32, #tpu.memory_space<hbm>> -> memref<1x1x4x128xi32, #tpu.memory_space<hbm>>
      %dma_start3A_318 = tpu.memref_squeeze %dma_start3A_317 : memref<1x1x4x128xi32, #tpu.memory_space<hbm>> -> memref<4x128xi32, #tpu.memory_space<hbm>>
      %dma_start3A_319 = arith.constant 0 : i32
      %dma_start3A_320 = arith.constant 0 : i32
      %dma_start3A_321 = tpu.memref_slice %arg4[%add3A, %add3A_306, %dma_start3A_319, %dma_start3A_320] : memref<32x20x4x128xi32, #tpu.memory_space<hbm>> -> memref<1x1x4x128xi32, #tpu.memory_space<hbm>>
      %dma_start3A_322 = tpu.memref_squeeze %dma_start3A_321 : memref<1x1x4x128xi32, #tpu.memory_space<hbm>> -> memref<4x128xi32, #tpu.memory_space<hbm>>
      tpu.enqueue_dma source(%dma_start3A_322 : memref<4x128xi32, #tpu.memory_space<hbm>>) target(%arg8 : memref<4x128xi32, #tpu.memory_space<vmem>>) target_semaphore(%arg17 : memref<!tpu.dma_semaphore, #tpu.memory_space<semaphore_mem>>)
      %dma_start3A_323 = arith.constant 1 : i32
      %dma_start3A_324 = arith.constant 0 : i32
      %dma_start3A_325 = tpu.memref_slice %arg9[%dma_start3A_323, %dma_start3A_324] : memref<4x128xi32, #tpu.memory_space<vmem>> -> memref<1x128xi32, #tpu.memory_space<vmem>>
      %dma_start3A_326 = tpu.memref_squeeze %dma_start3A_325 : memref<1x128xi32, #tpu.memory_space<vmem>> -> memref<128xi32, #tpu.memory_space<vmem>>
      %dma_start3A_327 = arith.constant 0 : i32
      %dma_start3A_328 = arith.constant 0 : i32
      %dma_start3A_329 = tpu.memref_slice %arg2[%dma_start3A_327, %dma_start3A_328] : memref<10240x128xf32, #tpu.memory_space<hbm>> -> memref<10240x128xf32, #tpu.memory_space<hbm>>
      tpu.enqueue_indirect_dma source(%dma_start3A_329 : memref<10240x128xf32, #tpu.memory_space<hbm>>) target(%arg12 : memref<128x128xf32, #tpu.memory_space<vmem>>) offsets(%dma_start3A_326 : memref<128xi32, #tpu.memory_space<vmem>>) semaphore(%arg15 : memref<!tpu.dma_semaphore, #tpu.memory_space<semaphore_mem>>)
      %run_scoped3A_330 = arith.constant 0 : i32
      "tpu.region"() ({
        %run_scoped3A_399 = tpu.sem_alloc : memref<!tpu.dma_semaphore, #tpu.memory_space<semaphore_mem>>
        %dma_start3A_400 = arith.constant 0 : i32
        %dma_start3A_401 = tpu.memref_slice %arg10[%run_scoped3A_330, %dma_start3A_400] : memref<4x128xi32, #tpu.memory_space<vmem>> -> memref<1x128xi32, #tpu.memory_space<vmem>>
        %dma_start3A_402 = tpu.memref_squeeze %dma_start3A_401 : memref<1x128xi32, #tpu.memory_space<vmem>> -> memref<128xi32, #tpu.memory_space<vmem>>
        %dma_start3A_403 = arith.constant 0 : i32
        %dma_start3A_404 = arith.constant 0 : i32
        %dma_start3A_405 = tpu.memref_slice %arg13[%dma_start3A_403, %dma_start3A_404] : memref<10240x128xf32, #tpu.memory_space<vmem_shared>> -> memref<10240x128xf32, #tpu.memory_space<vmem_shared>>
        tpu.enqueue_indirect_dma source(%arg11 : memref<128x128xf32, #tpu.memory_space<vmem>>) target(%dma_start3A_405 : memref<10240x128xf32, #tpu.memory_space<vmem_shared>>) offsets(%dma_start3A_402 : memref<128xi32, #tpu.memory_space<vmem>>) semaphore(%run_scoped3A_399 : memref<!tpu.dma_semaphore, #tpu.memory_space<semaphore_mem>>) {add = true}
        %dma_wait3A_406 = arith.constant 0 : i32
        %dma_wait3A_407 = tpu.memref_slice %arg10[%run_scoped3A_330, %dma_wait3A_406] : memref<4x128xi32, #tpu.memory_space<vmem>> -> memref<1x128xi32, #tpu.memory_space<vmem>>
        %dma_wait3A_408 = tpu.memref_squeeze %dma_wait3A_407 : memref<1x128xi32, #tpu.memory_space<vmem>> -> memref<128xi32, #tpu.memory_space<vmem>>
        %dma_wait3A_409 = arith.constant 0 : i32
        %dma_wait3A_410 = arith.constant 0 : i32
        %dma_wait3A_411 = tpu.memref_slice %arg13[%dma_wait3A_409, %dma_wait3A_410] : memref<10240x128xf32, #tpu.memory_space<vmem_shared>> -> memref<10240x128xf32, #tpu.memory_space<vmem_shared>>
        tpu.wait_indirect_dma semaphore(%run_scoped3A_399 : memref<!tpu.dma_semaphore, #tpu.memory_space<semaphore_mem>>) src(%arg11 : memref<128x128xf32, #tpu.memory_space<vmem>>) dst(%dma_wait3A_411 : memref<10240x128xf32, #tpu.memory_space<vmem_shared>>)
        tpu.yield
      }) : () -> ()
      %dma_wait3A_331 = arith.constant 1 : i32
      %dma_wait3A_332 = arith.constant 0 : i32
      %dma_wait3A_333 = tpu.memref_slice %arg9[%dma_wait3A_331, %dma_wait3A_332] : memref<4x128xi32, #tpu.memory_space<vmem>> -> memref<1x128xi32, #tpu.memory_space<vmem>>
      %dma_wait3A_334 = tpu.memref_squeeze %dma_wait3A_333 : memref<1x128xi32, #tpu.memory_space<vmem>> -> memref<128xi32, #tpu.memory_space<vmem>>
      %dma_wait3A_335 = arith.constant 0 : i32
      %dma_wait3A_336 = arith.constant 0 : i32
      %dma_wait3A_337 = tpu.memref_slice %arg2[%dma_wait3A_335, %dma_wait3A_336] : memref<10240x128xf32, #tpu.memory_space<hbm>> -> memref<10240x128xf32, #tpu.memory_space<hbm>>
      tpu.wait_indirect_dma semaphore(%arg15 : memref<!tpu.dma_semaphore, #tpu.memory_space<semaphore_mem>>) src(%dma_wait3A_337 : memref<10240x128xf32, #tpu.memory_space<hbm>>) dst(%arg12 : memref<128x128xf32, #tpu.memory_space<vmem>>)
      %dma_start3A_338 = arith.constant 2 : i32
      %dma_start3A_339 = arith.constant 0 : i32
      %dma_start3A_340 = tpu.memref_slice %arg9[%dma_start3A_338, %dma_start3A_339] : memref<4x128xi32, #tpu.memory_space<vmem>> -> memref<1x128xi32, #tpu.memory_space<vmem>>
      %dma_start3A_341 = tpu.memref_squeeze %dma_start3A_340 : memref<1x128xi32, #tpu.memory_space<vmem>> -> memref<128xi32, #tpu.memory_space<vmem>>
      %dma_start3A_342 = arith.constant 0 : i32
      %dma_start3A_343 = arith.constant 0 : i32
      %dma_start3A_344 = tpu.memref_slice %arg2[%dma_start3A_342, %dma_start3A_343] : memref<10240x128xf32, #tpu.memory_space<hbm>> -> memref<10240x128xf32, #tpu.memory_space<hbm>>
      tpu.enqueue_indirect_dma source(%dma_start3A_344 : memref<10240x128xf32, #tpu.memory_space<hbm>>) target(%arg11 : memref<128x128xf32, #tpu.memory_space<vmem>>) offsets(%dma_start3A_341 : memref<128xi32, #tpu.memory_space<vmem>>) semaphore(%arg14 : memref<!tpu.dma_semaphore, #tpu.memory_space<semaphore_mem>>)
      %run_scoped3A_345 = arith.constant 1 : i32
      "tpu.region"() ({
        %run_scoped3A_399 = tpu.sem_alloc : memref<!tpu.dma_semaphore, #tpu.memory_space<semaphore_mem>>
        %dma_start3A_400 = arith.constant 0 : i32
        %dma_start3A_401 = tpu.memref_slice %arg10[%run_scoped3A_345, %dma_start3A_400] : memref<4x128xi32, #tpu.memory_space<vmem>> -> memref<1x128xi32, #tpu.memory_space<vmem>>
        %dma_start3A_402 = tpu.memref_squeeze %dma_start3A_401 : memref<1x128xi32, #tpu.memory_space<vmem>> -> memref<128xi32, #tpu.memory_space<vmem>>
        %dma_start3A_403 = arith.constant 0 : i32
        %dma_start3A_404 = arith.constant 0 : i32
        %dma_start3A_405 = tpu.memref_slice %arg13[%dma_start3A_403, %dma_start3A_404] : memref<10240x128xf32, #tpu.memory_space<vmem_shared>> -> memref<10240x128xf32, #tpu.memory_space<vmem_shared>>
        tpu.enqueue_indirect_dma source(%arg12 : memref<128x128xf32, #tpu.memory_space<vmem>>) target(%dma_start3A_405 : memref<10240x128xf32, #tpu.memory_space<vmem_shared>>) offsets(%dma_start3A_402 : memref<128xi32, #tpu.memory_space<vmem>>) semaphore(%run_scoped3A_399 : memref<!tpu.dma_semaphore, #tpu.memory_space<semaphore_mem>>) {add = true}
        %dma_wait3A_406 = arith.constant 0 : i32
        %dma_wait3A_407 = tpu.memref_slice %arg10[%run_scoped3A_345, %dma_wait3A_406] : memref<4x128xi32, #tpu.memory_space<vmem>> -> memref<1x128xi32, #tpu.memory_space<vmem>>
        %dma_wait3A_408 = tpu.memref_squeeze %dma_wait3A_407 : memref<1x128xi32, #tpu.memory_space<vmem>> -> memref<128xi32, #tpu.memory_space<vmem>>
        %dma_wait3A_409 = arith.constant 0 : i32
        %dma_wait3A_410 = arith.constant 0 : i32
        %dma_wait3A_411 = tpu.memref_slice %arg13[%dma_wait3A_409, %dma_wait3A_410] : memref<10240x128xf32, #tpu.memory_space<vmem_shared>> -> memref<10240x128xf32, #tpu.memory_space<vmem_shared>>
        tpu.wait_indirect_dma semaphore(%run_scoped3A_399 : memref<!tpu.dma_semaphore, #tpu.memory_space<semaphore_mem>>) src(%arg12 : memref<128x128xf32, #tpu.memory_space<vmem>>) dst(%dma_wait3A_411 : memref<10240x128xf32, #tpu.memory_space<vmem_shared>>)
        tpu.yield
      }) : () -> ()
      %dma_wait3A_346 = arith.constant 2 : i32
      %dma_wait3A_347 = arith.constant 0 : i32
      %dma_wait3A_348 = tpu.memref_slice %arg9[%dma_wait3A_346, %dma_wait3A_347] : memref<4x128xi32, #tpu.memory_space<vmem>> -> memref<1x128xi32, #tpu.memory_space<vmem>>
      %dma_wait3A_349 = tpu.memref_squeeze %dma_wait3A_348 : memref<1x128xi32, #tpu.memory_space<vmem>> -> memref<128xi32, #tpu.memory_space<vmem>>
      %dma_wait3A_350 = arith.constant 0 : i32
      %dma_wait3A_351 = arith.constant 0 : i32
      %dma_wait3A_352 = tpu.memref_slice %arg2[%dma_wait3A_350, %dma_wait3A_351] : memref<10240x128xf32, #tpu.memory_space<hbm>> -> memref<10240x128xf32, #tpu.memory_space<hbm>>
      tpu.wait_indirect_dma semaphore(%arg14 : memref<!tpu.dma_semaphore, #tpu.memory_space<semaphore_mem>>) src(%dma_wait3A_352 : memref<10240x128xf32, #tpu.memory_space<hbm>>) dst(%arg11 : memref<128x128xf32, #tpu.memory_space<vmem>>)
      %dma_start3A_353 = arith.constant 3 : i32
      %dma_start3A_354 = arith.constant 0 : i32
      %dma_start3A_355 = tpu.memref_slice %arg9[%dma_start3A_353, %dma_start3A_354] : memref<4x128xi32, #tpu.memory_space<vmem>> -> memref<1x128xi32, #tpu.memory_space<vmem>>
      %dma_start3A_356 = tpu.memref_squeeze %dma_start3A_355 : memref<1x128xi32, #tpu.memory_space<vmem>> -> memref<128xi32, #tpu.memory_space<vmem>>
      %dma_start3A_357 = arith.constant 0 : i32
      %dma_start3A_358 = arith.constant 0 : i32
      %dma_start3A_359 = tpu.memref_slice %arg2[%dma_start3A_357, %dma_start3A_358] : memref<10240x128xf32, #tpu.memory_space<hbm>> -> memref<10240x128xf32, #tpu.memory_space<hbm>>
      tpu.enqueue_indirect_dma source(%dma_start3A_359 : memref<10240x128xf32, #tpu.memory_space<hbm>>) target(%arg12 : memref<128x128xf32, #tpu.memory_space<vmem>>) offsets(%dma_start3A_356 : memref<128xi32, #tpu.memory_space<vmem>>) semaphore(%arg15 : memref<!tpu.dma_semaphore, #tpu.memory_space<semaphore_mem>>)
      %run_scoped3A_360 = arith.constant 2 : i32
      "tpu.region"() ({
        %run_scoped3A_399 = tpu.sem_alloc : memref<!tpu.dma_semaphore, #tpu.memory_space<semaphore_mem>>
        %dma_start3A_400 = arith.constant 0 : i32
        %dma_start3A_401 = tpu.memref_slice %arg10[%run_scoped3A_360, %dma_start3A_400] : memref<4x128xi32, #tpu.memory_space<vmem>> -> memref<1x128xi32, #tpu.memory_space<vmem>>
        %dma_start3A_402 = tpu.memref_squeeze %dma_start3A_401 : memref<1x128xi32, #tpu.memory_space<vmem>> -> memref<128xi32, #tpu.memory_space<vmem>>
        %dma_start3A_403 = arith.constant 0 : i32
        %dma_start3A_404 = arith.constant 0 : i32
        %dma_start3A_405 = tpu.memref_slice %arg13[%dma_start3A_403, %dma_start3A_404] : memref<10240x128xf32, #tpu.memory_space<vmem_shared>> -> memref<10240x128xf32, #tpu.memory_space<vmem_shared>>
        tpu.enqueue_indirect_dma source(%arg11 : memref<128x128xf32, #tpu.memory_space<vmem>>) target(%dma_start3A_405 : memref<10240x128xf32, #tpu.memory_space<vmem_shared>>) offsets(%dma_start3A_402 : memref<128xi32, #tpu.memory_space<vmem>>) semaphore(%run_scoped3A_399 : memref<!tpu.dma_semaphore, #tpu.memory_space<semaphore_mem>>) {add = true}
        %dma_wait3A_406 = arith.constant 0 : i32
        %dma_wait3A_407 = tpu.memref_slice %arg10[%run_scoped3A_360, %dma_wait3A_406] : memref<4x128xi32, #tpu.memory_space<vmem>> -> memref<1x128xi32, #tpu.memory_space<vmem>>
        %dma_wait3A_408 = tpu.memref_squeeze %dma_wait3A_407 : memref<1x128xi32, #tpu.memory_space<vmem>> -> memref<128xi32, #tpu.memory_space<vmem>>
        %dma_wait3A_409 = arith.constant 0 : i32
        %dma_wait3A_410 = arith.constant 0 : i32
        %dma_wait3A_411 = tpu.memref_slice %arg13[%dma_wait3A_409, %dma_wait3A_410] : memref<10240x128xf32, #tpu.memory_space<vmem_shared>> -> memref<10240x128xf32, #tpu.memory_space<vmem_shared>>
        tpu.wait_indirect_dma semaphore(%run_scoped3A_399 : memref<!tpu.dma_semaphore, #tpu.memory_space<semaphore_mem>>) src(%arg11 : memref<128x128xf32, #tpu.memory_space<vmem>>) dst(%dma_wait3A_411 : memref<10240x128xf32, #tpu.memory_space<vmem_shared>>)
        tpu.yield
      }) : () -> ()
      %dma_wait3A_361 = arith.constant 3 : i32
      %dma_wait3A_362 = arith.constant 0 : i32
      %dma_wait3A_363 = tpu.memref_slice %arg9[%dma_wait3A_361, %dma_wait3A_362] : memref<4x128xi32, #tpu.memory_space<vmem>> -> memref<1x128xi32, #tpu.memory_space<vmem>>
      %dma_wait3A_364 = tpu.memref_squeeze %dma_wait3A_363 : memref<1x128xi32, #tpu.memory_space<vmem>> -> memref<128xi32, #tpu.memory_space<vmem>>
      %dma_wait3A_365 = arith.constant 0 : i32
      %dma_wait3A_366 = arith.constant 0 : i32
      %dma_wait3A_367 = tpu.memref_slice %arg2[%dma_wait3A_365, %dma_wait3A_366] : memref<10240x128xf32, #tpu.memory_space<hbm>> -> memref<10240x128xf32, #tpu.memory_space<hbm>>
      tpu.wait_indirect_dma semaphore(%arg15 : memref<!tpu.dma_semaphore, #tpu.memory_space<semaphore_mem>>) src(%dma_wait3A_367 : memref<10240x128xf32, #tpu.memory_space<hbm>>) dst(%arg12 : memref<128x128xf32, #tpu.memory_space<vmem>>)
      %dma_wait3A_368 = arith.constant 0 : i32
      %dma_wait3A_369 = arith.constant 0 : i32
      %dma_wait3A_370 = tpu.memref_slice %arg3[%add3A, %add3A_306, %dma_wait3A_368, %dma_wait3A_369] : memref<32x20x4x128xi32, #tpu.memory_space<hbm>> -> memref<1x1x4x128xi32, #tpu.memory_space<hbm>>
      %dma_wait3A_371 = tpu.memref_squeeze %dma_wait3A_370 : memref<1x1x4x128xi32, #tpu.memory_space<hbm>> -> memref<4x128xi32, #tpu.memory_space<hbm>>
      %dma_wait3A_372 = arith.constant 0 : i32
      %dma_wait3A_373 = arith.constant 0 : i32
      %dma_wait3A_374 = tpu.memref_slice %arg3[%add3A, %add3A_306, %dma_wait3A_372, %dma_wait3A_373] : memref<32x20x4x128xi32, #tpu.memory_space<hbm>> -> memref<1x1x4x128xi32, #tpu.memory_space<hbm>>
      %dma_wait3A_375 = tpu.memref_squeeze %dma_wait3A_374 : memref<1x1x4x128xi32, #tpu.memory_space<hbm>> -> memref<4x128xi32, #tpu.memory_space<hbm>>
      tpu.wait_dma2 semaphore(%arg16 : memref<!tpu.dma_semaphore, #tpu.memory_space<semaphore_mem>>) src(%dma_wait3A_375 : memref<4x128xi32, #tpu.memory_space<hbm>>) dst(%arg7 : memref<4x128xi32, #tpu.memory_space<vmem>>)
      %dma_wait3A_376 = arith.constant 0 : i32
      %dma_wait3A_377 = arith.constant 0 : i32
      %dma_wait3A_378 = tpu.memref_slice %arg4[%add3A, %add3A_306, %dma_wait3A_376, %dma_wait3A_377] : memref<32x20x4x128xi32, #tpu.memory_space<hbm>> -> memref<1x1x4x128xi32, #tpu.memory_space<hbm>>
      %dma_wait3A_379 = tpu.memref_squeeze %dma_wait3A_378 : memref<1x1x4x128xi32, #tpu.memory_space<hbm>> -> memref<4x128xi32, #tpu.memory_space<hbm>>
      %dma_wait3A_380 = arith.constant 0 : i32
      %dma_wait3A_381 = arith.constant 0 : i32
      %dma_wait3A_382 = tpu.memref_slice %arg4[%add3A, %add3A_306, %dma_wait3A_380, %dma_wait3A_381] : memref<32x20x4x128xi32, #tpu.memory_space<hbm>> -> memref<1x1x4x128xi32, #tpu.memory_space<hbm>>
      %dma_wait3A_383 = tpu.memref_squeeze %dma_wait3A_382 : memref<1x1x4x128xi32, #tpu.memory_space<hbm>> -> memref<4x128xi32, #tpu.memory_space<hbm>>
      tpu.wait_dma2 semaphore(%arg17 : memref<!tpu.dma_semaphore, #tpu.memory_space<semaphore_mem>>) src(%dma_wait3A_383 : memref<4x128xi32, #tpu.memory_space<hbm>>) dst(%arg8 : memref<4x128xi32, #tpu.memory_space<vmem>>)
      %dma_start3A_384 = arith.constant 0 : i32
      %dma_start3A_385 = arith.constant 0 : i32
      %dma_start3A_386 = tpu.memref_slice %arg7[%dma_start3A_384, %dma_start3A_385] : memref<4x128xi32, #tpu.memory_space<vmem>> -> memref<1x128xi32, #tpu.memory_space<vmem>>
      %dma_start3A_387 = tpu.memref_squeeze %dma_start3A_386 : memref<1x128xi32, #tpu.memory_space<vmem>> -> memref<128xi32, #tpu.memory_space<vmem>>
      %dma_start3A_388 = arith.constant 0 : i32
      %dma_start3A_389 = arith.constant 0 : i32
      %dma_start3A_390 = tpu.memref_slice %arg2[%dma_start3A_388, %dma_start3A_389] : memref<10240x128xf32, #tpu.memory_space<hbm>> -> memref<10240x128xf32, #tpu.memory_space<hbm>>
      tpu.enqueue_indirect_dma source(%dma_start3A_390 : memref<10240x128xf32, #tpu.memory_space<hbm>>) target(%arg11 : memref<128x128xf32, #tpu.memory_space<vmem>>) offsets(%dma_start3A_387 : memref<128xi32, #tpu.memory_space<vmem>>) semaphore(%arg14 : memref<!tpu.dma_semaphore, #tpu.memory_space<semaphore_mem>>)
      %run_scoped3A_391 = arith.constant 3 : i32
      "tpu.region"() ({
        %run_scoped3A_399 = tpu.sem_alloc : memref<!tpu.dma_semaphore, #tpu.memory_space<semaphore_mem>>
        %dma_start3A_400 = arith.constant 0 : i32
        %dma_start3A_401 = tpu.memref_slice %arg10[%run_scoped3A_391, %dma_start3A_400] : memref<4x128xi32, #tpu.memory_space<vmem>> -> memref<1x128xi32, #tpu.memory_space<vmem>>
        %dma_start3A_402 = tpu.memref_squeeze %dma_start3A_401 : memref<1x128xi32, #tpu.memory_space<vmem>> -> memref<128xi32, #tpu.memory_space<vmem>>
        %dma_start3A_403 = arith.constant 0 : i32
        %dma_start3A_404 = arith.constant 0 : i32
        %dma_start3A_405 = tpu.memref_slice %arg13[%dma_start3A_403, %dma_start3A_404] : memref<10240x128xf32, #tpu.memory_space<vmem_shared>> -> memref<10240x128xf32, #tpu.memory_space<vmem_shared>>
        tpu.enqueue_indirect_dma source(%arg12 : memref<128x128xf32, #tpu.memory_space<vmem>>) target(%dma_start3A_405 : memref<10240x128xf32, #tpu.memory_space<vmem_shared>>) offsets(%dma_start3A_402 : memref<128xi32, #tpu.memory_space<vmem>>) semaphore(%run_scoped3A_399 : memref<!tpu.dma_semaphore, #tpu.memory_space<semaphore_mem>>) {add = true}
        %dma_wait3A_406 = arith.constant 0 : i32
        %dma_wait3A_407 = tpu.memref_slice %arg10[%run_scoped3A_391, %dma_wait3A_406] : memref<4x128xi32, #tpu.memory_space<vmem>> -> memref<1x128xi32, #tpu.memory_space<vmem>>
        %dma_wait3A_408 = tpu.memref_squeeze %dma_wait3A_407 : memref<1x128xi32, #tpu.memory_space<vmem>> -> memref<128xi32, #tpu.memory_space<vmem>>
        %dma_wait3A_409 = arith.constant 0 : i32
        %dma_wait3A_410 = arith.constant 0 : i32
        %dma_wait3A_411 = tpu.memref_slice %arg13[%dma_wait3A_409, %dma_wait3A_410] : memref<10240x128xf32, #tpu.memory_space<vmem_shared>> -> memref<10240x128xf32, #tpu.memory_space<vmem_shared>>
        tpu.wait_indirect_dma semaphore(%run_scoped3A_399 : memref<!tpu.dma_semaphore, #tpu.memory_space<semaphore_mem>>) src(%arg12 : memref<128x128xf32, #tpu.memory_space<vmem>>) dst(%dma_wait3A_411 : memref<10240x128xf32, #tpu.memory_space<vmem_shared>>)
        tpu.yield
      }) : () -> ()
      %dma_wait3A_392 = arith.constant 0 : i32
      %dma_wait3A_393 = arith.constant 0 : i32
      %dma_wait3A_394 = tpu.memref_slice %arg7[%dma_wait3A_392, %dma_wait3A_393] : memref<4x128xi32, #tpu.memory_space<vmem>> -> memref<1x128xi32, #tpu.memory_space<vmem>>
      %dma_wait3A_395 = tpu.memref_squeeze %dma_wait3A_394 : memref<1x128xi32, #tpu.memory_space<vmem>> -> memref<128xi32, #tpu.memory_space<vmem>>
      %dma_wait3A_396 = arith.constant 0 : i32
      %dma_wait3A_397 = arith.constant 0 : i32
      %dma_wait3A_398 = tpu.memref_slice %arg2[%dma_wait3A_396, %dma_wait3A_397] : memref<10240x128xf32, #tpu.memory_space<hbm>> -> memref<10240x128xf32, #tpu.memory_space<hbm>>
      tpu.wait_indirect_dma semaphore(%arg14 : memref<!tpu.dma_semaphore, #tpu.memory_space<semaphore_mem>>) src(%dma_wait3A_398 : memref<10240x128xf32, #tpu.memory_space<hbm>>) dst(%arg11 : memref<128x128xf32, #tpu.memory_space<vmem>>)
    }
    %scan3A_57 = arith.constant 9 : i32
    %dma_start3A_58 = arith.constant 19 : i32
    %dma_start3A_59 = arith.constant 0 : i32
    %dma_start3A_60 = arith.constant 0 : i32
    %dma_start3A_61 = tpu.memref_slice %arg3[%add3A, %dma_start3A_58, %dma_start3A_59, %dma_start3A_60] : memref<32x20x4x128xi32, #tpu.memory_space<hbm>> -> memref<1x1x4x128xi32, #tpu.memory_space<hbm>>
    %dma_start3A_62 = tpu.memref_squeeze %dma_start3A_61 : memref<1x1x4x128xi32, #tpu.memory_space<hbm>> -> memref<4x128xi32, #tpu.memory_space<hbm>>
    %dma_start3A_63 = arith.constant 0 : i32
    %dma_start3A_64 = arith.constant 0 : i32
    %dma_start3A_65 = tpu.memref_slice %arg3[%add3A, %dma_start3A_58, %dma_start3A_63, %dma_start3A_64] : memref<32x20x4x128xi32, #tpu.memory_space<hbm>> -> memref<1x1x4x128xi32, #tpu.memory_space<hbm>>
    %dma_start3A_66 = tpu.memref_squeeze %dma_start3A_65 : memref<1x1x4x128xi32, #tpu.memory_space<hbm>> -> memref<4x128xi32, #tpu.memory_space<hbm>>
    tpu.enqueue_dma source(%dma_start3A_66 : memref<4x128xi32, #tpu.memory_space<hbm>>) target(%arg9 : memref<4x128xi32, #tpu.memory_space<vmem>>) target_semaphore(%arg16 : memref<!tpu.dma_semaphore, #tpu.memory_space<semaphore_mem>>)
    %dma_start3A_67 = arith.constant 19 : i32
    %dma_start3A_68 = arith.constant 0 : i32
    %dma_start3A_69 = arith.constant 0 : i32
    %dma_start3A_70 = tpu.memref_slice %arg4[%add3A, %dma_start3A_67, %dma_start3A_68, %dma_start3A_69] : memref<32x20x4x128xi32, #tpu.memory_space<hbm>> -> memref<1x1x4x128xi32, #tpu.memory_space<hbm>>
    %dma_start3A_71 = tpu.memref_squeeze %dma_start3A_70 : memref<1x1x4x128xi32, #tpu.memory_space<hbm>> -> memref<4x128xi32, #tpu.memory_space<hbm>>
    %dma_start3A_72 = arith.constant 0 : i32
    %dma_start3A_73 = arith.constant 0 : i32
    %dma_start3A_74 = tpu.memref_slice %arg4[%add3A, %dma_start3A_67, %dma_start3A_72, %dma_start3A_73] : memref<32x20x4x128xi32, #tpu.memory_space<hbm>> -> memref<1x1x4x128xi32, #tpu.memory_space<hbm>>
    %dma_start3A_75 = tpu.memref_squeeze %dma_start3A_74 : memref<1x1x4x128xi32, #tpu.memory_space<hbm>> -> memref<4x128xi32, #tpu.memory_space<hbm>>
    tpu.enqueue_dma source(%dma_start3A_75 : memref<4x128xi32, #tpu.memory_space<hbm>>) target(%arg10 : memref<4x128xi32, #tpu.memory_space<vmem>>) target_semaphore(%arg17 : memref<!tpu.dma_semaphore, #tpu.memory_space<semaphore_mem>>)
    %dma_start3A_76 = arith.constant 1 : i32
    %dma_start3A_77 = arith.constant 0 : i32
    %dma_start3A_78 = tpu.memref_slice %arg7[%dma_start3A_76, %dma_start3A_77] : memref<4x128xi32, #tpu.memory_space<vmem>> -> memref<1x128xi32, #tpu.memory_space<vmem>>
    %dma_start3A_79 = tpu.memref_squeeze %dma_start3A_78 : memref<1x128xi32, #tpu.memory_space<vmem>> -> memref<128xi32, #tpu.memory_space<vmem>>
    %dma_start3A_80 = arith.constant 0 : i32
    %dma_start3A_81 = arith.constant 0 : i32
    %dma_start3A_82 = tpu.memref_slice %arg2[%dma_start3A_80, %dma_start3A_81] : memref<10240x128xf32, #tpu.memory_space<hbm>> -> memref<10240x128xf32, #tpu.memory_space<hbm>>
    tpu.enqueue_indirect_dma source(%dma_start3A_82 : memref<10240x128xf32, #tpu.memory_space<hbm>>) target(%arg12 : memref<128x128xf32, #tpu.memory_space<vmem>>) offsets(%dma_start3A_79 : memref<128xi32, #tpu.memory_space<vmem>>) semaphore(%arg15 : memref<!tpu.dma_semaphore, #tpu.memory_space<semaphore_mem>>)
    %run_scoped3A = arith.constant 0 : i32
    "tpu.region"() ({
      %run_scoped3A_204 = tpu.sem_alloc : memref<!tpu.dma_semaphore, #tpu.memory_space<semaphore_mem>>
      %dma_start3A_205 = arith.constant 0 : i32
      %dma_start3A_206 = tpu.memref_slice %arg8[%run_scoped3A, %dma_start3A_205] : memref<4x128xi32, #tpu.memory_space<vmem>> -> memref<1x128xi32, #tpu.memory_space<vmem>>
      %dma_start3A_207 = tpu.memref_squeeze %dma_start3A_206 : memref<1x128xi32, #tpu.memory_space<vmem>> -> memref<128xi32, #tpu.memory_space<vmem>>
      %dma_start3A_208 = arith.constant 0 : i32
      %dma_start3A_209 = arith.constant 0 : i32
      %dma_start3A_210 = tpu.memref_slice %arg13[%dma_start3A_208, %dma_start3A_209] : memref<10240x128xf32, #tpu.memory_space<vmem_shared>> -> memref<10240x128xf32, #tpu.memory_space<vmem_shared>>
      tpu.enqueue_indirect_dma source(%arg11 : memref<128x128xf32, #tpu.memory_space<vmem>>) target(%dma_start3A_210 : memref<10240x128xf32, #tpu.memory_space<vmem_shared>>) offsets(%dma_start3A_207 : memref<128xi32, #tpu.memory_space<vmem>>) semaphore(%run_scoped3A_204 : memref<!tpu.dma_semaphore, #tpu.memory_space<semaphore_mem>>) {add = true}
      %dma_wait3A_211 = arith.constant 0 : i32
      %dma_wait3A_212 = tpu.memref_slice %arg8[%run_scoped3A, %dma_wait3A_211] : memref<4x128xi32, #tpu.memory_space<vmem>> -> memref<1x128xi32, #tpu.memory_space<vmem>>
      %dma_wait3A_213 = tpu.memref_squeeze %dma_wait3A_212 : memref<1x128xi32, #tpu.memory_space<vmem>> -> memref<128xi32, #tpu.memory_space<vmem>>
      %dma_wait3A_214 = arith.constant 0 : i32
      %dma_wait3A_215 = arith.constant 0 : i32
      %dma_wait3A_216 = tpu.memref_slice %arg13[%dma_wait3A_214, %dma_wait3A_215] : memref<10240x128xf32, #tpu.memory_space<vmem_shared>> -> memref<10240x128xf32, #tpu.memory_space<vmem_shared>>
      tpu.wait_indirect_dma semaphore(%run_scoped3A_204 : memref<!tpu.dma_semaphore, #tpu.memory_space<semaphore_mem>>) src(%arg11 : memref<128x128xf32, #tpu.memory_space<vmem>>) dst(%dma_wait3A_216 : memref<10240x128xf32, #tpu.memory_space<vmem_shared>>)
      tpu.yield
    }) : () -> ()
    %dma_wait3A_83 = arith.constant 1 : i32
    %dma_wait3A_84 = arith.constant 0 : i32
    %dma_wait3A_85 = tpu.memref_slice %arg7[%dma_wait3A_83, %dma_wait3A_84] : memref<4x128xi32, #tpu.memory_space<vmem>> -> memref<1x128xi32, #tpu.memory_space<vmem>>
    %dma_wait3A_86 = tpu.memref_squeeze %dma_wait3A_85 : memref<1x128xi32, #tpu.memory_space<vmem>> -> memref<128xi32, #tpu.memory_space<vmem>>
    %dma_wait3A_87 = arith.constant 0 : i32
    %dma_wait3A_88 = arith.constant 0 : i32
    %dma_wait3A_89 = tpu.memref_slice %arg2[%dma_wait3A_87, %dma_wait3A_88] : memref<10240x128xf32, #tpu.memory_space<hbm>> -> memref<10240x128xf32, #tpu.memory_space<hbm>>
    tpu.wait_indirect_dma semaphore(%arg15 : memref<!tpu.dma_semaphore, #tpu.memory_space<semaphore_mem>>) src(%dma_wait3A_89 : memref<10240x128xf32, #tpu.memory_space<hbm>>) dst(%arg12 : memref<128x128xf32, #tpu.memory_space<vmem>>)
    %dma_start3A_90 = arith.constant 2 : i32
    %dma_start3A_91 = arith.constant 0 : i32
    %dma_start3A_92 = tpu.memref_slice %arg7[%dma_start3A_90, %dma_start3A_91] : memref<4x128xi32, #tpu.memory_space<vmem>> -> memref<1x128xi32, #tpu.memory_space<vmem>>
    %dma_start3A_93 = tpu.memref_squeeze %dma_start3A_92 : memref<1x128xi32, #tpu.memory_space<vmem>> -> memref<128xi32, #tpu.memory_space<vmem>>
    %dma_start3A_94 = arith.constant 0 : i32
    %dma_start3A_95 = arith.constant 0 : i32
    %dma_start3A_96 = tpu.memref_slice %arg2[%dma_start3A_94, %dma_start3A_95] : memref<10240x128xf32, #tpu.memory_space<hbm>> -> memref<10240x128xf32, #tpu.memory_space<hbm>>
    tpu.enqueue_indirect_dma source(%dma_start3A_96 : memref<10240x128xf32, #tpu.memory_space<hbm>>) target(%arg11 : memref<128x128xf32, #tpu.memory_space<vmem>>) offsets(%dma_start3A_93 : memref<128xi32, #tpu.memory_space<vmem>>) semaphore(%arg14 : memref<!tpu.dma_semaphore, #tpu.memory_space<semaphore_mem>>)
    %run_scoped3A_97 = arith.constant 1 : i32
    "tpu.region"() ({
      %run_scoped3A_204 = tpu.sem_alloc : memref<!tpu.dma_semaphore, #tpu.memory_space<semaphore_mem>>
      %dma_start3A_205 = arith.constant 0 : i32
      %dma_start3A_206 = tpu.memref_slice %arg8[%run_scoped3A_97, %dma_start3A_205] : memref<4x128xi32, #tpu.memory_space<vmem>> -> memref<1x128xi32, #tpu.memory_space<vmem>>
      %dma_start3A_207 = tpu.memref_squeeze %dma_start3A_206 : memref<1x128xi32, #tpu.memory_space<vmem>> -> memref<128xi32, #tpu.memory_space<vmem>>
      %dma_start3A_208 = arith.constant 0 : i32
      %dma_start3A_209 = arith.constant 0 : i32
      %dma_start3A_210 = tpu.memref_slice %arg13[%dma_start3A_208, %dma_start3A_209] : memref<10240x128xf32, #tpu.memory_space<vmem_shared>> -> memref<10240x128xf32, #tpu.memory_space<vmem_shared>>
      tpu.enqueue_indirect_dma source(%arg12 : memref<128x128xf32, #tpu.memory_space<vmem>>) target(%dma_start3A_210 : memref<10240x128xf32, #tpu.memory_space<vmem_shared>>) offsets(%dma_start3A_207 : memref<128xi32, #tpu.memory_space<vmem>>) semaphore(%run_scoped3A_204 : memref<!tpu.dma_semaphore, #tpu.memory_space<semaphore_mem>>) {add = true}
      %dma_wait3A_211 = arith.constant 0 : i32
      %dma_wait3A_212 = tpu.memref_slice %arg8[%run_scoped3A_97, %dma_wait3A_211] : memref<4x128xi32, #tpu.memory_space<vmem>> -> memref<1x128xi32, #tpu.memory_space<vmem>>
      %dma_wait3A_213 = tpu.memref_squeeze %dma_wait3A_212 : memref<1x128xi32, #tpu.memory_space<vmem>> -> memref<128xi32, #tpu.memory_space<vmem>>
      %dma_wait3A_214 = arith.constant 0 : i32
      %dma_wait3A_215 = arith.constant 0 : i32
      %dma_wait3A_216 = tpu.memref_slice %arg13[%dma_wait3A_214, %dma_wait3A_215] : memref<10240x128xf32, #tpu.memory_space<vmem_shared>> -> memref<10240x128xf32, #tpu.memory_space<vmem_shared>>
      tpu.wait_indirect_dma semaphore(%run_scoped3A_204 : memref<!tpu.dma_semaphore, #tpu.memory_space<semaphore_mem>>) src(%arg12 : memref<128x128xf32, #tpu.memory_space<vmem>>) dst(%dma_wait3A_216 : memref<10240x128xf32, #tpu.memory_space<vmem_shared>>)
      tpu.yield
    }) : () -> ()
    %dma_wait3A_98 = arith.constant 2 : i32
    %dma_wait3A_99 = arith.constant 0 : i32
    %dma_wait3A_100 = tpu.memref_slice %arg7[%dma_wait3A_98, %dma_wait3A_99] : memref<4x128xi32, #tpu.memory_space<vmem>> -> memref<1x128xi32, #tpu.memory_space<vmem>>
    %dma_wait3A_101 = tpu.memref_squeeze %dma_wait3A_100 : memref<1x128xi32, #tpu.memory_space<vmem>> -> memref<128xi32, #tpu.memory_space<vmem>>
    %dma_wait3A_102 = arith.constant 0 : i32
    %dma_wait3A_103 = arith.constant 0 : i32
    %dma_wait3A_104 = tpu.memref_slice %arg2[%dma_wait3A_102, %dma_wait3A_103] : memref<10240x128xf32, #tpu.memory_space<hbm>> -> memref<10240x128xf32, #tpu.memory_space<hbm>>
    tpu.wait_indirect_dma semaphore(%arg14 : memref<!tpu.dma_semaphore, #tpu.memory_space<semaphore_mem>>) src(%dma_wait3A_104 : memref<10240x128xf32, #tpu.memory_space<hbm>>) dst(%arg11 : memref<128x128xf32, #tpu.memory_space<vmem>>)
    %dma_start3A_105 = arith.constant 3 : i32
    %dma_start3A_106 = arith.constant 0 : i32
    %dma_start3A_107 = tpu.memref_slice %arg7[%dma_start3A_105, %dma_start3A_106] : memref<4x128xi32, #tpu.memory_space<vmem>> -> memref<1x128xi32, #tpu.memory_space<vmem>>
    %dma_start3A_108 = tpu.memref_squeeze %dma_start3A_107 : memref<1x128xi32, #tpu.memory_space<vmem>> -> memref<128xi32, #tpu.memory_space<vmem>>
    %dma_start3A_109 = arith.constant 0 : i32
    %dma_start3A_110 = arith.constant 0 : i32
    %dma_start3A_111 = tpu.memref_slice %arg2[%dma_start3A_109, %dma_start3A_110] : memref<10240x128xf32, #tpu.memory_space<hbm>> -> memref<10240x128xf32, #tpu.memory_space<hbm>>
    tpu.enqueue_indirect_dma source(%dma_start3A_111 : memref<10240x128xf32, #tpu.memory_space<hbm>>) target(%arg12 : memref<128x128xf32, #tpu.memory_space<vmem>>) offsets(%dma_start3A_108 : memref<128xi32, #tpu.memory_space<vmem>>) semaphore(%arg15 : memref<!tpu.dma_semaphore, #tpu.memory_space<semaphore_mem>>)
    %run_scoped3A_112 = arith.constant 2 : i32
    "tpu.region"() ({
      %run_scoped3A_204 = tpu.sem_alloc : memref<!tpu.dma_semaphore, #tpu.memory_space<semaphore_mem>>
      %dma_start3A_205 = arith.constant 0 : i32
      %dma_start3A_206 = tpu.memref_slice %arg8[%run_scoped3A_112, %dma_start3A_205] : memref<4x128xi32, #tpu.memory_space<vmem>> -> memref<1x128xi32, #tpu.memory_space<vmem>>
      %dma_start3A_207 = tpu.memref_squeeze %dma_start3A_206 : memref<1x128xi32, #tpu.memory_space<vmem>> -> memref<128xi32, #tpu.memory_space<vmem>>
      %dma_start3A_208 = arith.constant 0 : i32
      %dma_start3A_209 = arith.constant 0 : i32
      %dma_start3A_210 = tpu.memref_slice %arg13[%dma_start3A_208, %dma_start3A_209] : memref<10240x128xf32, #tpu.memory_space<vmem_shared>> -> memref<10240x128xf32, #tpu.memory_space<vmem_shared>>
      tpu.enqueue_indirect_dma source(%arg11 : memref<128x128xf32, #tpu.memory_space<vmem>>) target(%dma_start3A_210 : memref<10240x128xf32, #tpu.memory_space<vmem_shared>>) offsets(%dma_start3A_207 : memref<128xi32, #tpu.memory_space<vmem>>) semaphore(%run_scoped3A_204 : memref<!tpu.dma_semaphore, #tpu.memory_space<semaphore_mem>>) {add = true}
      %dma_wait3A_211 = arith.constant 0 : i32
      %dma_wait3A_212 = tpu.memref_slice %arg8[%run_scoped3A_112, %dma_wait3A_211] : memref<4x128xi32, #tpu.memory_space<vmem>> -> memref<1x128xi32, #tpu.memory_space<vmem>>
      %dma_wait3A_213 = tpu.memref_squeeze %dma_wait3A_212 : memref<1x128xi32, #tpu.memory_space<vmem>> -> memref<128xi32, #tpu.memory_space<vmem>>
      %dma_wait3A_214 = arith.constant 0 : i32
      %dma_wait3A_215 = arith.constant 0 : i32
      %dma_wait3A_216 = tpu.memref_slice %arg13[%dma_wait3A_214, %dma_wait3A_215] : memref<10240x128xf32, #tpu.memory_space<vmem_shared>> -> memref<10240x128xf32, #tpu.memory_space<vmem_shared>>
      tpu.wait_indirect_dma semaphore(%run_scoped3A_204 : memref<!tpu.dma_semaphore, #tpu.memory_space<semaphore_mem>>) src(%arg11 : memref<128x128xf32, #tpu.memory_space<vmem>>) dst(%dma_wait3A_216 : memref<10240x128xf32, #tpu.memory_space<vmem_shared>>)
      tpu.yield
    }) : () -> ()
    %dma_wait3A_113 = arith.constant 3 : i32
    %dma_wait3A_114 = arith.constant 0 : i32
    %dma_wait3A_115 = tpu.memref_slice %arg7[%dma_wait3A_113, %dma_wait3A_114] : memref<4x128xi32, #tpu.memory_space<vmem>> -> memref<1x128xi32, #tpu.memory_space<vmem>>
    %dma_wait3A_116 = tpu.memref_squeeze %dma_wait3A_115 : memref<1x128xi32, #tpu.memory_space<vmem>> -> memref<128xi32, #tpu.memory_space<vmem>>
    %dma_wait3A_117 = arith.constant 0 : i32
    %dma_wait3A_118 = arith.constant 0 : i32
    %dma_wait3A_119 = tpu.memref_slice %arg2[%dma_wait3A_117, %dma_wait3A_118] : memref<10240x128xf32, #tpu.memory_space<hbm>> -> memref<10240x128xf32, #tpu.memory_space<hbm>>
    tpu.wait_indirect_dma semaphore(%arg15 : memref<!tpu.dma_semaphore, #tpu.memory_space<semaphore_mem>>) src(%dma_wait3A_119 : memref<10240x128xf32, #tpu.memory_space<hbm>>) dst(%arg12 : memref<128x128xf32, #tpu.memory_space<vmem>>)
    %dma_wait3A_120 = arith.constant 19 : i32
    %dma_wait3A_121 = arith.constant 0 : i32
    %dma_wait3A_122 = arith.constant 0 : i32
    %dma_wait3A_123 = tpu.memref_slice %arg3[%add3A, %dma_wait3A_120, %dma_wait3A_121, %dma_wait3A_122] : memref<32x20x4x128xi32, #tpu.memory_space<hbm>> -> memref<1x1x4x128xi32, #tpu.memory_space<hbm>>
    %dma_wait3A_124 = tpu.memref_squeeze %dma_wait3A_123 : memref<1x1x4x128xi32, #tpu.memory_space<hbm>> -> memref<4x128xi32, #tpu.memory_space<hbm>>
    %dma_wait3A_125 = arith.constant 0 : i32
    %dma_wait3A_126 = arith.constant 0 : i32
    %dma_wait3A_127 = tpu.memref_slice %arg3[%add3A, %dma_wait3A_120, %dma_wait3A_125, %dma_wait3A_126] : memref<32x20x4x128xi32, #tpu.memory_space<hbm>> -> memref<1x1x4x128xi32, #tpu.memory_space<hbm>>
    %dma_wait3A_128 = tpu.memref_squeeze %dma_wait3A_127 : memref<1x1x4x128xi32, #tpu.memory_space<hbm>> -> memref<4x128xi32, #tpu.memory_space<hbm>>
    tpu.wait_dma2 semaphore(%arg16 : memref<!tpu.dma_semaphore, #tpu.memory_space<semaphore_mem>>) src(%dma_wait3A_128 : memref<4x128xi32, #tpu.memory_space<hbm>>) dst(%arg9 : memref<4x128xi32, #tpu.memory_space<vmem>>)
    %dma_wait3A_129 = arith.constant 19 : i32
    %dma_wait3A_130 = arith.constant 0 : i32
    %dma_wait3A_131 = arith.constant 0 : i32
    %dma_wait3A_132 = tpu.memref_slice %arg4[%add3A, %dma_wait3A_129, %dma_wait3A_130, %dma_wait3A_131] : memref<32x20x4x128xi32, #tpu.memory_space<hbm>> -> memref<1x1x4x128xi32, #tpu.memory_space<hbm>>
    %dma_wait3A_133 = tpu.memref_squeeze %dma_wait3A_132 : memref<1x1x4x128xi32, #tpu.memory_space<hbm>> -> memref<4x128xi32, #tpu.memory_space<hbm>>
    %dma_wait3A_134 = arith.constant 0 : i32
    %dma_wait3A_135 = arith.constant 0 : i32
    %dma_wait3A_136 = tpu.memref_slice %arg4[%add3A, %dma_wait3A_129, %dma_wait3A_134, %dma_wait3A_135] : memref<32x20x4x128xi32, #tpu.memory_space<hbm>> -> memref<1x1x4x128xi32, #tpu.memory_space<hbm>>
    %dma_wait3A_137 = tpu.memref_squeeze %dma_wait3A_136 : memref<1x1x4x128xi32, #tpu.memory_space<hbm>> -> memref<4x128xi32, #tpu.memory_space<hbm>>
    tpu.wait_dma2 semaphore(%arg17 : memref<!tpu.dma_semaphore, #tpu.memory_space<semaphore_mem>>) src(%dma_wait3A_137 : memref<4x128xi32, #tpu.memory_space<hbm>>) dst(%arg10 : memref<4x128xi32, #tpu.memory_space<vmem>>)
    %dma_start3A_138 = arith.constant 0 : i32
    %dma_start3A_139 = arith.constant 0 : i32
    %dma_start3A_140 = tpu.memref_slice %arg9[%dma_start3A_138, %dma_start3A_139] : memref<4x128xi32, #tpu.memory_space<vmem>> -> memref<1x128xi32, #tpu.memory_space<vmem>>
    %dma_start3A_141 = tpu.memref_squeeze %dma_start3A_140 : memref<1x128xi32, #tpu.memory_space<vmem>> -> memref<128xi32, #tpu.memory_space<vmem>>
    %dma_start3A_142 = arith.constant 0 : i32
    %dma_start3A_143 = arith.constant 0 : i32
    %dma_start3A_144 = tpu.memref_slice %arg2[%dma_start3A_142, %dma_start3A_143] : memref<10240x128xf32, #tpu.memory_space<hbm>> -> memref<10240x128xf32, #tpu.memory_space<hbm>>
    tpu.enqueue_indirect_dma source(%dma_start3A_144 : memref<10240x128xf32, #tpu.memory_space<hbm>>) target(%arg11 : memref<128x128xf32, #tpu.memory_space<vmem>>) offsets(%dma_start3A_141 : memref<128xi32, #tpu.memory_space<vmem>>) semaphore(%arg14 : memref<!tpu.dma_semaphore, #tpu.memory_space<semaphore_mem>>)
    %run_scoped3A_145 = arith.constant 3 : i32
    "tpu.region"() ({
      %run_scoped3A_204 = tpu.sem_alloc : memref<!tpu.dma_semaphore, #tpu.memory_space<semaphore_mem>>
      %dma_start3A_205 = arith.constant 0 : i32
      %dma_start3A_206 = tpu.memref_slice %arg8[%run_scoped3A_145, %dma_start3A_205] : memref<4x128xi32, #tpu.memory_space<vmem>> -> memref<1x128xi32, #tpu.memory_space<vmem>>
      %dma_start3A_207 = tpu.memref_squeeze %dma_start3A_206 : memref<1x128xi32, #tpu.memory_space<vmem>> -> memref<128xi32, #tpu.memory_space<vmem>>
      %dma_start3A_208 = arith.constant 0 : i32
      %dma_start3A_209 = arith.constant 0 : i32
      %dma_start3A_210 = tpu.memref_slice %arg13[%dma_start3A_208, %dma_start3A_209] : memref<10240x128xf32, #tpu.memory_space<vmem_shared>> -> memref<10240x128xf32, #tpu.memory_space<vmem_shared>>
      tpu.enqueue_indirect_dma source(%arg12 : memref<128x128xf32, #tpu.memory_space<vmem>>) target(%dma_start3A_210 : memref<10240x128xf32, #tpu.memory_space<vmem_shared>>) offsets(%dma_start3A_207 : memref<128xi32, #tpu.memory_space<vmem>>) semaphore(%run_scoped3A_204 : memref<!tpu.dma_semaphore, #tpu.memory_space<semaphore_mem>>) {add = true}
      %dma_wait3A_211 = arith.constant 0 : i32
      %dma_wait3A_212 = tpu.memref_slice %arg8[%run_scoped3A_145, %dma_wait3A_211] : memref<4x128xi32, #tpu.memory_space<vmem>> -> memref<1x128xi32, #tpu.memory_space<vmem>>
      %dma_wait3A_213 = tpu.memref_squeeze %dma_wait3A_212 : memref<1x128xi32, #tpu.memory_space<vmem>> -> memref<128xi32, #tpu.memory_space<vmem>>
      %dma_wait3A_214 = arith.constant 0 : i32
      %dma_wait3A_215 = arith.constant 0 : i32
      %dma_wait3A_216 = tpu.memref_slice %arg13[%dma_wait3A_214, %dma_wait3A_215] : memref<10240x128xf32, #tpu.memory_space<vmem_shared>> -> memref<10240x128xf32, #tpu.memory_space<vmem_shared>>
      tpu.wait_indirect_dma semaphore(%run_scoped3A_204 : memref<!tpu.dma_semaphore, #tpu.memory_space<semaphore_mem>>) src(%arg12 : memref<128x128xf32, #tpu.memory_space<vmem>>) dst(%dma_wait3A_216 : memref<10240x128xf32, #tpu.memory_space<vmem_shared>>)
      tpu.yield
    }) : () -> ()
    %dma_wait3A_146 = arith.constant 0 : i32
    %dma_wait3A_147 = arith.constant 0 : i32
    %dma_wait3A_148 = tpu.memref_slice %arg9[%dma_wait3A_146, %dma_wait3A_147] : memref<4x128xi32, #tpu.memory_space<vmem>> -> memref<1x128xi32, #tpu.memory_space<vmem>>
    %dma_wait3A_149 = tpu.memref_squeeze %dma_wait3A_148 : memref<1x128xi32, #tpu.memory_space<vmem>> -> memref<128xi32, #tpu.memory_space<vmem>>
    %dma_wait3A_150 = arith.constant 0 : i32
    %dma_wait3A_151 = arith.constant 0 : i32
    %dma_wait3A_152 = tpu.memref_slice %arg2[%dma_wait3A_150, %dma_wait3A_151] : memref<10240x128xf32, #tpu.memory_space<hbm>> -> memref<10240x128xf32, #tpu.memory_space<hbm>>
    tpu.wait_indirect_dma semaphore(%arg14 : memref<!tpu.dma_semaphore, #tpu.memory_space<semaphore_mem>>) src(%dma_wait3A_152 : memref<10240x128xf32, #tpu.memory_space<hbm>>) dst(%arg11 : memref<128x128xf32, #tpu.memory_space<vmem>>)
    %dma_start3A_153 = arith.constant 1 : i32
    %dma_start3A_154 = arith.constant 0 : i32
    %dma_start3A_155 = tpu.memref_slice %arg9[%dma_start3A_153, %dma_start3A_154] : memref<4x128xi32, #tpu.memory_space<vmem>> -> memref<1x128xi32, #tpu.memory_space<vmem>>
    %dma_start3A_156 = tpu.memref_squeeze %dma_start3A_155 : memref<1x128xi32, #tpu.memory_space<vmem>> -> memref<128xi32, #tpu.memory_space<vmem>>
    %dma_start3A_157 = arith.constant 0 : i32
    %dma_start3A_158 = arith.constant 0 : i32
    %dma_start3A_159 = tpu.memref_slice %arg2[%dma_start3A_157, %dma_start3A_158] : memref<10240x128xf32, #tpu.memory_space<hbm>> -> memref<10240x128xf32, #tpu.memory_space<hbm>>
    tpu.enqueue_indirect_dma source(%dma_start3A_159 : memref<10240x128xf32, #tpu.memory_space<hbm>>) target(%arg12 : memref<128x128xf32, #tpu.memory_space<vmem>>) offsets(%dma_start3A_156 : memref<128xi32, #tpu.memory_space<vmem>>) semaphore(%arg15 : memref<!tpu.dma_semaphore, #tpu.memory_space<semaphore_mem>>)
    %run_scoped3A_160 = arith.constant 0 : i32
    "tpu.region"() ({
      %run_scoped3A_204 = tpu.sem_alloc : memref<!tpu.dma_semaphore, #tpu.memory_space<semaphore_mem>>
      %dma_start3A_205 = arith.constant 0 : i32
      %dma_start3A_206 = tpu.memref_slice %arg10[%run_scoped3A_160, %dma_start3A_205] : memref<4x128xi32, #tpu.memory_space<vmem>> -> memref<1x128xi32, #tpu.memory_space<vmem>>
      %dma_start3A_207 = tpu.memref_squeeze %dma_start3A_206 : memref<1x128xi32, #tpu.memory_space<vmem>> -> memref<128xi32, #tpu.memory_space<vmem>>
      %dma_start3A_208 = arith.constant 0 : i32
      %dma_start3A_209 = arith.constant 0 : i32
      %dma_start3A_210 = tpu.memref_slice %arg13[%dma_start3A_208, %dma_start3A_209] : memref<10240x128xf32, #tpu.memory_space<vmem_shared>> -> memref<10240x128xf32, #tpu.memory_space<vmem_shared>>
      tpu.enqueue_indirect_dma source(%arg11 : memref<128x128xf32, #tpu.memory_space<vmem>>) target(%dma_start3A_210 : memref<10240x128xf32, #tpu.memory_space<vmem_shared>>) offsets(%dma_start3A_207 : memref<128xi32, #tpu.memory_space<vmem>>) semaphore(%run_scoped3A_204 : memref<!tpu.dma_semaphore, #tpu.memory_space<semaphore_mem>>) {add = true}
      %dma_wait3A_211 = arith.constant 0 : i32
      %dma_wait3A_212 = tpu.memref_slice %arg10[%run_scoped3A_160, %dma_wait3A_211] : memref<4x128xi32, #tpu.memory_space<vmem>> -> memref<1x128xi32, #tpu.memory_space<vmem>>
      %dma_wait3A_213 = tpu.memref_squeeze %dma_wait3A_212 : memref<1x128xi32, #tpu.memory_space<vmem>> -> memref<128xi32, #tpu.memory_space<vmem>>
      %dma_wait3A_214 = arith.constant 0 : i32
      %dma_wait3A_215 = arith.constant 0 : i32
      %dma_wait3A_216 = tpu.memref_slice %arg13[%dma_wait3A_214, %dma_wait3A_215] : memref<10240x128xf32, #tpu.memory_space<vmem_shared>> -> memref<10240x128xf32, #tpu.memory_space<vmem_shared>>
      tpu.wait_indirect_dma semaphore(%run_scoped3A_204 : memref<!tpu.dma_semaphore, #tpu.memory_space<semaphore_mem>>) src(%arg11 : memref<128x128xf32, #tpu.memory_space<vmem>>) dst(%dma_wait3A_216 : memref<10240x128xf32, #tpu.memory_space<vmem_shared>>)
      tpu.yield
    }) : () -> ()
    %dma_wait3A_161 = arith.constant 1 : i32
    %dma_wait3A_162 = arith.constant 0 : i32
    %dma_wait3A_163 = tpu.memref_slice %arg9[%dma_wait3A_161, %dma_wait3A_162] : memref<4x128xi32, #tpu.memory_space<vmem>> -> memref<1x128xi32, #tpu.memory_space<vmem>>
    %dma_wait3A_164 = tpu.memref_squeeze %dma_wait3A_163 : memref<1x128xi32, #tpu.memory_space<vmem>> -> memref<128xi32, #tpu.memory_space<vmem>>
    %dma_wait3A_165 = arith.constant 0 : i32
    %dma_wait3A_166 = arith.constant 0 : i32
    %dma_wait3A_167 = tpu.memref_slice %arg2[%dma_wait3A_165, %dma_wait3A_166] : memref<10240x128xf32, #tpu.memory_space<hbm>> -> memref<10240x128xf32, #tpu.memory_space<hbm>>
    tpu.wait_indirect_dma semaphore(%arg15 : memref<!tpu.dma_semaphore, #tpu.memory_space<semaphore_mem>>) src(%dma_wait3A_167 : memref<10240x128xf32, #tpu.memory_space<hbm>>) dst(%arg12 : memref<128x128xf32, #tpu.memory_space<vmem>>)
    %dma_start3A_168 = arith.constant 2 : i32
    %dma_start3A_169 = arith.constant 0 : i32
    %dma_start3A_170 = tpu.memref_slice %arg9[%dma_start3A_168, %dma_start3A_169] : memref<4x128xi32, #tpu.memory_space<vmem>> -> memref<1x128xi32, #tpu.memory_space<vmem>>
    %dma_start3A_171 = tpu.memref_squeeze %dma_start3A_170 : memref<1x128xi32, #tpu.memory_space<vmem>> -> memref<128xi32, #tpu.memory_space<vmem>>
    %dma_start3A_172 = arith.constant 0 : i32
    %dma_start3A_173 = arith.constant 0 : i32
    %dma_start3A_174 = tpu.memref_slice %arg2[%dma_start3A_172, %dma_start3A_173] : memref<10240x128xf32, #tpu.memory_space<hbm>> -> memref<10240x128xf32, #tpu.memory_space<hbm>>
    tpu.enqueue_indirect_dma source(%dma_start3A_174 : memref<10240x128xf32, #tpu.memory_space<hbm>>) target(%arg11 : memref<128x128xf32, #tpu.memory_space<vmem>>) offsets(%dma_start3A_171 : memref<128xi32, #tpu.memory_space<vmem>>) semaphore(%arg14 : memref<!tpu.dma_semaphore, #tpu.memory_space<semaphore_mem>>)
    %run_scoped3A_175 = arith.constant 1 : i32
    "tpu.region"() ({
      %run_scoped3A_204 = tpu.sem_alloc : memref<!tpu.dma_semaphore, #tpu.memory_space<semaphore_mem>>
      %dma_start3A_205 = arith.constant 0 : i32
      %dma_start3A_206 = tpu.memref_slice %arg10[%run_scoped3A_175, %dma_start3A_205] : memref<4x128xi32, #tpu.memory_space<vmem>> -> memref<1x128xi32, #tpu.memory_space<vmem>>
      %dma_start3A_207 = tpu.memref_squeeze %dma_start3A_206 : memref<1x128xi32, #tpu.memory_space<vmem>> -> memref<128xi32, #tpu.memory_space<vmem>>
      %dma_start3A_208 = arith.constant 0 : i32
      %dma_start3A_209 = arith.constant 0 : i32
      %dma_start3A_210 = tpu.memref_slice %arg13[%dma_start3A_208, %dma_start3A_209] : memref<10240x128xf32, #tpu.memory_space<vmem_shared>> -> memref<10240x128xf32, #tpu.memory_space<vmem_shared>>
      tpu.enqueue_indirect_dma source(%arg12 : memref<128x128xf32, #tpu.memory_space<vmem>>) target(%dma_start3A_210 : memref<10240x128xf32, #tpu.memory_space<vmem_shared>>) offsets(%dma_start3A_207 : memref<128xi32, #tpu.memory_space<vmem>>) semaphore(%run_scoped3A_204 : memref<!tpu.dma_semaphore, #tpu.memory_space<semaphore_mem>>) {add = true}
      %dma_wait3A_211 = arith.constant 0 : i32
      %dma_wait3A_212 = tpu.memref_slice %arg10[%run_scoped3A_175, %dma_wait3A_211] : memref<4x128xi32, #tpu.memory_space<vmem>> -> memref<1x128xi32, #tpu.memory_space<vmem>>
      %dma_wait3A_213 = tpu.memref_squeeze %dma_wait3A_212 : memref<1x128xi32, #tpu.memory_space<vmem>> -> memref<128xi32, #tpu.memory_space<vmem>>
      %dma_wait3A_214 = arith.constant 0 : i32
      %dma_wait3A_215 = arith.constant 0 : i32
      %dma_wait3A_216 = tpu.memref_slice %arg13[%dma_wait3A_214, %dma_wait3A_215] : memref<10240x128xf32, #tpu.memory_space<vmem_shared>> -> memref<10240x128xf32, #tpu.memory_space<vmem_shared>>
      tpu.wait_indirect_dma semaphore(%run_scoped3A_204 : memref<!tpu.dma_semaphore, #tpu.memory_space<semaphore_mem>>) src(%arg12 : memref<128x128xf32, #tpu.memory_space<vmem>>) dst(%dma_wait3A_216 : memref<10240x128xf32, #tpu.memory_space<vmem_shared>>)
      tpu.yield
    }) : () -> ()
    %dma_wait3A_176 = arith.constant 2 : i32
    %dma_wait3A_177 = arith.constant 0 : i32
    %dma_wait3A_178 = tpu.memref_slice %arg9[%dma_wait3A_176, %dma_wait3A_177] : memref<4x128xi32, #tpu.memory_space<vmem>> -> memref<1x128xi32, #tpu.memory_space<vmem>>
    %dma_wait3A_179 = tpu.memref_squeeze %dma_wait3A_178 : memref<1x128xi32, #tpu.memory_space<vmem>> -> memref<128xi32, #tpu.memory_space<vmem>>
    %dma_wait3A_180 = arith.constant 0 : i32
    %dma_wait3A_181 = arith.constant 0 : i32
    %dma_wait3A_182 = tpu.memref_slice %arg2[%dma_wait3A_180, %dma_wait3A_181] : memref<10240x128xf32, #tpu.memory_space<hbm>> -> memref<10240x128xf32, #tpu.memory_space<hbm>>
    tpu.wait_indirect_dma semaphore(%arg14 : memref<!tpu.dma_semaphore, #tpu.memory_space<semaphore_mem>>) src(%dma_wait3A_182 : memref<10240x128xf32, #tpu.memory_space<hbm>>) dst(%arg11 : memref<128x128xf32, #tpu.memory_space<vmem>>)
    %dma_start3A_183 = arith.constant 3 : i32
    %dma_start3A_184 = arith.constant 0 : i32
    %dma_start3A_185 = tpu.memref_slice %arg9[%dma_start3A_183, %dma_start3A_184] : memref<4x128xi32, #tpu.memory_space<vmem>> -> memref<1x128xi32, #tpu.memory_space<vmem>>
    %dma_start3A_186 = tpu.memref_squeeze %dma_start3A_185 : memref<1x128xi32, #tpu.memory_space<vmem>> -> memref<128xi32, #tpu.memory_space<vmem>>
    %dma_start3A_187 = arith.constant 0 : i32
    %dma_start3A_188 = arith.constant 0 : i32
    %dma_start3A_189 = tpu.memref_slice %arg2[%dma_start3A_187, %dma_start3A_188] : memref<10240x128xf32, #tpu.memory_space<hbm>> -> memref<10240x128xf32, #tpu.memory_space<hbm>>
    tpu.enqueue_indirect_dma source(%dma_start3A_189 : memref<10240x128xf32, #tpu.memory_space<hbm>>) target(%arg12 : memref<128x128xf32, #tpu.memory_space<vmem>>) offsets(%dma_start3A_186 : memref<128xi32, #tpu.memory_space<vmem>>) semaphore(%arg15 : memref<!tpu.dma_semaphore, #tpu.memory_space<semaphore_mem>>)
    %run_scoped3A_190 = arith.constant 2 : i32
    "tpu.region"() ({
      %run_scoped3A_204 = tpu.sem_alloc : memref<!tpu.dma_semaphore, #tpu.memory_space<semaphore_mem>>
      %dma_start3A_205 = arith.constant 0 : i32
      %dma_start3A_206 = tpu.memref_slice %arg10[%run_scoped3A_190, %dma_start3A_205] : memref<4x128xi32, #tpu.memory_space<vmem>> -> memref<1x128xi32, #tpu.memory_space<vmem>>
      %dma_start3A_207 = tpu.memref_squeeze %dma_start3A_206 : memref<1x128xi32, #tpu.memory_space<vmem>> -> memref<128xi32, #tpu.memory_space<vmem>>
      %dma_start3A_208 = arith.constant 0 : i32
      %dma_start3A_209 = arith.constant 0 : i32
      %dma_start3A_210 = tpu.memref_slice %arg13[%dma_start3A_208, %dma_start3A_209] : memref<10240x128xf32, #tpu.memory_space<vmem_shared>> -> memref<10240x128xf32, #tpu.memory_space<vmem_shared>>
      tpu.enqueue_indirect_dma source(%arg11 : memref<128x128xf32, #tpu.memory_space<vmem>>) target(%dma_start3A_210 : memref<10240x128xf32, #tpu.memory_space<vmem_shared>>) offsets(%dma_start3A_207 : memref<128xi32, #tpu.memory_space<vmem>>) semaphore(%run_scoped3A_204 : memref<!tpu.dma_semaphore, #tpu.memory_space<semaphore_mem>>) {add = true}
      %dma_wait3A_211 = arith.constant 0 : i32
      %dma_wait3A_212 = tpu.memref_slice %arg10[%run_scoped3A_190, %dma_wait3A_211] : memref<4x128xi32, #tpu.memory_space<vmem>> -> memref<1x128xi32, #tpu.memory_space<vmem>>
      %dma_wait3A_213 = tpu.memref_squeeze %dma_wait3A_212 : memref<1x128xi32, #tpu.memory_space<vmem>> -> memref<128xi32, #tpu.memory_space<vmem>>
      %dma_wait3A_214 = arith.constant 0 : i32
      %dma_wait3A_215 = arith.constant 0 : i32
      %dma_wait3A_216 = tpu.memref_slice %arg13[%dma_wait3A_214, %dma_wait3A_215] : memref<10240x128xf32, #tpu.memory_space<vmem_shared>> -> memref<10240x128xf32, #tpu.memory_space<vmem_shared>>
      tpu.wait_indirect_dma semaphore(%run_scoped3A_204 : memref<!tpu.dma_semaphore, #tpu.memory_space<semaphore_mem>>) src(%arg11 : memref<128x128xf32, #tpu.memory_space<vmem>>) dst(%dma_wait3A_216 : memref<10240x128xf32, #tpu.memory_space<vmem_shared>>)
      tpu.yield
    }) : () -> ()
    %dma_wait3A_191 = arith.constant 3 : i32
    %dma_wait3A_192 = arith.constant 0 : i32
    %dma_wait3A_193 = tpu.memref_slice %arg9[%dma_wait3A_191, %dma_wait3A_192] : memref<4x128xi32, #tpu.memory_space<vmem>> -> memref<1x128xi32, #tpu.memory_space<vmem>>
    %dma_wait3A_194 = tpu.memref_squeeze %dma_wait3A_193 : memref<1x128xi32, #tpu.memory_space<vmem>> -> memref<128xi32, #tpu.memory_space<vmem>>
    %dma_wait3A_195 = arith.constant 0 : i32
    %dma_wait3A_196 = arith.constant 0 : i32
    %dma_wait3A_197 = tpu.memref_slice %arg2[%dma_wait3A_195, %dma_wait3A_196] : memref<10240x128xf32, #tpu.memory_space<hbm>> -> memref<10240x128xf32, #tpu.memory_space<hbm>>
    tpu.wait_indirect_dma semaphore(%arg15 : memref<!tpu.dma_semaphore, #tpu.memory_space<semaphore_mem>>) src(%dma_wait3A_197 : memref<10240x128xf32, #tpu.memory_space<hbm>>) dst(%arg12 : memref<128x128xf32, #tpu.memory_space<vmem>>)
    %run_scoped3A_198 = arith.constant 3 : i32
    "tpu.region"() ({
      %run_scoped3A_204 = tpu.sem_alloc : memref<!tpu.dma_semaphore, #tpu.memory_space<semaphore_mem>>
      %dma_start3A_205 = arith.constant 0 : i32
      %dma_start3A_206 = tpu.memref_slice %arg10[%run_scoped3A_198, %dma_start3A_205] : memref<4x128xi32, #tpu.memory_space<vmem>> -> memref<1x128xi32, #tpu.memory_space<vmem>>
      %dma_start3A_207 = tpu.memref_squeeze %dma_start3A_206 : memref<1x128xi32, #tpu.memory_space<vmem>> -> memref<128xi32, #tpu.memory_space<vmem>>
      %dma_start3A_208 = arith.constant 0 : i32
      %dma_start3A_209 = arith.constant 0 : i32
      %dma_start3A_210 = tpu.memref_slice %arg13[%dma_start3A_208, %dma_start3A_209] : memref<10240x128xf32, #tpu.memory_space<vmem_shared>> -> memref<10240x128xf32, #tpu.memory_space<vmem_shared>>
      tpu.enqueue_indirect_dma source(%arg12 : memref<128x128xf32, #tpu.memory_space<vmem>>) target(%dma_start3A_210 : memref<10240x128xf32, #tpu.memory_space<vmem_shared>>) offsets(%dma_start3A_207 : memref<128xi32, #tpu.memory_space<vmem>>) semaphore(%run_scoped3A_204 : memref<!tpu.dma_semaphore, #tpu.memory_space<semaphore_mem>>) {add = true}
      %dma_wait3A_211 = arith.constant 0 : i32
      %dma_wait3A_212 = tpu.memref_slice %arg10[%run_scoped3A_198, %dma_wait3A_211] : memref<4x128xi32, #tpu.memory_space<vmem>> -> memref<1x128xi32, #tpu.memory_space<vmem>>
      %dma_wait3A_213 = tpu.memref_squeeze %dma_wait3A_212 : memref<1x128xi32, #tpu.memory_space<vmem>> -> memref<128xi32, #tpu.memory_space<vmem>>
      %dma_wait3A_214 = arith.constant 0 : i32
      %dma_wait3A_215 = arith.constant 0 : i32
      %dma_wait3A_216 = tpu.memref_slice %arg13[%dma_wait3A_214, %dma_wait3A_215] : memref<10240x128xf32, #tpu.memory_space<vmem_shared>> -> memref<10240x128xf32, #tpu.memory_space<vmem_shared>>
      tpu.wait_indirect_dma semaphore(%run_scoped3A_204 : memref<!tpu.dma_semaphore, #tpu.memory_space<semaphore_mem>>) src(%arg12 : memref<128x128xf32, #tpu.memory_space<vmem>>) dst(%dma_wait3A_216 : memref<10240x128xf32, #tpu.memory_space<vmem_shared>>)
      tpu.yield
    }) : () -> ()
    %barrier3A_199 = arith.constant 0 : index
    tpu.barrier barrier_id(%barrier3A_199)
    %mul3A_200 = arith.constant 640 : i32
    %mul3A_201 = arith.muli %arg1, %mul3A_200 : i32
    %mul3A_202 = arith.constant 640 : i32
    %mul3A_203 = arith.muli %arg1, %mul3A_202 : i32
    "tpu.region"() ({
      %run_scoped3A_204 = tpu.sem_alloc : memref<!tpu.dma_semaphore, #tpu.memory_space<semaphore_mem>>
      %dma_start3A_205 = arith.constant 0 : i32
      %dma_start3A_206 = tpu.memref_slice %arg6[%arg0, %mul3A_203, %dma_start3A_205] : memref<2x10240x128xf32, #tpu.memory_space<hbm>> -> memref<1x640x128xf32, #tpu.memory_space<hbm>>
      %dma_start3A_207 = tpu.memref_squeeze %dma_start3A_206 : memref<1x640x128xf32, #tpu.memory_space<hbm>> -> memref<640x128xf32, #tpu.memory_space<hbm>>
      %dma_start3A_208 = arith.constant 0 : i32
      %dma_start3A_209 = tpu.memref_slice %arg13[%mul3A_201, %dma_start3A_208] : memref<10240x128xf32, #tpu.memory_space<vmem_shared>> -> memref<640x128xf32, #tpu.memory_space<vmem_shared>>
      tpu.enqueue_dma source(%dma_start3A_209 : memref<640x128xf32, #tpu.memory_space<vmem_shared>>) target(%dma_start3A_207 : memref<640x128xf32, #tpu.memory_space<hbm>>) target_semaphore(%run_scoped3A_204 : memref<!tpu.dma_semaphore, #tpu.memory_space<semaphore_mem>>)
      %dma_wait3A_210 = arith.constant 0 : i32
      %dma_wait3A_211 = tpu.memref_slice %arg6[%arg0, %mul3A_203, %dma_wait3A_210] : memref<2x10240x128xf32, #tpu.memory_space<hbm>> -> memref<1x640x128xf32, #tpu.memory_space<hbm>>
      %dma_wait3A_212 = tpu.memref_squeeze %dma_wait3A_211 : memref<1x640x128xf32, #tpu.memory_space<hbm>> -> memref<640x128xf32, #tpu.memory_space<hbm>>
      %dma_wait3A_213 = arith.constant 0 : i32
      %dma_wait3A_214 = tpu.memref_slice %arg13[%mul3A_201, %dma_wait3A_213] : memref<10240x128xf32, #tpu.memory_space<vmem_shared>> -> memref<640x128xf32, #tpu.memory_space<vmem_shared>>
      tpu.wait_dma2 semaphore(%run_scoped3A_204 : memref<!tpu.dma_semaphore, #tpu.memory_space<semaphore_mem>>) src(%dma_wait3A_214 : memref<640x128xf32, #tpu.memory_space<vmem_shared>>) dst(%dma_wait3A_212 : memref<640x128xf32, #tpu.memory_space<hbm>>)
      tpu.yield
    }) : () -> ()
    return
  }
}

#map = affine_map<(d0, d1) -> (0, 0)>
#map1 = affine_map<(d0, d1) -> (0, 0, 0, 0)>
#map2 = affine_map<(d0, d1) -> (0, 0, 0)>
module attributes {stable_mosaic.version = 14 : i64} {
  func.func @scat_kernel(%arg0: i32, %arg1: i32, %arg2: memref<10240x128xf32, #tpu.memory_space<hbm>>, %arg3: memref<32x20x4x128xi32, #tpu.memory_space<hbm>>, %arg4: memref<32x20x4x128xi32, #tpu.memory_space<hbm>>, %arg5: memref<10240x128xf32, #tpu.memory_space<hbm>>, %arg6: memref<2x10240x128xf32, #tpu.memory_space<hbm>>, %arg7: memref<4x128xi32, #tpu.memory_space<vmem>>, %arg8: memref<4x128xi32, #tpu.memory_space<vmem>>, %arg9: memref<4x128xi32, #tpu.memory_space<vmem>>, %arg10: memref<4x128xi32, #tpu.memory_space<vmem>>, %arg11: memref<128x128xf32, #tpu.memory_space<vmem>>, %arg12: memref<128x128xf32, #tpu.memory_space<vmem>>, %arg13: memref<10240x128xf32, #tpu.memory_space<vmem_shared>>, %arg14: memref<!tpu.dma_semaphore, #tpu.memory_space<semaphore_mem>>, %arg15: memref<!tpu.dma_semaphore, #tpu.memory_space<semaphore_mem>>, %arg16: memref<!tpu.dma_semaphore, #tpu.memory_space<semaphore_mem>>, %arg17: memref<!tpu.dma_semaphore, #tpu.memory_space<semaphore_mem>>) attributes {dimension_semantics = [#tpu.dimension_semantics<core_parallel>, #tpu.dimension_semantics<subcore_parallel>], iteration_bounds = array<i64: 2, 16>, scalar_prefetch = 0 : i64, scratch_operands = 11 : i64, tpu.core_type = #tpu.core_type<sc_vector_subcore>, window_params = [{transform_indices = #map}, {transform_indices = #map1}, {transform_indices = #map1}, {transform_indices = #map}, {transform_indices = #map2}]} {
    %mul3A = arith.constant 16 : i32
    %mul3A_0 = arith.muli %arg0, %mul3A : i32
    %add3A = arith.addi %mul3A_0, %arg1 : i32
    %mul3A_1 = arith.constant 640 : i32
    %mul3A_2 = arith.muli %arg1, %mul3A_1 : i32
    %mul3A_3 = arith.constant 640 : i32
    %mul3A_4 = arith.muli %arg1, %mul3A_3 : i32
    "tpu.region"() ({
      %run_scoped3A_204 = tpu.sem_alloc : memref<!tpu.dma_semaphore, #tpu.memory_space<semaphore_mem>>
      %dma_start3A_205 = arith.constant 0 : i32
      %dma_start3A_206 = tpu.memref_slice %arg13[%mul3A_4, %dma_start3A_205] : memref<10240x128xf32, #tpu.memory_space<vmem_shared>> -> memref<640x128xf32, #tpu.memory_space<vmem_shared>>
      %dma_start3A_207 = arith.constant 0 : i32
      %dma_start3A_208 = tpu.memref_slice %arg5[%mul3A_2, %dma_start3A_207] : memref<10240x128xf32, #tpu.memory_space<hbm>> -> memref<640x128xf32, #tpu.memory_space<hbm>>
      tpu.enqueue_dma source(%dma_start3A_208 : memref<640x128xf32, #tpu.memory_space<hbm>>) target(%dma_start3A_206 : memref<640x128xf32, #tpu.memory_space<vmem_shared>>) target_semaphore(%run_scoped3A_204 : memref<!tpu.dma_semaphore, #tpu.memory_space<semaphore_mem>>)
      %dma_wait3A_209 = arith.constant 0 : i32
      %dma_wait3A_210 = tpu.memref_slice %arg13[%mul3A_4, %dma_wait3A_209] : memref<10240x128xf32, #tpu.memory_space<vmem_shared>> -> memref<640x128xf32, #tpu.memory_space<vmem_shared>>
      %dma_wait3A_211 = arith.constant 0 : i32
      %dma_wait3A_212 = tpu.memref_slice %arg5[%mul3A_2, %dma_wait3A_211] : memref<10240x128xf32, #tpu.memory_space<hbm>> -> memref<640x128xf32, #tpu.memory_space<hbm>>
      tpu.wait_dma2 semaphore(%run_scoped3A_204 : memref<!tpu.dma_semaphore, #tpu.memory_space<semaphore_mem>>) src(%dma_wait3A_212 : memref<640x128xf32, #tpu.memory_space<hbm>>) dst(%dma_wait3A_210 : memref<640x128xf32, #tpu.memory_space<vmem_shared>>)
      tpu.yield
    }) : () -> ()
    %barrier3A = arith.constant 0 : index
    tpu.barrier barrier_id(%barrier3A)
    %dma_start3A = arith.constant 0 : i32
    %dma_start3A_5 = arith.constant 0 : i32
    %dma_start3A_6 = arith.constant 0 : i32
    %dma_start3A_7 = tpu.memref_slice %arg3[%add3A, %dma_start3A, %dma_start3A_5, %dma_start3A_6] : memref<32x20x4x128xi32, #tpu.memory_space<hbm>> -> memref<1x1x4x128xi32, #tpu.memory_space<hbm>>
    %dma_start3A_8 = tpu.memref_squeeze %dma_start3A_7 : memref<1x1x4x128xi32, #tpu.memory_space<hbm>> -> memref<4x128xi32, #tpu.memory_space<hbm>>
    %dma_start3A_9 = arith.constant 0 : i32
    %dma_start3A_10 = arith.constant 0 : i32
    %dma_start3A_11 = tpu.memref_slice %arg3[%add3A, %dma_start3A, %dma_start3A_9, %dma_start3A_10] : memref<32x20x4x128xi32, #tpu.memory_space<hbm>> -> memref<1x1x4x128xi32, #tpu.memory_space<hbm>>
    %dma_start3A_12 = tpu.memref_squeeze %dma_start3A_11 : memref<1x1x4x128xi32, #tpu.memory_space<hbm>> -> memref<4x128xi32, #tpu.memory_space<hbm>>
    tpu.enqueue_dma source(%dma_start3A_12 : memref<4x128xi32, #tpu.memory_space<hbm>>) target(%arg7 : memref<4x128xi32, #tpu.memory_space<vmem>>) target_semaphore(%arg16 : memref<!tpu.dma_semaphore, #tpu.memory_space<semaphore_mem>>)
    %dma_start3A_13 = arith.constant 0 : i32
    %dma_start3A_14 = arith.constant 0 : i32
    %dma_start3A_15 = arith.constant 0 : i32
    %dma_start3A_16 = tpu.memref_slice %arg4[%add3A, %dma_start3A_13, %dma_start3A_14, %dma_start3A_15] : memref<32x20x4x128xi32, #tpu.memory_space<hbm>> -> memref<1x1x4x128xi32, #tpu.memory_space<hbm>>
    %dma_start3A_17 = tpu.memref_squeeze %dma_start3A_16 : memref<1x1x4x128xi32, #tpu.memory_space<hbm>> -> memref<4x128xi32, #tpu.memory_space<hbm>>
    %dma_start3A_18 = arith.constant 0 : i32
    %dma_start3A_19 = arith.constant 0 : i32
    %dma_start3A_20 = tpu.memref_slice %arg4[%add3A, %dma_start3A_13, %dma_start3A_18, %dma_start3A_19] : memref<32x20x4x128xi32, #tpu.memory_space<hbm>> -> memref<1x1x4x128xi32, #tpu.memory_space<hbm>>
    %dma_start3A_21 = tpu.memref_squeeze %dma_start3A_20 : memref<1x1x4x128xi32, #tpu.memory_space<hbm>> -> memref<4x128xi32, #tpu.memory_space<hbm>>
    tpu.enqueue_dma source(%dma_start3A_21 : memref<4x128xi32, #tpu.memory_space<hbm>>) target(%arg8 : memref<4x128xi32, #tpu.memory_space<vmem>>) target_semaphore(%arg17 : memref<!tpu.dma_semaphore, #tpu.memory_space<semaphore_mem>>)
    %dma_wait3A = arith.constant 0 : i32
    %dma_wait3A_22 = arith.constant 0 : i32
    %dma_wait3A_23 = arith.constant 0 : i32
    %dma_wait3A_24 = tpu.memref_slice %arg3[%add3A, %dma_wait3A, %dma_wait3A_22, %dma_wait3A_23] : memref<32x20x4x128xi32, #tpu.memory_space<hbm>> -> memref<1x1x4x128xi32, #tpu.memory_space<hbm>>
    %dma_wait3A_25 = tpu.memref_squeeze %dma_wait3A_24 : memref<1x1x4x128xi32, #tpu.memory_space<hbm>> -> memref<4x128xi32, #tpu.memory_space<hbm>>
    %dma_wait3A_26 = arith.constant 0 : i32
    %dma_wait3A_27 = arith.constant 0 : i32
    %dma_wait3A_28 = tpu.memref_slice %arg3[%add3A, %dma_wait3A, %dma_wait3A_26, %dma_wait3A_27] : memref<32x20x4x128xi32, #tpu.memory_space<hbm>> -> memref<1x1x4x128xi32, #tpu.memory_space<hbm>>
    %dma_wait3A_29 = tpu.memref_squeeze %dma_wait3A_28 : memref<1x1x4x128xi32, #tpu.memory_space<hbm>> -> memref<4x128xi32, #tpu.memory_space<hbm>>
    tpu.wait_dma2 semaphore(%arg16 : memref<!tpu.dma_semaphore, #tpu.memory_space<semaphore_mem>>) src(%dma_wait3A_29 : memref<4x128xi32, #tpu.memory_space<hbm>>) dst(%arg7 : memref<4x128xi32, #tpu.memory_space<vmem>>)
    %dma_wait3A_30 = arith.constant 0 : i32
    %dma_wait3A_31 = arith.constant 0 : i32
    %dma_wait3A_32 = arith.constant 0 : i32
    %dma_wait3A_33 = tpu.memref_slice %arg4[%add3A, %dma_wait3A_30, %dma_wait3A_31, %dma_wait3A_32] : memref<32x20x4x128xi32, #tpu.memory_space<hbm>> -> memref<1x1x4x128xi32, #tpu.memory_space<hbm>>
    %dma_wait3A_34 = tpu.memref_squeeze %dma_wait3A_33 : memref<1x1x4x128xi32, #tpu.memory_space<hbm>> -> memref<4x128xi32, #tpu.memory_space<hbm>>
    %dma_wait3A_35 = arith.constant 0 : i32
    %dma_wait3A_36 = arith.constant 0 : i32
    %dma_wait3A_37 = tpu.memref_slice %arg4[%add3A, %dma_wait3A_30, %dma_wait3A_35, %dma_wait3A_36] : memref<32x20x4x128xi32, #tpu.memory_space<hbm>> -> memref<1x1x4x128xi32, #tpu.memory_space<hbm>>
    %dma_wait3A_38 = tpu.memref_squeeze %dma_wait3A_37 : memref<1x1x4x128xi32, #tpu.memory_space<hbm>> -> memref<4x128xi32, #tpu.memory_space<hbm>>
    tpu.wait_dma2 semaphore(%arg17 : memref<!tpu.dma_semaphore, #tpu.memory_space<semaphore_mem>>) src(%dma_wait3A_38 : memref<4x128xi32, #tpu.memory_space<hbm>>) dst(%arg8 : memref<4x128xi32, #tpu.memory_space<vmem>>)
    %dma_start3A_39 = arith.constant 0 : i32
    %dma_start3A_40 = arith.constant 0 : i32
    %dma_start3A_41 = tpu.memref_slice %arg7[%dma_start3A_39, %dma_start3A_40] : memref<4x128xi32, #tpu.memory_space<vmem>> -> memref<1x128xi32, #tpu.memory_space<vmem>>
    %dma_start3A_42 = tpu.memref_squeeze %dma_start3A_41 : memref<1x128xi32, #tpu.memory_space<vmem>> -> memref<128xi32, #tpu.memory_space<vmem>>
    %dma_start3A_43 = arith.constant 0 : i32
    %dma_start3A_44 = arith.constant 0 : i32
    %dma_start3A_45 = tpu.memref_slice %arg2[%dma_start3A_43, %dma_start3A_44] : memref<10240x128xf32, #tpu.memory_space<hbm>> -> memref<10240x128xf32, #tpu.memory_space<hbm>>
    tpu.enqueue_indirect_dma source(%dma_start3A_45 : memref<10240x128xf32, #tpu.memory_space<hbm>>) target(%arg11 : memref<128x128xf32, #tpu.memory_space<vmem>>) offsets(%dma_start3A_42 : memref<128xi32, #tpu.memory_space<vmem>>) semaphore(%arg14 : memref<!tpu.dma_semaphore, #tpu.memory_space<semaphore_mem>>)
    %dma_wait3A_46 = arith.constant 0 : i32
    %dma_wait3A_47 = arith.constant 0 : i32
    %dma_wait3A_48 = tpu.memref_slice %arg7[%dma_wait3A_46, %dma_wait3A_47] : memref<4x128xi32, #tpu.memory_space<vmem>> -> memref<1x128xi32, #tpu.memory_space<vmem>>
    %dma_wait3A_49 = tpu.memref_squeeze %dma_wait3A_48 : memref<1x128xi32, #tpu.memory_space<vmem>> -> memref<128xi32, #tpu.memory_space<vmem>>
    %dma_wait3A_50 = arith.constant 0 : i32
    %dma_wait3A_51 = arith.constant 0 : i32
    %dma_wait3A_52 = tpu.memref_slice %arg2[%dma_wait3A_50, %dma_wait3A_51] : memref<10240x128xf32, #tpu.memory_space<hbm>> -> memref<10240x128xf32, #tpu.memory_space<hbm>>
    tpu.wait_indirect_dma semaphore(%arg14 : memref<!tpu.dma_semaphore, #tpu.memory_space<semaphore_mem>>) src(%dma_wait3A_52 : memref<10240x128xf32, #tpu.memory_space<hbm>>) dst(%arg11 : memref<128x128xf32, #tpu.memory_space<vmem>>)
    %scan3A = arith.constant 0 : i32
    %scan3A_53 = arith.constant 0 : i32
    %scan3A_54 = arith.constant 9 : i32
    %scan3A_55 = arith.addi %scan3A_53, %scan3A_54 : i32
    %scan3A_56 = arith.constant 1 : i32
    scf.for %scan3A_204 = %scan3A_53 to %scan3A_55 step %scan3A_56  : i32 {
      %mul3A_205 = arith.constant 2 : i32
      %mul3A_206 = arith.muli %mul3A_205, %scan3A_204 : i32
      %add3A_207 = arith.constant 1 : i32
      %add3A_208 = arith.addi %mul3A_206, %add3A_207 : i32
      %dma_start3A_209 = arith.constant 0 : i32
      %dma_start3A_210 = arith.constant 0 : i32
      %dma_start3A_211 = tpu.memref_slice %arg3[%add3A, %add3A_208, %dma_start3A_209, %dma_start3A_210] : memref<32x20x4x128xi32, #tpu.memory_space<hbm>> -> memref<1x1x4x128xi32, #tpu.memory_space<hbm>>
      %dma_start3A_212 = tpu.memref_squeeze %dma_start3A_211 : memref<1x1x4x128xi32, #tpu.memory_space<hbm>> -> memref<4x128xi32, #tpu.memory_space<hbm>>
      %dma_start3A_213 = arith.constant 0 : i32
      %dma_start3A_214 = arith.constant 0 : i32
      %dma_start3A_215 = tpu.memref_slice %arg3[%add3A, %add3A_208, %dma_start3A_213, %dma_start3A_214] : memref<32x20x4x128xi32, #tpu.memory_space<hbm>> -> memref<1x1x4x128xi32, #tpu.memory_space<hbm>>
      %dma_start3A_216 = tpu.memref_squeeze %dma_start3A_215 : memref<1x1x4x128xi32, #tpu.memory_space<hbm>> -> memref<4x128xi32, #tpu.memory_space<hbm>>
      tpu.enqueue_dma source(%dma_start3A_216 : memref<4x128xi32, #tpu.memory_space<hbm>>) target(%arg9 : memref<4x128xi32, #tpu.memory_space<vmem>>) target_semaphore(%arg16 : memref<!tpu.dma_semaphore, #tpu.memory_space<semaphore_mem>>)
      %dma_start3A_217 = arith.constant 0 : i32
      %dma_start3A_218 = arith.constant 0 : i32
      %dma_start3A_219 = tpu.memref_slice %arg4[%add3A, %add3A_208, %dma_start3A_217, %dma_start3A_218] : memref<32x20x4x128xi32, #tpu.memory_space<hbm>> -> memref<1x1x4x128xi32, #tpu.memory_space<hbm>>
      %dma_start3A_220 = tpu.memref_squeeze %dma_start3A_219 : memref<1x1x4x128xi32, #tpu.memory_space<hbm>> -> memref<4x128xi32, #tpu.memory_space<hbm>>
      %dma_start3A_221 = arith.constant 0 : i32
      %dma_start3A_222 = arith.constant 0 : i32
      %dma_start3A_223 = tpu.memref_slice %arg4[%add3A, %add3A_208, %dma_start3A_221, %dma_start3A_222] : memref<32x20x4x128xi32, #tpu.memory_space<hbm>> -> memref<1x1x4x128xi32, #tpu.memory_space<hbm>>
      %dma_start3A_224 = tpu.memref_squeeze %dma_start3A_223 : memref<1x1x4x128xi32, #tpu.memory_space<hbm>> -> memref<4x128xi32, #tpu.memory_space<hbm>>
      tpu.enqueue_dma source(%dma_start3A_224 : memref<4x128xi32, #tpu.memory_space<hbm>>) target(%arg10 : memref<4x128xi32, #tpu.memory_space<vmem>>) target_semaphore(%arg17 : memref<!tpu.dma_semaphore, #tpu.memory_space<semaphore_mem>>)
      %dma_start3A_225 = arith.constant 1 : i32
      %dma_start3A_226 = arith.constant 0 : i32
      %dma_start3A_227 = tpu.memref_slice %arg7[%dma_start3A_225, %dma_start3A_226] : memref<4x128xi32, #tpu.memory_space<vmem>> -> memref<1x128xi32, #tpu.memory_space<vmem>>
      %dma_start3A_228 = tpu.memref_squeeze %dma_start3A_227 : memref<1x128xi32, #tpu.memory_space<vmem>> -> memref<128xi32, #tpu.memory_space<vmem>>
      %dma_start3A_229 = arith.constant 0 : i32
      %dma_start3A_230 = arith.constant 0 : i32
      %dma_start3A_231 = tpu.memref_slice %arg2[%dma_start3A_229, %dma_start3A_230] : memref<10240x128xf32, #tpu.memory_space<hbm>> -> memref<10240x128xf32, #tpu.memory_space<hbm>>
      tpu.enqueue_indirect_dma source(%dma_start3A_231 : memref<10240x128xf32, #tpu.memory_space<hbm>>) target(%arg12 : memref<128x128xf32, #tpu.memory_space<vmem>>) offsets(%dma_start3A_228 : memref<128xi32, #tpu.memory_space<vmem>>) semaphore(%arg15 : memref<!tpu.dma_semaphore, #tpu.memory_space<semaphore_mem>>)
      %run_scoped3A_232 = arith.constant 0 : i32
      "tpu.region"() ({
        %run_scoped3A_399 = tpu.sem_alloc : memref<!tpu.dma_semaphore, #tpu.memory_space<semaphore_mem>>
        %dma_start3A_400 = arith.constant 0 : i32
        %dma_start3A_401 = tpu.memref_slice %arg8[%run_scoped3A_232, %dma_start3A_400] : memref<4x128xi32, #tpu.memory_space<vmem>> -> memref<1x128xi32, #tpu.memory_space<vmem>>
        %dma_start3A_402 = tpu.memref_squeeze %dma_start3A_401 : memref<1x128xi32, #tpu.memory_space<vmem>> -> memref<128xi32, #tpu.memory_space<vmem>>
        %dma_start3A_403 = arith.constant 0 : i32
        %dma_start3A_404 = arith.constant 0 : i32
        %dma_start3A_405 = tpu.memref_slice %arg13[%dma_start3A_403, %dma_start3A_404] : memref<10240x128xf32, #tpu.memory_space<vmem_shared>> -> memref<10240x128xf32, #tpu.memory_space<vmem_shared>>
        tpu.enqueue_indirect_dma source(%arg11 : memref<128x128xf32, #tpu.memory_space<vmem>>) target(%dma_start3A_405 : memref<10240x128xf32, #tpu.memory_space<vmem_shared>>) offsets(%dma_start3A_402 : memref<128xi32, #tpu.memory_space<vmem>>) semaphore(%run_scoped3A_399 : memref<!tpu.dma_semaphore, #tpu.memory_space<semaphore_mem>>) {add = true}
        %dma_wait3A_406 = arith.constant 0 : i32
        %dma_wait3A_407 = tpu.memref_slice %arg8[%run_scoped3A_232, %dma_wait3A_406] : memref<4x128xi32, #tpu.memory_space<vmem>> -> memref<1x128xi32, #tpu.memory_space<vmem>>
        %dma_wait3A_408 = tpu.memref_squeeze %dma_wait3A_407 : memref<1x128xi32, #tpu.memory_space<vmem>> -> memref<128xi32, #tpu.memory_space<vmem>>
        %dma_wait3A_409 = arith.constant 0 : i32
        %dma_wait3A_410 = arith.constant 0 : i32
        %dma_wait3A_411 = tpu.memref_slice %arg13[%dma_wait3A_409, %dma_wait3A_410] : memref<10240x128xf32, #tpu.memory_space<vmem_shared>> -> memref<10240x128xf32, #tpu.memory_space<vmem_shared>>
        tpu.wait_indirect_dma semaphore(%run_scoped3A_399 : memref<!tpu.dma_semaphore, #tpu.memory_space<semaphore_mem>>) src(%arg11 : memref<128x128xf32, #tpu.memory_space<vmem>>) dst(%dma_wait3A_411 : memref<10240x128xf32, #tpu.memory_space<vmem_shared>>)
        tpu.yield
      }) : () -> ()
      %dma_wait3A_233 = arith.constant 1 : i32
      %dma_wait3A_234 = arith.constant 0 : i32
      %dma_wait3A_235 = tpu.memref_slice %arg7[%dma_wait3A_233, %dma_wait3A_234] : memref<4x128xi32, #tpu.memory_space<vmem>> -> memref<1x128xi32, #tpu.memory_space<vmem>>
      %dma_wait3A_236 = tpu.memref_squeeze %dma_wait3A_235 : memref<1x128xi32, #tpu.memory_space<vmem>> -> memref<128xi32, #tpu.memory_space<vmem>>
      %dma_wait3A_237 = arith.constant 0 : i32
      %dma_wait3A_238 = arith.constant 0 : i32
      %dma_wait3A_239 = tpu.memref_slice %arg2[%dma_wait3A_237, %dma_wait3A_238] : memref<10240x128xf32, #tpu.memory_space<hbm>> -> memref<10240x128xf32, #tpu.memory_space<hbm>>
      tpu.wait_indirect_dma semaphore(%arg15 : memref<!tpu.dma_semaphore, #tpu.memory_space<semaphore_mem>>) src(%dma_wait3A_239 : memref<10240x128xf32, #tpu.memory_space<hbm>>) dst(%arg12 : memref<128x128xf32, #tpu.memory_space<vmem>>)
      %dma_start3A_240 = arith.constant 2 : i32
      %dma_start3A_241 = arith.constant 0 : i32
      %dma_start3A_242 = tpu.memref_slice %arg7[%dma_start3A_240, %dma_start3A_241] : memref<4x128xi32, #tpu.memory_space<vmem>> -> memref<1x128xi32, #tpu.memory_space<vmem>>
      %dma_start3A_243 = tpu.memref_squeeze %dma_start3A_242 : memref<1x128xi32, #tpu.memory_space<vmem>> -> memref<128xi32, #tpu.memory_space<vmem>>
      %dma_start3A_244 = arith.constant 0 : i32
      %dma_start3A_245 = arith.constant 0 : i32
      %dma_start3A_246 = tpu.memref_slice %arg2[%dma_start3A_244, %dma_start3A_245] : memref<10240x128xf32, #tpu.memory_space<hbm>> -> memref<10240x128xf32, #tpu.memory_space<hbm>>
      tpu.enqueue_indirect_dma source(%dma_start3A_246 : memref<10240x128xf32, #tpu.memory_space<hbm>>) target(%arg11 : memref<128x128xf32, #tpu.memory_space<vmem>>) offsets(%dma_start3A_243 : memref<128xi32, #tpu.memory_space<vmem>>) semaphore(%arg14 : memref<!tpu.dma_semaphore, #tpu.memory_space<semaphore_mem>>)
      %run_scoped3A_247 = arith.constant 1 : i32
      "tpu.region"() ({
        %run_scoped3A_399 = tpu.sem_alloc : memref<!tpu.dma_semaphore, #tpu.memory_space<semaphore_mem>>
        %dma_start3A_400 = arith.constant 0 : i32
        %dma_start3A_401 = tpu.memref_slice %arg8[%run_scoped3A_247, %dma_start3A_400] : memref<4x128xi32, #tpu.memory_space<vmem>> -> memref<1x128xi32, #tpu.memory_space<vmem>>
        %dma_start3A_402 = tpu.memref_squeeze %dma_start3A_401 : memref<1x128xi32, #tpu.memory_space<vmem>> -> memref<128xi32, #tpu.memory_space<vmem>>
        %dma_start3A_403 = arith.constant 0 : i32
        %dma_start3A_404 = arith.constant 0 : i32
        %dma_start3A_405 = tpu.memref_slice %arg13[%dma_start3A_403, %dma_start3A_404] : memref<10240x128xf32, #tpu.memory_space<vmem_shared>> -> memref<10240x128xf32, #tpu.memory_space<vmem_shared>>
        tpu.enqueue_indirect_dma source(%arg12 : memref<128x128xf32, #tpu.memory_space<vmem>>) target(%dma_start3A_405 : memref<10240x128xf32, #tpu.memory_space<vmem_shared>>) offsets(%dma_start3A_402 : memref<128xi32, #tpu.memory_space<vmem>>) semaphore(%run_scoped3A_399 : memref<!tpu.dma_semaphore, #tpu.memory_space<semaphore_mem>>) {add = true}
        %dma_wait3A_406 = arith.constant 0 : i32
        %dma_wait3A_407 = tpu.memref_slice %arg8[%run_scoped3A_247, %dma_wait3A_406] : memref<4x128xi32, #tpu.memory_space<vmem>> -> memref<1x128xi32, #tpu.memory_space<vmem>>
        %dma_wait3A_408 = tpu.memref_squeeze %dma_wait3A_407 : memref<1x128xi32, #tpu.memory_space<vmem>> -> memref<128xi32, #tpu.memory_space<vmem>>
        %dma_wait3A_409 = arith.constant 0 : i32
        %dma_wait3A_410 = arith.constant 0 : i32
        %dma_wait3A_411 = tpu.memref_slice %arg13[%dma_wait3A_409, %dma_wait3A_410] : memref<10240x128xf32, #tpu.memory_space<vmem_shared>> -> memref<10240x128xf32, #tpu.memory_space<vmem_shared>>
        tpu.wait_indirect_dma semaphore(%run_scoped3A_399 : memref<!tpu.dma_semaphore, #tpu.memory_space<semaphore_mem>>) src(%arg12 : memref<128x128xf32, #tpu.memory_space<vmem>>) dst(%dma_wait3A_411 : memref<10240x128xf32, #tpu.memory_space<vmem_shared>>)
        tpu.yield
      }) : () -> ()
      %dma_wait3A_248 = arith.constant 2 : i32
      %dma_wait3A_249 = arith.constant 0 : i32
      %dma_wait3A_250 = tpu.memref_slice %arg7[%dma_wait3A_248, %dma_wait3A_249] : memref<4x128xi32, #tpu.memory_space<vmem>> -> memref<1x128xi32, #tpu.memory_space<vmem>>
      %dma_wait3A_251 = tpu.memref_squeeze %dma_wait3A_250 : memref<1x128xi32, #tpu.memory_space<vmem>> -> memref<128xi32, #tpu.memory_space<vmem>>
      %dma_wait3A_252 = arith.constant 0 : i32
      %dma_wait3A_253 = arith.constant 0 : i32
      %dma_wait3A_254 = tpu.memref_slice %arg2[%dma_wait3A_252, %dma_wait3A_253] : memref<10240x128xf32, #tpu.memory_space<hbm>> -> memref<10240x128xf32, #tpu.memory_space<hbm>>
      tpu.wait_indirect_dma semaphore(%arg14 : memref<!tpu.dma_semaphore, #tpu.memory_space<semaphore_mem>>) src(%dma_wait3A_254 : memref<10240x128xf32, #tpu.memory_space<hbm>>) dst(%arg11 : memref<128x128xf32, #tpu.memory_space<vmem>>)
      %dma_start3A_255 = arith.constant 3 : i32
      %dma_start3A_256 = arith.constant 0 : i32
      %dma_start3A_257 = tpu.memref_slice %arg7[%dma_start3A_255, %dma_start3A_256] : memref<4x128xi32, #tpu.memory_space<vmem>> -> memref<1x128xi32, #tpu.memory_space<vmem>>
      %dma_start3A_258 = tpu.memref_squeeze %dma_start3A_257 : memref<1x128xi32, #tpu.memory_space<vmem>> -> memref<128xi32, #tpu.memory_space<vmem>>
      %dma_start3A_259 = arith.constant 0 : i32
      %dma_start3A_260 = arith.constant 0 : i32
      %dma_start3A_261 = tpu.memref_slice %arg2[%dma_start3A_259, %dma_start3A_260] : memref<10240x128xf32, #tpu.memory_space<hbm>> -> memref<10240x128xf32, #tpu.memory_space<hbm>>
      tpu.enqueue_indirect_dma source(%dma_start3A_261 : memref<10240x128xf32, #tpu.memory_space<hbm>>) target(%arg12 : memref<128x128xf32, #tpu.memory_space<vmem>>) offsets(%dma_start3A_258 : memref<128xi32, #tpu.memory_space<vmem>>) semaphore(%arg15 : memref<!tpu.dma_semaphore, #tpu.memory_space<semaphore_mem>>)
      %run_scoped3A_262 = arith.constant 2 : i32
      "tpu.region"() ({
        %run_scoped3A_399 = tpu.sem_alloc : memref<!tpu.dma_semaphore, #tpu.memory_space<semaphore_mem>>
        %dma_start3A_400 = arith.constant 0 : i32
        %dma_start3A_401 = tpu.memref_slice %arg8[%run_scoped3A_262, %dma_start3A_400] : memref<4x128xi32, #tpu.memory_space<vmem>> -> memref<1x128xi32, #tpu.memory_space<vmem>>
        %dma_start3A_402 = tpu.memref_squeeze %dma_start3A_401 : memref<1x128xi32, #tpu.memory_space<vmem>> -> memref<128xi32, #tpu.memory_space<vmem>>
        %dma_start3A_403 = arith.constant 0 : i32
        %dma_start3A_404 = arith.constant 0 : i32
        %dma_start3A_405 = tpu.memref_slice %arg13[%dma_start3A_403, %dma_start3A_404] : memref<10240x128xf32, #tpu.memory_space<vmem_shared>> -> memref<10240x128xf32, #tpu.memory_space<vmem_shared>>
        tpu.enqueue_indirect_dma source(%arg11 : memref<128x128xf32, #tpu.memory_space<vmem>>) target(%dma_start3A_405 : memref<10240x128xf32, #tpu.memory_space<vmem_shared>>) offsets(%dma_start3A_402 : memref<128xi32, #tpu.memory_space<vmem>>) semaphore(%run_scoped3A_399 : memref<!tpu.dma_semaphore, #tpu.memory_space<semaphore_mem>>) {add = true}
        %dma_wait3A_406 = arith.constant 0 : i32
        %dma_wait3A_407 = tpu.memref_slice %arg8[%run_scoped3A_262, %dma_wait3A_406] : memref<4x128xi32, #tpu.memory_space<vmem>> -> memref<1x128xi32, #tpu.memory_space<vmem>>
        %dma_wait3A_408 = tpu.memref_squeeze %dma_wait3A_407 : memref<1x128xi32, #tpu.memory_space<vmem>> -> memref<128xi32, #tpu.memory_space<vmem>>
        %dma_wait3A_409 = arith.constant 0 : i32
        %dma_wait3A_410 = arith.constant 0 : i32
        %dma_wait3A_411 = tpu.memref_slice %arg13[%dma_wait3A_409, %dma_wait3A_410] : memref<10240x128xf32, #tpu.memory_space<vmem_shared>> -> memref<10240x128xf32, #tpu.memory_space<vmem_shared>>
        tpu.wait_indirect_dma semaphore(%run_scoped3A_399 : memref<!tpu.dma_semaphore, #tpu.memory_space<semaphore_mem>>) src(%arg11 : memref<128x128xf32, #tpu.memory_space<vmem>>) dst(%dma_wait3A_411 : memref<10240x128xf32, #tpu.memory_space<vmem_shared>>)
        tpu.yield
      }) : () -> ()
      %dma_wait3A_263 = arith.constant 3 : i32
      %dma_wait3A_264 = arith.constant 0 : i32
      %dma_wait3A_265 = tpu.memref_slice %arg7[%dma_wait3A_263, %dma_wait3A_264] : memref<4x128xi32, #tpu.memory_space<vmem>> -> memref<1x128xi32, #tpu.memory_space<vmem>>
      %dma_wait3A_266 = tpu.memref_squeeze %dma_wait3A_265 : memref<1x128xi32, #tpu.memory_space<vmem>> -> memref<128xi32, #tpu.memory_space<vmem>>
      %dma_wait3A_267 = arith.constant 0 : i32
      %dma_wait3A_268 = arith.constant 0 : i32
      %dma_wait3A_269 = tpu.memref_slice %arg2[%dma_wait3A_267, %dma_wait3A_268] : memref<10240x128xf32, #tpu.memory_space<hbm>> -> memref<10240x128xf32, #tpu.memory_space<hbm>>
      tpu.wait_indirect_dma semaphore(%arg15 : memref<!tpu.dma_semaphore, #tpu.memory_space<semaphore_mem>>) src(%dma_wait3A_269 : memref<10240x128xf32, #tpu.memory_space<hbm>>) dst(%arg12 : memref<128x128xf32, #tpu.memory_space<vmem>>)
      %dma_wait3A_270 = arith.constant 0 : i32
      %dma_wait3A_271 = arith.constant 0 : i32
      %dma_wait3A_272 = tpu.memref_slice %arg3[%add3A, %add3A_208, %dma_wait3A_270, %dma_wait3A_271] : memref<32x20x4x128xi32, #tpu.memory_space<hbm>> -> memref<1x1x4x128xi32, #tpu.memory_space<hbm>>
      %dma_wait3A_273 = tpu.memref_squeeze %dma_wait3A_272 : memref<1x1x4x128xi32, #tpu.memory_space<hbm>> -> memref<4x128xi32, #tpu.memory_space<hbm>>
      %dma_wait3A_274 = arith.constant 0 : i32
      %dma_wait3A_275 = arith.constant 0 : i32
      %dma_wait3A_276 = tpu.memref_slice %arg3[%add3A, %add3A_208, %dma_wait3A_274, %dma_wait3A_275] : memref<32x20x4x128xi32, #tpu.memory_space<hbm>> -> memref<1x1x4x128xi32, #tpu.memory_space<hbm>>
      %dma_wait3A_277 = tpu.memref_squeeze %dma_wait3A_276 : memref<1x1x4x128xi32, #tpu.memory_space<hbm>> -> memref<4x128xi32, #tpu.memory_space<hbm>>
      tpu.wait_dma2 semaphore(%arg16 : memref<!tpu.dma_semaphore, #tpu.memory_space<semaphore_mem>>) src(%dma_wait3A_277 : memref<4x128xi32, #tpu.memory_space<hbm>>) dst(%arg9 : memref<4x128xi32, #tpu.memory_space<vmem>>)
      %dma_wait3A_278 = arith.constant 0 : i32
      %dma_wait3A_279 = arith.constant 0 : i32
      %dma_wait3A_280 = tpu.memref_slice %arg4[%add3A, %add3A_208, %dma_wait3A_278, %dma_wait3A_279] : memref<32x20x4x128xi32, #tpu.memory_space<hbm>> -> memref<1x1x4x128xi32, #tpu.memory_space<hbm>>
      %dma_wait3A_281 = tpu.memref_squeeze %dma_wait3A_280 : memref<1x1x4x128xi32, #tpu.memory_space<hbm>> -> memref<4x128xi32, #tpu.memory_space<hbm>>
      %dma_wait3A_282 = arith.constant 0 : i32
      %dma_wait3A_283 = arith.constant 0 : i32
      %dma_wait3A_284 = tpu.memref_slice %arg4[%add3A, %add3A_208, %dma_wait3A_282, %dma_wait3A_283] : memref<32x20x4x128xi32, #tpu.memory_space<hbm>> -> memref<1x1x4x128xi32, #tpu.memory_space<hbm>>
      %dma_wait3A_285 = tpu.memref_squeeze %dma_wait3A_284 : memref<1x1x4x128xi32, #tpu.memory_space<hbm>> -> memref<4x128xi32, #tpu.memory_space<hbm>>
      tpu.wait_dma2 semaphore(%arg17 : memref<!tpu.dma_semaphore, #tpu.memory_space<semaphore_mem>>) src(%dma_wait3A_285 : memref<4x128xi32, #tpu.memory_space<hbm>>) dst(%arg10 : memref<4x128xi32, #tpu.memory_space<vmem>>)
      %dma_start3A_286 = arith.constant 0 : i32
      %dma_start3A_287 = arith.constant 0 : i32
      %dma_start3A_288 = tpu.memref_slice %arg9[%dma_start3A_286, %dma_start3A_287] : memref<4x128xi32, #tpu.memory_space<vmem>> -> memref<1x128xi32, #tpu.memory_space<vmem>>
      %dma_start3A_289 = tpu.memref_squeeze %dma_start3A_288 : memref<1x128xi32, #tpu.memory_space<vmem>> -> memref<128xi32, #tpu.memory_space<vmem>>
      %dma_start3A_290 = arith.constant 0 : i32
      %dma_start3A_291 = arith.constant 0 : i32
      %dma_start3A_292 = tpu.memref_slice %arg2[%dma_start3A_290, %dma_start3A_291] : memref<10240x128xf32, #tpu.memory_space<hbm>> -> memref<10240x128xf32, #tpu.memory_space<hbm>>
      tpu.enqueue_indirect_dma source(%dma_start3A_292 : memref<10240x128xf32, #tpu.memory_space<hbm>>) target(%arg11 : memref<128x128xf32, #tpu.memory_space<vmem>>) offsets(%dma_start3A_289 : memref<128xi32, #tpu.memory_space<vmem>>) semaphore(%arg14 : memref<!tpu.dma_semaphore, #tpu.memory_space<semaphore_mem>>)
      %run_scoped3A_293 = arith.constant 3 : i32
      "tpu.region"() ({
        %run_scoped3A_399 = tpu.sem_alloc : memref<!tpu.dma_semaphore, #tpu.memory_space<semaphore_mem>>
        %dma_start3A_400 = arith.constant 0 : i32
        %dma_start3A_401 = tpu.memref_slice %arg8[%run_scoped3A_293, %dma_start3A_400] : memref<4x128xi32, #tpu.memory_space<vmem>> -> memref<1x128xi32, #tpu.memory_space<vmem>>
        %dma_start3A_402 = tpu.memref_squeeze %dma_start3A_401 : memref<1x128xi32, #tpu.memory_space<vmem>> -> memref<128xi32, #tpu.memory_space<vmem>>
        %dma_start3A_403 = arith.constant 0 : i32
        %dma_start3A_404 = arith.constant 0 : i32
        %dma_start3A_405 = tpu.memref_slice %arg13[%dma_start3A_403, %dma_start3A_404] : memref<10240x128xf32, #tpu.memory_space<vmem_shared>> -> memref<10240x128xf32, #tpu.memory_space<vmem_shared>>
        tpu.enqueue_indirect_dma source(%arg12 : memref<128x128xf32, #tpu.memory_space<vmem>>) target(%dma_start3A_405 : memref<10240x128xf32, #tpu.memory_space<vmem_shared>>) offsets(%dma_start3A_402 : memref<128xi32, #tpu.memory_space<vmem>>) semaphore(%run_scoped3A_399 : memref<!tpu.dma_semaphore, #tpu.memory_space<semaphore_mem>>) {add = true}
        %dma_wait3A_406 = arith.constant 0 : i32
        %dma_wait3A_407 = tpu.memref_slice %arg8[%run_scoped3A_293, %dma_wait3A_406] : memref<4x128xi32, #tpu.memory_space<vmem>> -> memref<1x128xi32, #tpu.memory_space<vmem>>
        %dma_wait3A_408 = tpu.memref_squeeze %dma_wait3A_407 : memref<1x128xi32, #tpu.memory_space<vmem>> -> memref<128xi32, #tpu.memory_space<vmem>>
        %dma_wait3A_409 = arith.constant 0 : i32
        %dma_wait3A_410 = arith.constant 0 : i32
        %dma_wait3A_411 = tpu.memref_slice %arg13[%dma_wait3A_409, %dma_wait3A_410] : memref<10240x128xf32, #tpu.memory_space<vmem_shared>> -> memref<10240x128xf32, #tpu.memory_space<vmem_shared>>
        tpu.wait_indirect_dma semaphore(%run_scoped3A_399 : memref<!tpu.dma_semaphore, #tpu.memory_space<semaphore_mem>>) src(%arg12 : memref<128x128xf32, #tpu.memory_space<vmem>>) dst(%dma_wait3A_411 : memref<10240x128xf32, #tpu.memory_space<vmem_shared>>)
        tpu.yield
      }) : () -> ()
      %dma_wait3A_294 = arith.constant 0 : i32
      %dma_wait3A_295 = arith.constant 0 : i32
      %dma_wait3A_296 = tpu.memref_slice %arg9[%dma_wait3A_294, %dma_wait3A_295] : memref<4x128xi32, #tpu.memory_space<vmem>> -> memref<1x128xi32, #tpu.memory_space<vmem>>
      %dma_wait3A_297 = tpu.memref_squeeze %dma_wait3A_296 : memref<1x128xi32, #tpu.memory_space<vmem>> -> memref<128xi32, #tpu.memory_space<vmem>>
      %dma_wait3A_298 = arith.constant 0 : i32
      %dma_wait3A_299 = arith.constant 0 : i32
      %dma_wait3A_300 = tpu.memref_slice %arg2[%dma_wait3A_298, %dma_wait3A_299] : memref<10240x128xf32, #tpu.memory_space<hbm>> -> memref<10240x128xf32, #tpu.memory_space<hbm>>
      tpu.wait_indirect_dma semaphore(%arg14 : memref<!tpu.dma_semaphore, #tpu.memory_space<semaphore_mem>>) src(%dma_wait3A_300 : memref<10240x128xf32, #tpu.memory_space<hbm>>) dst(%arg11 : memref<128x128xf32, #tpu.memory_space<vmem>>)
      %mul3A_301 = arith.constant 2 : i32
      %mul3A_302 = arith.muli %mul3A_301, %scan3A_204 : i32
      %add3A_303 = arith.constant 1 : i32
      %add3A_304 = arith.addi %mul3A_302, %add3A_303 : i32
      %add3A_305 = arith.constant 1 : i32
      %add3A_306 = arith.addi %add3A_304, %add3A_305 : i32
      %dma_start3A_307 = arith.constant 0 : i32
      %dma_start3A_308 = arith.constant 0 : i32
      %dma_start3A_309 = tpu.memref_slice %arg3[%add3A, %add3A_306, %dma_start3A_307, %dma_start3A_308] : memref<32x20x4x128xi32, #tpu.memory_space<hbm>> -> memref<1x1x4x128xi32, #tpu.memory_space<hbm>>
      %dma_start3A_310 = tpu.memref_squeeze %dma_start3A_309 : memref<1x1x4x128xi32, #tpu.memory_space<hbm>> -> memref<4x128xi32, #tpu.memory_space<hbm>>
      %dma_start3A_311 = arith.constant 0 : i32
      %dma_start3A_312 = arith.constant 0 : i32
      %dma_start3A_313 = tpu.memref_slice %arg3[%add3A, %add3A_306, %dma_start3A_311, %dma_start3A_312] : memref<32x20x4x128xi32, #tpu.memory_space<hbm>> -> memref<1x1x4x128xi32, #tpu.memory_space<hbm>>
      %dma_start3A_314 = tpu.memref_squeeze %dma_start3A_313 : memref<1x1x4x128xi32, #tpu.memory_space<hbm>> -> memref<4x128xi32, #tpu.memory_space<hbm>>
      tpu.enqueue_dma source(%dma_start3A_314 : memref<4x128xi32, #tpu.memory_space<hbm>>) target(%arg7 : memref<4x128xi32, #tpu.memory_space<vmem>>) target_semaphore(%arg16 : memref<!tpu.dma_semaphore, #tpu.memory_space<semaphore_mem>>)
      %dma_start3A_315 = arith.constant 0 : i32
      %dma_start3A_316 = arith.constant 0 : i32
      %dma_start3A_317 = tpu.memref_slice %arg4[%add3A, %add3A_306, %dma_start3A_315, %dma_start3A_316] : memref<32x20x4x128xi32, #tpu.memory_space<hbm>> -> memref<1x1x4x128xi32, #tpu.memory_space<hbm>>
      %dma_start3A_318 = tpu.memref_squeeze %dma_start3A_317 : memref<1x1x4x128xi32, #tpu.memory_space<hbm>> -> memref<4x128xi32, #tpu.memory_space<hbm>>
      %dma_start3A_319 = arith.constant 0 : i32
      %dma_start3A_320 = arith.constant 0 : i32
      %dma_start3A_321 = tpu.memref_slice %arg4[%add3A, %add3A_306, %dma_start3A_319, %dma_start3A_320] : memref<32x20x4x128xi32, #tpu.memory_space<hbm>> -> memref<1x1x4x128xi32, #tpu.memory_space<hbm>>
      %dma_start3A_322 = tpu.memref_squeeze %dma_start3A_321 : memref<1x1x4x128xi32, #tpu.memory_space<hbm>> -> memref<4x128xi32, #tpu.memory_space<hbm>>
      tpu.enqueue_dma source(%dma_start3A_322 : memref<4x128xi32, #tpu.memory_space<hbm>>) target(%arg8 : memref<4x128xi32, #tpu.memory_space<vmem>>) target_semaphore(%arg17 : memref<!tpu.dma_semaphore, #tpu.memory_space<semaphore_mem>>)
      %dma_start3A_323 = arith.constant 1 : i32
      %dma_start3A_324 = arith.constant 0 : i32
      %dma_start3A_325 = tpu.memref_slice %arg9[%dma_start3A_323, %dma_start3A_324] : memref<4x128xi32, #tpu.memory_space<vmem>> -> memref<1x128xi32, #tpu.memory_space<vmem>>
      %dma_start3A_326 = tpu.memref_squeeze %dma_start3A_325 : memref<1x128xi32, #tpu.memory_space<vmem>> -> memref<128xi32, #tpu.memory_space<vmem>>
      %dma_start3A_327 = arith.constant 0 : i32
      %dma_start3A_328 = arith.constant 0 : i32
      %dma_start3A_329 = tpu.memref_slice %arg2[%dma_start3A_327, %dma_start3A_328] : memref<10240x128xf32, #tpu.memory_space<hbm>> -> memref<10240x128xf32, #tpu.memory_space<hbm>>
      tpu.enqueue_indirect_dma source(%dma_start3A_329 : memref<10240x128xf32, #tpu.memory_space<hbm>>) target(%arg12 : memref<128x128xf32, #tpu.memory_space<vmem>>) offsets(%dma_start3A_326 : memref<128xi32, #tpu.memory_space<vmem>>) semaphore(%arg15 : memref<!tpu.dma_semaphore, #tpu.memory_space<semaphore_mem>>)
      %run_scoped3A_330 = arith.constant 0 : i32
      "tpu.region"() ({
        %run_scoped3A_399 = tpu.sem_alloc : memref<!tpu.dma_semaphore, #tpu.memory_space<semaphore_mem>>
        %dma_start3A_400 = arith.constant 0 : i32
        %dma_start3A_401 = tpu.memref_slice %arg10[%run_scoped3A_330, %dma_start3A_400] : memref<4x128xi32, #tpu.memory_space<vmem>> -> memref<1x128xi32, #tpu.memory_space<vmem>>
        %dma_start3A_402 = tpu.memref_squeeze %dma_start3A_401 : memref<1x128xi32, #tpu.memory_space<vmem>> -> memref<128xi32, #tpu.memory_space<vmem>>
        %dma_start3A_403 = arith.constant 0 : i32
        %dma_start3A_404 = arith.constant 0 : i32
        %dma_start3A_405 = tpu.memref_slice %arg13[%dma_start3A_403, %dma_start3A_404] : memref<10240x128xf32, #tpu.memory_space<vmem_shared>> -> memref<10240x128xf32, #tpu.memory_space<vmem_shared>>
        tpu.enqueue_indirect_dma source(%arg11 : memref<128x128xf32, #tpu.memory_space<vmem>>) target(%dma_start3A_405 : memref<10240x128xf32, #tpu.memory_space<vmem_shared>>) offsets(%dma_start3A_402 : memref<128xi32, #tpu.memory_space<vmem>>) semaphore(%run_scoped3A_399 : memref<!tpu.dma_semaphore, #tpu.memory_space<semaphore_mem>>) {add = true}
        %dma_wait3A_406 = arith.constant 0 : i32
        %dma_wait3A_407 = tpu.memref_slice %arg10[%run_scoped3A_330, %dma_wait3A_406] : memref<4x128xi32, #tpu.memory_space<vmem>> -> memref<1x128xi32, #tpu.memory_space<vmem>>
        %dma_wait3A_408 = tpu.memref_squeeze %dma_wait3A_407 : memref<1x128xi32, #tpu.memory_space<vmem>> -> memref<128xi32, #tpu.memory_space<vmem>>
        %dma_wait3A_409 = arith.constant 0 : i32
        %dma_wait3A_410 = arith.constant 0 : i32
        %dma_wait3A_411 = tpu.memref_slice %arg13[%dma_wait3A_409, %dma_wait3A_410] : memref<10240x128xf32, #tpu.memory_space<vmem_shared>> -> memref<10240x128xf32, #tpu.memory_space<vmem_shared>>
        tpu.wait_indirect_dma semaphore(%run_scoped3A_399 : memref<!tpu.dma_semaphore, #tpu.memory_space<semaphore_mem>>) src(%arg11 : memref<128x128xf32, #tpu.memory_space<vmem>>) dst(%dma_wait3A_411 : memref<10240x128xf32, #tpu.memory_space<vmem_shared>>)
        tpu.yield
      }) : () -> ()
      %dma_wait3A_331 = arith.constant 1 : i32
      %dma_wait3A_332 = arith.constant 0 : i32
      %dma_wait3A_333 = tpu.memref_slice %arg9[%dma_wait3A_331, %dma_wait3A_332] : memref<4x128xi32, #tpu.memory_space<vmem>> -> memref<1x128xi32, #tpu.memory_space<vmem>>
      %dma_wait3A_334 = tpu.memref_squeeze %dma_wait3A_333 : memref<1x128xi32, #tpu.memory_space<vmem>> -> memref<128xi32, #tpu.memory_space<vmem>>
      %dma_wait3A_335 = arith.constant 0 : i32
      %dma_wait3A_336 = arith.constant 0 : i32
      %dma_wait3A_337 = tpu.memref_slice %arg2[%dma_wait3A_335, %dma_wait3A_336] : memref<10240x128xf32, #tpu.memory_space<hbm>> -> memref<10240x128xf32, #tpu.memory_space<hbm>>
      tpu.wait_indirect_dma semaphore(%arg15 : memref<!tpu.dma_semaphore, #tpu.memory_space<semaphore_mem>>) src(%dma_wait3A_337 : memref<10240x128xf32, #tpu.memory_space<hbm>>) dst(%arg12 : memref<128x128xf32, #tpu.memory_space<vmem>>)
      %dma_start3A_338 = arith.constant 2 : i32
      %dma_start3A_339 = arith.constant 0 : i32
      %dma_start3A_340 = tpu.memref_slice %arg9[%dma_start3A_338, %dma_start3A_339] : memref<4x128xi32, #tpu.memory_space<vmem>> -> memref<1x128xi32, #tpu.memory_space<vmem>>
      %dma_start3A_341 = tpu.memref_squeeze %dma_start3A_340 : memref<1x128xi32, #tpu.memory_space<vmem>> -> memref<128xi32, #tpu.memory_space<vmem>>
      %dma_start3A_342 = arith.constant 0 : i32
      %dma_start3A_343 = arith.constant 0 : i32
      %dma_start3A_344 = tpu.memref_slice %arg2[%dma_start3A_342, %dma_start3A_343] : memref<10240x128xf32, #tpu.memory_space<hbm>> -> memref<10240x128xf32, #tpu.memory_space<hbm>>
      tpu.enqueue_indirect_dma source(%dma_start3A_344 : memref<10240x128xf32, #tpu.memory_space<hbm>>) target(%arg11 : memref<128x128xf32, #tpu.memory_space<vmem>>) offsets(%dma_start3A_341 : memref<128xi32, #tpu.memory_space<vmem>>) semaphore(%arg14 : memref<!tpu.dma_semaphore, #tpu.memory_space<semaphore_mem>>)
      %run_scoped3A_345 = arith.constant 1 : i32
      "tpu.region"() ({
        %run_scoped3A_399 = tpu.sem_alloc : memref<!tpu.dma_semaphore, #tpu.memory_space<semaphore_mem>>
        %dma_start3A_400 = arith.constant 0 : i32
        %dma_start3A_401 = tpu.memref_slice %arg10[%run_scoped3A_345, %dma_start3A_400] : memref<4x128xi32, #tpu.memory_space<vmem>> -> memref<1x128xi32, #tpu.memory_space<vmem>>
        %dma_start3A_402 = tpu.memref_squeeze %dma_start3A_401 : memref<1x128xi32, #tpu.memory_space<vmem>> -> memref<128xi32, #tpu.memory_space<vmem>>
        %dma_start3A_403 = arith.constant 0 : i32
        %dma_start3A_404 = arith.constant 0 : i32
        %dma_start3A_405 = tpu.memref_slice %arg13[%dma_start3A_403, %dma_start3A_404] : memref<10240x128xf32, #tpu.memory_space<vmem_shared>> -> memref<10240x128xf32, #tpu.memory_space<vmem_shared>>
        tpu.enqueue_indirect_dma source(%arg12 : memref<128x128xf32, #tpu.memory_space<vmem>>) target(%dma_start3A_405 : memref<10240x128xf32, #tpu.memory_space<vmem_shared>>) offsets(%dma_start3A_402 : memref<128xi32, #tpu.memory_space<vmem>>) semaphore(%run_scoped3A_399 : memref<!tpu.dma_semaphore, #tpu.memory_space<semaphore_mem>>) {add = true}
        %dma_wait3A_406 = arith.constant 0 : i32
        %dma_wait3A_407 = tpu.memref_slice %arg10[%run_scoped3A_345, %dma_wait3A_406] : memref<4x128xi32, #tpu.memory_space<vmem>> -> memref<1x128xi32, #tpu.memory_space<vmem>>
        %dma_wait3A_408 = tpu.memref_squeeze %dma_wait3A_407 : memref<1x128xi32, #tpu.memory_space<vmem>> -> memref<128xi32, #tpu.memory_space<vmem>>
        %dma_wait3A_409 = arith.constant 0 : i32
        %dma_wait3A_410 = arith.constant 0 : i32
        %dma_wait3A_411 = tpu.memref_slice %arg13[%dma_wait3A_409, %dma_wait3A_410] : memref<10240x128xf32, #tpu.memory_space<vmem_shared>> -> memref<10240x128xf32, #tpu.memory_space<vmem_shared>>
        tpu.wait_indirect_dma semaphore(%run_scoped3A_399 : memref<!tpu.dma_semaphore, #tpu.memory_space<semaphore_mem>>) src(%arg12 : memref<128x128xf32, #tpu.memory_space<vmem>>) dst(%dma_wait3A_411 : memref<10240x128xf32, #tpu.memory_space<vmem_shared>>)
        tpu.yield
      }) : () -> ()
      %dma_wait3A_346 = arith.constant 2 : i32
      %dma_wait3A_347 = arith.constant 0 : i32
      %dma_wait3A_348 = tpu.memref_slice %arg9[%dma_wait3A_346, %dma_wait3A_347] : memref<4x128xi32, #tpu.memory_space<vmem>> -> memref<1x128xi32, #tpu.memory_space<vmem>>
      %dma_wait3A_349 = tpu.memref_squeeze %dma_wait3A_348 : memref<1x128xi32, #tpu.memory_space<vmem>> -> memref<128xi32, #tpu.memory_space<vmem>>
      %dma_wait3A_350 = arith.constant 0 : i32
      %dma_wait3A_351 = arith.constant 0 : i32
      %dma_wait3A_352 = tpu.memref_slice %arg2[%dma_wait3A_350, %dma_wait3A_351] : memref<10240x128xf32, #tpu.memory_space<hbm>> -> memref<10240x128xf32, #tpu.memory_space<hbm>>
      tpu.wait_indirect_dma semaphore(%arg14 : memref<!tpu.dma_semaphore, #tpu.memory_space<semaphore_mem>>) src(%dma_wait3A_352 : memref<10240x128xf32, #tpu.memory_space<hbm>>) dst(%arg11 : memref<128x128xf32, #tpu.memory_space<vmem>>)
      %dma_start3A_353 = arith.constant 3 : i32
      %dma_start3A_354 = arith.constant 0 : i32
      %dma_start3A_355 = tpu.memref_slice %arg9[%dma_start3A_353, %dma_start3A_354] : memref<4x128xi32, #tpu.memory_space<vmem>> -> memref<1x128xi32, #tpu.memory_space<vmem>>
      %dma_start3A_356 = tpu.memref_squeeze %dma_start3A_355 : memref<1x128xi32, #tpu.memory_space<vmem>> -> memref<128xi32, #tpu.memory_space<vmem>>
      %dma_start3A_357 = arith.constant 0 : i32
      %dma_start3A_358 = arith.constant 0 : i32
      %dma_start3A_359 = tpu.memref_slice %arg2[%dma_start3A_357, %dma_start3A_358] : memref<10240x128xf32, #tpu.memory_space<hbm>> -> memref<10240x128xf32, #tpu.memory_space<hbm>>
      tpu.enqueue_indirect_dma source(%dma_start3A_359 : memref<10240x128xf32, #tpu.memory_space<hbm>>) target(%arg12 : memref<128x128xf32, #tpu.memory_space<vmem>>) offsets(%dma_start3A_356 : memref<128xi32, #tpu.memory_space<vmem>>) semaphore(%arg15 : memref<!tpu.dma_semaphore, #tpu.memory_space<semaphore_mem>>)
      %run_scoped3A_360 = arith.constant 2 : i32
      "tpu.region"() ({
        %run_scoped3A_399 = tpu.sem_alloc : memref<!tpu.dma_semaphore, #tpu.memory_space<semaphore_mem>>
        %dma_start3A_400 = arith.constant 0 : i32
        %dma_start3A_401 = tpu.memref_slice %arg10[%run_scoped3A_360, %dma_start3A_400] : memref<4x128xi32, #tpu.memory_space<vmem>> -> memref<1x128xi32, #tpu.memory_space<vmem>>
        %dma_start3A_402 = tpu.memref_squeeze %dma_start3A_401 : memref<1x128xi32, #tpu.memory_space<vmem>> -> memref<128xi32, #tpu.memory_space<vmem>>
        %dma_start3A_403 = arith.constant 0 : i32
        %dma_start3A_404 = arith.constant 0 : i32
        %dma_start3A_405 = tpu.memref_slice %arg13[%dma_start3A_403, %dma_start3A_404] : memref<10240x128xf32, #tpu.memory_space<vmem_shared>> -> memref<10240x128xf32, #tpu.memory_space<vmem_shared>>
        tpu.enqueue_indirect_dma source(%arg11 : memref<128x128xf32, #tpu.memory_space<vmem>>) target(%dma_start3A_405 : memref<10240x128xf32, #tpu.memory_space<vmem_shared>>) offsets(%dma_start3A_402 : memref<128xi32, #tpu.memory_space<vmem>>) semaphore(%run_scoped3A_399 : memref<!tpu.dma_semaphore, #tpu.memory_space<semaphore_mem>>) {add = true}
        %dma_wait3A_406 = arith.constant 0 : i32
        %dma_wait3A_407 = tpu.memref_slice %arg10[%run_scoped3A_360, %dma_wait3A_406] : memref<4x128xi32, #tpu.memory_space<vmem>> -> memref<1x128xi32, #tpu.memory_space<vmem>>
        %dma_wait3A_408 = tpu.memref_squeeze %dma_wait3A_407 : memref<1x128xi32, #tpu.memory_space<vmem>> -> memref<128xi32, #tpu.memory_space<vmem>>
        %dma_wait3A_409 = arith.constant 0 : i32
        %dma_wait3A_410 = arith.constant 0 : i32
        %dma_wait3A_411 = tpu.memref_slice %arg13[%dma_wait3A_409, %dma_wait3A_410] : memref<10240x128xf32, #tpu.memory_space<vmem_shared>> -> memref<10240x128xf32, #tpu.memory_space<vmem_shared>>
        tpu.wait_indirect_dma semaphore(%run_scoped3A_399 : memref<!tpu.dma_semaphore, #tpu.memory_space<semaphore_mem>>) src(%arg11 : memref<128x128xf32, #tpu.memory_space<vmem>>) dst(%dma_wait3A_411 : memref<10240x128xf32, #tpu.memory_space<vmem_shared>>)
        tpu.yield
      }) : () -> ()
      %dma_wait3A_361 = arith.constant 3 : i32
      %dma_wait3A_362 = arith.constant 0 : i32
      %dma_wait3A_363 = tpu.memref_slice %arg9[%dma_wait3A_361, %dma_wait3A_362] : memref<4x128xi32, #tpu.memory_space<vmem>> -> memref<1x128xi32, #tpu.memory_space<vmem>>
      %dma_wait3A_364 = tpu.memref_squeeze %dma_wait3A_363 : memref<1x128xi32, #tpu.memory_space<vmem>> -> memref<128xi32, #tpu.memory_space<vmem>>
      %dma_wait3A_365 = arith.constant 0 : i32
      %dma_wait3A_366 = arith.constant 0 : i32
      %dma_wait3A_367 = tpu.memref_slice %arg2[%dma_wait3A_365, %dma_wait3A_366] : memref<10240x128xf32, #tpu.memory_space<hbm>> -> memref<10240x128xf32, #tpu.memory_space<hbm>>
      tpu.wait_indirect_dma semaphore(%arg15 : memref<!tpu.dma_semaphore, #tpu.memory_space<semaphore_mem>>) src(%dma_wait3A_367 : memref<10240x128xf32, #tpu.memory_space<hbm>>) dst(%arg12 : memref<128x128xf32, #tpu.memory_space<vmem>>)
      %dma_wait3A_368 = arith.constant 0 : i32
      %dma_wait3A_369 = arith.constant 0 : i32
      %dma_wait3A_370 = tpu.memref_slice %arg3[%add3A, %add3A_306, %dma_wait3A_368, %dma_wait3A_369] : memref<32x20x4x128xi32, #tpu.memory_space<hbm>> -> memref<1x1x4x128xi32, #tpu.memory_space<hbm>>
      %dma_wait3A_371 = tpu.memref_squeeze %dma_wait3A_370 : memref<1x1x4x128xi32, #tpu.memory_space<hbm>> -> memref<4x128xi32, #tpu.memory_space<hbm>>
      %dma_wait3A_372 = arith.constant 0 : i32
      %dma_wait3A_373 = arith.constant 0 : i32
      %dma_wait3A_374 = tpu.memref_slice %arg3[%add3A, %add3A_306, %dma_wait3A_372, %dma_wait3A_373] : memref<32x20x4x128xi32, #tpu.memory_space<hbm>> -> memref<1x1x4x128xi32, #tpu.memory_space<hbm>>
      %dma_wait3A_375 = tpu.memref_squeeze %dma_wait3A_374 : memref<1x1x4x128xi32, #tpu.memory_space<hbm>> -> memref<4x128xi32, #tpu.memory_space<hbm>>
      tpu.wait_dma2 semaphore(%arg16 : memref<!tpu.dma_semaphore, #tpu.memory_space<semaphore_mem>>) src(%dma_wait3A_375 : memref<4x128xi32, #tpu.memory_space<hbm>>) dst(%arg7 : memref<4x128xi32, #tpu.memory_space<vmem>>)
      %dma_wait3A_376 = arith.constant 0 : i32
      %dma_wait3A_377 = arith.constant 0 : i32
      %dma_wait3A_378 = tpu.memref_slice %arg4[%add3A, %add3A_306, %dma_wait3A_376, %dma_wait3A_377] : memref<32x20x4x128xi32, #tpu.memory_space<hbm>> -> memref<1x1x4x128xi32, #tpu.memory_space<hbm>>
      %dma_wait3A_379 = tpu.memref_squeeze %dma_wait3A_378 : memref<1x1x4x128xi32, #tpu.memory_space<hbm>> -> memref<4x128xi32, #tpu.memory_space<hbm>>
      %dma_wait3A_380 = arith.constant 0 : i32
      %dma_wait3A_381 = arith.constant 0 : i32
      %dma_wait3A_382 = tpu.memref_slice %arg4[%add3A, %add3A_306, %dma_wait3A_380, %dma_wait3A_381] : memref<32x20x4x128xi32, #tpu.memory_space<hbm>> -> memref<1x1x4x128xi32, #tpu.memory_space<hbm>>
      %dma_wait3A_383 = tpu.memref_squeeze %dma_wait3A_382 : memref<1x1x4x128xi32, #tpu.memory_space<hbm>> -> memref<4x128xi32, #tpu.memory_space<hbm>>
      tpu.wait_dma2 semaphore(%arg17 : memref<!tpu.dma_semaphore, #tpu.memory_space<semaphore_mem>>) src(%dma_wait3A_383 : memref<4x128xi32, #tpu.memory_space<hbm>>) dst(%arg8 : memref<4x128xi32, #tpu.memory_space<vmem>>)
      %dma_start3A_384 = arith.constant 0 : i32
      %dma_start3A_385 = arith.constant 0 : i32
      %dma_start3A_386 = tpu.memref_slice %arg7[%dma_start3A_384, %dma_start3A_385] : memref<4x128xi32, #tpu.memory_space<vmem>> -> memref<1x128xi32, #tpu.memory_space<vmem>>
      %dma_start3A_387 = tpu.memref_squeeze %dma_start3A_386 : memref<1x128xi32, #tpu.memory_space<vmem>> -> memref<128xi32, #tpu.memory_space<vmem>>
      %dma_start3A_388 = arith.constant 0 : i32
      %dma_start3A_389 = arith.constant 0 : i32
      %dma_start3A_390 = tpu.memref_slice %arg2[%dma_start3A_388, %dma_start3A_389] : memref<10240x128xf32, #tpu.memory_space<hbm>> -> memref<10240x128xf32, #tpu.memory_space<hbm>>
      tpu.enqueue_indirect_dma source(%dma_start3A_390 : memref<10240x128xf32, #tpu.memory_space<hbm>>) target(%arg11 : memref<128x128xf32, #tpu.memory_space<vmem>>) offsets(%dma_start3A_387 : memref<128xi32, #tpu.memory_space<vmem>>) semaphore(%arg14 : memref<!tpu.dma_semaphore, #tpu.memory_space<semaphore_mem>>)
      %run_scoped3A_391 = arith.constant 3 : i32
      "tpu.region"() ({
        %run_scoped3A_399 = tpu.sem_alloc : memref<!tpu.dma_semaphore, #tpu.memory_space<semaphore_mem>>
        %dma_start3A_400 = arith.constant 0 : i32
        %dma_start3A_401 = tpu.memref_slice %arg10[%run_scoped3A_391, %dma_start3A_400] : memref<4x128xi32, #tpu.memory_space<vmem>> -> memref<1x128xi32, #tpu.memory_space<vmem>>
        %dma_start3A_402 = tpu.memref_squeeze %dma_start3A_401 : memref<1x128xi32, #tpu.memory_space<vmem>> -> memref<128xi32, #tpu.memory_space<vmem>>
        %dma_start3A_403 = arith.constant 0 : i32
        %dma_start3A_404 = arith.constant 0 : i32
        %dma_start3A_405 = tpu.memref_slice %arg13[%dma_start3A_403, %dma_start3A_404] : memref<10240x128xf32, #tpu.memory_space<vmem_shared>> -> memref<10240x128xf32, #tpu.memory_space<vmem_shared>>
        tpu.enqueue_indirect_dma source(%arg12 : memref<128x128xf32, #tpu.memory_space<vmem>>) target(%dma_start3A_405 : memref<10240x128xf32, #tpu.memory_space<vmem_shared>>) offsets(%dma_start3A_402 : memref<128xi32, #tpu.memory_space<vmem>>) semaphore(%run_scoped3A_399 : memref<!tpu.dma_semaphore, #tpu.memory_space<semaphore_mem>>) {add = true}
        %dma_wait3A_406 = arith.constant 0 : i32
        %dma_wait3A_407 = tpu.memref_slice %arg10[%run_scoped3A_391, %dma_wait3A_406] : memref<4x128xi32, #tpu.memory_space<vmem>> -> memref<1x128xi32, #tpu.memory_space<vmem>>
        %dma_wait3A_408 = tpu.memref_squeeze %dma_wait3A_407 : memref<1x128xi32, #tpu.memory_space<vmem>> -> memref<128xi32, #tpu.memory_space<vmem>>
        %dma_wait3A_409 = arith.constant 0 : i32
        %dma_wait3A_410 = arith.constant 0 : i32
        %dma_wait3A_411 = tpu.memref_slice %arg13[%dma_wait3A_409, %dma_wait3A_410] : memref<10240x128xf32, #tpu.memory_space<vmem_shared>> -> memref<10240x128xf32, #tpu.memory_space<vmem_shared>>
        tpu.wait_indirect_dma semaphore(%run_scoped3A_399 : memref<!tpu.dma_semaphore, #tpu.memory_space<semaphore_mem>>) src(%arg12 : memref<128x128xf32, #tpu.memory_space<vmem>>) dst(%dma_wait3A_411 : memref<10240x128xf32, #tpu.memory_space<vmem_shared>>)
        tpu.yield
      }) : () -> ()
      %dma_wait3A_392 = arith.constant 0 : i32
      %dma_wait3A_393 = arith.constant 0 : i32
      %dma_wait3A_394 = tpu.memref_slice %arg7[%dma_wait3A_392, %dma_wait3A_393] : memref<4x128xi32, #tpu.memory_space<vmem>> -> memref<1x128xi32, #tpu.memory_space<vmem>>
      %dma_wait3A_395 = tpu.memref_squeeze %dma_wait3A_394 : memref<1x128xi32, #tpu.memory_space<vmem>> -> memref<128xi32, #tpu.memory_space<vmem>>
      %dma_wait3A_396 = arith.constant 0 : i32
      %dma_wait3A_397 = arith.constant 0 : i32
      %dma_wait3A_398 = tpu.memref_slice %arg2[%dma_wait3A_396, %dma_wait3A_397] : memref<10240x128xf32, #tpu.memory_space<hbm>> -> memref<10240x128xf32, #tpu.memory_space<hbm>>
      tpu.wait_indirect_dma semaphore(%arg14 : memref<!tpu.dma_semaphore, #tpu.memory_space<semaphore_mem>>) src(%dma_wait3A_398 : memref<10240x128xf32, #tpu.memory_space<hbm>>) dst(%arg11 : memref<128x128xf32, #tpu.memory_space<vmem>>)
    }
    %scan3A_57 = arith.constant 9 : i32
    %dma_start3A_58 = arith.constant 19 : i32
    %dma_start3A_59 = arith.constant 0 : i32
    %dma_start3A_60 = arith.constant 0 : i32
    %dma_start3A_61 = tpu.memref_slice %arg3[%add3A, %dma_start3A_58, %dma_start3A_59, %dma_start3A_60] : memref<32x20x4x128xi32, #tpu.memory_space<hbm>> -> memref<1x1x4x128xi32, #tpu.memory_space<hbm>>
    %dma_start3A_62 = tpu.memref_squeeze %dma_start3A_61 : memref<1x1x4x128xi32, #tpu.memory_space<hbm>> -> memref<4x128xi32, #tpu.memory_space<hbm>>
    %dma_start3A_63 = arith.constant 0 : i32
    %dma_start3A_64 = arith.constant 0 : i32
    %dma_start3A_65 = tpu.memref_slice %arg3[%add3A, %dma_start3A_58, %dma_start3A_63, %dma_start3A_64] : memref<32x20x4x128xi32, #tpu.memory_space<hbm>> -> memref<1x1x4x128xi32, #tpu.memory_space<hbm>>
    %dma_start3A_66 = tpu.memref_squeeze %dma_start3A_65 : memref<1x1x4x128xi32, #tpu.memory_space<hbm>> -> memref<4x128xi32, #tpu.memory_space<hbm>>
    tpu.enqueue_dma source(%dma_start3A_66 : memref<4x128xi32, #tpu.memory_space<hbm>>) target(%arg9 : memref<4x128xi32, #tpu.memory_space<vmem>>) target_semaphore(%arg16 : memref<!tpu.dma_semaphore, #tpu.memory_space<semaphore_mem>>)
    %dma_start3A_67 = arith.constant 19 : i32
    %dma_start3A_68 = arith.constant 0 : i32
    %dma_start3A_69 = arith.constant 0 : i32
    %dma_start3A_70 = tpu.memref_slice %arg4[%add3A, %dma_start3A_67, %dma_start3A_68, %dma_start3A_69] : memref<32x20x4x128xi32, #tpu.memory_space<hbm>> -> memref<1x1x4x128xi32, #tpu.memory_space<hbm>>
    %dma_start3A_71 = tpu.memref_squeeze %dma_start3A_70 : memref<1x1x4x128xi32, #tpu.memory_space<hbm>> -> memref<4x128xi32, #tpu.memory_space<hbm>>
    %dma_start3A_72 = arith.constant 0 : i32
    %dma_start3A_73 = arith.constant 0 : i32
    %dma_start3A_74 = tpu.memref_slice %arg4[%add3A, %dma_start3A_67, %dma_start3A_72, %dma_start3A_73] : memref<32x20x4x128xi32, #tpu.memory_space<hbm>> -> memref<1x1x4x128xi32, #tpu.memory_space<hbm>>
    %dma_start3A_75 = tpu.memref_squeeze %dma_start3A_74 : memref<1x1x4x128xi32, #tpu.memory_space<hbm>> -> memref<4x128xi32, #tpu.memory_space<hbm>>
    tpu.enqueue_dma source(%dma_start3A_75 : memref<4x128xi32, #tpu.memory_space<hbm>>) target(%arg10 : memref<4x128xi32, #tpu.memory_space<vmem>>) target_semaphore(%arg17 : memref<!tpu.dma_semaphore, #tpu.memory_space<semaphore_mem>>)
    %dma_start3A_76 = arith.constant 1 : i32
    %dma_start3A_77 = arith.constant 0 : i32
    %dma_start3A_78 = tpu.memref_slice %arg7[%dma_start3A_76, %dma_start3A_77] : memref<4x128xi32, #tpu.memory_space<vmem>> -> memref<1x128xi32, #tpu.memory_space<vmem>>
    %dma_start3A_79 = tpu.memref_squeeze %dma_start3A_78 : memref<1x128xi32, #tpu.memory_space<vmem>> -> memref<128xi32, #tpu.memory_space<vmem>>
    %dma_start3A_80 = arith.constant 0 : i32
    %dma_start3A_81 = arith.constant 0 : i32
    %dma_start3A_82 = tpu.memref_slice %arg2[%dma_start3A_80, %dma_start3A_81] : memref<10240x128xf32, #tpu.memory_space<hbm>> -> memref<10240x128xf32, #tpu.memory_space<hbm>>
    tpu.enqueue_indirect_dma source(%dma_start3A_82 : memref<10240x128xf32, #tpu.memory_space<hbm>>) target(%arg12 : memref<128x128xf32, #tpu.memory_space<vmem>>) offsets(%dma_start3A_79 : memref<128xi32, #tpu.memory_space<vmem>>) semaphore(%arg15 : memref<!tpu.dma_semaphore, #tpu.memory_space<semaphore_mem>>)
    %run_scoped3A = arith.constant 0 : i32
    "tpu.region"() ({
      %run_scoped3A_204 = tpu.sem_alloc : memref<!tpu.dma_semaphore, #tpu.memory_space<semaphore_mem>>
      %dma_start3A_205 = arith.constant 0 : i32
      %dma_start3A_206 = tpu.memref_slice %arg8[%run_scoped3A, %dma_start3A_205] : memref<4x128xi32, #tpu.memory_space<vmem>> -> memref<1x128xi32, #tpu.memory_space<vmem>>
      %dma_start3A_207 = tpu.memref_squeeze %dma_start3A_206 : memref<1x128xi32, #tpu.memory_space<vmem>> -> memref<128xi32, #tpu.memory_space<vmem>>
      %dma_start3A_208 = arith.constant 0 : i32
      %dma_start3A_209 = arith.constant 0 : i32
      %dma_start3A_210 = tpu.memref_slice %arg13[%dma_start3A_208, %dma_start3A_209] : memref<10240x128xf32, #tpu.memory_space<vmem_shared>> -> memref<10240x128xf32, #tpu.memory_space<vmem_shared>>
      tpu.enqueue_indirect_dma source(%arg11 : memref<128x128xf32, #tpu.memory_space<vmem>>) target(%dma_start3A_210 : memref<10240x128xf32, #tpu.memory_space<vmem_shared>>) offsets(%dma_start3A_207 : memref<128xi32, #tpu.memory_space<vmem>>) semaphore(%run_scoped3A_204 : memref<!tpu.dma_semaphore, #tpu.memory_space<semaphore_mem>>) {add = true}
      %dma_wait3A_211 = arith.constant 0 : i32
      %dma_wait3A_212 = tpu.memref_slice %arg8[%run_scoped3A, %dma_wait3A_211] : memref<4x128xi32, #tpu.memory_space<vmem>> -> memref<1x128xi32, #tpu.memory_space<vmem>>
      %dma_wait3A_213 = tpu.memref_squeeze %dma_wait3A_212 : memref<1x128xi32, #tpu.memory_space<vmem>> -> memref<128xi32, #tpu.memory_space<vmem>>
      %dma_wait3A_214 = arith.constant 0 : i32
      %dma_wait3A_215 = arith.constant 0 : i32
      %dma_wait3A_216 = tpu.memref_slice %arg13[%dma_wait3A_214, %dma_wait3A_215] : memref<10240x128xf32, #tpu.memory_space<vmem_shared>> -> memref<10240x128xf32, #tpu.memory_space<vmem_shared>>
      tpu.wait_indirect_dma semaphore(%run_scoped3A_204 : memref<!tpu.dma_semaphore, #tpu.memory_space<semaphore_mem>>) src(%arg11 : memref<128x128xf32, #tpu.memory_space<vmem>>) dst(%dma_wait3A_216 : memref<10240x128xf32, #tpu.memory_space<vmem_shared>>)
      tpu.yield
    }) : () -> ()
    %dma_wait3A_83 = arith.constant 1 : i32
    %dma_wait3A_84 = arith.constant 0 : i32
    %dma_wait3A_85 = tpu.memref_slice %arg7[%dma_wait3A_83, %dma_wait3A_84] : memref<4x128xi32, #tpu.memory_space<vmem>> -> memref<1x128xi32, #tpu.memory_space<vmem>>
    %dma_wait3A_86 = tpu.memref_squeeze %dma_wait3A_85 : memref<1x128xi32, #tpu.memory_space<vmem>> -> memref<128xi32, #tpu.memory_space<vmem>>
    %dma_wait3A_87 = arith.constant 0 : i32
    %dma_wait3A_88 = arith.constant 0 : i32
    %dma_wait3A_89 = tpu.memref_slice %arg2[%dma_wait3A_87, %dma_wait3A_88] : memref<10240x128xf32, #tpu.memory_space<hbm>> -> memref<10240x128xf32, #tpu.memory_space<hbm>>
    tpu.wait_indirect_dma semaphore(%arg15 : memref<!tpu.dma_semaphore, #tpu.memory_space<semaphore_mem>>) src(%dma_wait3A_89 : memref<10240x128xf32, #tpu.memory_space<hbm>>) dst(%arg12 : memref<128x128xf32, #tpu.memory_space<vmem>>)
    %dma_start3A_90 = arith.constant 2 : i32
    %dma_start3A_91 = arith.constant 0 : i32
    %dma_start3A_92 = tpu.memref_slice %arg7[%dma_start3A_90, %dma_start3A_91] : memref<4x128xi32, #tpu.memory_space<vmem>> -> memref<1x128xi32, #tpu.memory_space<vmem>>
    %dma_start3A_93 = tpu.memref_squeeze %dma_start3A_92 : memref<1x128xi32, #tpu.memory_space<vmem>> -> memref<128xi32, #tpu.memory_space<vmem>>
    %dma_start3A_94 = arith.constant 0 : i32
    %dma_start3A_95 = arith.constant 0 : i32
    %dma_start3A_96 = tpu.memref_slice %arg2[%dma_start3A_94, %dma_start3A_95] : memref<10240x128xf32, #tpu.memory_space<hbm>> -> memref<10240x128xf32, #tpu.memory_space<hbm>>
    tpu.enqueue_indirect_dma source(%dma_start3A_96 : memref<10240x128xf32, #tpu.memory_space<hbm>>) target(%arg11 : memref<128x128xf32, #tpu.memory_space<vmem>>) offsets(%dma_start3A_93 : memref<128xi32, #tpu.memory_space<vmem>>) semaphore(%arg14 : memref<!tpu.dma_semaphore, #tpu.memory_space<semaphore_mem>>)
    %run_scoped3A_97 = arith.constant 1 : i32
    "tpu.region"() ({
      %run_scoped3A_204 = tpu.sem_alloc : memref<!tpu.dma_semaphore, #tpu.memory_space<semaphore_mem>>
      %dma_start3A_205 = arith.constant 0 : i32
      %dma_start3A_206 = tpu.memref_slice %arg8[%run_scoped3A_97, %dma_start3A_205] : memref<4x128xi32, #tpu.memory_space<vmem>> -> memref<1x128xi32, #tpu.memory_space<vmem>>
      %dma_start3A_207 = tpu.memref_squeeze %dma_start3A_206 : memref<1x128xi32, #tpu.memory_space<vmem>> -> memref<128xi32, #tpu.memory_space<vmem>>
      %dma_start3A_208 = arith.constant 0 : i32
      %dma_start3A_209 = arith.constant 0 : i32
      %dma_start3A_210 = tpu.memref_slice %arg13[%dma_start3A_208, %dma_start3A_209] : memref<10240x128xf32, #tpu.memory_space<vmem_shared>> -> memref<10240x128xf32, #tpu.memory_space<vmem_shared>>
      tpu.enqueue_indirect_dma source(%arg12 : memref<128x128xf32, #tpu.memory_space<vmem>>) target(%dma_start3A_210 : memref<10240x128xf32, #tpu.memory_space<vmem_shared>>) offsets(%dma_start3A_207 : memref<128xi32, #tpu.memory_space<vmem>>) semaphore(%run_scoped3A_204 : memref<!tpu.dma_semaphore, #tpu.memory_space<semaphore_mem>>) {add = true}
      %dma_wait3A_211 = arith.constant 0 : i32
      %dma_wait3A_212 = tpu.memref_slice %arg8[%run_scoped3A_97, %dma_wait3A_211] : memref<4x128xi32, #tpu.memory_space<vmem>> -> memref<1x128xi32, #tpu.memory_space<vmem>>
      %dma_wait3A_213 = tpu.memref_squeeze %dma_wait3A_212 : memref<1x128xi32, #tpu.memory_space<vmem>> -> memref<128xi32, #tpu.memory_space<vmem>>
      %dma_wait3A_214 = arith.constant 0 : i32
      %dma_wait3A_215 = arith.constant 0 : i32
      %dma_wait3A_216 = tpu.memref_slice %arg13[%dma_wait3A_214, %dma_wait3A_215] : memref<10240x128xf32, #tpu.memory_space<vmem_shared>> -> memref<10240x128xf32, #tpu.memory_space<vmem_shared>>
      tpu.wait_indirect_dma semaphore(%run_scoped3A_204 : memref<!tpu.dma_semaphore, #tpu.memory_space<semaphore_mem>>) src(%arg12 : memref<128x128xf32, #tpu.memory_space<vmem>>) dst(%dma_wait3A_216 : memref<10240x128xf32, #tpu.memory_space<vmem_shared>>)
      tpu.yield
    }) : () -> ()
    %dma_wait3A_98 = arith.constant 2 : i32
    %dma_wait3A_99 = arith.constant 0 : i32
    %dma_wait3A_100 = tpu.memref_slice %arg7[%dma_wait3A_98, %dma_wait3A_99] : memref<4x128xi32, #tpu.memory_space<vmem>> -> memref<1x128xi32, #tpu.memory_space<vmem>>
    %dma_wait3A_101 = tpu.memref_squeeze %dma_wait3A_100 : memref<1x128xi32, #tpu.memory_space<vmem>> -> memref<128xi32, #tpu.memory_space<vmem>>
    %dma_wait3A_102 = arith.constant 0 : i32
    %dma_wait3A_103 = arith.constant 0 : i32
    %dma_wait3A_104 = tpu.memref_slice %arg2[%dma_wait3A_102, %dma_wait3A_103] : memref<10240x128xf32, #tpu.memory_space<hbm>> -> memref<10240x128xf32, #tpu.memory_space<hbm>>
    tpu.wait_indirect_dma semaphore(%arg14 : memref<!tpu.dma_semaphore, #tpu.memory_space<semaphore_mem>>) src(%dma_wait3A_104 : memref<10240x128xf32, #tpu.memory_space<hbm>>) dst(%arg11 : memref<128x128xf32, #tpu.memory_space<vmem>>)
    %dma_start3A_105 = arith.constant 3 : i32
    %dma_start3A_106 = arith.constant 0 : i32
    %dma_start3A_107 = tpu.memref_slice %arg7[%dma_start3A_105, %dma_start3A_106] : memref<4x128xi32, #tpu.memory_space<vmem>> -> memref<1x128xi32, #tpu.memory_space<vmem>>
    %dma_start3A_108 = tpu.memref_squeeze %dma_start3A_107 : memref<1x128xi32, #tpu.memory_space<vmem>> -> memref<128xi32, #tpu.memory_space<vmem>>
    %dma_start3A_109 = arith.constant 0 : i32
    %dma_start3A_110 = arith.constant 0 : i32
    %dma_start3A_111 = tpu.memref_slice %arg2[%dma_start3A_109, %dma_start3A_110] : memref<10240x128xf32, #tpu.memory_space<hbm>> -> memref<10240x128xf32, #tpu.memory_space<hbm>>
    tpu.enqueue_indirect_dma source(%dma_start3A_111 : memref<10240x128xf32, #tpu.memory_space<hbm>>) target(%arg12 : memref<128x128xf32, #tpu.memory_space<vmem>>) offsets(%dma_start3A_108 : memref<128xi32, #tpu.memory_space<vmem>>) semaphore(%arg15 : memref<!tpu.dma_semaphore, #tpu.memory_space<semaphore_mem>>)
    %run_scoped3A_112 = arith.constant 2 : i32
    "tpu.region"() ({
      %run_scoped3A_204 = tpu.sem_alloc : memref<!tpu.dma_semaphore, #tpu.memory_space<semaphore_mem>>
      %dma_start3A_205 = arith.constant 0 : i32
      %dma_start3A_206 = tpu.memref_slice %arg8[%run_scoped3A_112, %dma_start3A_205] : memref<4x128xi32, #tpu.memory_space<vmem>> -> memref<1x128xi32, #tpu.memory_space<vmem>>
      %dma_start3A_207 = tpu.memref_squeeze %dma_start3A_206 : memref<1x128xi32, #tpu.memory_space<vmem>> -> memref<128xi32, #tpu.memory_space<vmem>>
      %dma_start3A_208 = arith.constant 0 : i32
      %dma_start3A_209 = arith.constant 0 : i32
      %dma_start3A_210 = tpu.memref_slice %arg13[%dma_start3A_208, %dma_start3A_209] : memref<10240x128xf32, #tpu.memory_space<vmem_shared>> -> memref<10240x128xf32, #tpu.memory_space<vmem_shared>>
      tpu.enqueue_indirect_dma source(%arg11 : memref<128x128xf32, #tpu.memory_space<vmem>>) target(%dma_start3A_210 : memref<10240x128xf32, #tpu.memory_space<vmem_shared>>) offsets(%dma_start3A_207 : memref<128xi32, #tpu.memory_space<vmem>>) semaphore(%run_scoped3A_204 : memref<!tpu.dma_semaphore, #tpu.memory_space<semaphore_mem>>) {add = true}
      %dma_wait3A_211 = arith.constant 0 : i32
      %dma_wait3A_212 = tpu.memref_slice %arg8[%run_scoped3A_112, %dma_wait3A_211] : memref<4x128xi32, #tpu.memory_space<vmem>> -> memref<1x128xi32, #tpu.memory_space<vmem>>
      %dma_wait3A_213 = tpu.memref_squeeze %dma_wait3A_212 : memref<1x128xi32, #tpu.memory_space<vmem>> -> memref<128xi32, #tpu.memory_space<vmem>>
      %dma_wait3A_214 = arith.constant 0 : i32
      %dma_wait3A_215 = arith.constant 0 : i32
      %dma_wait3A_216 = tpu.memref_slice %arg13[%dma_wait3A_214, %dma_wait3A_215] : memref<10240x128xf32, #tpu.memory_space<vmem_shared>> -> memref<10240x128xf32, #tpu.memory_space<vmem_shared>>
      tpu.wait_indirect_dma semaphore(%run_scoped3A_204 : memref<!tpu.dma_semaphore, #tpu.memory_space<semaphore_mem>>) src(%arg11 : memref<128x128xf32, #tpu.memory_space<vmem>>) dst(%dma_wait3A_216 : memref<10240x128xf32, #tpu.memory_space<vmem_shared>>)
      tpu.yield
    }) : () -> ()
    %dma_wait3A_113 = arith.constant 3 : i32
    %dma_wait3A_114 = arith.constant 0 : i32
    %dma_wait3A_115 = tpu.memref_slice %arg7[%dma_wait3A_113, %dma_wait3A_114] : memref<4x128xi32, #tpu.memory_space<vmem>> -> memref<1x128xi32, #tpu.memory_space<vmem>>
    %dma_wait3A_116 = tpu.memref_squeeze %dma_wait3A_115 : memref<1x128xi32, #tpu.memory_space<vmem>> -> memref<128xi32, #tpu.memory_space<vmem>>
    %dma_wait3A_117 = arith.constant 0 : i32
    %dma_wait3A_118 = arith.constant 0 : i32
    %dma_wait3A_119 = tpu.memref_slice %arg2[%dma_wait3A_117, %dma_wait3A_118] : memref<10240x128xf32, #tpu.memory_space<hbm>> -> memref<10240x128xf32, #tpu.memory_space<hbm>>
    tpu.wait_indirect_dma semaphore(%arg15 : memref<!tpu.dma_semaphore, #tpu.memory_space<semaphore_mem>>) src(%dma_wait3A_119 : memref<10240x128xf32, #tpu.memory_space<hbm>>) dst(%arg12 : memref<128x128xf32, #tpu.memory_space<vmem>>)
    %dma_wait3A_120 = arith.constant 19 : i32
    %dma_wait3A_121 = arith.constant 0 : i32
    %dma_wait3A_122 = arith.constant 0 : i32
    %dma_wait3A_123 = tpu.memref_slice %arg3[%add3A, %dma_wait3A_120, %dma_wait3A_121, %dma_wait3A_122] : memref<32x20x4x128xi32, #tpu.memory_space<hbm>> -> memref<1x1x4x128xi32, #tpu.memory_space<hbm>>
    %dma_wait3A_124 = tpu.memref_squeeze %dma_wait3A_123 : memref<1x1x4x128xi32, #tpu.memory_space<hbm>> -> memref<4x128xi32, #tpu.memory_space<hbm>>
    %dma_wait3A_125 = arith.constant 0 : i32
    %dma_wait3A_126 = arith.constant 0 : i32
    %dma_wait3A_127 = tpu.memref_slice %arg3[%add3A, %dma_wait3A_120, %dma_wait3A_125, %dma_wait3A_126] : memref<32x20x4x128xi32, #tpu.memory_space<hbm>> -> memref<1x1x4x128xi32, #tpu.memory_space<hbm>>
    %dma_wait3A_128 = tpu.memref_squeeze %dma_wait3A_127 : memref<1x1x4x128xi32, #tpu.memory_space<hbm>> -> memref<4x128xi32, #tpu.memory_space<hbm>>
    tpu.wait_dma2 semaphore(%arg16 : memref<!tpu.dma_semaphore, #tpu.memory_space<semaphore_mem>>) src(%dma_wait3A_128 : memref<4x128xi32, #tpu.memory_space<hbm>>) dst(%arg9 : memref<4x128xi32, #tpu.memory_space<vmem>>)
    %dma_wait3A_129 = arith.constant 19 : i32
    %dma_wait3A_130 = arith.constant 0 : i32
    %dma_wait3A_131 = arith.constant 0 : i32
    %dma_wait3A_132 = tpu.memref_slice %arg4[%add3A, %dma_wait3A_129, %dma_wait3A_130, %dma_wait3A_131] : memref<32x20x4x128xi32, #tpu.memory_space<hbm>> -> memref<1x1x4x128xi32, #tpu.memory_space<hbm>>
    %dma_wait3A_133 = tpu.memref_squeeze %dma_wait3A_132 : memref<1x1x4x128xi32, #tpu.memory_space<hbm>> -> memref<4x128xi32, #tpu.memory_space<hbm>>
    %dma_wait3A_134 = arith.constant 0 : i32
    %dma_wait3A_135 = arith.constant 0 : i32
    %dma_wait3A_136 = tpu.memref_slice %arg4[%add3A, %dma_wait3A_129, %dma_wait3A_134, %dma_wait3A_135] : memref<32x20x4x128xi32, #tpu.memory_space<hbm>> -> memref<1x1x4x128xi32, #tpu.memory_space<hbm>>
    %dma_wait3A_137 = tpu.memref_squeeze %dma_wait3A_136 : memref<1x1x4x128xi32, #tpu.memory_space<hbm>> -> memref<4x128xi32, #tpu.memory_space<hbm>>
    tpu.wait_dma2 semaphore(%arg17 : memref<!tpu.dma_semaphore, #tpu.memory_space<semaphore_mem>>) src(%dma_wait3A_137 : memref<4x128xi32, #tpu.memory_space<hbm>>) dst(%arg10 : memref<4x128xi32, #tpu.memory_space<vmem>>)
    %dma_start3A_138 = arith.constant 0 : i32
    %dma_start3A_139 = arith.constant 0 : i32
    %dma_start3A_140 = tpu.memref_slice %arg9[%dma_start3A_138, %dma_start3A_139] : memref<4x128xi32, #tpu.memory_space<vmem>> -> memref<1x128xi32, #tpu.memory_space<vmem>>
    %dma_start3A_141 = tpu.memref_squeeze %dma_start3A_140 : memref<1x128xi32, #tpu.memory_space<vmem>> -> memref<128xi32, #tpu.memory_space<vmem>>
    %dma_start3A_142 = arith.constant 0 : i32
    %dma_start3A_143 = arith.constant 0 : i32
    %dma_start3A_144 = tpu.memref_slice %arg2[%dma_start3A_142, %dma_start3A_143] : memref<10240x128xf32, #tpu.memory_space<hbm>> -> memref<10240x128xf32, #tpu.memory_space<hbm>>
    tpu.enqueue_indirect_dma source(%dma_start3A_144 : memref<10240x128xf32, #tpu.memory_space<hbm>>) target(%arg11 : memref<128x128xf32, #tpu.memory_space<vmem>>) offsets(%dma_start3A_141 : memref<128xi32, #tpu.memory_space<vmem>>) semaphore(%arg14 : memref<!tpu.dma_semaphore, #tpu.memory_space<semaphore_mem>>)
    %run_scoped3A_145 = arith.constant 3 : i32
    "tpu.region"() ({
      %run_scoped3A_204 = tpu.sem_alloc : memref<!tpu.dma_semaphore, #tpu.memory_space<semaphore_mem>>
      %dma_start3A_205 = arith.constant 0 : i32
      %dma_start3A_206 = tpu.memref_slice %arg8[%run_scoped3A_145, %dma_start3A_205] : memref<4x128xi32, #tpu.memory_space<vmem>> -> memref<1x128xi32, #tpu.memory_space<vmem>>
      %dma_start3A_207 = tpu.memref_squeeze %dma_start3A_206 : memref<1x128xi32, #tpu.memory_space<vmem>> -> memref<128xi32, #tpu.memory_space<vmem>>
      %dma_start3A_208 = arith.constant 0 : i32
      %dma_start3A_209 = arith.constant 0 : i32
      %dma_start3A_210 = tpu.memref_slice %arg13[%dma_start3A_208, %dma_start3A_209] : memref<10240x128xf32, #tpu.memory_space<vmem_shared>> -> memref<10240x128xf32, #tpu.memory_space<vmem_shared>>
      tpu.enqueue_indirect_dma source(%arg12 : memref<128x128xf32, #tpu.memory_space<vmem>>) target(%dma_start3A_210 : memref<10240x128xf32, #tpu.memory_space<vmem_shared>>) offsets(%dma_start3A_207 : memref<128xi32, #tpu.memory_space<vmem>>) semaphore(%run_scoped3A_204 : memref<!tpu.dma_semaphore, #tpu.memory_space<semaphore_mem>>) {add = true}
      %dma_wait3A_211 = arith.constant 0 : i32
      %dma_wait3A_212 = tpu.memref_slice %arg8[%run_scoped3A_145, %dma_wait3A_211] : memref<4x128xi32, #tpu.memory_space<vmem>> -> memref<1x128xi32, #tpu.memory_space<vmem>>
      %dma_wait3A_213 = tpu.memref_squeeze %dma_wait3A_212 : memref<1x128xi32, #tpu.memory_space<vmem>> -> memref<128xi32, #tpu.memory_space<vmem>>
      %dma_wait3A_214 = arith.constant 0 : i32
      %dma_wait3A_215 = arith.constant 0 : i32
      %dma_wait3A_216 = tpu.memref_slice %arg13[%dma_wait3A_214, %dma_wait3A_215] : memref<10240x128xf32, #tpu.memory_space<vmem_shared>> -> memref<10240x128xf32, #tpu.memory_space<vmem_shared>>
      tpu.wait_indirect_dma semaphore(%run_scoped3A_204 : memref<!tpu.dma_semaphore, #tpu.memory_space<semaphore_mem>>) src(%arg12 : memref<128x128xf32, #tpu.memory_space<vmem>>) dst(%dma_wait3A_216 : memref<10240x128xf32, #tpu.memory_space<vmem_shared>>)
      tpu.yield
    }) : () -> ()
    %dma_wait3A_146 = arith.constant 0 : i32
    %dma_wait3A_147 = arith.constant 0 : i32
    %dma_wait3A_148 = tpu.memref_slice %arg9[%dma_wait3A_146, %dma_wait3A_147] : memref<4x128xi32, #tpu.memory_space<vmem>> -> memref<1x128xi32, #tpu.memory_space<vmem>>
    %dma_wait3A_149 = tpu.memref_squeeze %dma_wait3A_148 : memref<1x128xi32, #tpu.memory_space<vmem>> -> memref<128xi32, #tpu.memory_space<vmem>>
    %dma_wait3A_150 = arith.constant 0 : i32
    %dma_wait3A_151 = arith.constant 0 : i32
    %dma_wait3A_152 = tpu.memref_slice %arg2[%dma_wait3A_150, %dma_wait3A_151] : memref<10240x128xf32, #tpu.memory_space<hbm>> -> memref<10240x128xf32, #tpu.memory_space<hbm>>
    tpu.wait_indirect_dma semaphore(%arg14 : memref<!tpu.dma_semaphore, #tpu.memory_space<semaphore_mem>>) src(%dma_wait3A_152 : memref<10240x128xf32, #tpu.memory_space<hbm>>) dst(%arg11 : memref<128x128xf32, #tpu.memory_space<vmem>>)
    %dma_start3A_153 = arith.constant 1 : i32
    %dma_start3A_154 = arith.constant 0 : i32
    %dma_start3A_155 = tpu.memref_slice %arg9[%dma_start3A_153, %dma_start3A_154] : memref<4x128xi32, #tpu.memory_space<vmem>> -> memref<1x128xi32, #tpu.memory_space<vmem>>
    %dma_start3A_156 = tpu.memref_squeeze %dma_start3A_155 : memref<1x128xi32, #tpu.memory_space<vmem>> -> memref<128xi32, #tpu.memory_space<vmem>>
    %dma_start3A_157 = arith.constant 0 : i32
    %dma_start3A_158 = arith.constant 0 : i32
    %dma_start3A_159 = tpu.memref_slice %arg2[%dma_start3A_157, %dma_start3A_158] : memref<10240x128xf32, #tpu.memory_space<hbm>> -> memref<10240x128xf32, #tpu.memory_space<hbm>>
    tpu.enqueue_indirect_dma source(%dma_start3A_159 : memref<10240x128xf32, #tpu.memory_space<hbm>>) target(%arg12 : memref<128x128xf32, #tpu.memory_space<vmem>>) offsets(%dma_start3A_156 : memref<128xi32, #tpu.memory_space<vmem>>) semaphore(%arg15 : memref<!tpu.dma_semaphore, #tpu.memory_space<semaphore_mem>>)
    %run_scoped3A_160 = arith.constant 0 : i32
    "tpu.region"() ({
      %run_scoped3A_204 = tpu.sem_alloc : memref<!tpu.dma_semaphore, #tpu.memory_space<semaphore_mem>>
      %dma_start3A_205 = arith.constant 0 : i32
      %dma_start3A_206 = tpu.memref_slice %arg10[%run_scoped3A_160, %dma_start3A_205] : memref<4x128xi32, #tpu.memory_space<vmem>> -> memref<1x128xi32, #tpu.memory_space<vmem>>
      %dma_start3A_207 = tpu.memref_squeeze %dma_start3A_206 : memref<1x128xi32, #tpu.memory_space<vmem>> -> memref<128xi32, #tpu.memory_space<vmem>>
      %dma_start3A_208 = arith.constant 0 : i32
      %dma_start3A_209 = arith.constant 0 : i32
      %dma_start3A_210 = tpu.memref_slice %arg13[%dma_start3A_208, %dma_start3A_209] : memref<10240x128xf32, #tpu.memory_space<vmem_shared>> -> memref<10240x128xf32, #tpu.memory_space<vmem_shared>>
      tpu.enqueue_indirect_dma source(%arg11 : memref<128x128xf32, #tpu.memory_space<vmem>>) target(%dma_start3A_210 : memref<10240x128xf32, #tpu.memory_space<vmem_shared>>) offsets(%dma_start3A_207 : memref<128xi32, #tpu.memory_space<vmem>>) semaphore(%run_scoped3A_204 : memref<!tpu.dma_semaphore, #tpu.memory_space<semaphore_mem>>) {add = true}
      %dma_wait3A_211 = arith.constant 0 : i32
      %dma_wait3A_212 = tpu.memref_slice %arg10[%run_scoped3A_160, %dma_wait3A_211] : memref<4x128xi32, #tpu.memory_space<vmem>> -> memref<1x128xi32, #tpu.memory_space<vmem>>
      %dma_wait3A_213 = tpu.memref_squeeze %dma_wait3A_212 : memref<1x128xi32, #tpu.memory_space<vmem>> -> memref<128xi32, #tpu.memory_space<vmem>>
      %dma_wait3A_214 = arith.constant 0 : i32
      %dma_wait3A_215 = arith.constant 0 : i32
      %dma_wait3A_216 = tpu.memref_slice %arg13[%dma_wait3A_214, %dma_wait3A_215] : memref<10240x128xf32, #tpu.memory_space<vmem_shared>> -> memref<10240x128xf32, #tpu.memory_space<vmem_shared>>
      tpu.wait_indirect_dma semaphore(%run_scoped3A_204 : memref<!tpu.dma_semaphore, #tpu.memory_space<semaphore_mem>>) src(%arg11 : memref<128x128xf32, #tpu.memory_space<vmem>>) dst(%dma_wait3A_216 : memref<10240x128xf32, #tpu.memory_space<vmem_shared>>)
      tpu.yield
    }) : () -> ()
    %dma_wait3A_161 = arith.constant 1 : i32
    %dma_wait3A_162 = arith.constant 0 : i32
    %dma_wait3A_163 = tpu.memref_slice %arg9[%dma_wait3A_161, %dma_wait3A_162] : memref<4x128xi32, #tpu.memory_space<vmem>> -> memref<1x128xi32, #tpu.memory_space<vmem>>
    %dma_wait3A_164 = tpu.memref_squeeze %dma_wait3A_163 : memref<1x128xi32, #tpu.memory_space<vmem>> -> memref<128xi32, #tpu.memory_space<vmem>>
    %dma_wait3A_165 = arith.constant 0 : i32
    %dma_wait3A_166 = arith.constant 0 : i32
    %dma_wait3A_167 = tpu.memref_slice %arg2[%dma_wait3A_165, %dma_wait3A_166] : memref<10240x128xf32, #tpu.memory_space<hbm>> -> memref<10240x128xf32, #tpu.memory_space<hbm>>
    tpu.wait_indirect_dma semaphore(%arg15 : memref<!tpu.dma_semaphore, #tpu.memory_space<semaphore_mem>>) src(%dma_wait3A_167 : memref<10240x128xf32, #tpu.memory_space<hbm>>) dst(%arg12 : memref<128x128xf32, #tpu.memory_space<vmem>>)
    %dma_start3A_168 = arith.constant 2 : i32
    %dma_start3A_169 = arith.constant 0 : i32
    %dma_start3A_170 = tpu.memref_slice %arg9[%dma_start3A_168, %dma_start3A_169] : memref<4x128xi32, #tpu.memory_space<vmem>> -> memref<1x128xi32, #tpu.memory_space<vmem>>
    %dma_start3A_171 = tpu.memref_squeeze %dma_start3A_170 : memref<1x128xi32, #tpu.memory_space<vmem>> -> memref<128xi32, #tpu.memory_space<vmem>>
    %dma_start3A_172 = arith.constant 0 : i32
    %dma_start3A_173 = arith.constant 0 : i32
    %dma_start3A_174 = tpu.memref_slice %arg2[%dma_start3A_172, %dma_start3A_173] : memref<10240x128xf32, #tpu.memory_space<hbm>> -> memref<10240x128xf32, #tpu.memory_space<hbm>>
    tpu.enqueue_indirect_dma source(%dma_start3A_174 : memref<10240x128xf32, #tpu.memory_space<hbm>>) target(%arg11 : memref<128x128xf32, #tpu.memory_space<vmem>>) offsets(%dma_start3A_171 : memref<128xi32, #tpu.memory_space<vmem>>) semaphore(%arg14 : memref<!tpu.dma_semaphore, #tpu.memory_space<semaphore_mem>>)
    %run_scoped3A_175 = arith.constant 1 : i32
    "tpu.region"() ({
      %run_scoped3A_204 = tpu.sem_alloc : memref<!tpu.dma_semaphore, #tpu.memory_space<semaphore_mem>>
      %dma_start3A_205 = arith.constant 0 : i32
      %dma_start3A_206 = tpu.memref_slice %arg10[%run_scoped3A_175, %dma_start3A_205] : memref<4x128xi32, #tpu.memory_space<vmem>> -> memref<1x128xi32, #tpu.memory_space<vmem>>
      %dma_start3A_207 = tpu.memref_squeeze %dma_start3A_206 : memref<1x128xi32, #tpu.memory_space<vmem>> -> memref<128xi32, #tpu.memory_space<vmem>>
      %dma_start3A_208 = arith.constant 0 : i32
      %dma_start3A_209 = arith.constant 0 : i32
      %dma_start3A_210 = tpu.memref_slice %arg13[%dma_start3A_208, %dma_start3A_209] : memref<10240x128xf32, #tpu.memory_space<vmem_shared>> -> memref<10240x128xf32, #tpu.memory_space<vmem_shared>>
      tpu.enqueue_indirect_dma source(%arg12 : memref<128x128xf32, #tpu.memory_space<vmem>>) target(%dma_start3A_210 : memref<10240x128xf32, #tpu.memory_space<vmem_shared>>) offsets(%dma_start3A_207 : memref<128xi32, #tpu.memory_space<vmem>>) semaphore(%run_scoped3A_204 : memref<!tpu.dma_semaphore, #tpu.memory_space<semaphore_mem>>) {add = true}
      %dma_wait3A_211 = arith.constant 0 : i32
      %dma_wait3A_212 = tpu.memref_slice %arg10[%run_scoped3A_175, %dma_wait3A_211] : memref<4x128xi32, #tpu.memory_space<vmem>> -> memref<1x128xi32, #tpu.memory_space<vmem>>
      %dma_wait3A_213 = tpu.memref_squeeze %dma_wait3A_212 : memref<1x128xi32, #tpu.memory_space<vmem>> -> memref<128xi32, #tpu.memory_space<vmem>>
      %dma_wait3A_214 = arith.constant 0 : i32
      %dma_wait3A_215 = arith.constant 0 : i32
      %dma_wait3A_216 = tpu.memref_slice %arg13[%dma_wait3A_214, %dma_wait3A_215] : memref<10240x128xf32, #tpu.memory_space<vmem_shared>> -> memref<10240x128xf32, #tpu.memory_space<vmem_shared>>
      tpu.wait_indirect_dma semaphore(%run_scoped3A_204 : memref<!tpu.dma_semaphore, #tpu.memory_space<semaphore_mem>>) src(%arg12 : memref<128x128xf32, #tpu.memory_space<vmem>>) dst(%dma_wait3A_216 : memref<10240x128xf32, #tpu.memory_space<vmem_shared>>)
      tpu.yield
    }) : () -> ()
    %dma_wait3A_176 = arith.constant 2 : i32
    %dma_wait3A_177 = arith.constant 0 : i32
    %dma_wait3A_178 = tpu.memref_slice %arg9[%dma_wait3A_176, %dma_wait3A_177] : memref<4x128xi32, #tpu.memory_space<vmem>> -> memref<1x128xi32, #tpu.memory_space<vmem>>
    %dma_wait3A_179 = tpu.memref_squeeze %dma_wait3A_178 : memref<1x128xi32, #tpu.memory_space<vmem>> -> memref<128xi32, #tpu.memory_space<vmem>>
    %dma_wait3A_180 = arith.constant 0 : i32
    %dma_wait3A_181 = arith.constant 0 : i32
    %dma_wait3A_182 = tpu.memref_slice %arg2[%dma_wait3A_180, %dma_wait3A_181] : memref<10240x128xf32, #tpu.memory_space<hbm>> -> memref<10240x128xf32, #tpu.memory_space<hbm>>
    tpu.wait_indirect_dma semaphore(%arg14 : memref<!tpu.dma_semaphore, #tpu.memory_space<semaphore_mem>>) src(%dma_wait3A_182 : memref<10240x128xf32, #tpu.memory_space<hbm>>) dst(%arg11 : memref<128x128xf32, #tpu.memory_space<vmem>>)
    %dma_start3A_183 = arith.constant 3 : i32
    %dma_start3A_184 = arith.constant 0 : i32
    %dma_start3A_185 = tpu.memref_slice %arg9[%dma_start3A_183, %dma_start3A_184] : memref<4x128xi32, #tpu.memory_space<vmem>> -> memref<1x128xi32, #tpu.memory_space<vmem>>
    %dma_start3A_186 = tpu.memref_squeeze %dma_start3A_185 : memref<1x128xi32, #tpu.memory_space<vmem>> -> memref<128xi32, #tpu.memory_space<vmem>>
    %dma_start3A_187 = arith.constant 0 : i32
    %dma_start3A_188 = arith.constant 0 : i32
    %dma_start3A_189 = tpu.memref_slice %arg2[%dma_start3A_187, %dma_start3A_188] : memref<10240x128xf32, #tpu.memory_space<hbm>> -> memref<10240x128xf32, #tpu.memory_space<hbm>>
    tpu.enqueue_indirect_dma source(%dma_start3A_189 : memref<10240x128xf32, #tpu.memory_space<hbm>>) target(%arg12 : memref<128x128xf32, #tpu.memory_space<vmem>>) offsets(%dma_start3A_186 : memref<128xi32, #tpu.memory_space<vmem>>) semaphore(%arg15 : memref<!tpu.dma_semaphore, #tpu.memory_space<semaphore_mem>>)
    %run_scoped3A_190 = arith.constant 2 : i32
    "tpu.region"() ({
      %run_scoped3A_204 = tpu.sem_alloc : memref<!tpu.dma_semaphore, #tpu.memory_space<semaphore_mem>>
      %dma_start3A_205 = arith.constant 0 : i32
      %dma_start3A_206 = tpu.memref_slice %arg10[%run_scoped3A_190, %dma_start3A_205] : memref<4x128xi32, #tpu.memory_space<vmem>> -> memref<1x128xi32, #tpu.memory_space<vmem>>
      %dma_start3A_207 = tpu.memref_squeeze %dma_start3A_206 : memref<1x128xi32, #tpu.memory_space<vmem>> -> memref<128xi32, #tpu.memory_space<vmem>>
      %dma_start3A_208 = arith.constant 0 : i32
      %dma_start3A_209 = arith.constant 0 : i32
      %dma_start3A_210 = tpu.memref_slice %arg13[%dma_start3A_208, %dma_start3A_209] : memref<10240x128xf32, #tpu.memory_space<vmem_shared>> -> memref<10240x128xf32, #tpu.memory_space<vmem_shared>>
      tpu.enqueue_indirect_dma source(%arg11 : memref<128x128xf32, #tpu.memory_space<vmem>>) target(%dma_start3A_210 : memref<10240x128xf32, #tpu.memory_space<vmem_shared>>) offsets(%dma_start3A_207 : memref<128xi32, #tpu.memory_space<vmem>>) semaphore(%run_scoped3A_204 : memref<!tpu.dma_semaphore, #tpu.memory_space<semaphore_mem>>) {add = true}
      %dma_wait3A_211 = arith.constant 0 : i32
      %dma_wait3A_212 = tpu.memref_slice %arg10[%run_scoped3A_190, %dma_wait3A_211] : memref<4x128xi32, #tpu.memory_space<vmem>> -> memref<1x128xi32, #tpu.memory_space<vmem>>
      %dma_wait3A_213 = tpu.memref_squeeze %dma_wait3A_212 : memref<1x128xi32, #tpu.memory_space<vmem>> -> memref<128xi32, #tpu.memory_space<vmem>>
      %dma_wait3A_214 = arith.constant 0 : i32
      %dma_wait3A_215 = arith.constant 0 : i32
      %dma_wait3A_216 = tpu.memref_slice %arg13[%dma_wait3A_214, %dma_wait3A_215] : memref<10240x128xf32, #tpu.memory_space<vmem_shared>> -> memref<10240x128xf32, #tpu.memory_space<vmem_shared>>
      tpu.wait_indirect_dma semaphore(%run_scoped3A_204 : memref<!tpu.dma_semaphore, #tpu.memory_space<semaphore_mem>>) src(%arg11 : memref<128x128xf32, #tpu.memory_space<vmem>>) dst(%dma_wait3A_216 : memref<10240x128xf32, #tpu.memory_space<vmem_shared>>)
      tpu.yield
    }) : () -> ()
    %dma_wait3A_191 = arith.constant 3 : i32
    %dma_wait3A_192 = arith.constant 0 : i32
    %dma_wait3A_193 = tpu.memref_slice %arg9[%dma_wait3A_191, %dma_wait3A_192] : memref<4x128xi32, #tpu.memory_space<vmem>> -> memref<1x128xi32, #tpu.memory_space<vmem>>
    %dma_wait3A_194 = tpu.memref_squeeze %dma_wait3A_193 : memref<1x128xi32, #tpu.memory_space<vmem>> -> memref<128xi32, #tpu.memory_space<vmem>>
    %dma_wait3A_195 = arith.constant 0 : i32
    %dma_wait3A_196 = arith.constant 0 : i32
    %dma_wait3A_197 = tpu.memref_slice %arg2[%dma_wait3A_195, %dma_wait3A_196] : memref<10240x128xf32, #tpu.memory_space<hbm>> -> memref<10240x128xf32, #tpu.memory_space<hbm>>
    tpu.wait_indirect_dma semaphore(%arg15 : memref<!tpu.dma_semaphore, #tpu.memory_space<semaphore_mem>>) src(%dma_wait3A_197 : memref<10240x128xf32, #tpu.memory_space<hbm>>) dst(%arg12 : memref<128x128xf32, #tpu.memory_space<vmem>>)
    %run_scoped3A_198 = arith.constant 3 : i32
    "tpu.region"() ({
      %run_scoped3A_204 = tpu.sem_alloc : memref<!tpu.dma_semaphore, #tpu.memory_space<semaphore_mem>>
      %dma_start3A_205 = arith.constant 0 : i32
      %dma_start3A_206 = tpu.memref_slice %arg10[%run_scoped3A_198, %dma_start3A_205] : memref<4x128xi32, #tpu.memory_space<vmem>> -> memref<1x128xi32, #tpu.memory_space<vmem>>
      %dma_start3A_207 = tpu.memref_squeeze %dma_start3A_206 : memref<1x128xi32, #tpu.memory_space<vmem>> -> memref<128xi32, #tpu.memory_space<vmem>>
      %dma_start3A_208 = arith.constant 0 : i32
      %dma_start3A_209 = arith.constant 0 : i32
      %dma_start3A_210 = tpu.memref_slice %arg13[%dma_start3A_208, %dma_start3A_209] : memref<10240x128xf32, #tpu.memory_space<vmem_shared>> -> memref<10240x128xf32, #tpu.memory_space<vmem_shared>>
      tpu.enqueue_indirect_dma source(%arg12 : memref<128x128xf32, #tpu.memory_space<vmem>>) target(%dma_start3A_210 : memref<10240x128xf32, #tpu.memory_space<vmem_shared>>) offsets(%dma_start3A_207 : memref<128xi32, #tpu.memory_space<vmem>>) semaphore(%run_scoped3A_204 : memref<!tpu.dma_semaphore, #tpu.memory_space<semaphore_mem>>) {add = true}
      %dma_wait3A_211 = arith.constant 0 : i32
      %dma_wait3A_212 = tpu.memref_slice %arg10[%run_scoped3A_198, %dma_wait3A_211] : memref<4x128xi32, #tpu.memory_space<vmem>> -> memref<1x128xi32, #tpu.memory_space<vmem>>
      %dma_wait3A_213 = tpu.memref_squeeze %dma_wait3A_212 : memref<1x128xi32, #tpu.memory_space<vmem>> -> memref<128xi32, #tpu.memory_space<vmem>>
      %dma_wait3A_214 = arith.constant 0 : i32
      %dma_wait3A_215 = arith.constant 0 : i32
      %dma_wait3A_216 = tpu.memref_slice %arg13[%dma_wait3A_214, %dma_wait3A_215] : memref<10240x128xf32, #tpu.memory_space<vmem_shared>> -> memref<10240x128xf32, #tpu.memory_space<vmem_shared>>
      tpu.wait_indirect_dma semaphore(%run_scoped3A_204 : memref<!tpu.dma_semaphore, #tpu.memory_space<semaphore_mem>>) src(%arg12 : memref<128x128xf32, #tpu.memory_space<vmem>>) dst(%dma_wait3A_216 : memref<10240x128xf32, #tpu.memory_space<vmem_shared>>)
      tpu.yield
    }) : () -> ()
    %barrier3A_199 = arith.constant 0 : index
    tpu.barrier barrier_id(%barrier3A_199)
    %mul3A_200 = arith.constant 640 : i32
    %mul3A_201 = arith.muli %arg1, %mul3A_200 : i32
    %mul3A_202 = arith.constant 640 : i32
    %mul3A_203 = arith.muli %arg1, %mul3A_202 : i32
    "tpu.region"() ({
      %run_scoped3A_204 = tpu.sem_alloc : memref<!tpu.dma_semaphore, #tpu.memory_space<semaphore_mem>>
      %dma_start3A_205 = arith.constant 0 : i32
      %dma_start3A_206 = tpu.memref_slice %arg6[%arg0, %mul3A_203, %dma_start3A_205] : memref<2x10240x128xf32, #tpu.memory_space<hbm>> -> memref<1x640x128xf32, #tpu.memory_space<hbm>>
      %dma_start3A_207 = tpu.memref_squeeze %dma_start3A_206 : memref<1x640x128xf32, #tpu.memory_space<hbm>> -> memref<640x128xf32, #tpu.memory_space<hbm>>
      %dma_start3A_208 = arith.constant 0 : i32
      %dma_start3A_209 = tpu.memref_slice %arg13[%mul3A_201, %dma_start3A_208] : memref<10240x128xf32, #tpu.memory_space<vmem_shared>> -> memref<640x128xf32, #tpu.memory_space<vmem_shared>>
      tpu.enqueue_dma source(%dma_start3A_209 : memref<640x128xf32, #tpu.memory_space<vmem_shared>>) target(%dma_start3A_207 : memref<640x128xf32, #tpu.memory_space<hbm>>) target_semaphore(%run_scoped3A_204 : memref<!tpu.dma_semaphore, #tpu.memory_space<semaphore_mem>>)
      %dma_wait3A_210 = arith.constant 0 : i32
      %dma_wait3A_211 = tpu.memref_slice %arg6[%arg0, %mul3A_203, %dma_wait3A_210] : memref<2x10240x128xf32, #tpu.memory_space<hbm>> -> memref<1x640x128xf32, #tpu.memory_space<hbm>>
      %dma_wait3A_212 = tpu.memref_squeeze %dma_wait3A_211 : memref<1x640x128xf32, #tpu.memory_space<hbm>> -> memref<640x128xf32, #tpu.memory_space<hbm>>
      %dma_wait3A_213 = arith.constant 0 : i32
      %dma_wait3A_214 = tpu.memref_slice %arg13[%mul3A_201, %dma_wait3A_213] : memref<10240x128xf32, #tpu.memory_space<vmem_shared>> -> memref<640x128xf32, #tpu.memory_space<vmem_shared>>
      tpu.wait_dma2 semaphore(%run_scoped3A_204 : memref<!tpu.dma_semaphore, #tpu.memory_space<semaphore_mem>>) src(%dma_wait3A_214 : memref<640x128xf32, #tpu.memory_space<vmem_shared>>) dst(%dma_wait3A_212 : memref<640x128xf32, #tpu.memory_space<hbm>>)
      tpu.yield
    }) : () -> ()
    return
  }
}

#map = affine_map<(d0, d1) -> (0, 0, 0, 0)>
#map1 = affine_map<(d0, d1) -> (0)>
#map2 = affine_map<(d0, d1) -> (0, 0, 0)>
module attributes {stable_mosaic.version = 14 : i64} {
  func.func @deg_kernel(%arg0: i32, %arg1: i32, %arg2: memref<32x20x4x128xi32, #tpu.memory_space<hbm>>, %arg3: memref<10240xf32, #tpu.memory_space<hbm>>, %arg4: memref<2x1x10240xf32, #tpu.memory_space<hbm>>, %arg5: memref<20x4x128xi32, #tpu.memory_space<vmem>>, %arg6: memref<128xf32, #tpu.memory_space<vmem>>, %arg7: memref<10240xf32, #tpu.memory_space<vmem_shared>>) attributes {dimension_semantics = [#tpu.dimension_semantics<core_parallel>, #tpu.dimension_semantics<subcore_parallel>], iteration_bounds = array<i64: 2, 16>, scalar_prefetch = 0 : i64, scratch_operands = 3 : i64, tpu.core_type = #tpu.core_type<sc_vector_subcore>, window_params = [{transform_indices = #map}, {transform_indices = #map1}, {transform_indices = #map2}]} {
    %mul3A = arith.constant 16 : i32
    %mul3A_0 = arith.muli %arg0, %mul3A : i32
    %add3A = arith.addi %mul3A_0, %arg1 : i32
    %broadcast_in_dim3A = arith.constant 1.000000e+00 : f32
    %broadcast_in_dim3A_1 = vector.broadcast %broadcast_in_dim3A : f32 to vector<16xf32>
    %swap3A = arith.constant 0 : index
    %swap3A_2 = tpu.vector_load %arg6[%swap3A] {strides = array<i32>} : memref<128xf32, #tpu.memory_space<vmem>>, vector<16xf32>,
    %swap3A_3 = vector.shape_cast %swap3A_2 : vector<16xf32> to vector<16xf32>
    %swap3A_4 = vector.shape_cast %broadcast_in_dim3A_1 : vector<16xf32> to vector<16xf32>
    tpu.vector_store %arg6[%swap3A], %swap3A_4 {strides = array<i32>} : memref<128xf32, #tpu.memory_space<vmem>>, vector<16xf32>,
    %broadcast_in_dim3A_5 = arith.constant 1.000000e+00 : f32
    %broadcast_in_dim3A_6 = vector.broadcast %broadcast_in_dim3A_5 : f32 to vector<16xf32>
    %swap3A_7 = arith.constant 16 : index
    %swap3A_8 = tpu.vector_load %arg6[%swap3A_7] {strides = array<i32>} : memref<128xf32, #tpu.memory_space<vmem>>, vector<16xf32>,
    %swap3A_9 = vector.shape_cast %swap3A_8 : vector<16xf32> to vector<16xf32>
    %swap3A_10 = vector.shape_cast %broadcast_in_dim3A_6 : vector<16xf32> to vector<16xf32>
    tpu.vector_store %arg6[%swap3A_7], %swap3A_10 {strides = array<i32>} : memref<128xf32, #tpu.memory_space<vmem>>, vector<16xf32>,
    %broadcast_in_dim3A_11 = arith.constant 1.000000e+00 : f32
    %broadcast_in_dim3A_12 = vector.broadcast %broadcast_in_dim3A_11 : f32 to vector<16xf32>
    %swap3A_13 = arith.constant 32 : index
    %swap3A_14 = tpu.vector_load %arg6[%swap3A_13] {strides = array<i32>} : memref<128xf32, #tpu.memory_space<vmem>>, vector<16xf32>,
    %swap3A_15 = vector.shape_cast %swap3A_14 : vector<16xf32> to vector<16xf32>
    %swap3A_16 = vector.shape_cast %broadcast_in_dim3A_12 : vector<16xf32> to vector<16xf32>
    tpu.vector_store %arg6[%swap3A_13], %swap3A_16 {strides = array<i32>} : memref<128xf32, #tpu.memory_space<vmem>>, vector<16xf32>,
    %broadcast_in_dim3A_17 = arith.constant 1.000000e+00 : f32
    %broadcast_in_dim3A_18 = vector.broadcast %broadcast_in_dim3A_17 : f32 to vector<16xf32>
    %swap3A_19 = arith.constant 48 : index
    %swap3A_20 = tpu.vector_load %arg6[%swap3A_19] {strides = array<i32>} : memref<128xf32, #tpu.memory_space<vmem>>, vector<16xf32>,
    %swap3A_21 = vector.shape_cast %swap3A_20 : vector<16xf32> to vector<16xf32>
    %swap3A_22 = vector.shape_cast %broadcast_in_dim3A_18 : vector<16xf32> to vector<16xf32>
    tpu.vector_store %arg6[%swap3A_19], %swap3A_22 {strides = array<i32>} : memref<128xf32, #tpu.memory_space<vmem>>, vector<16xf32>,
    %broadcast_in_dim3A_23 = arith.constant 1.000000e+00 : f32
    %broadcast_in_dim3A_24 = vector.broadcast %broadcast_in_dim3A_23 : f32 to vector<16xf32>
    %swap3A_25 = arith.constant 64 : index
    %swap3A_26 = tpu.vector_load %arg6[%swap3A_25] {strides = array<i32>} : memref<128xf32, #tpu.memory_space<vmem>>, vector<16xf32>,
    %swap3A_27 = vector.shape_cast %swap3A_26 : vector<16xf32> to vector<16xf32>
    %swap3A_28 = vector.shape_cast %broadcast_in_dim3A_24 : vector<16xf32> to vector<16xf32>
    tpu.vector_store %arg6[%swap3A_25], %swap3A_28 {strides = array<i32>} : memref<128xf32, #tpu.memory_space<vmem>>, vector<16xf32>,
    %broadcast_in_dim3A_29 = arith.constant 1.000000e+00 : f32
    %broadcast_in_dim3A_30 = vector.broadcast %broadcast_in_dim3A_29 : f32 to vector<16xf32>
    %swap3A_31 = arith.constant 80 : index
    %swap3A_32 = tpu.vector_load %arg6[%swap3A_31] {strides = array<i32>} : memref<128xf32, #tpu.memory_space<vmem>>, vector<16xf32>,
    %swap3A_33 = vector.shape_cast %swap3A_32 : vector<16xf32> to vector<16xf32>
    %swap3A_34 = vector.shape_cast %broadcast_in_dim3A_30 : vector<16xf32> to vector<16xf32>
    tpu.vector_store %arg6[%swap3A_31], %swap3A_34 {strides = array<i32>} : memref<128xf32, #tpu.memory_space<vmem>>, vector<16xf32>,
    %broadcast_in_dim3A_35 = arith.constant 1.000000e+00 : f32
    %broadcast_in_dim3A_36 = vector.broadcast %broadcast_in_dim3A_35 : f32 to vector<16xf32>
    %swap3A_37 = arith.constant 96 : index
    %swap3A_38 = tpu.vector_load %arg6[%swap3A_37] {strides = array<i32>} : memref<128xf32, #tpu.memory_space<vmem>>, vector<16xf32>,
    %swap3A_39 = vector.shape_cast %swap3A_38 : vector<16xf32> to vector<16xf32>
    %swap3A_40 = vector.shape_cast %broadcast_in_dim3A_36 : vector<16xf32> to vector<16xf32>
    tpu.vector_store %arg6[%swap3A_37], %swap3A_40 {strides = array<i32>} : memref<128xf32, #tpu.memory_space<vmem>>, vector<16xf32>,
    %broadcast_in_dim3A_41 = arith.constant 1.000000e+00 : f32
    %broadcast_in_dim3A_42 = vector.broadcast %broadcast_in_dim3A_41 : f32 to vector<16xf32>
    %swap3A_43 = arith.constant 112 : index
    %swap3A_44 = tpu.vector_load %arg6[%swap3A_43] {strides = array<i32>} : memref<128xf32, #tpu.memory_space<vmem>>, vector<16xf32>,
    %swap3A_45 = vector.shape_cast %swap3A_44 : vector<16xf32> to vector<16xf32>
    %swap3A_46 = vector.shape_cast %broadcast_in_dim3A_42 : vector<16xf32> to vector<16xf32>
    tpu.vector_store %arg6[%swap3A_43], %swap3A_46 {strides = array<i32>} : memref<128xf32, #tpu.memory_space<vmem>>, vector<16xf32>,
    %mul3A_47 = arith.constant 640 : i32
    %mul3A_48 = arith.muli %arg1, %mul3A_47 : i32
    %mul3A_49 = arith.constant 640 : i32
    %mul3A_50 = arith.muli %arg1, %mul3A_49 : i32
    "tpu.region"() ({
      %run_scoped3A_61 = tpu.sem_alloc : memref<!tpu.dma_semaphore, #tpu.memory_space<semaphore_mem>>
      %dma_start3A = tpu.memref_slice %arg7[%mul3A_50] : memref<10240xf32, #tpu.memory_space<vmem_shared>> -> memref<640xf32, #tpu.memory_space<vmem_shared>>
      %dma_start3A_62 = tpu.memref_slice %arg3[%mul3A_48] : memref<10240xf32, #tpu.memory_space<hbm>> -> memref<640xf32, #tpu.memory_space<hbm>>
      tpu.enqueue_dma source(%dma_start3A_62 : memref<640xf32, #tpu.memory_space<hbm>>) target(%dma_start3A : memref<640xf32, #tpu.memory_space<vmem_shared>>) target_semaphore(%run_scoped3A_61 : memref<!tpu.dma_semaphore, #tpu.memory_space<semaphore_mem>>)
      %dma_wait3A = tpu.memref_slice %arg7[%mul3A_50] : memref<10240xf32, #tpu.memory_space<vmem_shared>> -> memref<640xf32, #tpu.memory_space<vmem_shared>>
      %dma_wait3A_63 = tpu.memref_slice %arg3[%mul3A_48] : memref<10240xf32, #tpu.memory_space<hbm>> -> memref<640xf32, #tpu.memory_space<hbm>>
      tpu.wait_dma2 semaphore(%run_scoped3A_61 : memref<!tpu.dma_semaphore, #tpu.memory_space<semaphore_mem>>) src(%dma_wait3A_63 : memref<640xf32, #tpu.memory_space<hbm>>) dst(%dma_wait3A : memref<640xf32, #tpu.memory_space<vmem_shared>>)
      tpu.yield
    }) : () -> ()
    "tpu.region"() ({
      %run_scoped3A_61 = tpu.sem_alloc : memref<!tpu.dma_semaphore, #tpu.memory_space<semaphore_mem>>
      %dma_start3A = arith.constant 0 : i32
      %dma_start3A_62 = arith.constant 0 : i32
      %dma_start3A_63 = arith.constant 0 : i32
      %dma_start3A_64 = tpu.memref_slice %arg2[%add3A, %dma_start3A, %dma_start3A_62, %dma_start3A_63] : memref<32x20x4x128xi32, #tpu.memory_space<hbm>> -> memref<1x20x4x128xi32, #tpu.memory_space<hbm>>
      %dma_start3A_65 = tpu.memref_squeeze %dma_start3A_64 : memref<1x20x4x128xi32, #tpu.memory_space<hbm>> -> memref<20x4x128xi32, #tpu.memory_space<hbm>>
      %dma_start3A_66 = arith.constant 0 : i32
      %dma_start3A_67 = arith.constant 0 : i32
      %dma_start3A_68 = arith.constant 0 : i32
      %dma_start3A_69 = tpu.memref_slice %arg2[%add3A, %dma_start3A_66, %dma_start3A_67, %dma_start3A_68] : memref<32x20x4x128xi32, #tpu.memory_space<hbm>> -> memref<1x20x4x128xi32, #tpu.memory_space<hbm>>
      %dma_start3A_70 = tpu.memref_squeeze %dma_start3A_69 : memref<1x20x4x128xi32, #tpu.memory_space<hbm>> -> memref<20x4x128xi32, #tpu.memory_space<hbm>>
      tpu.enqueue_dma source(%dma_start3A_70 : memref<20x4x128xi32, #tpu.memory_space<hbm>>) target(%arg5 : memref<20x4x128xi32, #tpu.memory_space<vmem>>) target_semaphore(%run_scoped3A_61 : memref<!tpu.dma_semaphore, #tpu.memory_space<semaphore_mem>>)
      %dma_wait3A = arith.constant 0 : i32
      %dma_wait3A_71 = arith.constant 0 : i32
      %dma_wait3A_72 = arith.constant 0 : i32
      %dma_wait3A_73 = tpu.memref_slice %arg2[%add3A, %dma_wait3A, %dma_wait3A_71, %dma_wait3A_72] : memref<32x20x4x128xi32, #tpu.memory_space<hbm>> -> memref<1x20x4x128xi32, #tpu.memory_space<hbm>>
      %dma_wait3A_74 = tpu.memref_squeeze %dma_wait3A_73 : memref<1x20x4x128xi32, #tpu.memory_space<hbm>> -> memref<20x4x128xi32, #tpu.memory_space<hbm>>
      %dma_wait3A_75 = arith.constant 0 : i32
      %dma_wait3A_76 = arith.constant 0 : i32
      %dma_wait3A_77 = arith.constant 0 : i32
      %dma_wait3A_78 = tpu.memref_slice %arg2[%add3A, %dma_wait3A_75, %dma_wait3A_76, %dma_wait3A_77] : memref<32x20x4x128xi32, #tpu.memory_space<hbm>> -> memref<1x20x4x128xi32, #tpu.memory_space<hbm>>
      %dma_wait3A_79 = tpu.memref_squeeze %dma_wait3A_78 : memref<1x20x4x128xi32, #tpu.memory_space<hbm>> -> memref<20x4x128xi32, #tpu.memory_space<hbm>>
      tpu.wait_dma2 semaphore(%run_scoped3A_61 : memref<!tpu.dma_semaphore, #tpu.memory_space<semaphore_mem>>) src(%dma_wait3A_79 : memref<20x4x128xi32, #tpu.memory_space<hbm>>) dst(%arg5 : memref<20x4x128xi32, #tpu.memory_space<vmem>>)
      tpu.yield
    }) : () -> ()
    %barrier3A = arith.constant 0 : index
    tpu.barrier barrier_id(%barrier3A)
    %scan3A = arith.constant 0 : i32
    %scan3A_51 = arith.constant 0 : i32
    %scan3A_52 = arith.constant 20 : i32
    %scan3A_53 = arith.addi %scan3A_51, %scan3A_52 : i32
    %scan3A_54 = arith.constant 1 : i32
    scf.for %scan3A_61 = %scan3A_51 to %scan3A_53 step %scan3A_54  : i32 {
      %run_scoped3A_62 = arith.constant 0 : i32
      "tpu.region"() ({
        %run_scoped3A_66 = tpu.sem_alloc : memref<!tpu.dma_semaphore, #tpu.memory_space<semaphore_mem>>
        %dma_start3A = arith.constant 0 : i32
        %dma_start3A_67 = tpu.memref_slice %arg5[%scan3A_61, %run_scoped3A_62, %dma_start3A] : memref<20x4x128xi32, #tpu.memory_space<vmem>> -> memref<1x1x128xi32, #tpu.memory_space<vmem>>
        %dma_start3A_68 = tpu.memref_squeeze %dma_start3A_67 : memref<1x1x128xi32, #tpu.memory_space<vmem>> -> memref<128xi32, #tpu.memory_space<vmem>>
        %dma_start3A_69 = arith.constant 0 : i32
        %dma_start3A_70 = tpu.memref_slice %arg7[%dma_start3A_69] : memref<10240xf32, #tpu.memory_space<vmem_shared>> -> memref<10240xf32, #tpu.memory_space<vmem_shared>>
        tpu.enqueue_indirect_dma source(%arg6 : memref<128xf32, #tpu.memory_space<vmem>>) target(%dma_start3A_70 : memref<10240xf32, #tpu.memory_space<vmem_shared>>) offsets(%dma_start3A_68 : memref<128xi32, #tpu.memory_space<vmem>>) semaphore(%run_scoped3A_66 : memref<!tpu.dma_semaphore, #tpu.memory_space<semaphore_mem>>) {add = true}
        %dma_wait3A = arith.constant 0 : i32
        %dma_wait3A_71 = tpu.memref_slice %arg5[%scan3A_61, %run_scoped3A_62, %dma_wait3A] : memref<20x4x128xi32, #tpu.memory_space<vmem>> -> memref<1x1x128xi32, #tpu.memory_space<vmem>>
        %dma_wait3A_72 = tpu.memref_squeeze %dma_wait3A_71 : memref<1x1x128xi32, #tpu.memory_space<vmem>> -> memref<128xi32, #tpu.memory_space<vmem>>
        %dma_wait3A_73 = arith.constant 0 : i32
        %dma_wait3A_74 = tpu.memref_slice %arg7[%dma_wait3A_73] : memref<10240xf32, #tpu.memory_space<vmem_shared>> -> memref<10240xf32, #tpu.memory_space<vmem_shared>>
        tpu.wait_indirect_dma semaphore(%run_scoped3A_66 : memref<!tpu.dma_semaphore, #tpu.memory_space<semaphore_mem>>) src(%arg6 : memref<128xf32, #tpu.memory_space<vmem>>) dst(%dma_wait3A_74 : memref<10240xf32, #tpu.memory_space<vmem_shared>>)
        tpu.yield
      }) : () -> ()
      %run_scoped3A_63 = arith.constant 1 : i32
      "tpu.region"() ({
        %run_scoped3A_66 = tpu.sem_alloc : memref<!tpu.dma_semaphore, #tpu.memory_space<semaphore_mem>>
        %dma_start3A = arith.constant 0 : i32
        %dma_start3A_67 = tpu.memref_slice %arg5[%scan3A_61, %run_scoped3A_63, %dma_start3A] : memref<20x4x128xi32, #tpu.memory_space<vmem>> -> memref<1x1x128xi32, #tpu.memory_space<vmem>>
        %dma_start3A_68 = tpu.memref_squeeze %dma_start3A_67 : memref<1x1x128xi32, #tpu.memory_space<vmem>> -> memref<128xi32, #tpu.memory_space<vmem>>
        %dma_start3A_69 = arith.constant 0 : i32
        %dma_start3A_70 = tpu.memref_slice %arg7[%dma_start3A_69] : memref<10240xf32, #tpu.memory_space<vmem_shared>> -> memref<10240xf32, #tpu.memory_space<vmem_shared>>
        tpu.enqueue_indirect_dma source(%arg6 : memref<128xf32, #tpu.memory_space<vmem>>) target(%dma_start3A_70 : memref<10240xf32, #tpu.memory_space<vmem_shared>>) offsets(%dma_start3A_68 : memref<128xi32, #tpu.memory_space<vmem>>) semaphore(%run_scoped3A_66 : memref<!tpu.dma_semaphore, #tpu.memory_space<semaphore_mem>>) {add = true}
        %dma_wait3A = arith.constant 0 : i32
        %dma_wait3A_71 = tpu.memref_slice %arg5[%scan3A_61, %run_scoped3A_63, %dma_wait3A] : memref<20x4x128xi32, #tpu.memory_space<vmem>> -> memref<1x1x128xi32, #tpu.memory_space<vmem>>
        %dma_wait3A_72 = tpu.memref_squeeze %dma_wait3A_71 : memref<1x1x128xi32, #tpu.memory_space<vmem>> -> memref<128xi32, #tpu.memory_space<vmem>>
        %dma_wait3A_73 = arith.constant 0 : i32
        %dma_wait3A_74 = tpu.memref_slice %arg7[%dma_wait3A_73] : memref<10240xf32, #tpu.memory_space<vmem_shared>> -> memref<10240xf32, #tpu.memory_space<vmem_shared>>
        tpu.wait_indirect_dma semaphore(%run_scoped3A_66 : memref<!tpu.dma_semaphore, #tpu.memory_space<semaphore_mem>>) src(%arg6 : memref<128xf32, #tpu.memory_space<vmem>>) dst(%dma_wait3A_74 : memref<10240xf32, #tpu.memory_space<vmem_shared>>)
        tpu.yield
      }) : () -> ()
      %run_scoped3A_64 = arith.constant 2 : i32
      "tpu.region"() ({
        %run_scoped3A_66 = tpu.sem_alloc : memref<!tpu.dma_semaphore, #tpu.memory_space<semaphore_mem>>
        %dma_start3A = arith.constant 0 : i32
        %dma_start3A_67 = tpu.memref_slice %arg5[%scan3A_61, %run_scoped3A_64, %dma_start3A] : memref<20x4x128xi32, #tpu.memory_space<vmem>> -> memref<1x1x128xi32, #tpu.memory_space<vmem>>
        %dma_start3A_68 = tpu.memref_squeeze %dma_start3A_67 : memref<1x1x128xi32, #tpu.memory_space<vmem>> -> memref<128xi32, #tpu.memory_space<vmem>>
        %dma_start3A_69 = arith.constant 0 : i32
        %dma_start3A_70 = tpu.memref_slice %arg7[%dma_start3A_69] : memref<10240xf32, #tpu.memory_space<vmem_shared>> -> memref<10240xf32, #tpu.memory_space<vmem_shared>>
        tpu.enqueue_indirect_dma source(%arg6 : memref<128xf32, #tpu.memory_space<vmem>>) target(%dma_start3A_70 : memref<10240xf32, #tpu.memory_space<vmem_shared>>) offsets(%dma_start3A_68 : memref<128xi32, #tpu.memory_space<vmem>>) semaphore(%run_scoped3A_66 : memref<!tpu.dma_semaphore, #tpu.memory_space<semaphore_mem>>) {add = true}
        %dma_wait3A = arith.constant 0 : i32
        %dma_wait3A_71 = tpu.memref_slice %arg5[%scan3A_61, %run_scoped3A_64, %dma_wait3A] : memref<20x4x128xi32, #tpu.memory_space<vmem>> -> memref<1x1x128xi32, #tpu.memory_space<vmem>>
        %dma_wait3A_72 = tpu.memref_squeeze %dma_wait3A_71 : memref<1x1x128xi32, #tpu.memory_space<vmem>> -> memref<128xi32, #tpu.memory_space<vmem>>
        %dma_wait3A_73 = arith.constant 0 : i32
        %dma_wait3A_74 = tpu.memref_slice %arg7[%dma_wait3A_73] : memref<10240xf32, #tpu.memory_space<vmem_shared>> -> memref<10240xf32, #tpu.memory_space<vmem_shared>>
        tpu.wait_indirect_dma semaphore(%run_scoped3A_66 : memref<!tpu.dma_semaphore, #tpu.memory_space<semaphore_mem>>) src(%arg6 : memref<128xf32, #tpu.memory_space<vmem>>) dst(%dma_wait3A_74 : memref<10240xf32, #tpu.memory_space<vmem_shared>>)
        tpu.yield
      }) : () -> ()
      %run_scoped3A_65 = arith.constant 3 : i32
      "tpu.region"() ({
        %run_scoped3A_66 = tpu.sem_alloc : memref<!tpu.dma_semaphore, #tpu.memory_space<semaphore_mem>>
        %dma_start3A = arith.constant 0 : i32
        %dma_start3A_67 = tpu.memref_slice %arg5[%scan3A_61, %run_scoped3A_65, %dma_start3A] : memref<20x4x128xi32, #tpu.memory_space<vmem>> -> memref<1x1x128xi32, #tpu.memory_space<vmem>>
        %dma_start3A_68 = tpu.memref_squeeze %dma_start3A_67 : memref<1x1x128xi32, #tpu.memory_space<vmem>> -> memref<128xi32, #tpu.memory_space<vmem>>
        %dma_start3A_69 = arith.constant 0 : i32
        %dma_start3A_70 = tpu.memref_slice %arg7[%dma_start3A_69] : memref<10240xf32, #tpu.memory_space<vmem_shared>> -> memref<10240xf32, #tpu.memory_space<vmem_shared>>
        tpu.enqueue_indirect_dma source(%arg6 : memref<128xf32, #tpu.memory_space<vmem>>) target(%dma_start3A_70 : memref<10240xf32, #tpu.memory_space<vmem_shared>>) offsets(%dma_start3A_68 : memref<128xi32, #tpu.memory_space<vmem>>) semaphore(%run_scoped3A_66 : memref<!tpu.dma_semaphore, #tpu.memory_space<semaphore_mem>>) {add = true}
        %dma_wait3A = arith.constant 0 : i32
        %dma_wait3A_71 = tpu.memref_slice %arg5[%scan3A_61, %run_scoped3A_65, %dma_wait3A] : memref<20x4x128xi32, #tpu.memory_space<vmem>> -> memref<1x1x128xi32, #tpu.memory_space<vmem>>
        %dma_wait3A_72 = tpu.memref_squeeze %dma_wait3A_71 : memref<1x1x128xi32, #tpu.memory_space<vmem>> -> memref<128xi32, #tpu.memory_space<vmem>>
        %dma_wait3A_73 = arith.constant 0 : i32
        %dma_wait3A_74 = tpu.memref_slice %arg7[%dma_wait3A_73] : memref<10240xf32, #tpu.memory_space<vmem_shared>> -> memref<10240xf32, #tpu.memory_space<vmem_shared>>
        tpu.wait_indirect_dma semaphore(%run_scoped3A_66 : memref<!tpu.dma_semaphore, #tpu.memory_space<semaphore_mem>>) src(%arg6 : memref<128xf32, #tpu.memory_space<vmem>>) dst(%dma_wait3A_74 : memref<10240xf32, #tpu.memory_space<vmem_shared>>)
        tpu.yield
      }) : () -> ()
    }
    %scan3A_55 = arith.constant 20 : i32
    %barrier3A_56 = arith.constant 0 : index
    tpu.barrier barrier_id(%barrier3A_56)
    %mul3A_57 = arith.constant 640 : i32
    %mul3A_58 = arith.muli %arg1, %mul3A_57 : i32
    %mul3A_59 = arith.constant 640 : i32
    %mul3A_60 = arith.muli %arg1, %mul3A_59 : i32
    %run_scoped3A = arith.constant 0 : i32
    "tpu.region"() ({
      %run_scoped3A_61 = tpu.sem_alloc : memref<!tpu.dma_semaphore, #tpu.memory_space<semaphore_mem>>
      %dma_start3A = tpu.memref_slice %arg4[%arg0, %run_scoped3A, %mul3A_60] : memref<2x1x10240xf32, #tpu.memory_space<hbm>> -> memref<1x1x640xf32, #tpu.memory_space<hbm>>
      %dma_start3A_62 = tpu.memref_squeeze %dma_start3A : memref<1x1x640xf32, #tpu.memory_space<hbm>> -> memref<640xf32, #tpu.memory_space<hbm>>
      %dma_start3A_63 = tpu.memref_slice %arg7[%mul3A_58] : memref<10240xf32, #tpu.memory_space<vmem_shared>> -> memref<640xf32, #tpu.memory_space<vmem_shared>>
      tpu.enqueue_dma source(%dma_start3A_63 : memref<640xf32, #tpu.memory_space<vmem_shared>>) target(%dma_start3A_62 : memref<640xf32, #tpu.memory_space<hbm>>) target_semaphore(%run_scoped3A_61 : memref<!tpu.dma_semaphore, #tpu.memory_space<semaphore_mem>>)
      %dma_wait3A = tpu.memref_slice %arg4[%arg0, %run_scoped3A, %mul3A_60] : memref<2x1x10240xf32, #tpu.memory_space<hbm>> -> memref<1x1x640xf32, #tpu.memory_space<hbm>>
      %dma_wait3A_64 = tpu.memref_squeeze %dma_wait3A : memref<1x1x640xf32, #tpu.memory_space<hbm>> -> memref<640xf32, #tpu.memory_space<hbm>>
      %dma_wait3A_65 = tpu.memref_slice %arg7[%mul3A_58] : memref<10240xf32, #tpu.memory_space<vmem_shared>> -> memref<640xf32, #tpu.memory_space<vmem_shared>>
      tpu.wait_dma2 semaphore(%run_scoped3A_61 : memref<!tpu.dma_semaphore, #tpu.memory_space<semaphore_mem>>) src(%dma_wait3A_65 : memref<640xf32, #tpu.memory_space<vmem_shared>>) dst(%dma_wait3A_64 : memref<640xf32, #tpu.memory_space<hbm>>)
      tpu.yield
    }) : () -> ()
    return
  }
}

module attributes {stable_mosaic.version = 14 : i64} {
  func.func @body(%arg0: i32, %arg1: memref<2048x2xf32, #tpu.memory_space<vmem>>, %arg2: memref<2048x128xf32, #tpu.memory_space<vmem>>, %arg3: memref<128x128xf32, #tpu.memory_space<vmem>>, %arg4: memref<2048x128xf32, #tpu.memory_space<vmem>>, %arg5: memref<2048x1xf32, #tpu.memory_space<vmem>>) attributes {dimension_semantics = [#tpu.dimension_semantics<arbitrary>], iteration_bounds = array<i64: 5>, scalar_prefetch = 0 : i64, scratch_operands = 0 : i64, tpu.core_type = #tpu.core_type<tc>, window_params = [{transform_indices = @transform_0, window_bounds = array<i64: 2048, 2>}, {transform_indices = @transform_1, window_bounds = array<i64: 2048, 128>}, {pipeline_mode = #tpu.pipeline_mode<synchronous>, transform_indices = @transform_2, window_bounds = array<i64: 128, 128>}, {transform_indices = @transform_3, window_bounds = array<i64: 2048, 128>}, {transform_indices = @transform_4, window_bounds = array<i64: 2048, 1>}]} {
    %get3A = arith.constant 0 : index
    %get3A_0 = arith.constant 0 : index
    %get3A_1 = vector.load %arg1[%get3A, %get3A_0] : memref<2048x2xf32, #tpu.memory_space<vmem>>, vector<2048x1xf32>
    %get3A_2 = arith.constant 0 : index
    %get3A_3 = arith.constant 1 : index
    %get3A_4 = vector.load %arg1[%get3A_2, %get3A_3] : memref<2048x2xf32, #tpu.memory_space<vmem>>, vector<2048x1xf32>
    %add3A = arith.addf %get3A_1, %get3A_4 : vector<2048x1xf32>
    %add3A_5 = arith.constant 1.000000e+00 : f32
    %add3A_6 = vector.broadcast %add3A_5 : f32 to vector<2048x1xf32>
    %add3A_7 = arith.addf %add3A, %add3A_6 : vector<2048x1xf32>
    %rsqrt3A = math.rsqrt %add3A_7 : vector<2048x1xf32>
    %swap3A = arith.constant 0 : index
    %swap3A_8 = arith.constant 0 : index
    %swap3A_9 = vector.load %arg5[%swap3A, %swap3A_8] : memref<2048x1xf32, #tpu.memory_space<vmem>>, vector<2048x1xf32>
    tpu.vector_store %arg5[%swap3A, %swap3A_8], %rsqrt3A {strides = array<i32>} : memref<2048x1xf32, #tpu.memory_space<vmem>>, vector<2048x1xf32>,
    %get3A_10 = arith.constant 0 : index
    %get3A_11 = arith.constant 0 : index
    %get3A_12 = vector.load %arg2[%get3A_10, %get3A_11] : memref<2048x128xf32, #tpu.memory_space<vmem>>, vector<2048x128xf32>
    %get3A_13 = arith.constant 0 : index
    %get3A_14 = arith.constant 0 : index
    %get3A_15 = vector.load %arg3[%get3A_13, %get3A_14] : memref<128x128xf32, #tpu.memory_space<vmem>>, vector<128x128xf32>
    %dot_general3A = arith.constant dense<0.000000e+00> : vector<2048x128xf32>
    %dot_general3A_16 = tpu.matmul %get3A_12, %get3A_15, %dot_general3A {dimension_numbers = #tpu.dot_dimension_numbers<[1], [0], [0], [1], [0, 0, 1, 1], [], []>, transpose_lhs_hint = false} : vector<2048x128xf32>, vector<128x128xf32>, vector<2048x128xf32> -> vector<2048x128xf32>
    %mul3A = vector.broadcast %rsqrt3A : vector<2048x1xf32> to vector<2048x128xf32>
    %mul3A_17 = arith.mulf %mul3A, %dot_general3A_16 : vector<2048x128xf32>
    %swap3A_18 = arith.constant 0 : index
    %swap3A_19 = arith.constant 0 : index
    %swap3A_20 = vector.load %arg4[%swap3A_18, %swap3A_19] : memref<2048x128xf32, #tpu.memory_space<vmem>>, vector<2048x128xf32>
    tpu.vector_store %arg4[%swap3A_18, %swap3A_19], %mul3A_17 {strides = array<i32>} : memref<2048x128xf32, #tpu.memory_space<vmem>>, vector<2048x128xf32>,
    return
  }
  func.func @transform_0(%arg0: i32) -> (i32, i32) {
    %c0_i32 = arith.constant 0 : i32
    %c0_i32_0 = arith.constant 0 : i32
    return %arg0, %c0_i32 : i32, i32
  }
  func.func @transform_1(%arg0: i32) -> (i32, i32) {
    %c0_i32 = arith.constant 0 : i32
    %c0_i32_0 = arith.constant 0 : i32
    return %arg0, %c0_i32 : i32, i32
  }
  func.func @transform_2(%arg0: i32) -> (i32, i32) {
    %c0_i32 = arith.constant 0 : i32
    %c0_i32_0 = arith.constant 0 : i32
    %c0_i32_1 = arith.constant 0 : i32
    return %c0_i32, %c0_i32_0 : i32, i32
  }
  func.func @transform_3(%arg0: i32) -> (i32, i32) {
    %c0_i32 = arith.constant 0 : i32
    %c0_i32_0 = arith.constant 0 : i32
    return %arg0, %c0_i32 : i32, i32
  }
  func.func @transform_4(%arg0: i32) -> (i32, i32) {
    %c0_i32 = arith.constant 0 : i32
    %c0_i32_0 = arith.constant 0 : i32
    return %arg0, %c0_i32 : i32, i32
  }
}

module attributes {stable_mosaic.version = 14 : i64} {
  func.func @body(%arg0: i32, %arg1: memref<2x2048x128xf32, #tpu.memory_space<vmem>>, %arg2: memref<2048x128xf32, #tpu.memory_space<vmem>>, %arg3: memref<2048x1xf32, #tpu.memory_space<vmem>>, %arg4: memref<1x128xf32, #tpu.memory_space<vmem>>, %arg5: memref<2048x128xf32, #tpu.memory_space<vmem>>) attributes {dimension_semantics = [#tpu.dimension_semantics<arbitrary>], iteration_bounds = array<i64: 5>, scalar_prefetch = 0 : i64, scratch_operands = 0 : i64, tpu.core_type = #tpu.core_type<tc>, window_params = [{transform_indices = @transform_0, window_bounds = array<i64: 2, 2048, 128>}, {transform_indices = @transform_1, window_bounds = array<i64: 2048, 128>}, {transform_indices = @transform_2, window_bounds = array<i64: 2048, 1>}, {pipeline_mode = #tpu.pipeline_mode<synchronous>, transform_indices = @transform_3, window_bounds = array<i64: 1, 128>}, {transform_indices = @transform_4, window_bounds = array<i64: 2048, 128>}]} {
    %get3A = arith.constant 0 : index
    %get3A_0 = arith.constant 0 : index
    %get3A_1 = arith.constant 0 : index
    %get3A_2 = vector.load %arg1[%get3A, %get3A_0, %get3A_1] : memref<2x2048x128xf32, #tpu.memory_space<vmem>>, vector<1x2048x128xf32>
    %get3A_3 = vector.shape_cast %get3A_2 : vector<1x2048x128xf32> to vector<2048x128xf32>
    %get3A_4 = arith.constant 1 : index
    %get3A_5 = arith.constant 0 : index
    %get3A_6 = arith.constant 0 : index
    %get3A_7 = vector.load %arg1[%get3A_4, %get3A_5, %get3A_6] : memref<2x2048x128xf32, #tpu.memory_space<vmem>>, vector<1x2048x128xf32>
    %get3A_8 = vector.shape_cast %get3A_7 : vector<1x2048x128xf32> to vector<2048x128xf32>
    %add3A = arith.addf %get3A_3, %get3A_8 : vector<2048x128xf32>
    %get3A_9 = arith.constant 0 : index
    %get3A_10 = arith.constant 0 : index
    %get3A_11 = vector.load %arg2[%get3A_9, %get3A_10] : memref<2048x128xf32, #tpu.memory_space<vmem>>, vector<2048x128xf32>
    %add3A_12 = arith.addf %add3A, %get3A_11 : vector<2048x128xf32>
    %get3A_13 = arith.constant 0 : index
    %get3A_14 = arith.constant 0 : index
    %get3A_15 = vector.load %arg3[%get3A_13, %get3A_14] : memref<2048x1xf32, #tpu.memory_space<vmem>>, vector<2048x1xf32>
    %mul3A = vector.broadcast %get3A_15 : vector<2048x1xf32> to vector<2048x128xf32>
    %mul3A_16 = arith.mulf %mul3A, %add3A_12 : vector<2048x128xf32>
    %get3A_17 = arith.constant 0 : index
    %get3A_18 = arith.constant 0 : index
    %get3A_19 = vector.load %arg4[%get3A_17, %get3A_18] : memref<1x128xf32, #tpu.memory_space<vmem>>, vector<1x128xf32>
    %add3A_20 = vector.broadcast %get3A_19 : vector<1x128xf32> to vector<2048x128xf32>
    %add3A_21 = arith.addf %mul3A_16, %add3A_20 : vector<2048x128xf32>
    %max3A = arith.constant 0.000000e+00 : f32
    %max3A_22 = vector.broadcast %max3A : f32 to vector<2048x128xf32>
    %max3A_23 = arith.maximumf %add3A_21, %max3A_22 : vector<2048x128xf32>
    %get3A_24 = arith.constant 0 : index
    %get3A_25 = arith.constant 0 : index
    %get3A_26 = vector.load %arg3[%get3A_24, %get3A_25] : memref<2048x1xf32, #tpu.memory_space<vmem>>, vector<2048x1xf32>
    %mul3A_27 = vector.broadcast %get3A_26 : vector<2048x1xf32> to vector<2048x128xf32>
    %mul3A_28 = arith.mulf %mul3A_27, %max3A_23 : vector<2048x128xf32>
    %swap3A = arith.constant 0 : index
    %swap3A_29 = arith.constant 0 : index
    %swap3A_30 = vector.load %arg5[%swap3A, %swap3A_29] : memref<2048x128xf32, #tpu.memory_space<vmem>>, vector<2048x128xf32>
    tpu.vector_store %arg5[%swap3A, %swap3A_29], %mul3A_28 {strides = array<i32>} : memref<2048x128xf32, #tpu.memory_space<vmem>>, vector<2048x128xf32>,
    return
  }
  func.func @transform_0(%arg0: i32) -> (i32, i32, i32) {
    %c0_i32 = arith.constant 0 : i32
    %c0_i32_0 = arith.constant 0 : i32
    %c0_i32_1 = arith.constant 0 : i32
    return %c0_i32, %arg0, %c0_i32_0 : i32, i32, i32
  }
  func.func @transform_1(%arg0: i32) -> (i32, i32) {
    %c0_i32 = arith.constant 0 : i32
    %c0_i32_0 = arith.constant 0 : i32
    return %arg0, %c0_i32 : i32, i32
  }
  func.func @transform_2(%arg0: i32) -> (i32, i32) {
    %c0_i32 = arith.constant 0 : i32
    %c0_i32_0 = arith.constant 0 : i32
    return %arg0, %c0_i32 : i32, i32
  }
  func.func @transform_3(%arg0: i32) -> (i32, i32) {
    %c0_i32 = arith.constant 0 : i32
    %c0_i32_0 = arith.constant 0 : i32
    %c0_i32_1 = arith.constant 0 : i32
    return %c0_i32, %c0_i32_0 : i32, i32
  }
  func.func @transform_4(%arg0: i32) -> (i32, i32) {
    %c0_i32 = arith.constant 0 : i32
    %c0_i32_0 = arith.constant 0 : i32
    return %arg0, %c0_i32 : i32, i32
  }
}

module attributes {stable_mosaic.version = 14 : i64} {
  func.func @body(%arg0: i32, %arg1: memref<2x2048x128xf32, #tpu.memory_space<vmem>>, %arg2: memref<2048x128xf32, #tpu.memory_space<vmem>>, %arg3: memref<2048x1xf32, #tpu.memory_space<vmem>>, %arg4: memref<128x16xf32, #tpu.memory_space<vmem>>, %arg5: memref<1x16xf32, #tpu.memory_space<vmem>>, %arg6: memref<2048x16xf32, #tpu.memory_space<vmem>>) attributes {dimension_semantics = [#tpu.dimension_semantics<arbitrary>], iteration_bounds = array<i64: 5>, scalar_prefetch = 0 : i64, scratch_operands = 0 : i64, tpu.core_type = #tpu.core_type<tc>, window_params = [{transform_indices = @transform_0, window_bounds = array<i64: 2, 2048, 128>}, {transform_indices = @transform_1, window_bounds = array<i64: 2048, 128>}, {transform_indices = @transform_2, window_bounds = array<i64: 2048, 1>}, {pipeline_mode = #tpu.pipeline_mode<synchronous>, transform_indices = @transform_3, window_bounds = array<i64: 128, 16>}, {pipeline_mode = #tpu.pipeline_mode<synchronous>, transform_indices = @transform_4, window_bounds = array<i64: 1, 16>}, {transform_indices = @transform_5, window_bounds = array<i64: 2048, 16>}]} {
    %get3A = arith.constant 0 : index
    %get3A_0 = arith.constant 0 : index
    %get3A_1 = arith.constant 0 : index
    %get3A_2 = vector.load %arg1[%get3A, %get3A_0, %get3A_1] : memref<2x2048x128xf32, #tpu.memory_space<vmem>>, vector<1x2048x128xf32>
    %get3A_3 = vector.shape_cast %get3A_2 : vector<1x2048x128xf32> to vector<2048x128xf32>
    %get3A_4 = arith.constant 1 : index
    %get3A_5 = arith.constant 0 : index
    %get3A_6 = arith.constant 0 : index
    %get3A_7 = vector.load %arg1[%get3A_4, %get3A_5, %get3A_6] : memref<2x2048x128xf32, #tpu.memory_space<vmem>>, vector<1x2048x128xf32>
    %get3A_8 = vector.shape_cast %get3A_7 : vector<1x2048x128xf32> to vector<2048x128xf32>
    %add3A = arith.addf %get3A_3, %get3A_8 : vector<2048x128xf32>
    %get3A_9 = arith.constant 0 : index
    %get3A_10 = arith.constant 0 : index
    %get3A_11 = vector.load %arg2[%get3A_9, %get3A_10] : memref<2048x128xf32, #tpu.memory_space<vmem>>, vector<2048x128xf32>
    %add3A_12 = arith.addf %add3A, %get3A_11 : vector<2048x128xf32>
    %get3A_13 = arith.constant 0 : index
    %get3A_14 = arith.constant 0 : index
    %get3A_15 = vector.load %arg3[%get3A_13, %get3A_14] : memref<2048x1xf32, #tpu.memory_space<vmem>>, vector<2048x1xf32>
    %get3A_16 = arith.constant 0 : index
    %get3A_17 = arith.constant 0 : index
    %get3A_18 = vector.load %arg4[%get3A_16, %get3A_17] : memref<128x16xf32, #tpu.memory_space<vmem>>, vector<128x16xf32>
    %dot_general3A = arith.constant dense<0.000000e+00> : vector<2048x16xf32>
    %dot_general3A_19 = tpu.matmul %add3A_12, %get3A_18, %dot_general3A {dimension_numbers = #tpu.dot_dimension_numbers<[1], [0], [0], [1], [0, 0, 1, 1], [], []>, transpose_lhs_hint = false} : vector<2048x128xf32>, vector<128x16xf32>, vector<2048x16xf32> -> vector<2048x16xf32>
    %mul3A = vector.broadcast %get3A_15 : vector<2048x1xf32> to vector<2048x16xf32>
    %mul3A_20 = arith.mulf %mul3A, %dot_general3A_19 : vector<2048x16xf32>
    %get3A_21 = arith.constant 0 : index
    %get3A_22 = arith.constant 0 : index
    %get3A_23 = vector.load %arg5[%get3A_21, %get3A_22] : memref<1x16xf32, #tpu.memory_space<vmem>>, vector<1x16xf32>
    %add3A_24 = vector.broadcast %get3A_23 : vector<1x16xf32> to vector<2048x16xf32>
    %add3A_25 = arith.addf %mul3A_20, %add3A_24 : vector<2048x16xf32>
    %reduce_max3A = arith.constant dense<0xFF800000> : vector<2048xf32>
    %reduce_max3A_26 = vector.multi_reduction <maximumf>, %add3A_25, %reduce_max3A [1] : vector<2048x16xf32> to vector<2048xf32>
    %broadcast_in_dim3A = vector.shape_cast %reduce_max3A_26 : vector<2048xf32> to vector<2048x1xf32>
    %sub3A = vector.broadcast %broadcast_in_dim3A : vector<2048x1xf32> to vector<2048x16xf32>
    %sub3A_27 = arith.subf %add3A_25, %sub3A : vector<2048x16xf32>
    %exp3A = math.exp %sub3A_27 : vector<2048x16xf32>
    %reduce_sum3A = arith.constant dense<0.000000e+00> : vector<2048xf32>
    %reduce_sum3A_28 = vector.multi_reduction <add>, %exp3A, %reduce_sum3A [1] : vector<2048x16xf32> to vector<2048xf32>
    %broadcast_in_dim3A_29 = vector.shape_cast %reduce_sum3A_28 : vector<2048xf32> to vector<2048x1xf32>
    %log3A = math.log %broadcast_in_dim3A_29 : vector<2048x1xf32>
    %sub3A_30 = vector.broadcast %broadcast_in_dim3A : vector<2048x1xf32> to vector<2048x16xf32>
    %sub3A_31 = arith.subf %add3A_25, %sub3A_30 : vector<2048x16xf32>
    %sub3A_32 = vector.broadcast %log3A : vector<2048x1xf32> to vector<2048x16xf32>
    %sub3A_33 = arith.subf %sub3A_31, %sub3A_32 : vector<2048x16xf32>
    %swap3A = arith.constant 0 : index
    %swap3A_34 = arith.constant 0 : index
    %swap3A_35 = vector.load %arg6[%swap3A, %swap3A_34] : memref<2048x16xf32, #tpu.memory_space<vmem>>, vector<2048x16xf32>
    tpu.vector_store %arg6[%swap3A, %swap3A_34], %sub3A_33 {strides = array<i32>} : memref<2048x16xf32, #tpu.memory_space<vmem>>, vector<2048x16xf32>,
    return
  }
  func.func @transform_0(%arg0: i32) -> (i32, i32, i32) {
    %c0_i32 = arith.constant 0 : i32
    %c0_i32_0 = arith.constant 0 : i32
    %c0_i32_1 = arith.constant 0 : i32
    return %c0_i32, %arg0, %c0_i32_0 : i32, i32, i32
  }
  func.func @transform_1(%arg0: i32) -> (i32, i32) {
    %c0_i32 = arith.constant 0 : i32
    %c0_i32_0 = arith.constant 0 : i32
    return %arg0, %c0_i32 : i32, i32
  }
  func.func @transform_2(%arg0: i32) -> (i32, i32) {
    %c0_i32 = arith.constant 0 : i32
    %c0_i32_0 = arith.constant 0 : i32
    return %arg0, %c0_i32 : i32, i32
  }
  func.func @transform_3(%arg0: i32) -> (i32, i32) {
    %c0_i32 = arith.constant 0 : i32
    %c0_i32_0 = arith.constant 0 : i32
    %c0_i32_1 = arith.constant 0 : i32
    return %c0_i32, %c0_i32_0 : i32, i32
  }
  func.func @transform_4(%arg0: i32) -> (i32, i32) {
    %c0_i32 = arith.constant 0 : i32
    %c0_i32_0 = arith.constant 0 : i32
    %c0_i32_1 = arith.constant 0 : i32
    return %c0_i32, %c0_i32_0 : i32, i32
  }
  func.func @transform_5(%arg0: i32) -> (i32, i32) {
    %c0_i32 = arith.constant 0 : i32
    %c0_i32_0 = arith.constant 0 : i32
    return %arg0, %c0_i32 : i32, i32
  }
}

</mosaic_0001>

<sc_bundles>
// kernel: kernel.11.cloned.1.call-start
scs
__scs_entry_jumppad:
0x0: {  	(pc) =	sbr.rel $0x88, $3  }
0x1: {  	(tag) =	ssettag $0x0;
	lr =	simm.s32 $0x1  }
0x2: {  	[smem:$0x3F9B] =	sst lr;
	_ =	strace $0xD0000000  }
0x3: {  	_ = 	snop  }
0x4: {  	_ = 	snop  }
0x5: {  	_ = 	snop  }
0x6: {  	_ = 	snop  }
0x7: {  	_ = 	snop  }
__scs_overlays_trampoline_lowered:
0x8: {  	[smem:$0x3FAA] =	sst s0  }
0x9: {  	[smem:$0x3FAB] =	sst s1  }
0xa: {  	[smem:$0x3FAC] =	sst s2  }
0xb: {  	[smem:$0x3FAD] =	sst s3  }
0xc: {  	[smem:$0x3FAE] =	sst s4  }
0xd: {  	[smem:$0x3FAF] =	sst s5  }
0xe: {  	[smem:$0x3FB0] =	sst s6  }
0xf: {  	[smem:$0x3FB1] =	sst s7  }
0x10: {  	[smem:$0x3FB2] =	sst s8  }
0x11: {  	[smem:$0x3FB3] =	sst s9;
	s0 =	simm.s32 @!p0 $0x0  }
0x12: {  	s1 =	sld [smem:$0x3F99];
	s0 =	simm.s32 @p0 $0x1  }
0x13: {  	[smem:$0x3FB4] =	sst s0;
	s0 =	simm.s32 @!p1 $0x0  }
0x14: {  	s2 =	sld [smem:$0x3F98];
	s0 =	simm.s32 @p1 $0x1  }
0x15: {  	[smem:$0x3FB5] =	sst s0;
	s0 =	simm.s32 @!p2 $0x0  }
0x16: {  	s3 =	sld [smem:$0x3FDB];
	s0 =	simm.s32 @p2 $0x1  }
0x17: {  	s4 =	simm.s32 $0x1BF5;
	[smem:$0x3FB7] =	sst s0  }
0x18: {  	s0 =	sld [smem:$0x3F9A];
	_ =	swait.ge [sflag:s4], $0x0  }
0x19: {  	s7 =	sld [smem:$0x3F9B]  }
0x1a: {  	s8 =	sadd.s32 $0xFFFFE003, lr  }
0x1b: {  	s9 =	sadd.s32 $0xFFFFFEF7, lr;
	s5 =	simm.s32 $0xFFFFFFFF;
	p2 =	slt.u32 s8, $0xFFFFF086  }
0x1c: {  	p1 =	slt.u32 s9, $0xF7A;
	s5 =	simm.s32 @!p2 $0x0  }
0x1d: {  	s5 =	simm.s32 @p1 $0x1;
	p0 =	seq.s32 s7, s2  }
0x1e: {  	s7 =	smul.u32 @!p0 $0xF7A, s2;
	p2 =	seq.s32 @!p0 s5, $0x0  }
0x1f: {  	s9 =	smul.u32 $0xF7A, s1;
	s8 =	simm.s32 @!p0 $0x1BF5;
	p2 =	por !p2, p0  }
0x20: {  	[sflag:s8] =	ssyncset.s32 @!p0 $0xFFFFF086;
	s6 =	sadd.s32 @!p0 s3, s7;
	s7 =	simm.s32 @!p0 $0x108  }
0x21: {  	s3 =	sadd.s32 s3, s9;
	s6 =	sadd.s32 @!p0 $0x88, s6;
	s7 =	simm.s32 @p2 $0x1082  }
0x22: {  	[simem:s7], [sflag:s8] =	dma.local @!p0 [hbm:s6], $0xF7A  }
0x23: {  	s9 =	sor.u32 $0xD0000000, s2;
	s6 =	simm.s32 $0x108;
	_ =	swait.ge @!p0 [sflag:s8], $0x0  }
0x24: {  	s3 =	sadd.s32 $0x88, s3;
	s6 =	simm.s32 @!p1 $0x1082;
	[sflag:s4] =	ssyncset.s32 $0xFFFFF086  }
0x25: {  	[simem:s6], [sflag:s4] =	dma.local [hbm:s3], $0xF7A  }
0x26: {  	[smem:$0x3F9B] =	sst s1;
	(tag) =	ssettag s2;
	_ =	strace s9  }
0x27: {  	s1 =	sld [smem:$0x3FAB]  }
0x28: {  	s2 =	sld [smem:$0x3FAC]  }
0x29: {  	s4 =	sld [smem:$0x3FAE]  }
0x2a: {  	p0 =	seq.s32 s5, $0x0;
	s5 =	sld [smem:$0x3FAF]  }
0x2b: {  	s6 =	sld [smem:$0x3FB0]  }
0x2c: {  	s7 =	sld [smem:$0x3FB1]  }
0x2d: {  	s3 =	simm.s32 $0x108;
	s8 =	sld [smem:$0x3FB2]  }
0x2e: {  	s3 =	simm.s32 @!p0 $0x1082;
	s9 =	sld [smem:$0x3FB3]  }
0x2f: {  	lr =	sadd.s32 s0, s3;
	s0 =	sld [smem:$0x3FAA]  }
0x30: {  	s3 =	sld [smem:$0x3FAD]  }
0x31: {  	[smem:$0x3FB6] =	sst s10  }
0x32: {  	s10 =	sld [smem:$0x3FB4];
	_ =	sdelay $0x3  }
0x33: {  	p0 =	seq.s32 s10, $0x1;
	s10 =	sld [smem:$0x3FB6];
	_ =	sdelay $0x3  }
0x34: {  	[smem:$0x3FB6] =	sst s10  }
0x35: {  	s10 =	sld [smem:$0x3FB5];
	_ =	sdelay $0x3  }
0x36: {  	p1 =	seq.s32 s10, $0x1;
	s10 =	sld [smem:$0x3FB6];
	_ =	sdelay $0x3  }
0x37: {  	[smem:$0x3FB6] =	sst s10  }
0x38: {  	s10 =	sld [smem:$0x3FB7]  }
0x39: {  	_ = 	snop;
	(pc) =	sbr.ind lr, $3  }
0x3a: {  	_ = 	snop  }
0x3b: {  	_ = 	snop  }
0x3c: {  	p2 =	seq.s32 s10, $0x1;
	s10 =	sld [smem:$0x3FB6]  }
0x3d: {  	_ =	shalt  }
0x3e: {  	_ =	shalt  }
0x3f: {  	_ =	shalt  }
0x40: {  	_ =	shalt  }
0x41: {  	_ =	shalt  }
0x42: {  	_ =	shalt  }
0x43: {  	_ =	shalt  }
0x44: {  	_ =	shalt  }
0x45: {  	_ =	shalt  }
0x46: {  	_ =	shalt  }
0x47: {  	_ =	shalt  }
0x48: {  	_ =	shalt  }
0x49: {  	_ =	shalt  }
0x4a: {  	_ =	shalt  }
0x4b: {  	_ =	shalt  }
0x4c: {  	_ =	shalt  }
0x4d: {  	_ =	shalt  }
0x4e: {  	_ =	shalt  }
0x4f: {  	_ =	shalt  }
0x50: {  	_ =	shalt  }
0x51: {  	_ =	shalt  }
0x52: {  	_ =	shalt  }
0x53: {  	_ =	shalt  }
0x54: {  	_ =	shalt  }
0x55: {  	_ =	shalt  }
0x56: {  	_ =	shalt  }
0x57: {  	_ =	shalt  }
0x58: {  	_ =	shalt  }
0x59: {  	_ =	shalt  }
0x5a: {  	_ =	shalt  }
0x5b: {  	_ =	shalt  }
0x5c: {  	_ =	shalt  }
0x5d: {  	_ =	shalt  }
0x5e: {  	_ =	shalt  }
0x5f: {  	_ =	shalt  }
0x60: {  	_ =	shalt  }
0x61: {  	_ =	shalt  }
0x62: {  	_ =	shalt  }
0x63: {  	_ =	shalt  }
0x64: {  	_ =	shalt  }
0x65: {  	_ =	shalt  }
0x66: {  	_ =	shalt  }
0x67: {  	_ =	shalt  }
0x68: {  	_ =	shalt  }
0x69: {  	_ =	shalt  }
0x6a: {  	_ =	shalt  }
0x6b: {  	_ =	shalt  }
0x6c: {  	_ =	shalt  }
0x6d: {  	_ =	shalt  }
0x6e: {  	_ =	shalt  }
0x6f: {  	_ =	shalt  }
0x70: {  	_ =	shalt  }
0x71: {  	_ =	shalt  }
0x72: {  	_ =	shalt  }
0x73: {  	_ =	shalt  }
0x74: {  	_ =	shalt  }
0x75: {  	_ =	shalt  }
0x76: {  	_ =	shalt  }
0x77: {  	_ =	shalt  }
0x78: {  	_ =	shalt  }
0x79: {  	_ =	shalt  }
0x7a: {  	_ =	shalt  }
0x7b: {  	_ =	shalt  }
0x7c: {  	_ =	shalt  }
0x7d: {  	_ =	shalt  }
0x7e: {  	_ =	shalt  }
0x7f: {  	_ =	shalt  }
0x80: {  	_ =	shalt  }
0x81: {  	_ =	shalt  }
0x82: {  	_ =	shalt  }
0x83: {  	_ =	shalt  }
0x84: {  	_ =	shalt  }
0x85: {  	_ =	shalt  }
0x86: {  	_ =	shalt  }
0x87: {  	_ =	shalt  }
.Lfunc_end0:
.L_simem_size_0:
called_computation.1_lowered:
.L_overlay_start_0:
0x88: {  	s2 =	sld [smem:$0x3FD9]  }
0x89: {  	s3 =	sld [smem:$0x3FFE];
	_ =	sdelay $0x1  }
0x8a: {  	s1 =	srdreg.scid  }
0x8b: {  	s0 =	sand.u32 $0x1, s1  }
0x8c: {  	s16 =	sshll.u32 s0, $0xA;
	s2 =	sadd.s32 s3, s2  }
0x8d: {  	s2 =	sadd.s32 s2, s16  }
0x8e: {  	[smem:$0x3FC2] =	sst s2  }
0x8f: {  	_ = 	snop  }
0x90: {  	(tm) =	ssettm $0x1  }
0x91: {  	s17 =	sld [smem:$0x3FFB];
	_ =	sdelay $0x3  }
0x92: {  	_ =	strace s17  }
0x93: {  	s2 =	sld [smem:$0x3FFC];
	_ =	sdelay $0x3  }
0x94: {  	_ =	strace s2  }
0x95: {  	s2 =	sld [smem:$0x3FFD];
	_ =	sdelay $0x3  }
0x96: {  	_ =	strace s2  }
0x97: {  	_ =	strace $0x8FFFFFFF  }
0x98: {  	s18 =	sld [smem:$0x3FDB];
	_ =	sdelay $0x1  }
0x99: {  	s19 =	simm.s32 $_scs_section_size  }
0x9a: {  	s4 =	simm.s32 $_size__tile_overlayer_lowered;
	s5 =	simm.s32 $_tile_overlayer_lowered  }
0x9b: {  	s22 =	simm.s32 $0x1BFF;
	s21 =	sshll.u32 s5, $0x1;
	s2 =	sadd.s32 s19, s18  }
0x9c: {  	s6 =	simm.s32 $0x0;
	s20 =	sshll.u32 s4, $0x1;
	s4 =	sadd.s32 s21, s2  }
0x9d: {  	[timem:s6], [sflag:s22] =	dma.local [hbm:s4], s20  }
0x9e: {  	_ =	swait.ge [sflag:s22], s20  }
0x9f: {  	s3 =	ssub.s32 $0x0, s20;
	[sflag:s22] =	ssyncset.done $0x0  }
0xa0: {  	[sflag:s22] =	ssyncadd.s32 s3;
	_ =	sdelay $0x1  }
0xa1: {  	s23 =	simm.s32 $0x1B8B  }
0xa2: {  	_ =	swait.ge [sflag:s23], $0x1  }
0xa3: {  	[sflag:s23] =	ssyncset.done $0x0  }
0xa4: {  	s25 =	simm.s32 $0x1B8E;
	s24 =	sld [smem:$0x3FFE];
	[sflag:s23] =	ssyncadd.s32 $0xFFFFFFFF  }
0xa5: {  	s26 =	simm.s32 $execute0_lowered;
	[smem:$0x3FD2] =	sst s25  }
0xa6: {  	s4 =	sshll.u32 s26, $0x1;
	_ =	strace $0x80000049;
	[dreg:$0x1] =	wrdreg $0xFFFFFFFF  }
0xa7: {  	s28 =	simm.s32 $_size_execute0_lowered;
	s2 =	sadd.s32 s2, s4;
	[dreg:$0x0] =	wrdreg $0x0  }
0xa8: {  	s4 =	sshll.u32 s28, $0x1;
	[dreg:$0x2] =	wrdreg s2  }
0xa9: {  	[dreg:$0x3] =	wrdreg s4  }
0xaa: {  	[dreg:$0x4] =	wrdreg $0xC0  }
0xab: {  	_ =	task [dreg:s6], $0x5FFFF  }
0xac: {  	[dreg:$0x1] =	wrdreg $0xFFFFFFFF  }
0xad: {  	[dreg:$0x0] =	wrdreg $0x60  }
0xae: {  	[dreg:$0x2] =	wrdreg s24  }
0xaf: {  	[dreg:$0x3] =	wrdreg $0x88000  }
0xb0: {  	[dreg:$0x4] =	wrdreg $0x9  }
0xb1: {  	_ =	task.clear_ibuf [dreg:s6], $0x5FFFF;
	_ =	strace $0x90000049  }
0xb2: {  	s29 =	simm.s32 $0x9;
	_ =	strace $0x8000004B  }
0xb3: {  	_ =	swait.ge [sflag:s29], $0x1  }
0xb4: {  	[sflag:s29] =	ssyncadd.s32 $0xFFFFFFFF  }
0xb5: {  	_ =	strace $0x9000004B  }
0xb6: {  	_ =	sfence  }
0xb7: {  	s30 =	sld [smem:$0x0];
	_ =	sdelay $0x2  }
0xb8: {  	s31 =	sshll.u32 s1, $0xD;
	s1 =	sshrl.u32 s1, $0x2  }
0xb9: {  	s3 =	sand.u32 $0x4000, s31;
	s1 =	sadd.s32 s1, s30  }
0xba: {  	s0 =	sor.u32 s3, s0;
	s1 =	sshll.u32 s1, $0x11  }
0xbb: {  	s0 =	sor.u32 s1, s0  }
0xbc: {  	s0 =	sadd.s32 $0x8F2B, s0  }
0xbd: {  	[sflag:s0] =	ssyncadd.remote.s32 $0x1  }
0xbe: {  	_ =	sfence.sel $0xFFFF  }
0xbf: {  	[dreg:$0x0] =	wrdreg $0xFFFFFFFF;
	(pc) =	sbr.abs _section_cstart, $3  }
0xc0: {  	[dreg:$0x1] =	wrdreg $0xFFFFFFFF  }
0xc1: {  	_ =	task.clear_ibuf [dreg:s6], $0x2FFFF;
	_ =	strace $0x9FFFFFFF  }
0xc2: {  	(tm) =	ssettm $0x7FFFFFFF  }
0xc3: {  	_ =	shalt  }
tec
execute0_lowered:
.L_overlay_start_1:
0x0: {  	(tag) =	ssettag $0x1  }
0x1: {  	s0 =	rddreg [dreg:$0x0]  }
0x2: {  	s2 =	rddreg [dreg:$0x1]  }
0x3: {  	s13 =	stileid.u32;
	s1 =	srdreg.scid;
	s3 =	simm.s32 $0x0  }
0x4: {  	s14 =	simm.s32 $0x5;
	s28 =	simm.s32 $0x180;
	s29 =	simm.s32 $0x300  }
0x5: {  	s30 =	simm.s32 $0x380;
	s31 =	simm.s32 $0x480;
	s5 =	smul.u32 $0x14000, s13  }
0x6: {  	s1 =	sand.u32 $0x1, s1;
	[smem:$0x7FF] =	sst s3;
	s9 =	smul.u32 $0x50000, s13  }
0x7: {  	s4 =	sadd.s32 $0x16600, s0;
	s7 =	sadd.s32 $0xC600, s0;
	s12 =	smul.u32 $0x2800, s13  }
0x8: {  	s15 =	sadd.s32 $0x2000, s0;
	s18 =	sshll.u32 s13, $0x6;
	s6 =	smul.u32 $0x140000, s1  }
0x9: {  	_ =	strace $0x8000004A;
	s16 =	ssub.s32 $0x2, s1;
	s11 =	sshll.u32 s1, $0x4  }
0xa: {  	s1 =	smul.u32 $0x28000, s1;
	s8 =	sshrl.u32 s5, $0x3;
	s10 =	sshrl.u32 s16, $0x1  }
0xb: {  	s9 =	sshrl.u32 s9, $0x2;
	s11 =	sor.u32 s13, s11;
	s5 =	sadd.s32 s5, s6  }
0xc: {  	s8 =	sadd.s32 s8, s0;
	s9 =	sadd.s32 s9, s2;
	s17 =	smul.u32 $0x2800, s11  }
0xd: {  	s1 =	sadd.s32 s12, s1;
	s12 =	sor.u32 $0x1C05, s18;
	s18 =	simm.s32 $0x80  }
0xe: {  	s5 =	sshrl.u32 s5, $0x3;
	s8 =	sadd.s32 $0x3E600, s8;
	s20 =	sor.u32 $0x400, s1  }
0xf: {  	s1 =	sor.u32 $0x200, s1;
	[dreg:$0x8] =	wrdreg s12;
	s0 =	sadd.s32 s5, s0  }
0x10: {  	s5 =	ssub.s32 s16, s10;
	[dreg:$0x7] =	wrdreg s8;
	s19 =	sshrl.u32 s17, $0x3  }
0x11: {  	s10 =	sshrl.u32 s20, $0x3;
	s1 =	sshrl.u32 s1, $0x3;
	s21 =	sadd.s32 s7, s19  }
0x12: {  	s16 =	simm.s32 $0x3;
	s22 =	sadd.s32 s15, s19;
	[dreg:$0x9] =	wrdreg s21  }
0x13: {  	s17 =	simm.s32 $0x4;
	s23 =	sadd.s32 s10, s15;
	[dreg:$0xa] =	wrdreg s22  }
0x14: {  	s20 =	simm.s32 $0x1;
	s10 =	sadd.s32 s10, s7;
	[dreg:$0x3] =	wrdreg s23  }
0x15: {  	s8 =	sadd.s32 $0x4C0, s19;
	s25 =	sadd.s32 s1, s15;
	[dreg:$0x4] =	wrdreg s10  }
0x16: {  	s1 =	sadd.s32 s1, s7;
	s0 =	sadd.s32 $0x66600, s0;
	[dreg:$0x5] =	wrdreg s25  }
0x17: {  	s26 =	smax.u32 s5, $0x1;
	s19 =	simm.s32 $0x800;
	[dreg:$0xd] =	wrdreg s0  }
0x18: {  	s5 =	simm.s32 $0x580;
	s24 =	sadd.s32 s7, s8;
	[dreg:$0xe] =	wrdreg s26  }
0x19: {  	s6 =	sadd.s32 s15, s8;
	[dreg:$0x6] =	wrdreg s1;
	s10 =	sshrl.u32 s9, $0x3  }
0x1a: {  	s15 =	simm.s32 $0x200;
	s21 =	simm.s32 $0x400;
	s22 =	simm.s32 $0x600  }
0x1b: {  	s23 =	simm.s32 $0x4800;
	s25 =	simm.s32 $0x100;
	s26 =	simm.s32 $0x280  }
0x1c: {  	s0 =	simm.s32 $0x500;
	s1 =	simm.s32 $0x680;
	[dreg:$0xb] =	wrdreg s24  }
0x1d: {  	s7 =	simm.s32 $0x700;
	s8 =	simm.s32 $0x780;
	[dreg:$0xc] =	wrdreg s6  }
0x1e: {  	s9 =	simm.s32 $0x0;
	s24 =	simm.s32 $0x2;
	[dreg:$0xf] =	wrdreg s10  }
.LBB2_1:
0x1f: {  	s6 =	rddreg [dreg:$0x7]  }
0x20: {  	[spmem:s10], [sflag:s12] =	dma.local [hbm:s6], $0x2800  }
0x21: {  	_ =	swait.ge [sflag:s14], $0x2800  }
0x22: {  	[sflag:s14] =	ssyncset.done $0x0  }
0x23: {  	[sflag:s14] =	ssyncadd.s32 $0xFFFFD800  }
0x24: {  	[bflag:$0x0] =	sbarrier.arrive $0xFFFF  }
0x25: {  	s10 =	rddreg [dreg:$0x9]  }
0x26: {  	[tilespmem:s3], [sflag:$0x3] =	stream.linear.gather [hbm4b:s10+s3], $0x200, $0x38;
	[tilespmem:$0x1C800] =	vst v63  }
0x27: {  	s11 =	rddreg [dreg:$0xa]  }
0x28: {  	[tilespmem:s15], [sflag:$0x4] =	stream.linear.gather [hbm4b:s11+s3], $0x200, $0x38;
	[tilespmem:$0x1C800] =	vst v63  }
0x29: {  	_ =	swait.ge [sflag:s16], $0x200  }
0x2a: {  	[sflag:s16] =	ssyncset.done $0x0  }
0x2b: {  	[sflag:s16] =	ssyncadd.s32 $0xFFFFFE00  }
0x2c: {  	_ =	swait.ge [sflag:s17], $0x200  }
0x2d: {  	[sflag:s17] =	ssyncset.done $0x0  }
0x2e: {  	[sflag:s17] =	ssyncadd.s32 $0xFFFFFE00  }
0x2f: {  	[tilespmem:s19], [sflag:$0x1] =	stream.indirect.gather [hbm4b:s4+s18], $0x80, s3, s18, $0xb8;
	[tilespmem:$0x1C800] =	vst v63  }
0x30: {  	_ =	swait.ge [sflag:s20], $0x4000  }
0x31: {  	s12 =	rddreg [dreg:$0x6];
	[sflag:s20] =	ssyncset.done $0x0  }
0x32: {  	s13 =	rddreg [dreg:$0x5];
	[sflag:s20] =	ssyncadd.s32 $0xFFFFC000;
	s6 =	sadd.s32 $0x0, s12  }
0x33: {  	[tilespmem:s21], [sflag:$0x3] =	stream.linear.gather [hbm4b:s6+s3], $0x200, $0x38;
	[tilespmem:$0x1C800] =	vst v63  }
0x34: {  	s10 =	sadd.s32 $0x0, s13  }
0x35: {  	[tilespmem:s22], [sflag:$0x4] =	stream.linear.gather [hbm4b:s10+s3], $0x200, $0x38;
	[tilespmem:$0x1C800] =	vst v63  }
0x36: {  	_ = 	snop  }
0x37: {  	[tilespmem:s23], [sflag:$0x2] =	stream.indirect.gather [hbm4b:s4+s18], $0x80, s18, s18, $0xb8;
	[tilespmem:$0x1C800] =	vst v63  }
0x38: {  	_ = 	snop  }
0x39: {  	[spmem:s2] =	stream.indirect.scatter.add.f32 [tilespmem:s19], [sflag:$0x5], $0x80, s15, s18, $0xb8;
	[tilespmem:$0x1C800] =	vst v63  }
0x3a: {  	_ =	swait.ge [sflag:s14], $0x4000  }
0x3b: {  	[sflag:s14] =	ssyncset.done $0x0  }
0x3c: {  	[sflag:s14] =	ssyncadd.s32 $0xFFFFC000  }
0x3d: {  	_ =	swait.ge [sflag:s24], $0x4000  }
0x3e: {  	[sflag:s24] =	ssyncset.done $0x0  }
0x3f: {  	[sflag:s24] =	ssyncadd.s32 $0xFFFFC000  }
0x40: {  	[tilespmem:s19], [sflag:$0x1] =	stream.indirect.gather [hbm4b:s4+s18], $0x80, s25, s18, $0xb8;
	[tilespmem:$0x1C800] =	vst v63  }
0x41: {  	_ = 	snop  }
0x42: {  	[spmem:s2] =	stream.indirect.scatter.add.f32 [tilespmem:s23], [sflag:$0x5], $0x80, s26, s18, $0xb8;
	[tilespmem:$0x1C800] =	vst v63  }
0x43: {  	_ =	swait.ge [sflag:s14], $0x4000  }
0x44: {  	[sflag:s14] =	ssyncset.done $0x0  }
0x45: {  	[sflag:s14] =	ssyncadd.s32 $0xFFFFC000  }
0x46: {  	_ =	swait.ge [sflag:s20], $0x4000  }
0x47: {  	[sflag:s20] =	ssyncset.done $0x0  }
0x48: {  	[sflag:s20] =	ssyncadd.s32 $0xFFFFC000  }
0x49: {  	[tilespmem:s23], [sflag:$0x2] =	stream.indirect.gather [hbm4b:s4+s18], $0x80, s28, s18, $0xb8;
	[tilespmem:$0x1C800] =	vst v63  }
0x4a: {  	_ = 	snop  }
0x4b: {  	[spmem:s2] =	stream.indirect.scatter.add.f32 [tilespmem:s19], [sflag:$0x5], $0x80, s29, s18, $0xb8;
	[tilespmem:$0x1C800] =	vst v63  }
0x4c: {  	_ =	swait.ge [sflag:s14], $0x4000  }
0x4d: {  	[sflag:s14] =	ssyncset.done $0x0  }
0x4e: {  	[sflag:s14] =	ssyncadd.s32 $0xFFFFC000  }
0x4f: {  	_ =	swait.ge [sflag:s24], $0x4000  }
0x50: {  	[sflag:s24] =	ssyncset.done $0x0  }
0x51: {  	[sflag:s24] =	ssyncadd.s32 $0xFFFFC000  }
0x52: {  	_ =	swait.ge [sflag:s16], $0x200  }
0x53: {  	[sflag:s16] =	ssyncset.done $0x0  }
0x54: {  	[sflag:s16] =	ssyncadd.s32 $0xFFFFFE00  }
0x55: {  	_ =	swait.ge [sflag:s17], $0x200  }
0x56: {  	[sflag:s17] =	ssyncset.done $0x0  }
0x57: {  	[sflag:s17] =	ssyncadd.s32 $0xFFFFFE00  }
0x58: {  	[tilespmem:s19], [sflag:$0x1] =	stream.indirect.gather [hbm4b:s4+s18], $0x80, s21, s18, $0xb8;
	[tilespmem:$0x1C800] =	vst v63  }
0x59: {  	_ = 	snop  }
0x5a: {  	[spmem:s2] =	stream.indirect.scatter.add.f32 [tilespmem:s23], [sflag:$0x5], $0x80, s30, s18, $0xb8;
	[tilespmem:$0x1C800] =	vst v63  }
0x5b: {  	_ =	swait.ge [sflag:s14], $0x4000  }
0x5c: {  	[sflag:s14] =	ssyncset.done $0x0  }
0x5d: {  	[sflag:s14] =	ssyncadd.s32 $0xFFFFC000  }
0x5e: {  	_ =	swait.ge [sflag:s20], $0x4000  }
0x5f: {  	s11 =	rddreg [dreg:$0x4];
	[sflag:s20] =	ssyncset.done $0x0  }
0x60: {  	s12 =	rddreg [dreg:$0x3];
	[sflag:s20] =	ssyncadd.s32 $0xFFFFC000;
	s6 =	sadd.s32 $0x0, s11  }
0x61: {  	[tilespmem:s3], [sflag:$0x3] =	stream.linear.gather [hbm4b:s6+s3], $0x200, $0x38;
	[tilespmem:$0x1C800] =	vst v63  }
0x62: {  	s13 =	sadd.s32 $0x0, s12  }
0x63: {  	[tilespmem:s15], [sflag:$0x4] =	stream.linear.gather [hbm4b:s13+s3], $0x200, $0x38;
	[tilespmem:$0x1C800] =	vst v63  }
0x64: {  	_ = 	snop  }
0x65: {  	[tilespmem:s23], [sflag:$0x2] =	stream.indirect.gather [hbm4b:s4+s18], $0x80, s31, s18, $0xb8;
	[tilespmem:$0x1C800] =	vst v63  }
0x66: {  	_ = 	snop  }
0x67: {  	[spmem:s2] =	stream.indirect.scatter.add.f32 [tilespmem:s19], [sflag:$0x5], $0x80, s22, s18, $0xb8;
	[tilespmem:$0x1C800] =	vst v63  }
0x68: {  	_ =	swait.ge [sflag:s14], $0x4000  }
0x69: {  	[sflag:s14] =	ssyncset.done $0x0  }
0x6a: {  	[sflag:s14] =	ssyncadd.s32 $0xFFFFC000  }
0x6b: {  	_ =	swait.ge [sflag:s24], $0x4000  }
0x6c: {  	[sflag:s24] =	ssyncset.done $0x0  }
0x6d: {  	[sflag:s24] =	ssyncadd.s32 $0xFFFFC000  }
0x6e: {  	[tilespmem:s19], [sflag:$0x1] =	stream.indirect.gather [hbm4b:s4+s18], $0x80, s0, s18, $0xb8;
	[tilespmem:$0x1C800] =	vst v63  }
0x6f: {  	_ = 	snop  }
0x70: {  	[spmem:s2] =	stream.indirect.scatter.add.f32 [tilespmem:s23], [sflag:$0x5], $0x80, s1, s18, $0xb8;
	[tilespmem:$0x1C800] =	vst v63  }
0x71: {  	_ =	swait.ge [sflag:s14], $0x4000  }
0x72: {  	[sflag:s14] =	ssyncset.done $0x0  }
0x73: {  	[sflag:s14] =	ssyncadd.s32 $0xFFFFC000  }
0x74: {  	_ =	swait.ge [sflag:s20], $0x4000  }
0x75: {  	[sflag:s20] =	ssyncset.done $0x0  }
0x76: {  	[sflag:s20] =	ssyncadd.s32 $0xFFFFC000  }
0x77: {  	[tilespmem:s23], [sflag:$0x2] =	stream.indirect.gather [hbm4b:s4+s18], $0x80, s5, s18, $0xb8;
	[tilespmem:$0x1C800] =	vst v63  }
0x78: {  	_ = 	snop  }
0x79: {  	[spmem:s2] =	stream.indirect.scatter.add.f32 [tilespmem:s19], [sflag:$0x5], $0x80, s7, s18, $0xb8;
	[tilespmem:$0x1C800] =	vst v63  }
0x7a: {  	_ =	swait.ge [sflag:s14], $0x4000  }
0x7b: {  	[sflag:s14] =	ssyncset.done $0x0  }
0x7c: {  	[sflag:s14] =	ssyncadd.s32 $0xFFFFC000  }
0x7d: {  	_ =	swait.ge [sflag:s24], $0x4000  }
0x7e: {  	[sflag:s24] =	ssyncset.done $0x0  }
0x7f: {  	[sflag:s24] =	ssyncadd.s32 $0xFFFFC000  }
0x80: {  	_ =	swait.ge [sflag:s16], $0x200  }
0x81: {  	[sflag:s16] =	ssyncset.done $0x0  }
0x82: {  	[sflag:s16] =	ssyncadd.s32 $0xFFFFFE00  }
0x83: {  	_ =	swait.ge [sflag:s17], $0x200  }
0x84: {  	[sflag:s17] =	ssyncset.done $0x0  }
0x85: {  	[sflag:s17] =	ssyncadd.s32 $0xFFFFFE00  }
0x86: {  	[tilespmem:s19], [sflag:$0x1] =	stream.indirect.gather [hbm4b:s4+s18], $0x80, s3, s18, $0xb8;
	[tilespmem:$0x1C800] =	vst v63  }
0x87: {  	_ = 	snop  }
0x88: {  	[spmem:s2] =	stream.indirect.scatter.add.f32 [tilespmem:s23], [sflag:$0x5], $0x80, s8, s18, $0xb8;
	[tilespmem:$0x1C800] =	vst v63  }
0x89: {  	_ =	swait.ge [sflag:s14], $0x4000  }
0x8a: {  	[sflag:s14] =	ssyncset.done $0x0  }
0x8b: {  	[sflag:s14] =	ssyncadd.s32 $0xFFFFC000  }
0x8c: {  	s10 =	simm.s32 $0x80;
	_ =	swait.ge [sflag:s20], $0x4000  }
0x8d: {  	s11 =	simm.s32 $0x100;
	s6 =	rddreg [dreg:$0x6];
	[sflag:s20] =	ssyncset.done $0x0  }
.LBB2_2:
0x8e: {  	[sflag:s20] =	ssyncadd.s32 $0xFFFFC000;
	s13 =	rddreg [dreg:$0x5];
	s6 =	sadd.s32 s10, s6  }
0x8f: {  	[tilespmem:s21], [sflag:$0x3] =	stream.linear.gather [hbm4b:s6+s3], $0x200, $0x38;
	[tilespmem:$0x1C800] =	vst v63  }
0x90: {  	s13 =	sadd.s32 s10, s13  }
0x91: {  	[tilespmem:s22], [sflag:$0x4] =	stream.linear.gather [hbm4b:s13+s3], $0x200, $0x38;
	[tilespmem:$0x1C800] =	vst v63  }
0x92: {  	_ = 	snop  }
0x93: {  	[tilespmem:s23], [sflag:$0x2] =	stream.indirect.gather [hbm4b:s4+s18], $0x80, s18, s18, $0xb8;
	[tilespmem:$0x1C800] =	vst v63  }
0x94: {  	_ = 	snop  }
0x95: {  	[spmem:s2] =	stream.indirect.scatter.add.f32 [tilespmem:s19], [sflag:$0x5], $0x80, s15, s18, $0xb8;
	[tilespmem:$0x1C800] =	vst v63  }
0x96: {  	_ =	swait.ge [sflag:s14], $0x4000  }
0x97: {  	[sflag:s14] =	ssyncset.done $0x0  }
0x98: {  	[sflag:s14] =	ssyncadd.s32 $0xFFFFC000  }
0x99: {  	_ =	swait.ge [sflag:s24], $0x4000  }
0x9a: {  	[sflag:s24] =	ssyncset.done $0x0  }
0x9b: {  	[sflag:s24] =	ssyncadd.s32 $0xFFFFC000  }
0x9c: {  	[tilespmem:s19], [sflag:$0x1] =	stream.indirect.gather [hbm4b:s4+s18], $0x80, s25, s18, $0xb8;
	[tilespmem:$0x1C800] =	vst v63  }
0x9d: {  	_ = 	snop  }
0x9e: {  	[spmem:s2] =	stream.indirect.scatter.add.f32 [tilespmem:s23], [sflag:$0x5], $0x80, s26, s18, $0xb8;
	[tilespmem:$0x1C800] =	vst v63  }
0x9f: {  	_ =	swait.ge [sflag:s14], $0x4000  }
0xa0: {  	[sflag:s14] =	ssyncset.done $0x0  }
0xa1: {  	[sflag:s14] =	ssyncadd.s32 $0xFFFFC000  }
0xa2: {  	_ =	swait.ge [sflag:s20], $0x4000  }
0xa3: {  	[sflag:s20] =	ssyncset.done $0x0  }
0xa4: {  	[sflag:s20] =	ssyncadd.s32 $0xFFFFC000  }
0xa5: {  	[tilespmem:s23], [sflag:$0x2] =	stream.indirect.gather [hbm4b:s4+s18], $0x80, s28, s18, $0xb8;
	[tilespmem:$0x1C800] =	vst v63  }
0xa6: {  	_ = 	snop  }
0xa7: {  	[spmem:s2] =	stream.indirect.scatter.add.f32 [tilespmem:s19], [sflag:$0x5], $0x80, s29, s18, $0xb8;
	[tilespmem:$0x1C800] =	vst v63  }
0xa8: {  	_ =	swait.ge [sflag:s14], $0x4000  }
0xa9: {  	[sflag:s14] =	ssyncset.done $0x0  }
0xaa: {  	[sflag:s14] =	ssyncadd.s32 $0xFFFFC000  }
0xab: {  	_ =	swait.ge [sflag:s24], $0x4000  }
0xac: {  	[sflag:s24] =	ssyncset.done $0x0  }
0xad: {  	[sflag:s24] =	ssyncadd.s32 $0xFFFFC000  }
0xae: {  	_ =	swait.ge [sflag:s16], $0x200  }
0xaf: {  	[sflag:s16] =	ssyncset.done $0x0  }
0xb0: {  	[sflag:s16] =	ssyncadd.s32 $0xFFFFFE00  }
0xb1: {  	_ =	swait.ge [sflag:s17], $0x200  }
0xb2: {  	[sflag:s17] =	ssyncset.done $0x0  }
0xb3: {  	[sflag:s17] =	ssyncadd.s32 $0xFFFFFE00  }
0xb4: {  	[tilespmem:s19], [sflag:$0x1] =	stream.indirect.gather [hbm4b:s4+s18], $0x80, s21, s18, $0xb8;
	[tilespmem:$0x1C800] =	vst v63  }
0xb5: {  	_ = 	snop  }
0xb6: {  	[spmem:s2] =	stream.indirect.scatter.add.f32 [tilespmem:s23], [sflag:$0x5], $0x80, s30, s18, $0xb8;
	[tilespmem:$0x1C800] =	vst v63  }
0xb7: {  	_ =	swait.ge [sflag:s14], $0x4000  }
0xb8: {  	[sflag:s14] =	ssyncset.done $0x0  }
0xb9: {  	[sflag:s14] =	ssyncadd.s32 $0xFFFFC000  }
0xba: {  	_ =	swait.ge [sflag:s20], $0x4000  }
0xbb: {  	s6 =	rddreg [dreg:$0x4];
	[sflag:s20] =	ssyncset.done $0x0  }
0xbc: {  	s13 =	rddreg [dreg:$0x3];
	[sflag:s20] =	ssyncadd.s32 $0xFFFFC000;
	s6 =	sadd.s32 s10, s6  }
0xbd: {  	[tilespmem:s3], [sflag:$0x3] =	stream.linear.gather [hbm4b:s6+s3], $0x200, $0x38;
	[tilespmem:$0x1C800] =	vst v63  }
0xbe: {  	s13 =	sadd.s32 s10, s13  }
0xbf: {  	[tilespmem:s15], [sflag:$0x4] =	stream.linear.gather [hbm4b:s13+s3], $0x200, $0x38;
	[tilespmem:$0x1C800] =	vst v63  }
0xc0: {  	_ = 	snop  }
0xc1: {  	[tilespmem:s23], [sflag:$0x2] =	stream.indirect.gather [hbm4b:s4+s18], $0x80, s31, s18, $0xb8;
	[tilespmem:$0x1C800] =	vst v63  }
0xc2: {  	_ = 	snop  }
0xc3: {  	[spmem:s2] =	stream.indirect.scatter.add.f32 [tilespmem:s19], [sflag:$0x5], $0x80, s22, s18, $0xb8;
	[tilespmem:$0x1C800] =	vst v63  }
0xc4: {  	_ =	swait.ge [sflag:s14], $0x4000  }
0xc5: {  	[sflag:s14] =	ssyncset.done $0x0  }
0xc6: {  	[sflag:s14] =	ssyncadd.s32 $0xFFFFC000  }
0xc7: {  	_ =	swait.ge [sflag:s24], $0x4000  }
0xc8: {  	[sflag:s24] =	ssyncset.done $0x0  }
0xc9: {  	[sflag:s24] =	ssyncadd.s32 $0xFFFFC000  }
0xca: {  	[tilespmem:s19], [sflag:$0x1] =	stream.indirect.gather [hbm4b:s4+s18], $0x80, s0, s18, $0xb8;
	[tilespmem:$0x1C800] =	vst v63  }
0xcb: {  	_ = 	snop  }
0xcc: {  	[spmem:s2] =	stream.indirect.scatter.add.f32 [tilespmem:s23], [sflag:$0x5], $0x80, s1, s18, $0xb8;
	[tilespmem:$0x1C800] =	vst v63  }
0xcd: {  	_ =	swait.ge [sflag:s14], $0x4000  }
0xce: {  	[sflag:s14] =	ssyncset.done $0x0  }
0xcf: {  	[sflag:s14] =	ssyncadd.s32 $0xFFFFC000  }
0xd0: {  	_ =	swait.ge [sflag:s20], $0x4000  }
0xd1: {  	[sflag:s20] =	ssyncset.done $0x0  }
0xd2: {  	[sflag:s20] =	ssyncadd.s32 $0xFFFFC000  }
0xd3: {  	[tilespmem:s23], [sflag:$0x2] =	stream.indirect.gather [hbm4b:s4+s18], $0x80, s5, s18, $0xb8;
	[tilespmem:$0x1C800] =	vst v63  }
0xd4: {  	_ = 	snop  }
0xd5: {  	[spmem:s2] =	stream.indirect.scatter.add.f32 [tilespmem:s19], [sflag:$0x5], $0x80, s7, s18, $0xb8;
	[tilespmem:$0x1C800] =	vst v63  }
0xd6: {  	_ =	swait.ge [sflag:s14], $0x4000  }
0xd7: {  	[sflag:s14] =	ssyncset.done $0x0  }
0xd8: {  	[sflag:s14] =	ssyncadd.s32 $0xFFFFC000  }
0xd9: {  	_ =	swait.ge [sflag:s24], $0x4000  }
0xda: {  	[sflag:s24] =	ssyncset.done $0x0  }
0xdb: {  	[sflag:s24] =	ssyncadd.s32 $0xFFFFC000  }
0xdc: {  	_ =	swait.ge [sflag:s16], $0x200  }
0xdd: {  	[sflag:s16] =	ssyncset.done $0x0  }
0xde: {  	[sflag:s16] =	ssyncadd.s32 $0xFFFFFE00  }
0xdf: {  	_ =	swait.ge [sflag:s17], $0x200  }
0xe0: {  	[sflag:s17] =	ssyncset.done $0x0  }
0xe1: {  	[sflag:s17] =	ssyncadd.s32 $0xFFFFFE00  }
0xe2: {  	[tilespmem:s19], [sflag:$0x1] =	stream.indirect.gather [hbm4b:s4+s18], $0x80, s3, s18, $0xb8;
	[tilespmem:$0x1C800] =	vst v63  }
0xe3: {  	p0 =	sne.s32 s11, $0x400  }
0xe4: {  	[spmem:s2] =	stream.indirect.scatter.add.f32 [tilespmem:s23], [sflag:$0x5], $0x80, s8, s18, $0xb8;
	[tilespmem:$0x1C800] =	vst v63  }
.Ltmp0:
0xe5: {  	_ =	swait.ge [sflag:s14], $0x4000;
	(pc) =	sbr.rel @p0 .LBB2_2-.Ltmp0, $4  }
0xe6: {  	[sflag:s14] =	ssyncset.done $0x0  }
0xe7: {  	[sflag:s14] =	ssyncadd.s32 $0xFFFFC000  }
0xe8: {  	s12 =	smov.u32 s11;
	s11 =	sadd.s32 $0x80, s11;
	_ =	swait.ge [sflag:s20], $0x4000  }
0xe9: {  	s10 =	smov.u32 s12;
	s6 =	rddreg [dreg:$0x6];
	[sflag:s20] =	ssyncset.done $0x0  }
0xea: {  	s11 =	rddreg [dreg:$0x5];
	[sflag:s20] =	ssyncadd.s32 $0xFFFFC000;
	s6 =	sadd.s32 s10, s6  }
0xeb: {  	[tilespmem:s21], [sflag:$0x3] =	stream.linear.gather [hbm4b:s6+s3], $0x200, $0x38;
	[tilespmem:$0x1C800] =	vst v63  }
0xec: {  	s11 =	sadd.s32 s10, s11  }
0xed: {  	[tilespmem:s22], [sflag:$0x4] =	stream.linear.gather [hbm4b:s11+s3], $0x200, $0x38;
	[tilespmem:$0x1C800] =	vst v63  }
0xee: {  	_ = 	snop  }
0xef: {  	[tilespmem:s23], [sflag:$0x2] =	stream.indirect.gather [hbm4b:s4+s18], $0x80, s18, s18, $0xb8;
	[tilespmem:$0x1C800] =	vst v63  }
0xf0: {  	_ = 	snop  }
0xf1: {  	[spmem:s2] =	stream.indirect.scatter.add.f32 [tilespmem:s19], [sflag:$0x5], $0x80, s15, s18, $0xb8;
	[tilespmem:$0x1C800] =	vst v63  }
0xf2: {  	_ =	swait.ge [sflag:s14], $0x4000  }
0xf3: {  	[sflag:s14] =	ssyncset.done $0x0  }
0xf4: {  	[sflag:s14] =	ssyncadd.s32 $0xFFFFC000  }
0xf5: {  	_ =	swait.ge [sflag:s24], $0x4000  }
0xf6: {  	[sflag:s24] =	ssyncset.done $0x0  }
0xf7: {  	[sflag:s24] =	ssyncadd.s32 $0xFFFFC000  }
0xf8: {  	[tilespmem:s19], [sflag:$0x1] =	stream.indirect.gather [hbm4b:s4+s18], $0x80, s25, s18, $0xb8;
	[tilespmem:$0x1C800] =	vst v63  }
0xf9: {  	_ = 	snop  }
0xfa: {  	[spmem:s2] =	stream.indirect.scatter.add.f32 [tilespmem:s23], [sflag:$0x5], $0x80, s26, s18, $0xb8;
	[tilespmem:$0x1C800] =	vst v63  }
0xfb: {  	_ =	swait.ge [sflag:s14], $0x4000  }
0xfc: {  	[sflag:s14] =	ssyncset.done $0x0  }
0xfd: {  	[sflag:s14] =	ssyncadd.s32 $0xFFFFC000  }
0xfe: {  	_ =	swait.ge [sflag:s20], $0x4000  }
0xff: {  	[sflag:s20] =	ssyncset.done $0x0  }
0x100: {  	[sflag:s20] =	ssyncadd.s32 $0xFFFFC000  }
0x101: {  	[tilespmem:s23], [sflag:$0x2] =	stream.indirect.gather [hbm4b:s4+s18], $0x80, s28, s18, $0xb8;
	[tilespmem:$0x1C800] =	vst v63  }
0x102: {  	_ = 	snop  }
0x103: {  	[spmem:s2] =	stream.indirect.scatter.add.f32 [tilespmem:s19], [sflag:$0x5], $0x80, s29, s18, $0xb8;
	[tilespmem:$0x1C800] =	vst v63  }
0x104: {  	_ =	swait.ge [sflag:s14], $0x4000  }
0x105: {  	[sflag:s14] =	ssyncset.done $0x0  }
0x106: {  	[sflag:s14] =	ssyncadd.s32 $0xFFFFC000  }
0x107: {  	_ =	swait.ge [sflag:s24], $0x4000  }
0x108: {  	[sflag:s24] =	ssyncset.done $0x0  }
0x109: {  	[sflag:s24] =	ssyncadd.s32 $0xFFFFC000  }
0x10a: {  	_ =	swait.ge [sflag:s16], $0x200  }
0x10b: {  	[sflag:s16] =	ssyncset.done $0x0  }
0x10c: {  	[sflag:s16] =	ssyncadd.s32 $0xFFFFFE00  }
0x10d: {  	_ =	swait.ge [sflag:s17], $0x200  }
0x10e: {  	[sflag:s17] =	ssyncset.done $0x0  }
0x10f: {  	[sflag:s17] =	ssyncadd.s32 $0xFFFFFE00  }
0x110: {  	[tilespmem:s19], [sflag:$0x1] =	stream.indirect.gather [hbm4b:s4+s18], $0x80, s21, s18, $0xb8;
	[tilespmem:$0x1C800] =	vst v63  }
0x111: {  	_ = 	snop  }
0x112: {  	[spmem:s2] =	stream.indirect.scatter.add.f32 [tilespmem:s23], [sflag:$0x5], $0x80, s30, s18, $0xb8;
	[tilespmem:$0x1C800] =	vst v63  }
0x113: {  	_ =	swait.ge [sflag:s14], $0x4000  }
0x114: {  	[sflag:s14] =	ssyncset.done $0x0  }
0x115: {  	[sflag:s14] =	ssyncadd.s32 $0xFFFFC000  }
0x116: {  	_ =	swait.ge [sflag:s20], $0x4000  }
0x117: {  	s12 =	rddreg [dreg:$0x4];
	[sflag:s20] =	ssyncset.done $0x0  }
0x118: {  	s13 =	rddreg [dreg:$0x3];
	[sflag:s20] =	ssyncadd.s32 $0xFFFFC000;
	s6 =	sadd.s32 s10, s12  }
0x119: {  	[tilespmem:s3], [sflag:$0x3] =	stream.linear.gather [hbm4b:s6+s3], $0x200, $0x38;
	[tilespmem:$0x1C800] =	vst v63  }
0x11a: {  	s12 =	sadd.s32 s10, s13  }
0x11b: {  	[tilespmem:s15], [sflag:$0x4] =	stream.linear.gather [hbm4b:s12+s3], $0x200, $0x38;
	[tilespmem:$0x1C800] =	vst v63  }
0x11c: {  	_ = 	snop  }
0x11d: {  	[tilespmem:s23], [sflag:$0x2] =	stream.indirect.gather [hbm4b:s4+s18], $0x80, s31, s18, $0xb8;
	[tilespmem:$0x1C800] =	vst v63  }
0x11e: {  	_ = 	snop  }
0x11f: {  	[spmem:s2] =	stream.indirect.scatter.add.f32 [tilespmem:s19], [sflag:$0x5], $0x80, s22, s18, $0xb8;
	[tilespmem:$0x1C800] =	vst v63  }
0x120: {  	_ =	swait.ge [sflag:s14], $0x4000  }
0x121: {  	[sflag:s14] =	ssyncset.done $0x0  }
0x122: {  	[sflag:s14] =	ssyncadd.s32 $0xFFFFC000  }
0x123: {  	_ =	swait.ge [sflag:s24], $0x4000  }
0x124: {  	[sflag:s24] =	ssyncset.done $0x0  }
0x125: {  	[sflag:s24] =	ssyncadd.s32 $0xFFFFC000  }
0x126: {  	[tilespmem:s19], [sflag:$0x1] =	stream.indirect.gather [hbm4b:s4+s18], $0x80, s0, s18, $0xb8;
	[tilespmem:$0x1C800] =	vst v63  }
0x127: {  	_ = 	snop  }
0x128: {  	[spmem:s2] =	stream.indirect.scatter.add.f32 [tilespmem:s23], [sflag:$0x5], $0x80, s1, s18, $0xb8;
	[tilespmem:$0x1C800] =	vst v63  }
0x129: {  	_ =	swait.ge [sflag:s14], $0x4000  }
0x12a: {  	[sflag:s14] =	ssyncset.done $0x0  }
0x12b: {  	[sflag:s14] =	ssyncadd.s32 $0xFFFFC000  }
0x12c: {  	_ =	swait.ge [sflag:s20], $0x4000  }
0x12d: {  	[sflag:s20] =	ssyncset.done $0x0  }
0x12e: {  	[sflag:s20] =	ssyncadd.s32 $0xFFFFC000  }
0x12f: {  	[tilespmem:s23], [sflag:$0x2] =	stream.indirect.gather [hbm4b:s4+s18], $0x80, s5, s18, $0xb8;
	[tilespmem:$0x1C800] =	vst v63  }
0x130: {  	_ = 	snop  }
0x131: {  	[spmem:s2] =	stream.indirect.scatter.add.f32 [tilespmem:s19], [sflag:$0x5], $0x80, s7, s18, $0xb8;
	[tilespmem:$0x1C800] =	vst v63  }
0x132: {  	_ =	swait.ge [sflag:s14], $0x4000  }
0x133: {  	[sflag:s14] =	ssyncset.done $0x0  }
0x134: {  	[sflag:s14] =	ssyncadd.s32 $0xFFFFC000  }
0x135: {  	_ =	swait.ge [sflag:s24], $0x4000  }
0x136: {  	[sflag:s24] =	ssyncset.done $0x0  }
0x137: {  	[sflag:s24] =	ssyncadd.s32 $0xFFFFC000  }
0x138: {  	_ =	swait.ge [sflag:s16], $0x200  }
0x139: {  	[sflag:s16] =	ssyncset.done $0x0  }
0x13a: {  	[sflag:s16] =	ssyncadd.s32 $0xFFFFFE00  }
0x13b: {  	_ =	swait.ge [sflag:s17], $0x200  }
0x13c: {  	[sflag:s17] =	ssyncset.done $0x0  }
0x13d: {  	[sflag:s17] =	ssyncadd.s32 $0xFFFFFE00  }
0x13e: {  	[tilespmem:s19], [sflag:$0x1] =	stream.indirect.gather [hbm4b:s4+s18], $0x80, s3, s18, $0xb8;
	[tilespmem:$0x1C800] =	vst v63  }
0x13f: {  	_ = 	snop  }
0x140: {  	[spmem:s2] =	stream.indirect.scatter.add.f32 [tilespmem:s23], [sflag:$0x5], $0x80, s8, s18, $0xb8;
	[tilespmem:$0x1C800] =	vst v63  }
0x141: {  	_ =	swait.ge [sflag:s14], $0x4000  }
0x142: {  	[sflag:s14] =	ssyncset.done $0x0  }
0x143: {  	[sflag:s14] =	ssyncadd.s32 $0xFFFFC000  }
0x144: {  	_ =	swait.ge [sflag:s20], $0x4000  }
0x145: {  	[sflag:s20] =	ssyncset.done $0x0  }
0x146: {  	s13 =	rddreg [dreg:$0xb];
	[sflag:s20] =	ssyncadd.s32 $0xFFFFC000  }
0x147: {  	[tilespmem:s21], [sflag:$0x3] =	stream.linear.gather [hbm4b:s13+s3], $0x200, $0x38;
	[tilespmem:$0x1C800] =	vst v63  }
0x148: {  	s10 =	rddreg [dreg:$0xc]  }
0x149: {  	[tilespmem:s22], [sflag:$0x4] =	stream.linear.gather [hbm4b:s10+s3], $0x200, $0x38;
	[tilespmem:$0x1C800] =	vst v63  }
0x14a: {  	_ = 	snop  }
0x14b: {  	[tilespmem:s23], [sflag:$0x2] =	stream.indirect.gather [hbm4b:s4+s18], $0x80, s18, s18, $0xb8;
	[tilespmem:$0x1C800] =	vst v63  }
0x14c: {  	_ = 	snop  }
0x14d: {  	[spmem:s2] =	stream.indirect.scatter.add.f32 [tilespmem:s19], [sflag:$0x5], $0x80, s15, s18, $0xb8;
	[tilespmem:$0x1C800] =	vst v63  }
0x14e: {  	_ =	swait.ge [sflag:s14], $0x4000  }
0x14f: {  	[sflag:s14] =	ssyncset.done $0x0  }
0x150: {  	[sflag:s14] =	ssyncadd.s32 $0xFFFFC000  }
0x151: {  	_ =	swait.ge [sflag:s24], $0x4000  }
0x152: {  	[sflag:s24] =	ssyncset.done $0x0  }
0x153: {  	[sflag:s24] =	ssyncadd.s32 $0xFFFFC000  }
0x154: {  	[tilespmem:s19], [sflag:$0x1] =	stream.indirect.gather [hbm4b:s4+s18], $0x80, s25, s18, $0xb8;
	[tilespmem:$0x1C800] =	vst v63  }
0x155: {  	_ = 	snop  }
0x156: {  	[spmem:s2] =	stream.indirect.scatter.add.f32 [tilespmem:s23], [sflag:$0x5], $0x80, s26, s18, $0xb8;
	[tilespmem:$0x1C800] =	vst v63  }
0x157: {  	_ =	swait.ge [sflag:s14], $0x4000  }
0x158: {  	[sflag:s14] =	ssyncset.done $0x0  }
0x159: {  	[sflag:s14] =	ssyncadd.s32 $0xFFFFC000  }
0x15a: {  	_ =	swait.ge [sflag:s20], $0x4000  }
0x15b: {  	[sflag:s20] =	ssyncset.done $0x0  }
0x15c: {  	[sflag:s20] =	ssyncadd.s32 $0xFFFFC000  }
0x15d: {  	[tilespmem:s23], [sflag:$0x2] =	stream.indirect.gather [hbm4b:s4+s18], $0x80, s28, s18, $0xb8;
	[tilespmem:$0x1C800] =	vst v63  }
0x15e: {  	_ = 	snop  }
0x15f: {  	[spmem:s2] =	stream.indirect.scatter.add.f32 [tilespmem:s19], [sflag:$0x5], $0x80, s29, s18, $0xb8;
	[tilespmem:$0x1C800] =	vst v63  }
0x160: {  	_ =	swait.ge [sflag:s14], $0x4000  }
0x161: {  	[sflag:s14] =	ssyncset.done $0x0  }
0x162: {  	[sflag:s14] =	ssyncadd.s32 $0xFFFFC000  }
0x163: {  	_ =	swait.ge [sflag:s24], $0x4000  }
0x164: {  	[sflag:s24] =	ssyncset.done $0x0  }
0x165: {  	[sflag:s24] =	ssyncadd.s32 $0xFFFFC000  }
0x166: {  	_ =	swait.ge [sflag:s16], $0x200  }
0x167: {  	[sflag:s16] =	ssyncset.done $0x0  }
0x168: {  	[sflag:s16] =	ssyncadd.s32 $0xFFFFFE00  }
0x169: {  	_ =	swait.ge [sflag:s17], $0x200  }
0x16a: {  	[sflag:s17] =	ssyncset.done $0x0  }
0x16b: {  	[sflag:s17] =	ssyncadd.s32 $0xFFFFFE00  }
0x16c: {  	[tilespmem:s19], [sflag:$0x1] =	stream.indirect.gather [hbm4b:s4+s18], $0x80, s21, s18, $0xb8;
	[tilespmem:$0x1C800] =	vst v63  }
0x16d: {  	_ = 	snop  }
0x16e: {  	[spmem:s2] =	stream.indirect.scatter.add.f32 [tilespmem:s23], [sflag:$0x5], $0x80, s30, s18, $0xb8;
	[tilespmem:$0x1C800] =	vst v63  }
0x16f: {  	_ =	swait.ge [sflag:s14], $0x4000  }
0x170: {  	[sflag:s14] =	ssyncset.done $0x0  }
0x171: {  	[sflag:s14] =	ssyncadd.s32 $0xFFFFC000  }
0x172: {  	_ =	swait.ge [sflag:s20], $0x4000  }
0x173: {  	[sflag:s20] =	ssyncset.done $0x0  }
0x174: {  	[sflag:s20] =	ssyncadd.s32 $0xFFFFC000  }
0x175: {  	[tilespmem:s23], [sflag:$0x2] =	stream.indirect.gather [hbm4b:s4+s18], $0x80, s31, s18, $0xb8;
	[tilespmem:$0x1C800] =	vst v63  }
0x176: {  	_ = 	snop  }
0x177: {  	[spmem:s2] =	stream.indirect.scatter.add.f32 [tilespmem:s19], [sflag:$0x5], $0x80, s22, s18, $0xb8;
	[tilespmem:$0x1C800] =	vst v63  }
0x178: {  	_ =	swait.ge [sflag:s14], $0x4000  }
0x179: {  	[sflag:s14] =	ssyncset.done $0x0  }
0x17a: {  	[sflag:s14] =	ssyncadd.s32 $0xFFFFC000  }
0x17b: {  	_ =	swait.ge [sflag:s24], $0x4000  }
0x17c: {  	[sflag:s24] =	ssyncset.done $0x0  }
0x17d: {  	[sflag:s24] =	ssyncadd.s32 $0xFFFFC000  }
0x17e: {  	[tilespmem:s19], [sflag:$0x1] =	stream.indirect.gather [hbm4b:s4+s18], $0x80, s0, s18, $0xb8;
	[tilespmem:$0x1C800] =	vst v63  }
0x17f: {  	_ = 	snop  }
0x180: {  	[spmem:s2] =	stream.indirect.scatter.add.f32 [tilespmem:s23], [sflag:$0x5], $0x80, s1, s18, $0xb8;
	[tilespmem:$0x1C800] =	vst v63  }
0x181: {  	_ =	swait.ge [sflag:s14], $0x4000  }
0x182: {  	[sflag:s14] =	ssyncset.done $0x0  }
0x183: {  	[sflag:s14] =	ssyncadd.s32 $0xFFFFC000  }
0x184: {  	_ =	swait.ge [sflag:s20], $0x4000  }
0x185: {  	[sflag:s20] =	ssyncset.done $0x0  }
0x186: {  	[sflag:s20] =	ssyncadd.s32 $0xFFFFC000  }
0x187: {  	[tilespmem:s23], [sflag:$0x2] =	stream.indirect.gather [hbm4b:s4+s18], $0x80, s5, s18, $0xb8;
	[tilespmem:$0x1C800] =	vst v63  }
0x188: {  	_ = 	snop  }
0x189: {  	[spmem:s2] =	stream.indirect.scatter.add.f32 [tilespmem:s19], [sflag:$0x5], $0x80, s7, s18, $0xb8;
	[tilespmem:$0x1C800] =	vst v63  }
0x18a: {  	_ =	swait.ge [sflag:s14], $0x4000  }
0x18b: {  	[sflag:s14] =	ssyncset.done $0x0  }
0x18c: {  	[sflag:s14] =	ssyncadd.s32 $0xFFFFC000  }
0x18d: {  	_ =	swait.ge [sflag:s24], $0x4000  }
0x18e: {  	[sflag:s24] =	ssyncset.done $0x0  }
0x18f: {  	[sflag:s24] =	ssyncadd.s32 $0xFFFFC000  }
0x190: {  	[spmem:s2] =	stream.indirect.scatter.add.f32 [tilespmem:s23], [sflag:$0x5], $0x80, s8, s18, $0xb8;
	[tilespmem:$0x1C800] =	vst v63  }
0x191: {  	_ =	swait.ge [sflag:s14], $0x4000  }
0x192: {  	[sflag:s14] =	ssyncset.done $0x0  }
0x193: {  	[sflag:s14] =	ssyncadd.s32 $0xFFFFC000  }
0x194: {  	[bflag:$0x0] =	sbarrier.arrive $0xFFFF  }
0x195: {  	s12 =	rddreg [dreg:$0x8]  }
0x196: {  	s11 =	rddreg [dreg:$0xd]  }
0x197: {  	s10 =	rddreg [dreg:$0xf]  }
0x198: {  	[hbm:s11], [sflag:s12] =	dma.local [spmem:s10], $0x2800  }
0x199: {  	_ =	swait.ge [sflag:s14], $0x2800  }
0x19a: {  	s9 =	sadd.s32 $0x1, s9;
	s13 =	rddreg [dreg:$0xe]  }
0x19b: {  	p0 =	sne.s32 s9, s13  }
.Ltmp1:
0x19c: {  	_ = 	snop;
	(pc) =	sbr.rel @p0 .LBB2_1-.Ltmp1, $3  }
0x19d: {  	_ =	sdelay $0x1  }
0x19e: {  	[sflag:s14] =	ssyncset.done $0x0  }
0x19f: {  	[sflag:s14] =	ssyncadd.s32 $0xFFFFD800  }
0x1a0: {  	_ =	sfence.sel $0x180000  }
0x1a1: {  	[bflag:$0x0] =	sbarrier.arrive $0xFFFF  }
0x1a2: {  	_ =	strace $0x9000004A  }
0x1a3: {  	s0 =	stileid.u32;
	[bflag:$0x2] =	sbarrier.arrive $0xFFFF  }
0x1a4: {  	p0 =	sne.s32 s0, $0x0;
	s0 =	rddreg [dreg:$0x2]  }
0x1a5: {  	s0 =	sadd.s32 @!p0 $0x100000, s0  }
0x1a6: {  	[sflag:s0] =	ssyncadd.tile.s32 @!p0 $0x1;
	_ =	shalt  }
.Lfunc_end2:
_tile_overlayer_lowered:
.L_overlay_start_2:
0x1a7: {  	(tag) =	ssettag $0x2  }
0x1a8: {  	s0 =	rddreg [dreg:$0x0];
	s2 =	stileid.u32  }
0x1a9: {  	s1 =	rddreg [dreg:$0x1];
	p0 =	sne.s32 s2, $0x0  }
0x1aa: {  	s3 =	rddreg [dreg:$0x2];
	[bflag:$0x3] =	sbarrier.arrive $0xFFFF;
	s2 =	simm.s32 @!p0 $0x1C05  }
0x1ab: {  	[timem:s3], [sflag:s2] =	dma.local @!p0 [hbm:s0], s1  }
0x1ac: {  	s0 =	simm.s32 @!p0 $0x5  }
0x1ad: {  	_ =	swait.ge @!p0 [sflag:s0], s1  }
0x1ae: {  	s1 =	ssub.s32 @!p0 $0x0, s1;
	[sflag:s0] =	ssyncset.done @!p0 $0x0  }
0x1af: {  	[sflag:s0] =	ssyncadd.s32 @!p0 s1  }
0x1b0: {  	[bflag:$0x3] =	sbarrier.arrive $0xFFFF  }
0x1b1: {  	_ =	shalt  }

// kernel: kernel.14.cloned.1.call-start
scs
__scs_entry_jumppad:
0x0: {  	(pc) =	sbr.rel $0x88, $3  }
0x1: {  	(tag) =	ssettag $0x0;
	lr =	simm.s32 $0x1  }
0x2: {  	[smem:$0x3F9B] =	sst lr;
	_ =	strace $0xD0000000  }
0x3: {  	_ = 	snop  }
0x4: {  	_ = 	snop  }
0x5: {  	_ = 	snop  }
0x6: {  	_ = 	snop  }
0x7: {  	_ = 	snop  }
__scs_overlays_trampoline_lowered:
0x8: {  	[smem:$0x3FAA] =	sst s0  }
0x9: {  	[smem:$0x3FAB] =	sst s1  }
0xa: {  	[smem:$0x3FAC] =	sst s2  }
0xb: {  	[smem:$0x3FAD] =	sst s3  }
0xc: {  	[smem:$0x3FAE] =	sst s4  }
0xd: {  	[smem:$0x3FAF] =	sst s5  }
0xe: {  	[smem:$0x3FB0] =	sst s6  }
0xf: {  	[smem:$0x3FB1] =	sst s7  }
0x10: {  	[smem:$0x3FB2] =	sst s8  }
0x11: {  	[smem:$0x3FB3] =	sst s9;
	s0 =	simm.s32 @!p0 $0x0  }
0x12: {  	s1 =	sld [smem:$0x3F99];
	s0 =	simm.s32 @p0 $0x1  }
0x13: {  	[smem:$0x3FB4] =	sst s0;
	s0 =	simm.s32 @!p1 $0x0  }
0x14: {  	s2 =	sld [smem:$0x3F98];
	s0 =	simm.s32 @p1 $0x1  }
0x15: {  	[smem:$0x3FB5] =	sst s0;
	s0 =	simm.s32 @!p2 $0x0  }
0x16: {  	s3 =	sld [smem:$0x3FDB];
	s0 =	simm.s32 @p2 $0x1  }
0x17: {  	s4 =	simm.s32 $0x1BF5;
	[smem:$0x3FB7] =	sst s0  }
0x18: {  	s0 =	sld [smem:$0x3F9A];
	_ =	swait.ge [sflag:s4], $0x0  }
0x19: {  	s7 =	sld [smem:$0x3F9B]  }
0x1a: {  	s8 =	sadd.s32 $0xFFFFE003, lr  }
0x1b: {  	s9 =	sadd.s32 $0xFFFFFEF7, lr;
	s5 =	simm.s32 $0xFFFFFFFF;
	p2 =	slt.u32 s8, $0xFFFFF086  }
0x1c: {  	p1 =	slt.u32 s9, $0xF7A;
	s5 =	simm.s32 @!p2 $0x0  }
0x1d: {  	s5 =	simm.s32 @p1 $0x1;
	p0 =	seq.s32 s7, s2  }
0x1e: {  	s7 =	smul.u32 @!p0 $0xF7A, s2;
	p2 =	seq.s32 @!p0 s5, $0x0  }
0x1f: {  	s9 =	smul.u32 $0xF7A, s1;
	s8 =	simm.s32 @!p0 $0x1BF5;
	p2 =	por !p2, p0  }
0x20: {  	[sflag:s8] =	ssyncset.s32 @!p0 $0xFFFFF086;
	s6 =	sadd.s32 @!p0 s3, s7;
	s7 =	simm.s32 @!p0 $0x108  }
0x21: {  	s3 =	sadd.s32 s3, s9;
	s6 =	sadd.s32 @!p0 $0x88, s6;
	s7 =	simm.s32 @p2 $0x1082  }
0x22: {  	[simem:s7], [sflag:s8] =	dma.local @!p0 [hbm:s6], $0xF7A  }
0x23: {  	s9 =	sor.u32 $0xD0000000, s2;
	s6 =	simm.s32 $0x108;
	_ =	swait.ge @!p0 [sflag:s8], $0x0  }
0x24: {  	s3 =	sadd.s32 $0x88, s3;
	s6 =	simm.s32 @!p1 $0x1082;
	[sflag:s4] =	ssyncset.s32 $0xFFFFF086  }
0x25: {  	[simem:s6], [sflag:s4] =	dma.local [hbm:s3], $0xF7A  }
0x26: {  	[smem:$0x3F9B] =	sst s1;
	(tag) =	ssettag s2;
	_ =	strace s9  }
0x27: {  	s1 =	sld [smem:$0x3FAB]  }
0x28: {  	s2 =	sld [smem:$0x3FAC]  }
0x29: {  	s4 =	sld [smem:$0x3FAE]  }
0x2a: {  	p0 =	seq.s32 s5, $0x0;
	s5 =	sld [smem:$0x3FAF]  }
0x2b: {  	s6 =	sld [smem:$0x3FB0]  }
0x2c: {  	s7 =	sld [smem:$0x3FB1]  }
0x2d: {  	s3 =	simm.s32 $0x108;
	s8 =	sld [smem:$0x3FB2]  }
0x2e: {  	s3 =	simm.s32 @!p0 $0x1082;
	s9 =	sld [smem:$0x3FB3]  }
0x2f: {  	lr =	sadd.s32 s0, s3;
	s0 =	sld [smem:$0x3FAA]  }
0x30: {  	s3 =	sld [smem:$0x3FAD]  }
0x31: {  	[smem:$0x3FB6] =	sst s10  }
0x32: {  	s10 =	sld [smem:$0x3FB4];
	_ =	sdelay $0x3  }
0x33: {  	p0 =	seq.s32 s10, $0x1;
	s10 =	sld [smem:$0x3FB6];
	_ =	sdelay $0x3  }
0x34: {  	[smem:$0x3FB6] =	sst s10  }
0x35: {  	s10 =	sld [smem:$0x3FB5];
	_ =	sdelay $0x3  }
0x36: {  	p1 =	seq.s32 s10, $0x1;
	s10 =	sld [smem:$0x3FB6];
	_ =	sdelay $0x3  }
0x37: {  	[smem:$0x3FB6] =	sst s10  }
0x38: {  	s10 =	sld [smem:$0x3FB7]  }
0x39: {  	_ = 	snop;
	(pc) =	sbr.ind lr, $3  }
0x3a: {  	_ = 	snop  }
0x3b: {  	_ = 	snop  }
0x3c: {  	p2 =	seq.s32 s10, $0x1;
	s10 =	sld [smem:$0x3FB6]  }
0x3d: {  	_ =	shalt  }
0x3e: {  	_ =	shalt  }
0x3f: {  	_ =	shalt  }
0x40: {  	_ =	shalt  }
0x41: {  	_ =	shalt  }
0x42: {  	_ =	shalt  }
0x43: {  	_ =	shalt  }
0x44: {  	_ =	shalt  }
0x45: {  	_ =	shalt  }
0x46: {  	_ =	shalt  }
0x47: {  	_ =	shalt  }
0x48: {  	_ =	shalt  }
0x49: {  	_ =	shalt  }
0x4a: {  	_ =	shalt  }
0x4b: {  	_ =	shalt  }
0x4c: {  	_ =	shalt  }
0x4d: {  	_ =	shalt  }
0x4e: {  	_ =	shalt  }
0x4f: {  	_ =	shalt  }
0x50: {  	_ =	shalt  }
0x51: {  	_ =	shalt  }
0x52: {  	_ =	shalt  }
0x53: {  	_ =	shalt  }
0x54: {  	_ =	shalt  }
0x55: {  	_ =	shalt  }
0x56: {  	_ =	shalt  }
0x57: {  	_ =	shalt  }
0x58: {  	_ =	shalt  }
0x59: {  	_ =	shalt  }
0x5a: {  	_ =	shalt  }
0x5b: {  	_ =	shalt  }
0x5c: {  	_ =	shalt  }
0x5d: {  	_ =	shalt  }
0x5e: {  	_ =	shalt  }
0x5f: {  	_ =	shalt  }
0x60: {  	_ =	shalt  }
0x61: {  	_ =	shalt  }
0x62: {  	_ =	shalt  }
0x63: {  	_ =	shalt  }
0x64: {  	_ =	shalt  }
0x65: {  	_ =	shalt  }
0x66: {  	_ =	shalt  }
0x67: {  	_ =	shalt  }
0x68: {  	_ =	shalt  }
0x69: {  	_ =	shalt  }
0x6a: {  	_ =	shalt  }
0x6b: {  	_ =	shalt  }
0x6c: {  	_ =	shalt  }
0x6d: {  	_ =	shalt  }
0x6e: {  	_ =	shalt  }
0x6f: {  	_ =	shalt  }
0x70: {  	_ =	shalt  }
0x71: {  	_ =	shalt  }
0x72: {  	_ =	shalt  }
0x73: {  	_ =	shalt  }
0x74: {  	_ =	shalt  }
0x75: {  	_ =	shalt  }
0x76: {  	_ =	shalt  }
0x77: {  	_ =	shalt  }
0x78: {  	_ =	shalt  }
0x79: {  	_ =	shalt  }
0x7a: {  	_ =	shalt  }
0x7b: {  	_ =	shalt  }
0x7c: {  	_ =	shalt  }
0x7d: {  	_ =	shalt  }
0x7e: {  	_ =	shalt  }
0x7f: {  	_ =	shalt  }
0x80: {  	_ =	shalt  }
0x81: {  	_ =	shalt  }
0x82: {  	_ =	shalt  }
0x83: {  	_ =	shalt  }
0x84: {  	_ =	shalt  }
0x85: {  	_ =	shalt  }
0x86: {  	_ =	shalt  }
0x87: {  	_ =	shalt  }
.Lfunc_end0:
.L_simem_size_0:
called_computation.2_lowered:
.L_overlay_start_0:
0x88: {  	s2 =	sld [smem:$0x3FD9]  }
0x89: {  	s3 =	sld [smem:$0x3FFE];
	_ =	sdelay $0x1  }
0x8a: {  	s1 =	srdreg.scid  }
0x8b: {  	s0 =	sand.u32 $0x1, s1  }
0x8c: {  	s16 =	sshll.u32 s0, $0xA;
	s2 =	sadd.s32 s3, s2  }
0x8d: {  	s2 =	sadd.s32 s2, s16  }
0x8e: {  	[smem:$0x3FC2] =	sst s2  }
0x8f: {  	_ = 	snop  }
0x90: {  	(tm) =	ssettm $0x1  }
0x91: {  	s17 =	sld [smem:$0x3FFB];
	_ =	sdelay $0x3  }
0x92: {  	_ =	strace s17  }
0x93: {  	s2 =	sld [smem:$0x3FFC];
	_ =	sdelay $0x3  }
0x94: {  	_ =	strace s2  }
0x95: {  	s2 =	sld [smem:$0x3FFD];
	_ =	sdelay $0x3  }
0x96: {  	_ =	strace s2  }
0x97: {  	_ =	strace $0x8FFFFFFF  }
0x98: {  	s18 =	sld [smem:$0x3FDB];
	_ =	sdelay $0x1  }
0x99: {  	s19 =	simm.s32 $_scs_section_size  }
0x9a: {  	s4 =	simm.s32 $_size__tile_overlayer_lowered;
	s5 =	simm.s32 $_tile_overlayer_lowered  }
0x9b: {  	s22 =	simm.s32 $0x1BFF;
	s21 =	sshll.u32 s5, $0x1;
	s2 =	sadd.s32 s19, s18  }
0x9c: {  	s6 =	simm.s32 $0x0;
	s20 =	sshll.u32 s4, $0x1;
	s4 =	sadd.s32 s21, s2  }
0x9d: {  	[timem:s6], [sflag:s22] =	dma.local [hbm:s4], s20  }
0x9e: {  	_ =	swait.ge [sflag:s22], s20  }
0x9f: {  	s3 =	ssub.s32 $0x0, s20;
	[sflag:s22] =	ssyncset.done $0x0  }
0xa0: {  	[sflag:s22] =	ssyncadd.s32 s3;
	_ =	sdelay $0x1  }
0xa1: {  	s23 =	simm.s32 $0x1B8B  }
0xa2: {  	_ =	swait.ge [sflag:s23], $0x1  }
0xa3: {  	[sflag:s23] =	ssyncset.done $0x0  }
0xa4: {  	s25 =	simm.s32 $0x1B8E;
	s24 =	sld [smem:$0x3FFE];
	[sflag:s23] =	ssyncadd.s32 $0xFFFFFFFF  }
0xa5: {  	s26 =	simm.s32 $execute0_lowered;
	[smem:$0x3FD2] =	sst s25  }
0xa6: {  	s4 =	sshll.u32 s26, $0x1;
	_ =	strace $0x8000004C;
	[dreg:$0x1] =	wrdreg $0xFFFFFFFF  }
0xa7: {  	s28 =	simm.s32 $_size_execute0_lowered;
	s2 =	sadd.s32 s2, s4;
	[dreg:$0x0] =	wrdreg $0x0  }
0xa8: {  	s4 =	sshll.u32 s28, $0x1;
	[dreg:$0x2] =	wrdreg s2  }
0xa9: {  	[dreg:$0x3] =	wrdreg s4  }
0xaa: {  	[dreg:$0x4] =	wrdreg $0xC0  }
0xab: {  	_ =	task [dreg:s6], $0x5FFFF  }
0xac: {  	[dreg:$0x1] =	wrdreg $0xFFFFFFFF  }
0xad: {  	[dreg:$0x0] =	wrdreg $0x60  }
0xae: {  	[dreg:$0x2] =	wrdreg s24  }
0xaf: {  	[dreg:$0x3] =	wrdreg $0x88000  }
0xb0: {  	[dreg:$0x4] =	wrdreg $0x9  }
0xb1: {  	_ =	task.clear_ibuf [dreg:s6], $0x5FFFF;
	_ =	strace $0x9000004C  }
0xb2: {  	s29 =	simm.s32 $0x9;
	_ =	strace $0x8000004E  }
0xb3: {  	_ =	swait.ge [sflag:s29], $0x1  }
0xb4: {  	[sflag:s29] =	ssyncadd.s32 $0xFFFFFFFF  }
0xb5: {  	_ =	strace $0x9000004E  }
0xb6: {  	_ =	sfence  }
0xb7: {  	s30 =	sld [smem:$0x0];
	_ =	sdelay $0x2  }
0xb8: {  	s31 =	sshll.u32 s1, $0xD;
	s1 =	sshrl.u32 s1, $0x2  }
0xb9: {  	s3 =	sand.u32 $0x4000, s31;
	s1 =	sadd.s32 s1, s30  }
0xba: {  	s0 =	sor.u32 s3, s0;
	s1 =	sshll.u32 s1, $0x11  }
0xbb: {  	s0 =	sor.u32 s1, s0  }
0xbc: {  	s0 =	sadd.s32 $0x8F2B, s0  }
0xbd: {  	[sflag:s0] =	ssyncadd.remote.s32 $0x1  }
0xbe: {  	_ =	sfence.sel $0xFFFF  }
0xbf: {  	[dreg:$0x0] =	wrdreg $0xFFFFFFFF;
	(pc) =	sbr.abs _section_cstart, $3  }
0xc0: {  	[dreg:$0x1] =	wrdreg $0xFFFFFFFF  }
0xc1: {  	_ =	task.clear_ibuf [dreg:s6], $0x2FFFF;
	_ =	strace $0x9FFFFFFF  }
0xc2: {  	(tm) =	ssettm $0x7FFFFFFF  }
0xc3: {  	_ =	shalt  }
tec
execute0_lowered:
.L_overlay_start_1:
0x0: {  	(tag) =	ssettag $0x1  }
0x1: {  	s0 =	rddreg [dreg:$0x0]  }
0x2: {  	s2 =	rddreg [dreg:$0x1]  }
0x3: {  	s13 =	stileid.u32;
	s1 =	srdreg.scid;
	s3 =	simm.s32 $0x0  }
0x4: {  	s14 =	simm.s32 $0x5;
	s28 =	simm.s32 $0x180;
	s29 =	simm.s32 $0x300  }
0x5: {  	s30 =	simm.s32 $0x380;
	s31 =	simm.s32 $0x480;
	s5 =	smul.u32 $0x14000, s13  }
0x6: {  	s1 =	sand.u32 $0x1, s1;
	[smem:$0x7FF] =	sst s3;
	s9 =	smul.u32 $0x50000, s13  }
0x7: {  	s4 =	sadd.s32 $0x16600, s0;
	s7 =	sadd.s32 $0xC600, s0;
	s12 =	smul.u32 $0x2800, s13  }
0x8: {  	s15 =	sadd.s32 $0x2000, s0;
	s18 =	sshll.u32 s13, $0x6;
	s6 =	smul.u32 $0x140000, s1  }
0x9: {  	_ =	strace $0x8000004D;
	s16 =	ssub.s32 $0x2, s1;
	s11 =	sshll.u32 s1, $0x4  }
0xa: {  	s1 =	smul.u32 $0x28000, s1;
	s8 =	sshrl.u32 s5, $0x3;
	s10 =	sshrl.u32 s16, $0x1  }
0xb: {  	s9 =	sshrl.u32 s9, $0x2;
	s11 =	sor.u32 s13, s11;
	s5 =	sadd.s32 s5, s6  }
0xc: {  	s8 =	sadd.s32 s8, s0;
	s9 =	sadd.s32 s9, s2;
	s17 =	smul.u32 $0x2800, s11  }
0xd: {  	s1 =	sadd.s32 s12, s1;
	s12 =	sor.u32 $0x1C05, s18;
	s18 =	simm.s32 $0x80  }
0xe: {  	s5 =	sshrl.u32 s5, $0x3;
	s8 =	sadd.s32 $0x3E600, s8;
	s20 =	sor.u32 $0x400, s1  }
0xf: {  	s1 =	sor.u32 $0x200, s1;
	[dreg:$0x8] =	wrdreg s12;
	s0 =	sadd.s32 s5, s0  }
0x10: {  	s5 =	ssub.s32 s16, s10;
	[dreg:$0x7] =	wrdreg s8;
	s19 =	sshrl.u32 s17, $0x3  }
0x11: {  	s10 =	sshrl.u32 s20, $0x3;
	s1 =	sshrl.u32 s1, $0x3;
	s21 =	sadd.s32 s7, s19  }
0x12: {  	s16 =	simm.s32 $0x3;
	s22 =	sadd.s32 s15, s19;
	[dreg:$0x9] =	wrdreg s21  }
0x13: {  	s17 =	simm.s32 $0x4;
	s23 =	sadd.s32 s10, s15;
	[dreg:$0xa] =	wrdreg s22  }
0x14: {  	s20 =	simm.s32 $0x1;
	s10 =	sadd.s32 s10, s7;
	[dreg:$0x3] =	wrdreg s23  }
0x15: {  	s8 =	sadd.s32 $0x4C0, s19;
	s25 =	sadd.s32 s1, s15;
	[dreg:$0x4] =	wrdreg s10  }
0x16: {  	s1 =	sadd.s32 s1, s7;
	s0 =	sadd.s32 $0x66600, s0;
	[dreg:$0x5] =	wrdreg s25  }
0x17: {  	s26 =	smax.u32 s5, $0x1;
	s19 =	simm.s32 $0x800;
	[dreg:$0xd] =	wrdreg s0  }
0x18: {  	s5 =	simm.s32 $0x580;
	s24 =	sadd.s32 s7, s8;
	[dreg:$0xe] =	wrdreg s26  }
0x19: {  	s6 =	sadd.s32 s15, s8;
	[dreg:$0x6] =	wrdreg s1;
	s10 =	sshrl.u32 s9, $0x3  }
0x1a: {  	s15 =	simm.s32 $0x200;
	s21 =	simm.s32 $0x400;
	s22 =	simm.s32 $0x600  }
0x1b: {  	s23 =	simm.s32 $0x4800;
	s25 =	simm.s32 $0x100;
	s26 =	simm.s32 $0x280  }
0x1c: {  	s0 =	simm.s32 $0x500;
	s1 =	simm.s32 $0x680;
	[dreg:$0xb] =	wrdreg s24  }
0x1d: {  	s7 =	simm.s32 $0x700;
	s8 =	simm.s32 $0x780;
	[dreg:$0xc] =	wrdreg s6  }
0x1e: {  	s9 =	simm.s32 $0x0;
	s24 =	simm.s32 $0x2;
	[dreg:$0xf] =	wrdreg s10  }
.LBB2_1:
0x1f: {  	s6 =	rddreg [dreg:$0x7]  }
0x20: {  	[spmem:s10], [sflag:s12] =	dma.local [hbm:s6], $0x2800  }
0x21: {  	_ =	swait.ge [sflag:s14], $0x2800  }
0x22: {  	[sflag:s14] =	ssyncset.done $0x0  }
0x23: {  	[sflag:s14] =	ssyncadd.s32 $0xFFFFD800  }
0x24: {  	[bflag:$0x0] =	sbarrier.arrive $0xFFFF  }
0x25: {  	s10 =	rddreg [dreg:$0x9]  }
0x26: {  	[tilespmem:s3], [sflag:$0x3] =	stream.linear.gather [hbm4b:s10+s3], $0x200, $0x38;
	[tilespmem:$0x1C800] =	vst v63  }
0x27: {  	s11 =	rddreg [dreg:$0xa]  }
0x28: {  	[tilespmem:s15], [sflag:$0x4] =	stream.linear.gather [hbm4b:s11+s3], $0x200, $0x38;
	[tilespmem:$0x1C800] =	vst v63  }
0x29: {  	_ =	swait.ge [sflag:s16], $0x200  }
0x2a: {  	[sflag:s16] =	ssyncset.done $0x0  }
0x2b: {  	[sflag:s16] =	ssyncadd.s32 $0xFFFFFE00  }
0x2c: {  	_ =	swait.ge [sflag:s17], $0x200  }
0x2d: {  	[sflag:s17] =	ssyncset.done $0x0  }
0x2e: {  	[sflag:s17] =	ssyncadd.s32 $0xFFFFFE00  }
0x2f: {  	[tilespmem:s19], [sflag:$0x1] =	stream.indirect.gather [hbm4b:s4+s18], $0x80, s3, s18, $0xb8;
	[tilespmem:$0x1C800] =	vst v63  }
0x30: {  	_ =	swait.ge [sflag:s20], $0x4000  }
0x31: {  	s12 =	rddreg [dreg:$0x6];
	[sflag:s20] =	ssyncset.done $0x0  }
0x32: {  	s13 =	rddreg [dreg:$0x5];
	[sflag:s20] =	ssyncadd.s32 $0xFFFFC000;
	s6 =	sadd.s32 $0x0, s12  }
0x33: {  	[tilespmem:s21], [sflag:$0x3] =	stream.linear.gather [hbm4b:s6+s3], $0x200, $0x38;
	[tilespmem:$0x1C800] =	vst v63  }
0x34: {  	s10 =	sadd.s32 $0x0, s13  }
0x35: {  	[tilespmem:s22], [sflag:$0x4] =	stream.linear.gather [hbm4b:s10+s3], $0x200, $0x38;
	[tilespmem:$0x1C800] =	vst v63  }
0x36: {  	_ = 	snop  }
0x37: {  	[tilespmem:s23], [sflag:$0x2] =	stream.indirect.gather [hbm4b:s4+s18], $0x80, s18, s18, $0xb8;
	[tilespmem:$0x1C800] =	vst v63  }
0x38: {  	_ = 	snop  }
0x39: {  	[spmem:s2] =	stream.indirect.scatter.add.f32 [tilespmem:s19], [sflag:$0x5], $0x80, s15, s18, $0xb8;
	[tilespmem:$0x1C800] =	vst v63  }
0x3a: {  	_ =	swait.ge [sflag:s14], $0x4000  }
0x3b: {  	[sflag:s14] =	ssyncset.done $0x0  }
0x3c: {  	[sflag:s14] =	ssyncadd.s32 $0xFFFFC000  }
0x3d: {  	_ =	swait.ge [sflag:s24], $0x4000  }
0x3e: {  	[sflag:s24] =	ssyncset.done $0x0  }
0x3f: {  	[sflag:s24] =	ssyncadd.s32 $0xFFFFC000  }
0x40: {  	[tilespmem:s19], [sflag:$0x1] =	stream.indirect.gather [hbm4b:s4+s18], $0x80, s25, s18, $0xb8;
	[tilespmem:$0x1C800] =	vst v63  }
0x41: {  	_ = 	snop  }
0x42: {  	[spmem:s2] =	stream.indirect.scatter.add.f32 [tilespmem:s23], [sflag:$0x5], $0x80, s26, s18, $0xb8;
	[tilespmem:$0x1C800] =	vst v63  }
0x43: {  	_ =	swait.ge [sflag:s14], $0x4000  }
0x44: {  	[sflag:s14] =	ssyncset.done $0x0  }
0x45: {  	[sflag:s14] =	ssyncadd.s32 $0xFFFFC000  }
0x46: {  	_ =	swait.ge [sflag:s20], $0x4000  }
0x47: {  	[sflag:s20] =	ssyncset.done $0x0  }
0x48: {  	[sflag:s20] =	ssyncadd.s32 $0xFFFFC000  }
0x49: {  	[tilespmem:s23], [sflag:$0x2] =	stream.indirect.gather [hbm4b:s4+s18], $0x80, s28, s18, $0xb8;
	[tilespmem:$0x1C800] =	vst v63  }
0x4a: {  	_ = 	snop  }
0x4b: {  	[spmem:s2] =	stream.indirect.scatter.add.f32 [tilespmem:s19], [sflag:$0x5], $0x80, s29, s18, $0xb8;
	[tilespmem:$0x1C800] =	vst v63  }
0x4c: {  	_ =	swait.ge [sflag:s14], $0x4000  }
0x4d: {  	[sflag:s14] =	ssyncset.done $0x0  }
0x4e: {  	[sflag:s14] =	ssyncadd.s32 $0xFFFFC000  }
0x4f: {  	_ =	swait.ge [sflag:s24], $0x4000  }
0x50: {  	[sflag:s24] =	ssyncset.done $0x0  }
0x51: {  	[sflag:s24] =	ssyncadd.s32 $0xFFFFC000  }
0x52: {  	_ =	swait.ge [sflag:s16], $0x200  }
0x53: {  	[sflag:s16] =	ssyncset.done $0x0  }
0x54: {  	[sflag:s16] =	ssyncadd.s32 $0xFFFFFE00  }
0x55: {  	_ =	swait.ge [sflag:s17], $0x200  }
0x56: {  	[sflag:s17] =	ssyncset.done $0x0  }
0x57: {  	[sflag:s17] =	ssyncadd.s32 $0xFFFFFE00  }
0x58: {  	[tilespmem:s19], [sflag:$0x1] =	stream.indirect.gather [hbm4b:s4+s18], $0x80, s21, s18, $0xb8;
	[tilespmem:$0x1C800] =	vst v63  }
0x59: {  	_ = 	snop  }
0x5a: {  	[spmem:s2] =	stream.indirect.scatter.add.f32 [tilespmem:s23], [sflag:$0x5], $0x80, s30, s18, $0xb8;
	[tilespmem:$0x1C800] =	vst v63  }
0x5b: {  	_ =	swait.ge [sflag:s14], $0x4000  }
0x5c: {  	[sflag:s14] =	ssyncset.done $0x0  }
0x5d: {  	[sflag:s14] =	ssyncadd.s32 $0xFFFFC000  }
0x5e: {  	_ =	swait.ge [sflag:s20], $0x4000  }
0x5f: {  	s11 =	rddreg [dreg:$0x4];
	[sflag:s20] =	ssyncset.done $0x0  }
0x60: {  	s12 =	rddreg [dreg:$0x3];
	[sflag:s20] =	ssyncadd.s32 $0xFFFFC000;
	s6 =	sadd.s32 $0x0, s11  }
0x61: {  	[tilespmem:s3], [sflag:$0x3] =	stream.linear.gather [hbm4b:s6+s3], $0x200, $0x38;
	[tilespmem:$0x1C800] =	vst v63  }
0x62: {  	s13 =	sadd.s32 $0x0, s12  }
0x63: {  	[tilespmem:s15], [sflag:$0x4] =	stream.linear.gather [hbm4b:s13+s3], $0x200, $0x38;
	[tilespmem:$0x1C800] =	vst v63  }
0x64: {  	_ = 	snop  }
0x65: {  	[tilespmem:s23], [sflag:$0x2] =	stream.indirect.gather [hbm4b:s4+s18], $0x80, s31, s18, $0xb8;
	[tilespmem:$0x1C800] =	vst v63  }
0x66: {  	_ = 	snop  }
0x67: {  	[spmem:s2] =	stream.indirect.scatter.add.f32 [tilespmem:s19], [sflag:$0x5], $0x80, s22, s18, $0xb8;
	[tilespmem:$0x1C800] =	vst v63  }
0x68: {  	_ =	swait.ge [sflag:s14], $0x4000  }
0x69: {  	[sflag:s14] =	ssyncset.done $0x0  }
0x6a: {  	[sflag:s14] =	ssyncadd.s32 $0xFFFFC000  }
0x6b: {  	_ =	swait.ge [sflag:s24], $0x4000  }
0x6c: {  	[sflag:s24] =	ssyncset.done $0x0  }
0x6d: {  	[sflag:s24] =	ssyncadd.s32 $0xFFFFC000  }
0x6e: {  	[tilespmem:s19], [sflag:$0x1] =	stream.indirect.gather [hbm4b:s4+s18], $0x80, s0, s18, $0xb8;
	[tilespmem:$0x1C800] =	vst v63  }
0x6f: {  	_ = 	snop  }
0x70: {  	[spmem:s2] =	stream.indirect.scatter.add.f32 [tilespmem:s23], [sflag:$0x5], $0x80, s1, s18, $0xb8;
	[tilespmem:$0x1C800] =	vst v63  }
0x71: {  	_ =	swait.ge [sflag:s14], $0x4000  }
0x72: {  	[sflag:s14] =	ssyncset.done $0x0  }
0x73: {  	[sflag:s14] =	ssyncadd.s32 $0xFFFFC000  }
0x74: {  	_ =	swait.ge [sflag:s20], $0x4000  }
0x75: {  	[sflag:s20] =	ssyncset.done $0x0  }
0x76: {  	[sflag:s20] =	ssyncadd.s32 $0xFFFFC000  }
0x77: {  	[tilespmem:s23], [sflag:$0x2] =	stream.indirect.gather [hbm4b:s4+s18], $0x80, s5, s18, $0xb8;
	[tilespmem:$0x1C800] =	vst v63  }
0x78: {  	_ = 	snop  }
0x79: {  	[spmem:s2] =	stream.indirect.scatter.add.f32 [tilespmem:s19], [sflag:$0x5], $0x80, s7, s18, $0xb8;
	[tilespmem:$0x1C800] =	vst v63  }
0x7a: {  	_ =	swait.ge [sflag:s14], $0x4000  }
0x7b: {  	[sflag:s14] =	ssyncset.done $0x0  }
0x7c: {  	[sflag:s14] =	ssyncadd.s32 $0xFFFFC000  }
0x7d: {  	_ =	swait.ge [sflag:s24], $0x4000  }
0x7e: {  	[sflag:s24] =	ssyncset.done $0x0  }
0x7f: {  	[sflag:s24] =	ssyncadd.s32 $0xFFFFC000  }
0x80: {  	_ =	swait.ge [sflag:s16], $0x200  }
0x81: {  	[sflag:s16] =	ssyncset.done $0x0  }
0x82: {  	[sflag:s16] =	ssyncadd.s32 $0xFFFFFE00  }
0x83: {  	_ =	swait.ge [sflag:s17], $0x200  }
0x84: {  	[sflag:s17] =	ssyncset.done $0x0  }
0x85: {  	[sflag:s17] =	ssyncadd.s32 $0xFFFFFE00  }
0x86: {  	[tilespmem:s19], [sflag:$0x1] =	stream.indirect.gather [hbm4b:s4+s18], $0x80, s3, s18, $0xb8;
	[tilespmem:$0x1C800] =	vst v63  }
0x87: {  	_ = 	snop  }
0x88: {  	[spmem:s2] =	stream.indirect.scatter.add.f32 [tilespmem:s23], [sflag:$0x5], $0x80, s8, s18, $0xb8;
	[tilespmem:$0x1C800] =	vst v63  }
0x89: {  	_ =	swait.ge [sflag:s14], $0x4000  }
0x8a: {  	[sflag:s14] =	ssyncset.done $0x0  }
0x8b: {  	[sflag:s14] =	ssyncadd.s32 $0xFFFFC000  }
0x8c: {  	s10 =	simm.s32 $0x80;
	_ =	swait.ge [sflag:s20], $0x4000  }
0x8d: {  	s11 =	simm.s32 $0x100;
	s6 =	rddreg [dreg:$0x6];
	[sflag:s20] =	ssyncset.done $0x0  }
.LBB2_2:
0x8e: {  	[sflag:s20] =	ssyncadd.s32 $0xFFFFC000;
	s13 =	rddreg [dreg:$0x5];
	s6 =	sadd.s32 s10, s6  }
0x8f: {  	[tilespmem:s21], [sflag:$0x3] =	stream.linear.gather [hbm4b:s6+s3], $0x200, $0x38;
	[tilespmem:$0x1C800] =	vst v63  }
0x90: {  	s13 =	sadd.s32 s10, s13  }
0x91: {  	[tilespmem:s22], [sflag:$0x4] =	stream.linear.gather [hbm4b:s13+s3], $0x200, $0x38;
	[tilespmem:$0x1C800] =	vst v63  }
0x92: {  	_ = 	snop  }
0x93: {  	[tilespmem:s23], [sflag:$0x2] =	stream.indirect.gather [hbm4b:s4+s18], $0x80, s18, s18, $0xb8;
	[tilespmem:$0x1C800] =	vst v63  }
0x94: {  	_ = 	snop  }
0x95: {  	[spmem:s2] =	stream.indirect.scatter.add.f32 [tilespmem:s19], [sflag:$0x5], $0x80, s15, s18, $0xb8;
	[tilespmem:$0x1C800] =	vst v63  }
0x96: {  	_ =	swait.ge [sflag:s14], $0x4000  }
0x97: {  	[sflag:s14] =	ssyncset.done $0x0  }
0x98: {  	[sflag:s14] =	ssyncadd.s32 $0xFFFFC000  }
0x99: {  	_ =	swait.ge [sflag:s24], $0x4000  }
0x9a: {  	[sflag:s24] =	ssyncset.done $0x0  }
0x9b: {  	[sflag:s24] =	ssyncadd.s32 $0xFFFFC000  }
0x9c: {  	[tilespmem:s19], [sflag:$0x1] =	stream.indirect.gather [hbm4b:s4+s18], $0x80, s25, s18, $0xb8;
	[tilespmem:$0x1C800] =	vst v63  }
0x9d: {  	_ = 	snop  }
0x9e: {  	[spmem:s2] =	stream.indirect.scatter.add.f32 [tilespmem:s23], [sflag:$0x5], $0x80, s26, s18, $0xb8;
	[tilespmem:$0x1C800] =	vst v63  }
0x9f: {  	_ =	swait.ge [sflag:s14], $0x4000  }
0xa0: {  	[sflag:s14] =	ssyncset.done $0x0  }
0xa1: {  	[sflag:s14] =	ssyncadd.s32 $0xFFFFC000  }
0xa2: {  	_ =	swait.ge [sflag:s20], $0x4000  }
0xa3: {  	[sflag:s20] =	ssyncset.done $0x0  }
0xa4: {  	[sflag:s20] =	ssyncadd.s32 $0xFFFFC000  }
0xa5: {  	[tilespmem:s23], [sflag:$0x2] =	stream.indirect.gather [hbm4b:s4+s18], $0x80, s28, s18, $0xb8;
	[tilespmem:$0x1C800] =	vst v63  }
0xa6: {  	_ = 	snop  }
0xa7: {  	[spmem:s2] =	stream.indirect.scatter.add.f32 [tilespmem:s19], [sflag:$0x5], $0x80, s29, s18, $0xb8;
	[tilespmem:$0x1C800] =	vst v63  }
0xa8: {  	_ =	swait.ge [sflag:s14], $0x4000  }
0xa9: {  	[sflag:s14] =	ssyncset.done $0x0  }
0xaa: {  	[sflag:s14] =	ssyncadd.s32 $0xFFFFC000  }
0xab: {  	_ =	swait.ge [sflag:s24], $0x4000  }
0xac: {  	[sflag:s24] =	ssyncset.done $0x0  }
0xad: {  	[sflag:s24] =	ssyncadd.s32 $0xFFFFC000  }
0xae: {  	_ =	swait.ge [sflag:s16], $0x200  }
0xaf: {  	[sflag:s16] =	ssyncset.done $0x0  }
0xb0: {  	[sflag:s16] =	ssyncadd.s32 $0xFFFFFE00  }
0xb1: {  	_ =	swait.ge [sflag:s17], $0x200  }
0xb2: {  	[sflag:s17] =	ssyncset.done $0x0  }
0xb3: {  	[sflag:s17] =	ssyncadd.s32 $0xFFFFFE00  }
0xb4: {  	[tilespmem:s19], [sflag:$0x1] =	stream.indirect.gather [hbm4b:s4+s18], $0x80, s21, s18, $0xb8;
	[tilespmem:$0x1C800] =	vst v63  }
0xb5: {  	_ = 	snop  }
0xb6: {  	[spmem:s2] =	stream.indirect.scatter.add.f32 [tilespmem:s23], [sflag:$0x5], $0x80, s30, s18, $0xb8;
	[tilespmem:$0x1C800] =	vst v63  }
0xb7: {  	_ =	swait.ge [sflag:s14], $0x4000  }
0xb8: {  	[sflag:s14] =	ssyncset.done $0x0  }
0xb9: {  	[sflag:s14] =	ssyncadd.s32 $0xFFFFC000  }
0xba: {  	_ =	swait.ge [sflag:s20], $0x4000  }
0xbb: {  	s6 =	rddreg [dreg:$0x4];
	[sflag:s20] =	ssyncset.done $0x0  }
0xbc: {  	s13 =	rddreg [dreg:$0x3];
	[sflag:s20] =	ssyncadd.s32 $0xFFFFC000;
	s6 =	sadd.s32 s10, s6  }
0xbd: {  	[tilespmem:s3], [sflag:$0x3] =	stream.linear.gather [hbm4b:s6+s3], $0x200, $0x38;
	[tilespmem:$0x1C800] =	vst v63  }
0xbe: {  	s13 =	sadd.s32 s10, s13  }
0xbf: {  	[tilespmem:s15], [sflag:$0x4] =	stream.linear.gather [hbm4b:s13+s3], $0x200, $0x38;
	[tilespmem:$0x1C800] =	vst v63  }
0xc0: {  	_ = 	snop  }
0xc1: {  	[tilespmem:s23], [sflag:$0x2] =	stream.indirect.gather [hbm4b:s4+s18], $0x80, s31, s18, $0xb8;
	[tilespmem:$0x1C800] =	vst v63  }
0xc2: {  	_ = 	snop  }
0xc3: {  	[spmem:s2] =	stream.indirect.scatter.add.f32 [tilespmem:s19], [sflag:$0x5], $0x80, s22, s18, $0xb8;
	[tilespmem:$0x1C800] =	vst v63  }
0xc4: {  	_ =	swait.ge [sflag:s14], $0x4000  }
0xc5: {  	[sflag:s14] =	ssyncset.done $0x0  }
0xc6: {  	[sflag:s14] =	ssyncadd.s32 $0xFFFFC000  }
0xc7: {  	_ =	swait.ge [sflag:s24], $0x4000  }
0xc8: {  	[sflag:s24] =	ssyncset.done $0x0  }
0xc9: {  	[sflag:s24] =	ssyncadd.s32 $0xFFFFC000  }
0xca: {  	[tilespmem:s19], [sflag:$0x1] =	stream.indirect.gather [hbm4b:s4+s18], $0x80, s0, s18, $0xb8;
	[tilespmem:$0x1C800] =	vst v63  }
0xcb: {  	_ = 	snop  }
0xcc: {  	[spmem:s2] =	stream.indirect.scatter.add.f32 [tilespmem:s23], [sflag:$0x5], $0x80, s1, s18, $0xb8;
	[tilespmem:$0x1C800] =	vst v63  }
0xcd: {  	_ =	swait.ge [sflag:s14], $0x4000  }
0xce: {  	[sflag:s14] =	ssyncset.done $0x0  }
0xcf: {  	[sflag:s14] =	ssyncadd.s32 $0xFFFFC000  }
0xd0: {  	_ =	swait.ge [sflag:s20], $0x4000  }
0xd1: {  	[sflag:s20] =	ssyncset.done $0x0  }
0xd2: {  	[sflag:s20] =	ssyncadd.s32 $0xFFFFC000  }
0xd3: {  	[tilespmem:s23], [sflag:$0x2] =	stream.indirect.gather [hbm4b:s4+s18], $0x80, s5, s18, $0xb8;
	[tilespmem:$0x1C800] =	vst v63  }
0xd4: {  	_ = 	snop  }
0xd5: {  	[spmem:s2] =	stream.indirect.scatter.add.f32 [tilespmem:s19], [sflag:$0x5], $0x80, s7, s18, $0xb8;
	[tilespmem:$0x1C800] =	vst v63  }
0xd6: {  	_ =	swait.ge [sflag:s14], $0x4000  }
0xd7: {  	[sflag:s14] =	ssyncset.done $0x0  }
0xd8: {  	[sflag:s14] =	ssyncadd.s32 $0xFFFFC000  }
0xd9: {  	_ =	swait.ge [sflag:s24], $0x4000  }
0xda: {  	[sflag:s24] =	ssyncset.done $0x0  }
0xdb: {  	[sflag:s24] =	ssyncadd.s32 $0xFFFFC000  }
0xdc: {  	_ =	swait.ge [sflag:s16], $0x200  }
0xdd: {  	[sflag:s16] =	ssyncset.done $0x0  }
0xde: {  	[sflag:s16] =	ssyncadd.s32 $0xFFFFFE00  }
0xdf: {  	_ =	swait.ge [sflag:s17], $0x200  }
0xe0: {  	[sflag:s17] =	ssyncset.done $0x0  }
0xe1: {  	[sflag:s17] =	ssyncadd.s32 $0xFFFFFE00  }
0xe2: {  	[tilespmem:s19], [sflag:$0x1] =	stream.indirect.gather [hbm4b:s4+s18], $0x80, s3, s18, $0xb8;
	[tilespmem:$0x1C800] =	vst v63  }
0xe3: {  	p0 =	sne.s32 s11, $0x400  }
0xe4: {  	[spmem:s2] =	stream.indirect.scatter.add.f32 [tilespmem:s23], [sflag:$0x5], $0x80, s8, s18, $0xb8;
	[tilespmem:$0x1C800] =	vst v63  }
.Ltmp0:
0xe5: {  	_ =	swait.ge [sflag:s14], $0x4000;
	(pc) =	sbr.rel @p0 .LBB2_2-.Ltmp0, $4  }
0xe6: {  	[sflag:s14] =	ssyncset.done $0x0  }
0xe7: {  	[sflag:s14] =	ssyncadd.s32 $0xFFFFC000  }
0xe8: {  	s12 =	smov.u32 s11;
	s11 =	sadd.s32 $0x80, s11;
	_ =	swait.ge [sflag:s20], $0x4000  }
0xe9: {  	s10 =	smov.u32 s12;
	s6 =	rddreg [dreg:$0x6];
	[sflag:s20] =	ssyncset.done $0x0  }
0xea: {  	s11 =	rddreg [dreg:$0x5];
	[sflag:s20] =	ssyncadd.s32 $0xFFFFC000;
	s6 =	sadd.s32 s10, s6  }
0xeb: {  	[tilespmem:s21], [sflag:$0x3] =	stream.linear.gather [hbm4b:s6+s3], $0x200, $0x38;
	[tilespmem:$0x1C800] =	vst v63  }
0xec: {  	s11 =	sadd.s32 s10, s11  }
0xed: {  	[tilespmem:s22], [sflag:$0x4] =	stream.linear.gather [hbm4b:s11+s3], $0x200, $0x38;
	[tilespmem:$0x1C800] =	vst v63  }
0xee: {  	_ = 	snop  }
0xef: {  	[tilespmem:s23], [sflag:$0x2] =	stream.indirect.gather [hbm4b:s4+s18], $0x80, s18, s18, $0xb8;
	[tilespmem:$0x1C800] =	vst v63  }
0xf0: {  	_ = 	snop  }
0xf1: {  	[spmem:s2] =	stream.indirect.scatter.add.f32 [tilespmem:s19], [sflag:$0x5], $0x80, s15, s18, $0xb8;
	[tilespmem:$0x1C800] =	vst v63  }
0xf2: {  	_ =	swait.ge [sflag:s14], $0x4000  }
0xf3: {  	[sflag:s14] =	ssyncset.done $0x0  }
0xf4: {  	[sflag:s14] =	ssyncadd.s32 $0xFFFFC000  }
0xf5: {  	_ =	swait.ge [sflag:s24], $0x4000  }
0xf6: {  	[sflag:s24] =	ssyncset.done $0x0  }
0xf7: {  	[sflag:s24] =	ssyncadd.s32 $0xFFFFC000  }
0xf8: {  	[tilespmem:s19], [sflag:$0x1] =	stream.indirect.gather [hbm4b:s4+s18], $0x80, s25, s18, $0xb8;
	[tilespmem:$0x1C800] =	vst v63  }
0xf9: {  	_ = 	snop  }
0xfa: {  	[spmem:s2] =	stream.indirect.scatter.add.f32 [tilespmem:s23], [sflag:$0x5], $0x80, s26, s18, $0xb8;
	[tilespmem:$0x1C800] =	vst v63  }
0xfb: {  	_ =	swait.ge [sflag:s14], $0x4000  }
0xfc: {  	[sflag:s14] =	ssyncset.done $0x0  }
0xfd: {  	[sflag:s14] =	ssyncadd.s32 $0xFFFFC000  }
0xfe: {  	_ =	swait.ge [sflag:s20], $0x4000  }
0xff: {  	[sflag:s20] =	ssyncset.done $0x0  }
0x100: {  	[sflag:s20] =	ssyncadd.s32 $0xFFFFC000  }
0x101: {  	[tilespmem:s23], [sflag:$0x2] =	stream.indirect.gather [hbm4b:s4+s18], $0x80, s28, s18, $0xb8;
	[tilespmem:$0x1C800] =	vst v63  }
0x102: {  	_ = 	snop  }
0x103: {  	[spmem:s2] =	stream.indirect.scatter.add.f32 [tilespmem:s19], [sflag:$0x5], $0x80, s29, s18, $0xb8;
	[tilespmem:$0x1C800] =	vst v63  }
0x104: {  	_ =	swait.ge [sflag:s14], $0x4000  }
0x105: {  	[sflag:s14] =	ssyncset.done $0x0  }
0x106: {  	[sflag:s14] =	ssyncadd.s32 $0xFFFFC000  }
0x107: {  	_ =	swait.ge [sflag:s24], $0x4000  }
0x108: {  	[sflag:s24] =	ssyncset.done $0x0  }
0x109: {  	[sflag:s24] =	ssyncadd.s32 $0xFFFFC000  }
0x10a: {  	_ =	swait.ge [sflag:s16], $0x200  }
0x10b: {  	[sflag:s16] =	ssyncset.done $0x0  }
0x10c: {  	[sflag:s16] =	ssyncadd.s32 $0xFFFFFE00  }
0x10d: {  	_ =	swait.ge [sflag:s17], $0x200  }
0x10e: {  	[sflag:s17] =	ssyncset.done $0x0  }
0x10f: {  	[sflag:s17] =	ssyncadd.s32 $0xFFFFFE00  }
0x110: {  	[tilespmem:s19], [sflag:$0x1] =	stream.indirect.gather [hbm4b:s4+s18], $0x80, s21, s18, $0xb8;
	[tilespmem:$0x1C800] =	vst v63  }
0x111: {  	_ = 	snop  }
0x112: {  	[spmem:s2] =	stream.indirect.scatter.add.f32 [tilespmem:s23], [sflag:$0x5], $0x80, s30, s18, $0xb8;
	[tilespmem:$0x1C800] =	vst v63  }
0x113: {  	_ =	swait.ge [sflag:s14], $0x4000  }
0x114: {  	[sflag:s14] =	ssyncset.done $0x0  }
0x115: {  	[sflag:s14] =	ssyncadd.s32 $0xFFFFC000  }
0x116: {  	_ =	swait.ge [sflag:s20], $0x4000  }
0x117: {  	s12 =	rddreg [dreg:$0x4];
	[sflag:s20] =	ssyncset.done $0x0  }
0x118: {  	s13 =	rddreg [dreg:$0x3];
	[sflag:s20] =	ssyncadd.s32 $0xFFFFC000;
	s6 =	sadd.s32 s10, s12  }
0x119: {  	[tilespmem:s3], [sflag:$0x3] =	stream.linear.gather [hbm4b:s6+s3], $0x200, $0x38;
	[tilespmem:$0x1C800] =	vst v63  }
0x11a: {  	s12 =	sadd.s32 s10, s13  }
0x11b: {  	[tilespmem:s15], [sflag:$0x4] =	stream.linear.gather [hbm4b:s12+s3], $0x200, $0x38;
	[tilespmem:$0x1C800] =	vst v63  }
0x11c: {  	_ = 	snop  }
0x11d: {  	[tilespmem:s23], [sflag:$0x2] =	stream.indirect.gather [hbm4b:s4+s18], $0x80, s31, s18, $0xb8;
	[tilespmem:$0x1C800] =	vst v63  }
0x11e: {  	_ = 	snop  }
0x11f: {  	[spmem:s2] =	stream.indirect.scatter.add.f32 [tilespmem:s19], [sflag:$0x5], $0x80, s22, s18, $0xb8;
	[tilespmem:$0x1C800] =	vst v63  }
0x120: {  	_ =	swait.ge [sflag:s14], $0x4000  }
0x121: {  	[sflag:s14] =	ssyncset.done $0x0  }
0x122: {  	[sflag:s14] =	ssyncadd.s32 $0xFFFFC000  }
0x123: {  	_ =	swait.ge [sflag:s24], $0x4000  }
0x124: {  	[sflag:s24] =	ssyncset.done $0x0  }
0x125: {  	[sflag:s24] =	ssyncadd.s32 $0xFFFFC000  }
0x126: {  	[tilespmem:s19], [sflag:$0x1] =	stream.indirect.gather [hbm4b:s4+s18], $0x80, s0, s18, $0xb8;
	[tilespmem:$0x1C800] =	vst v63  }
0x127: {  	_ = 	snop  }
0x128: {  	[spmem:s2] =	stream.indirect.scatter.add.f32 [tilespmem:s23], [sflag:$0x5], $0x80, s1, s18, $0xb8;
	[tilespmem:$0x1C800] =	vst v63  }
0x129: {  	_ =	swait.ge [sflag:s14], $0x4000  }
0x12a: {  	[sflag:s14] =	ssyncset.done $0x0  }
0x12b: {  	[sflag:s14] =	ssyncadd.s32 $0xFFFFC000  }
0x12c: {  	_ =	swait.ge [sflag:s20], $0x4000  }
0x12d: {  	[sflag:s20] =	ssyncset.done $0x0  }
0x12e: {  	[sflag:s20] =	ssyncadd.s32 $0xFFFFC000  }
0x12f: {  	[tilespmem:s23], [sflag:$0x2] =	stream.indirect.gather [hbm4b:s4+s18], $0x80, s5, s18, $0xb8;
	[tilespmem:$0x1C800] =	vst v63  }
0x130: {  	_ = 	snop  }
0x131: {  	[spmem:s2] =	stream.indirect.scatter.add.f32 [tilespmem:s19], [sflag:$0x5], $0x80, s7, s18, $0xb8;
	[tilespmem:$0x1C800] =	vst v63  }
0x132: {  	_ =	swait.ge [sflag:s14], $0x4000  }
0x133: {  	[sflag:s14] =	ssyncset.done $0x0  }
0x134: {  	[sflag:s14] =	ssyncadd.s32 $0xFFFFC000  }
0x135: {  	_ =	swait.ge [sflag:s24], $0x4000  }
0x136: {  	[sflag:s24] =	ssyncset.done $0x0  }
0x137: {  	[sflag:s24] =	ssyncadd.s32 $0xFFFFC000  }
0x138: {  	_ =	swait.ge [sflag:s16], $0x200  }
0x139: {  	[sflag:s16] =	ssyncset.done $0x0  }
0x13a: {  	[sflag:s16] =	ssyncadd.s32 $0xFFFFFE00  }
0x13b: {  	_ =	swait.ge [sflag:s17], $0x200  }
0x13c: {  	[sflag:s17] =	ssyncset.done $0x0  }
0x13d: {  	[sflag:s17] =	ssyncadd.s32 $0xFFFFFE00  }
0x13e: {  	[tilespmem:s19], [sflag:$0x1] =	stream.indirect.gather [hbm4b:s4+s18], $0x80, s3, s18, $0xb8;
	[tilespmem:$0x1C800] =	vst v63  }
0x13f: {  	_ = 	snop  }
0x140: {  	[spmem:s2] =	stream.indirect.scatter.add.f32 [tilespmem:s23], [sflag:$0x5], $0x80, s8, s18, $0xb8;
	[tilespmem:$0x1C800] =	vst v63  }
0x141: {  	_ =	swait.ge [sflag:s14], $0x4000  }
0x142: {  	[sflag:s14] =	ssyncset.done $0x0  }
0x143: {  	[sflag:s14] =	ssyncadd.s32 $0xFFFFC000  }
0x144: {  	_ =	swait.ge [sflag:s20], $0x4000  }
0x145: {  	[sflag:s20] =	ssyncset.done $0x0  }
0x146: {  	s13 =	rddreg [dreg:$0xb];
	[sflag:s20] =	ssyncadd.s32 $0xFFFFC000  }
0x147: {  	[tilespmem:s21], [sflag:$0x3] =	stream.linear.gather [hbm4b:s13+s3], $0x200, $0x38;
	[tilespmem:$0x1C800] =	vst v63  }
0x148: {  	s10 =	rddreg [dreg:$0xc]  }
0x149: {  	[tilespmem:s22], [sflag:$0x4] =	stream.linear.gather [hbm4b:s10+s3], $0x200, $0x38;
	[tilespmem:$0x1C800] =	vst v63  }
0x14a: {  	_ = 	snop  }
0x14b: {  	[tilespmem:s23], [sflag:$0x2] =	stream.indirect.gather [hbm4b:s4+s18], $0x80, s18, s18, $0xb8;
	[tilespmem:$0x1C800] =	vst v63  }
0x14c: {  	_ = 	snop  }
0x14d: {  	[spmem:s2] =	stream.indirect.scatter.add.f32 [tilespmem:s19], [sflag:$0x5], $0x80, s15, s18, $0xb8;
	[tilespmem:$0x1C800] =	vst v63  }
0x14e: {  	_ =	swait.ge [sflag:s14], $0x4000  }
0x14f: {  	[sflag:s14] =	ssyncset.done $0x0  }
0x150: {  	[sflag:s14] =	ssyncadd.s32 $0xFFFFC000  }
0x151: {  	_ =	swait.ge [sflag:s24], $0x4000  }
0x152: {  	[sflag:s24] =	ssyncset.done $0x0  }
0x153: {  	[sflag:s24] =	ssyncadd.s32 $0xFFFFC000  }
0x154: {  	[tilespmem:s19], [sflag:$0x1] =	stream.indirect.gather [hbm4b:s4+s18], $0x80, s25, s18, $0xb8;
	[tilespmem:$0x1C800] =	vst v63  }
0x155: {  	_ = 	snop  }
0x156: {  	[spmem:s2] =	stream.indirect.scatter.add.f32 [tilespmem:s23], [sflag:$0x5], $0x80, s26, s18, $0xb8;
	[tilespmem:$0x1C800] =	vst v63  }
0x157: {  	_ =	swait.ge [sflag:s14], $0x4000  }
0x158: {  	[sflag:s14] =	ssyncset.done $0x0  }
0x159: {  	[sflag:s14] =	ssyncadd.s32 $0xFFFFC000  }
0x15a: {  	_ =	swait.ge [sflag:s20], $0x4000  }
0x15b: {  	[sflag:s20] =	ssyncset.done $0x0  }
0x15c: {  	[sflag:s20] =	ssyncadd.s32 $0xFFFFC000  }
0x15d: {  	[tilespmem:s23], [sflag:$0x2] =	stream.indirect.gather [hbm4b:s4+s18], $0x80, s28, s18, $0xb8;
	[tilespmem:$0x1C800] =	vst v63  }
0x15e: {  	_ = 	snop  }
0x15f: {  	[spmem:s2] =	stream.indirect.scatter.add.f32 [tilespmem:s19], [sflag:$0x5], $0x80, s29, s18, $0xb8;
	[tilespmem:$0x1C800] =	vst v63  }
0x160: {  	_ =	swait.ge [sflag:s14], $0x4000  }
0x161: {  	[sflag:s14] =	ssyncset.done $0x0  }
0x162: {  	[sflag:s14] =	ssyncadd.s32 $0xFFFFC000  }
0x163: {  	_ =	swait.ge [sflag:s24], $0x4000  }
0x164: {  	[sflag:s24] =	ssyncset.done $0x0  }
0x165: {  	[sflag:s24] =	ssyncadd.s32 $0xFFFFC000  }
0x166: {  	_ =	swait.ge [sflag:s16], $0x200  }
0x167: {  	[sflag:s16] =	ssyncset.done $0x0  }
0x168: {  	[sflag:s16] =	ssyncadd.s32 $0xFFFFFE00  }
0x169: {  	_ =	swait.ge [sflag:s17], $0x200  }
0x16a: {  	[sflag:s17] =	ssyncset.done $0x0  }
0x16b: {  	[sflag:s17] =	ssyncadd.s32 $0xFFFFFE00  }
0x16c: {  	[tilespmem:s19], [sflag:$0x1] =	stream.indirect.gather [hbm4b:s4+s18], $0x80, s21, s18, $0xb8;
	[tilespmem:$0x1C800] =	vst v63  }
0x16d: {  	_ = 	snop  }
0x16e: {  	[spmem:s2] =	stream.indirect.scatter.add.f32 [tilespmem:s23], [sflag:$0x5], $0x80, s30, s18, $0xb8;
	[tilespmem:$0x1C800] =	vst v63  }
0x16f: {  	_ =	swait.ge [sflag:s14], $0x4000  }
0x170: {  	[sflag:s14] =	ssyncset.done $0x0  }
0x171: {  	[sflag:s14] =	ssyncadd.s32 $0xFFFFC000  }
0x172: {  	_ =	swait.ge [sflag:s20], $0x4000  }
0x173: {  	[sflag:s20] =	ssyncset.done $0x0  }
0x174: {  	[sflag:s20] =	ssyncadd.s32 $0xFFFFC000  }
0x175: {  	[tilespmem:s23], [sflag:$0x2] =	stream.indirect.gather [hbm4b:s4+s18], $0x80, s31, s18, $0xb8;
	[tilespmem:$0x1C800] =	vst v63  }
0x176: {  	_ = 	snop  }
0x177: {  	[spmem:s2] =	stream.indirect.scatter.add.f32 [tilespmem:s19], [sflag:$0x5], $0x80, s22, s18, $0xb8;
	[tilespmem:$0x1C800] =	vst v63  }
0x178: {  	_ =	swait.ge [sflag:s14], $0x4000  }
0x179: {  	[sflag:s14] =	ssyncset.done $0x0  }
0x17a: {  	[sflag:s14] =	ssyncadd.s32 $0xFFFFC000  }
0x17b: {  	_ =	swait.ge [sflag:s24], $0x4000  }
0x17c: {  	[sflag:s24] =	ssyncset.done $0x0  }
0x17d: {  	[sflag:s24] =	ssyncadd.s32 $0xFFFFC000  }
0x17e: {  	[tilespmem:s19], [sflag:$0x1] =	stream.indirect.gather [hbm4b:s4+s18], $0x80, s0, s18, $0xb8;
	[tilespmem:$0x1C800] =	vst v63  }
0x17f: {  	_ = 	snop  }
0x180: {  	[spmem:s2] =	stream.indirect.scatter.add.f32 [tilespmem:s23], [sflag:$0x5], $0x80, s1, s18, $0xb8;
	[tilespmem:$0x1C800] =	vst v63  }
0x181: {  	_ =	swait.ge [sflag:s14], $0x4000  }
0x182: {  	[sflag:s14] =	ssyncset.done $0x0  }
0x183: {  	[sflag:s14] =	ssyncadd.s32 $0xFFFFC000  }
0x184: {  	_ =	swait.ge [sflag:s20], $0x4000  }
0x185: {  	[sflag:s20] =	ssyncset.done $0x0  }
0x186: {  	[sflag:s20] =	ssyncadd.s32 $0xFFFFC000  }
0x187: {  	[tilespmem:s23], [sflag:$0x2] =	stream.indirect.gather [hbm4b:s4+s18], $0x80, s5, s18, $0xb8;
	[tilespmem:$0x1C800] =	vst v63  }
0x188: {  	_ = 	snop  }
0x189: {  	[spmem:s2] =	stream.indirect.scatter.add.f32 [tilespmem:s19], [sflag:$0x5], $0x80, s7, s18, $0xb8;
	[tilespmem:$0x1C800] =	vst v63  }
0x18a: {  	_ =	swait.ge [sflag:s14], $0x4000  }
0x18b: {  	[sflag:s14] =	ssyncset.done $0x0  }
0x18c: {  	[sflag:s14] =	ssyncadd.s32 $0xFFFFC000  }
0x18d: {  	_ =	swait.ge [sflag:s24], $0x4000  }
0x18e: {  	[sflag:s24] =	ssyncset.done $0x0  }
0x18f: {  	[sflag:s24] =	ssyncadd.s32 $0xFFFFC000  }
0x190: {  	[spmem:s2] =	stream.indirect.scatter.add.f32 [tilespmem:s23], [sflag:$0x5], $0x80, s8, s18, $0xb8;
	[tilespmem:$0x1C800] =	vst v63  }
0x191: {  	_ =	swait.ge [sflag:s14], $0x4000  }
0x192: {  	[sflag:s14] =	ssyncset.done $0x0  }
0x193: {  	[sflag:s14] =	ssyncadd.s32 $0xFFFFC000  }
0x194: {  	[bflag:$0x0] =	sbarrier.arrive $0xFFFF  }
0x195: {  	s12 =	rddreg [dreg:$0x8]  }
0x196: {  	s11 =	rddreg [dreg:$0xd]  }
0x197: {  	s10 =	rddreg [dreg:$0xf]  }
0x198: {  	[hbm:s11], [sflag:s12] =	dma.local [spmem:s10], $0x2800  }
0x199: {  	_ =	swait.ge [sflag:s14], $0x2800  }
0x19a: {  	s9 =	sadd.s32 $0x1, s9;
	s13 =	rddreg [dreg:$0xe]  }
0x19b: {  	p0 =	sne.s32 s9, s13  }
.Ltmp1:
0x19c: {  	_ = 	snop;
	(pc) =	sbr.rel @p0 .LBB2_1-.Ltmp1, $3  }
0x19d: {  	_ =	sdelay $0x1  }
0x19e: {  	[sflag:s14] =	ssyncset.done $0x0  }
0x19f: {  	[sflag:s14] =	ssyncadd.s32 $0xFFFFD800  }
0x1a0: {  	_ =	sfence.sel $0x180000  }
0x1a1: {  	[bflag:$0x0] =	sbarrier.arrive $0xFFFF  }
0x1a2: {  	_ =	strace $0x9000004D  }
0x1a3: {  	s0 =	stileid.u32;
	[bflag:$0x2] =	sbarrier.arrive $0xFFFF  }
0x1a4: {  	p0 =	sne.s32 s0, $0x0;
	s0 =	rddreg [dreg:$0x2]  }
0x1a5: {  	s0 =	sadd.s32 @!p0 $0x100000, s0  }
0x1a6: {  	[sflag:s0] =	ssyncadd.tile.s32 @!p0 $0x1;
	_ =	shalt  }
.Lfunc_end2:
_tile_overlayer_lowered:
.L_overlay_start_2:
0x1a7: {  	(tag) =	ssettag $0x2  }
0x1a8: {  	s0 =	rddreg [dreg:$0x0];
	s2 =	stileid.u32  }
0x1a9: {  	s1 =	rddreg [dreg:$0x1];
	p0 =	sne.s32 s2, $0x0  }
0x1aa: {  	s3 =	rddreg [dreg:$0x2];
	[bflag:$0x3] =	sbarrier.arrive $0xFFFF;
	s2 =	simm.s32 @!p0 $0x1C05  }
0x1ab: {  	[timem:s3], [sflag:s2] =	dma.local @!p0 [hbm:s0], s1  }
0x1ac: {  	s0 =	simm.s32 @!p0 $0x5  }
0x1ad: {  	_ =	swait.ge @!p0 [sflag:s0], s1  }
0x1ae: {  	s1 =	ssub.s32 @!p0 $0x0, s1;
	[sflag:s0] =	ssyncset.done @!p0 $0x0  }
0x1af: {  	[sflag:s0] =	ssyncadd.s32 @!p0 s1  }
0x1b0: {  	[bflag:$0x3] =	sbarrier.arrive $0xFFFF  }
0x1b1: {  	_ =	shalt  }

// kernel: kernel.8.cloned.1.call-start
scs
__scs_entry_jumppad:
0x0: {  	(pc) =	sbr.rel $0x88, $3  }
0x1: {  	(tag) =	ssettag $0x0;
	lr =	simm.s32 $0x1  }
0x2: {  	[smem:$0x3F9B] =	sst lr;
	_ =	strace $0xD0000000  }
0x3: {  	_ = 	snop  }
0x4: {  	_ = 	snop  }
0x5: {  	_ = 	snop  }
0x6: {  	_ = 	snop  }
0x7: {  	_ = 	snop  }
__scs_overlays_trampoline_lowered:
0x8: {  	[smem:$0x3FAA] =	sst s0  }
0x9: {  	[smem:$0x3FAB] =	sst s1  }
0xa: {  	[smem:$0x3FAC] =	sst s2  }
0xb: {  	[smem:$0x3FAD] =	sst s3  }
0xc: {  	[smem:$0x3FAE] =	sst s4  }
0xd: {  	[smem:$0x3FAF] =	sst s5  }
0xe: {  	[smem:$0x3FB0] =	sst s6  }
0xf: {  	[smem:$0x3FB1] =	sst s7  }
0x10: {  	[smem:$0x3FB2] =	sst s8  }
0x11: {  	[smem:$0x3FB3] =	sst s9;
	s0 =	simm.s32 @!p0 $0x0  }
0x12: {  	s1 =	sld [smem:$0x3F99];
	s0 =	simm.s32 @p0 $0x1  }
0x13: {  	[smem:$0x3FB4] =	sst s0;
	s0 =	simm.s32 @!p1 $0x0  }
0x14: {  	s2 =	sld [smem:$0x3F98];
	s0 =	simm.s32 @p1 $0x1  }
0x15: {  	[smem:$0x3FB5] =	sst s0;
	s0 =	simm.s32 @!p2 $0x0  }
0x16: {  	s3 =	sld [smem:$0x3FDB];
	s0 =	simm.s32 @p2 $0x1  }
0x17: {  	s4 =	simm.s32 $0x1BF5;
	[smem:$0x3FB7] =	sst s0  }
0x18: {  	s0 =	sld [smem:$0x3F9A];
	_ =	swait.ge [sflag:s4], $0x0  }
0x19: {  	s7 =	sld [smem:$0x3F9B]  }
0x1a: {  	s8 =	sadd.s32 $0xFFFFE003, lr  }
0x1b: {  	s9 =	sadd.s32 $0xFFFFFEF7, lr;
	s5 =	simm.s32 $0xFFFFFFFF;
	p2 =	slt.u32 s8, $0xFFFFF086  }
0x1c: {  	p1 =	slt.u32 s9, $0xF7A;
	s5 =	simm.s32 @!p2 $0x0  }
0x1d: {  	s5 =	simm.s32 @p1 $0x1;
	p0 =	seq.s32 s7, s2  }
0x1e: {  	s7 =	smul.u32 @!p0 $0xF7A, s2;
	p2 =	seq.s32 @!p0 s5, $0x0  }
0x1f: {  	s9 =	smul.u32 $0xF7A, s1;
	s8 =	simm.s32 @!p0 $0x1BF5;
	p2 =	por !p2, p0  }
0x20: {  	[sflag:s8] =	ssyncset.s32 @!p0 $0xFFFFF086;
	s6 =	sadd.s32 @!p0 s3, s7;
	s7 =	simm.s32 @!p0 $0x108  }
0x21: {  	s3 =	sadd.s32 s3, s9;
	s6 =	sadd.s32 @!p0 $0x88, s6;
	s7 =	simm.s32 @p2 $0x1082  }
0x22: {  	[simem:s7], [sflag:s8] =	dma.local @!p0 [hbm:s6], $0xF7A  }
0x23: {  	s9 =	sor.u32 $0xD0000000, s2;
	s6 =	simm.s32 $0x108;
	_ =	swait.ge @!p0 [sflag:s8], $0x0  }
0x24: {  	s3 =	sadd.s32 $0x88, s3;
	s6 =	simm.s32 @!p1 $0x1082;
	[sflag:s4] =	ssyncset.s32 $0xFFFFF086  }
0x25: {  	[simem:s6], [sflag:s4] =	dma.local [hbm:s3], $0xF7A  }
0x26: {  	[smem:$0x3F9B] =	sst s1;
	(tag) =	ssettag s2;
	_ =	strace s9  }
0x27: {  	s1 =	sld [smem:$0x3FAB]  }
0x28: {  	s2 =	sld [smem:$0x3FAC]  }
0x29: {  	s4 =	sld [smem:$0x3FAE]  }
0x2a: {  	p0 =	seq.s32 s5, $0x0;
	s5 =	sld [smem:$0x3FAF]  }
0x2b: {  	s6 =	sld [smem:$0x3FB0]  }
0x2c: {  	s7 =	sld [smem:$0x3FB1]  }
0x2d: {  	s3 =	simm.s32 $0x108;
	s8 =	sld [smem:$0x3FB2]  }
0x2e: {  	s3 =	simm.s32 @!p0 $0x1082;
	s9 =	sld [smem:$0x3FB3]  }
0x2f: {  	lr =	sadd.s32 s0, s3;
	s0 =	sld [smem:$0x3FAA]  }
0x30: {  	s3 =	sld [smem:$0x3FAD]  }
0x31: {  	[smem:$0x3FB6] =	sst s10  }
0x32: {  	s10 =	sld [smem:$0x3FB4];
	_ =	sdelay $0x3  }
0x33: {  	p0 =	seq.s32 s10, $0x1;
	s10 =	sld [smem:$0x3FB6];
	_ =	sdelay $0x3  }
0x34: {  	[smem:$0x3FB6] =	sst s10  }
0x35: {  	s10 =	sld [smem:$0x3FB5];
	_ =	sdelay $0x3  }
0x36: {  	p1 =	seq.s32 s10, $0x1;
	s10 =	sld [smem:$0x3FB6];
	_ =	sdelay $0x3  }
0x37: {  	[smem:$0x3FB6] =	sst s10  }
0x38: {  	s10 =	sld [smem:$0x3FB7]  }
0x39: {  	_ = 	snop;
	(pc) =	sbr.ind lr, $3  }
0x3a: {  	_ = 	snop  }
0x3b: {  	_ = 	snop  }
0x3c: {  	p2 =	seq.s32 s10, $0x1;
	s10 =	sld [smem:$0x3FB6]  }
0x3d: {  	_ =	shalt  }
0x3e: {  	_ =	shalt  }
0x3f: {  	_ =	shalt  }
0x40: {  	_ =	shalt  }
0x41: {  	_ =	shalt  }
0x42: {  	_ =	shalt  }
0x43: {  	_ =	shalt  }
0x44: {  	_ =	shalt  }
0x45: {  	_ =	shalt  }
0x46: {  	_ =	shalt  }
0x47: {  	_ =	shalt  }
0x48: {  	_ =	shalt  }
0x49: {  	_ =	shalt  }
0x4a: {  	_ =	shalt  }
0x4b: {  	_ =	shalt  }
0x4c: {  	_ =	shalt  }
0x4d: {  	_ =	shalt  }
0x4e: {  	_ =	shalt  }
0x4f: {  	_ =	shalt  }
0x50: {  	_ =	shalt  }
0x51: {  	_ =	shalt  }
0x52: {  	_ =	shalt  }
0x53: {  	_ =	shalt  }
0x54: {  	_ =	shalt  }
0x55: {  	_ =	shalt  }
0x56: {  	_ =	shalt  }
0x57: {  	_ =	shalt  }
0x58: {  	_ =	shalt  }
0x59: {  	_ =	shalt  }
0x5a: {  	_ =	shalt  }
0x5b: {  	_ =	shalt  }
0x5c: {  	_ =	shalt  }
0x5d: {  	_ =	shalt  }
0x5e: {  	_ =	shalt  }
0x5f: {  	_ =	shalt  }
0x60: {  	_ =	shalt  }
0x61: {  	_ =	shalt  }
0x62: {  	_ =	shalt  }
0x63: {  	_ =	shalt  }
0x64: {  	_ =	shalt  }
0x65: {  	_ =	shalt  }
0x66: {  	_ =	shalt  }
0x67: {  	_ =	shalt  }
0x68: {  	_ =	shalt  }
0x69: {  	_ =	shalt  }
0x6a: {  	_ =	shalt  }
0x6b: {  	_ =	shalt  }
0x6c: {  	_ =	shalt  }
0x6d: {  	_ =	shalt  }
0x6e: {  	_ =	shalt  }
0x6f: {  	_ =	shalt  }
0x70: {  	_ =	shalt  }
0x71: {  	_ =	shalt  }
0x72: {  	_ =	shalt  }
0x73: {  	_ =	shalt  }
0x74: {  	_ =	shalt  }
0x75: {  	_ =	shalt  }
0x76: {  	_ =	shalt  }
0x77: {  	_ =	shalt  }
0x78: {  	_ =	shalt  }
0x79: {  	_ =	shalt  }
0x7a: {  	_ =	shalt  }
0x7b: {  	_ =	shalt  }
0x7c: {  	_ =	shalt  }
0x7d: {  	_ =	shalt  }
0x7e: {  	_ =	shalt  }
0x7f: {  	_ =	shalt  }
0x80: {  	_ =	shalt  }
0x81: {  	_ =	shalt  }
0x82: {  	_ =	shalt  }
0x83: {  	_ =	shalt  }
0x84: {  	_ =	shalt  }
0x85: {  	_ =	shalt  }
0x86: {  	_ =	shalt  }
0x87: {  	_ =	shalt  }
.Lfunc_end0:
.L_simem_size_0:
called_computation_lowered:
.L_overlay_start_0:
0x88: {  	s2 =	sld [smem:$0x3FD9]  }
0x89: {  	s3 =	sld [smem:$0x3FFE];
	_ =	sdelay $0x1  }
0x8a: {  	s1 =	srdreg.scid  }
0x8b: {  	s0 =	sand.u32 $0x1, s1  }
0x8c: {  	s17 =	sshll.u32 s0, $0xA;
	s2 =	sadd.s32 s3, s2  }
0x8d: {  	s2 =	sadd.s32 s2, s17  }
0x8e: {  	[smem:$0x3FC2] =	sst s2  }
0x8f: {  	_ = 	snop  }
0x90: {  	s2 =	sld [smem:$0x3FD0];
	(tm) =	ssettm $0x1  }
0x91: {  	s18 =	sld [smem:$0x3FFB];
	_ =	sdelay $0x3  }
0x92: {  	_ =	strace s18  }
0x93: {  	s3 =	sld [smem:$0x3FFC];
	_ =	sdelay $0x3  }
0x94: {  	_ =	strace s3  }
0x95: {  	s3 =	sld [smem:$0x3FFD];
	_ =	sdelay $0x3  }
0x96: {  	_ =	strace s3  }
0x97: {  	_ =	strace $0x8FFFFFFF  }
0x98: {  	s19 =	sld [smem:$0x3FDB];
	_ =	sdelay $0x1  }
0x99: {  	s4 =	simm.s32 $_scs_section_size  }
0x9a: {  	s5 =	simm.s32 $_size__tile_overlayer_lowered;
	s6 =	simm.s32 $_tile_overlayer_lowered  }
0x9b: {  	s22 =	simm.s32 $0x1BFF;
	s21 =	sshll.u32 s6, $0x1;
	s3 =	sadd.s32 s4, s19  }
0x9c: {  	s7 =	simm.s32 $0x0;
	s20 =	sshll.u32 s5, $0x1;
	s5 =	sadd.s32 s21, s3  }
0x9d: {  	[timem:s7], [sflag:s22] =	dma.local [hbm:s5], s20  }
0x9e: {  	_ =	swait.ge [sflag:s22], s20  }
0x9f: {  	s4 =	ssub.s32 $0x0, s20;
	[sflag:s22] =	ssyncset.done $0x0  }
0xa0: {  	[sflag:s22] =	ssyncadd.s32 s4;
	_ =	sdelay $0x1  }
0xa1: {  	s23 =	simm.s32 $0x1B8B  }
0xa2: {  	_ =	swait.ge [sflag:s23], $0x1  }
0xa3: {  	[sflag:s23] =	ssyncset.done $0x0  }
0xa4: {  	s25 =	simm.s32 $0x1B8E;
	s24 =	sld [smem:$0x3FFE];
	[sflag:s23] =	ssyncadd.s32 $0xFFFFFFFF  }
0xa5: {  	s26 =	simm.s32 $execute0_lowered;
	[smem:$0x3FD2] =	sst s25  }
0xa6: {  	s5 =	sshll.u32 s26, $0x1;
	_ =	strace $0x80000046;
	[dreg:$0x1] =	wrdreg $0xFFFFFFFF  }
0xa7: {  	s28 =	simm.s32 $_size_execute0_lowered;
	s3 =	sadd.s32 s3, s5;
	[dreg:$0x0] =	wrdreg $0x0  }
0xa8: {  	s5 =	sshll.u32 s28, $0x1;
	[dreg:$0x2] =	wrdreg s3  }
0xa9: {  	[dreg:$0x3] =	wrdreg s5  }
0xaa: {  	[dreg:$0x4] =	wrdreg $0xC0  }
0xab: {  	_ =	task [dreg:s7], $0x5FFFF  }
0xac: {  	[dreg:$0x1] =	wrdreg $0xFFFFFFFF  }
0xad: {  	[dreg:$0x0] =	wrdreg $0x60  }
0xae: {  	[dreg:$0x2] =	wrdreg s24  }
0xaf: {  	[dreg:$0x3] =	wrdreg s2  }
0xb0: {  	[dreg:$0x4] =	wrdreg $0x28800  }
0xb1: {  	[dreg:$0x5] =	wrdreg $0x9  }
0xb2: {  	_ =	task.clear_ibuf [dreg:s7], $0x6FFFF;
	_ =	strace $0x90000046  }
0xb3: {  	s29 =	simm.s32 $0x9;
	_ =	strace $0x80000048  }
0xb4: {  	_ =	swait.ge [sflag:s29], $0x1  }
0xb5: {  	[sflag:s29] =	ssyncadd.s32 $0xFFFFFFFF  }
0xb6: {  	_ =	strace $0x90000048  }
0xb7: {  	_ =	sfence  }
0xb8: {  	s30 =	sld [smem:$0x0];
	_ =	sdelay $0x2  }
0xb9: {  	s31 =	sshll.u32 s1, $0xD;
	s1 =	sshrl.u32 s1, $0x2  }
0xba: {  	s3 =	sand.u32 $0x4000, s31;
	s1 =	sadd.s32 s1, s30  }
0xbb: {  	s0 =	sor.u32 s3, s0;
	s1 =	sshll.u32 s1, $0x11  }
0xbc: {  	s0 =	sor.u32 s1, s0  }
0xbd: {  	s0 =	sadd.s32 $0x8F2B, s0  }
0xbe: {  	[sflag:s0] =	ssyncadd.remote.s32 $0x1  }
0xbf: {  	_ =	sfence.sel $0xFFFF  }
0xc0: {  	[dreg:$0x0] =	wrdreg $0xFFFFFFFF;
	(pc) =	sbr.abs _section_cstart, $3  }
0xc1: {  	[dreg:$0x1] =	wrdreg $0xFFFFFFFF  }
0xc2: {  	_ =	task.clear_ibuf [dreg:s7], $0x2FFFF;
	_ =	strace $0x9FFFFFFF  }
0xc3: {  	(tm) =	ssettm $0x7FFFFFFF  }
tec
execute0_lowered:
.L_overlay_start_1:
0x0: {  	(tag) =	ssettag $0x1  }
0x1: {  	s4 =	rddreg [dreg:$0x0]  }
0x2: {  	s7 =	rddreg [dreg:$0x1]  }
0x3: {  	s1 =	rddreg [dreg:$0x2]  }
0x4: {  	s2 =	srdreg.scid;
	s0 =	rddreg [dreg:$0x3]  }
0x5: {  	s3 =	simm.s32 $0x0;
	s12 =	simm.s32 $0x2800;
	s13 =	simm.s32 $0x0  }
0x6: {  	s5 =	sand.u32 $0x1, s2;
	s2 =	stileid.u32;
	[smem:$0x7FF] =	sst s3  }
0x7: {  	s6 =	sshll.u32 s5, $0x4;
	s8 =	smul.u32 $0x280, s2;
	_ =	strace $0x80000047  }
0x8: {  	s10 =	ssub.s32 $0x2, s5;
	s5 =	smul.u32 $0x2800, s5;
	s6 =	sor.u32 s2, s6  }
0x9: {  	s31 =	sshll.u32 s2, $0x6;
	s29 =	sshrl.u32 s10, $0x1;
	s6 =	smul.u32 $0x500, s6  }
0xa: {  	s9 =	sshrl.u32 s8, $0x3;
	s30 =	sadd.s32 s8, s1;
	s5 =	sadd.s32 s8, s5  }
0xb: {  	s11 =	sshrl.u32 s5, $0x3;
	s5 =	sor.u32 $0x1C01, s31;
	s6 =	sadd.s32 s6, s4  }
0xc: {  	s4 =	sadd.s32 s9, s4;
	s9 =	ssub.s32 s10, s29;
	s7 =	sadd.s32 s7, s11  }
0xd: {  	s10 =	simm.s32 $0x1;
	s11 =	simm.s32 $0x80;
	s4 =	sadd.s32 $0xC000, s4  }
0xe: {  	v0 =	vimm.f32 $1.000000000e+00;
	s6 =	sadd.s32 $0x2000, s6;
	s8 =	smax.u32 s9, $0x1;
	s9 =	sshrl.u32 s30, $0x3  }
.LBB2_1:
0xf: {  	[tilespmem:$0x2800] =	vst v0  }
0x10: {  	[tilespmem:$0x2810] =	vst v0  }
0x11: {  	[tilespmem:$0x2820] =	vst v0  }
0x12: {  	[tilespmem:$0x2830] =	vst v0  }
0x13: {  	[tilespmem:$0x2840] =	vst v0  }
0x14: {  	[tilespmem:$0x2850] =	vst v0  }
0x15: {  	[tilespmem:$0x2860] =	vst v0  }
0x16: {  	[tilespmem:$0x2870] =	vst v0  }
0x17: {  	[spmem:s9], [sflag:s5] =	dma.local [hbm:s4], $0x50  }
0x18: {  	_ =	swait.ge [sflag:s10], $0x50  }
0x19: {  	[sflag:s10] =	ssyncset.done $0x0  }
0x1a: {  	[sflag:s10] =	ssyncadd.s32 $0xFFFFFFB0  }
0x1b: {  	[tilespmem:s3], [sflag:$0x1] =	stream.linear.gather [hbm4b:s6+s3], $0x2800, $0x38;
	[tilespmem:$0x2B00] =	vst v63  }
0x1c: {  	_ =	swait.ge [sflag:s10], $0x2800  }
0x1d: {  	[sflag:s10] =	ssyncset.done $0x0  }
0x1e: {  	[sflag:s10] =	ssyncadd.s32 $0xFFFFD800  }
0x1f: {  	s14 =	simm.s32 $0x0;
	[bflag:$0x0] =	sbarrier.arrive $0xFFFF  }
0x20: {  	[spmem:s1] =	stream.indirect.scatter.add.f32 [tilespmem:s12], [sflag:$0x1], $0x1, s14, s11, $0xb8;
	[tilespmem:$0x2B00] =	vst v63  }
0x21: {  	_ =	swait.ge [sflag:s10], $0x80  }
0x22: {  	[sflag:s10] =	ssyncset.done $0x0  }
0x23: {  	s29 =	simm.s32 $0x80;
	[sflag:s10] =	ssyncadd.s32 $0xFFFFFF80  }
0x24: {  	[spmem:s1] =	stream.indirect.scatter.add.f32 [tilespmem:s12], [sflag:$0x1], $0x1, s29, s11, $0xb8;
	[tilespmem:$0x2B00] =	vst v63  }
0x25: {  	_ =	swait.ge [sflag:s10], $0x80  }
0x26: {  	[sflag:s10] =	ssyncset.done $0x0  }
0x27: {  	s30 =	simm.s32 $0x100;
	[sflag:s10] =	ssyncadd.s32 $0xFFFFFF80  }
0x28: {  	[spmem:s1] =	stream.indirect.scatter.add.f32 [tilespmem:s12], [sflag:$0x1], $0x1, s30, s11, $0xb8;
	[tilespmem:$0x2B00] =	vst v63  }
0x29: {  	_ =	swait.ge [sflag:s10], $0x80  }
0x2a: {  	[sflag:s10] =	ssyncset.done $0x0  }
0x2b: {  	s31 =	simm.s32 $0x180;
	[sflag:s10] =	ssyncadd.s32 $0xFFFFFF80  }
0x2c: {  	[spmem:s1] =	stream.indirect.scatter.add.f32 [tilespmem:s12], [sflag:$0x1], $0x1, s31, s11, $0xb8;
	[tilespmem:$0x2B00] =	vst v63  }
0x2d: {  	_ =	swait.ge [sflag:s10], $0x80  }
0x2e: {  	s15 =	simm.s32 $0x1000;
	s14 =	simm.s32 $0x800;
	[sflag:s10] =	ssyncset.done $0x0  }
.LBB2_2:
0x2f: {  	s16 =	sshra.s32 s14, $0x2  }
0x30: {  	[sflag:s10] =	ssyncadd.s32 $0xFFFFFF80;
	s14 =	smov.u32 s15;
	s17 =	sadd.s32 $0x800, s15  }
0x31: {  	[spmem:s1] =	stream.indirect.scatter.add.f32 [tilespmem:s12], [sflag:$0x1], $0x1, s16, s11, $0xb8;
	[tilespmem:$0x2B00] =	vst v63  }
0x32: {  	p0 =	sne.s32 s15, $0x9800;
	_ =	swait.ge [sflag:s10], $0x80  }
0x33: {  	[sflag:s10] =	ssyncset.done $0x0  }
0x34: {  	s15 =	sadd.s32 $0x80, s16;
	[sflag:s10] =	ssyncadd.s32 $0xFFFFFF80  }
0x35: {  	[spmem:s1] =	stream.indirect.scatter.add.f32 [tilespmem:s12], [sflag:$0x1], $0x1, s15, s11, $0xb8;
	[tilespmem:$0x2B00] =	vst v63  }
0x36: {  	_ =	swait.ge [sflag:s10], $0x80  }
0x37: {  	[sflag:s10] =	ssyncset.done $0x0  }
0x38: {  	s15 =	sadd.s32 $0x100, s16;
	[sflag:s10] =	ssyncadd.s32 $0xFFFFFF80  }
0x39: {  	[spmem:s1] =	stream.indirect.scatter.add.f32 [tilespmem:s12], [sflag:$0x1], $0x1, s15, s11, $0xb8;
	[tilespmem:$0x2B00] =	vst v63  }
0x3a: {  	_ =	swait.ge [sflag:s10], $0x80  }
.Ltmp0:
0x3b: {  	[sflag:s10] =	ssyncset.done $0x0;
	(pc) =	sbr.rel @p0 .LBB2_2-.Ltmp0, $4  }
0x3c: {  	s15 =	sadd.s32 $0x180, s16;
	[sflag:s10] =	ssyncadd.s32 $0xFFFFFF80  }
0x3d: {  	[spmem:s1] =	stream.indirect.scatter.add.f32 [tilespmem:s12], [sflag:$0x1], $0x1, s15, s11, $0xb8;
	[tilespmem:$0x2B00] =	vst v63  }
0x3e: {  	_ =	swait.ge [sflag:s10], $0x80  }
0x3f: {  	s15 =	smov.u32 s17;
	[sflag:s10] =	ssyncset.done $0x0  }
0x40: {  	s14 =	sshra.s32 s14, $0x2;
	[sflag:s10] =	ssyncadd.s32 $0xFFFFFF80  }
0x41: {  	[spmem:s1] =	stream.indirect.scatter.add.f32 [tilespmem:s12], [sflag:$0x1], $0x1, s14, s11, $0xb8;
	[tilespmem:$0x2B00] =	vst v63  }
0x42: {  	_ =	swait.ge [sflag:s10], $0x80  }
0x43: {  	[sflag:s10] =	ssyncset.done $0x0  }
0x44: {  	s15 =	sadd.s32 $0x80, s14;
	[sflag:s10] =	ssyncadd.s32 $0xFFFFFF80  }
0x45: {  	[spmem:s1] =	stream.indirect.scatter.add.f32 [tilespmem:s12], [sflag:$0x1], $0x1, s15, s11, $0xb8;
	[tilespmem:$0x2B00] =	vst v63  }
0x46: {  	_ =	swait.ge [sflag:s10], $0x80  }
0x47: {  	[sflag:s10] =	ssyncset.done $0x0  }
0x48: {  	s31 =	sadd.s32 $0x100, s14;
	[sflag:s10] =	ssyncadd.s32 $0xFFFFFF80  }
0x49: {  	[spmem:s1] =	stream.indirect.scatter.add.f32 [tilespmem:s12], [sflag:$0x1], $0x1, s31, s11, $0xb8;
	[tilespmem:$0x2B00] =	vst v63  }
0x4a: {  	_ =	swait.ge [sflag:s10], $0x80  }
0x4b: {  	[sflag:s10] =	ssyncset.done $0x0  }
0x4c: {  	s14 =	sadd.s32 $0x180, s14;
	[sflag:s10] =	ssyncadd.s32 $0xFFFFFF80  }
0x4d: {  	[spmem:s1] =	stream.indirect.scatter.add.f32 [tilespmem:s12], [sflag:$0x1], $0x1, s14, s11, $0xb8;
	[tilespmem:$0x2B00] =	vst v63  }
0x4e: {  	_ =	swait.ge [sflag:s10], $0x80  }
0x4f: {  	s13 =	sadd.s32 $0x1, s13;
	[sflag:s10] =	ssyncset.done $0x0  }
0x50: {  	p0 =	sne.s32 s13, s8;
	[sflag:s10] =	ssyncadd.s32 $0xFFFFFF80  }
.Ltmp1:
0x51: {  	[bflag:$0x0] =	sbarrier.arrive $0xFFFF;
	(pc) =	sbr.rel @p0 .LBB2_1-.Ltmp1, $4  }
0x52: {  	[hbm:s7], [sflag:s5] =	dma.local [spmem:s9], $0x50  }
0x53: {  	_ =	swait.ge [sflag:s10], $0x50  }
0x54: {  	[sflag:s10] =	ssyncset.done $0x0  }
0x55: {  	[sflag:s10] =	ssyncadd.s32 $0xFFFFFFB0  }
0x56: {  	_ =	sfence.sel $0x180000  }
0x57: {  	[bflag:$0x0] =	sbarrier.arrive $0xFFFF  }
0x58: {  	p0 =	sne.s32 s2, $0x0;
	_ =	strace $0x90000047  }
0x59: {  	s0 =	sadd.s32 @!p0 $0x100000, s0;
	[bflag:$0x2] =	sbarrier.arrive $0xFFFF  }
0x5a: {  	[sflag:s0] =	ssyncadd.tile.s32 @!p0 $0x1;
	_ =	shalt  }
.Lfunc_end2:
_tile_overlayer_lowered:
.L_overlay_start_2:
0x5b: {  	(tag) =	ssettag $0x2  }
0x5c: {  	s0 =	rddreg [dreg:$0x0];
	s2 =	stileid.u32  }
0x5d: {  	s1 =	rddreg [dreg:$0x1];
	p0 =	sne.s32 s2, $0x0  }
0x5e: {  	s3 =	rddreg [dreg:$0x2];
	[bflag:$0x3] =	sbarrier.arrive $0xFFFF;
	s2 =	simm.s32 @!p0 $0x1C01  }
0x5f: {  	[timem:s3], [sflag:s2] =	dma.local @!p0 [hbm:s0], s1  }
0x60: {  	s0 =	simm.s32 @!p0 $0x1  }
0x61: {  	_ =	swait.ge @!p0 [sflag:s0], s1  }
0x62: {  	s1 =	ssub.s32 @!p0 $0x0, s1;
	[sflag:s0] =	ssyncset.done @!p0 $0x0  }
0x63: {  	[sflag:s0] =	ssyncadd.s32 @!p0 s1  }
0x64: {  	[bflag:$0x3] =	sbarrier.arrive $0xFFFF  }
0x65: {  	_ =	shalt  }

</sc_bundles>
